<compile_context>
chip_gen: v7x
topology: tpu7x:2x2x1
jax: 0.10.2.dev20260603
libtpu: 0.0.44.dev20260713+nightly
codegen_flags: <defaults>
</compile_context>

<pallas_src>
import functools
from typing import Sequence

import jax
import jax.numpy as jnp
from jax import lax
from jax.experimental import pallas as pl
from jax.experimental.pallas import tpu as pltpu
from jax.experimental.pallas import tpu_sc as plsc

_INTERPRET = False



def _conv_body(nparts, want_norms, has_recon, widths, E, O, B, eps, *refs):
    nin = nparts + 4 * nparts + 3 + (2 if has_recon else 0)
    ins = refs[:nin]
    outs = refs[nin:-4]
    h_buf, sum_s, mu_s, sd_s = refs[-4:]
    parts = ins[:nparts]
    slots = ins[nparts:nparts + 4 * nparts]
    Wt = ins[nparts + 4 * nparts]
    gamma = ins[nparts + 4 * nparts + 1]
    beta = ins[nparts + 4 * nparts + 2]
    ph = pl.program_id(0)
    i = pl.program_id(1)

    @pl.when(ph == 0)
    def _():
        def cut(r, q):
            return r[:, :widths[q]] if widths[q] < r.shape[1] else r[...]
        pieces = [jnp.concatenate([cut(p, q) for q, p in enumerate(parts)],
                                  axis=1) if nparts > 1 else cut(parts[0], 0)]
        ga = [jnp.concatenate([cut(slots[s * nparts + q], q)
                               for q in range(nparts)],
                              axis=1) if nparts > 1
              else cut(slots[s], 0)
              for s in range(4)]
        pieces += [jnp.minimum(ga[0], ga[1]), jnp.maximum(ga[0], ga[1]),
                   jnp.minimum(ga[2], ga[3]), jnp.maximum(ga[2], ga[3])]
        feat = jnp.concatenate(pieces, axis=1)
        h = jnp.dot(feat, Wt[...], preferred_element_type=jnp.float32)
        h_buf[pl.ds(i * B, B), :] = h
        s = jnp.sum(h, axis=0, keepdims=True)

        @pl.when(i == 0)
        def _():
            sum_s[...] = s

        @pl.when(i > 0)
        def _():
            sum_s[...] = sum_s[...] + s

    @pl.when(ph == 1)
    def _():
        @pl.when(i == 0)
        def _():
            mu_s[...] = sum_s[...] / E
        d = h_buf[pl.ds(i * B, B), :] - mu_s[...]
        s = jnp.sum(d * d, axis=0, keepdims=True)

        @pl.when(i == 0)
        def _():
            sum_s[...] = s

        @pl.when(i > 0)
        def _():
            sum_s[...] = sum_s[...] + s

    @pl.when(ph == 2)
    def _():
        @pl.when(i == 0)
        def _():
            sd_s[...] = jnp.sqrt(sum_s[...] / E + eps)
        h = h_buf[pl.ds(i * B, B), :]
        e = (h - mu_s[...]) / sd_s[...] * gamma[...] + beta[...]
        e = jnp.maximum(e, 0.0)
        if has_recon:
            Wrt, br = ins[nparts * 5 + 3], ins[nparts * 5 + 4]
            outs[0][...] = jnp.dot(e, Wrt[...],
                                   preferred_element_type=jnp.float32) + br[...]
        else:
            if O < 128:
                outs[0][...] = jnp.concatenate(
                    [e, jnp.zeros((B, 128 - O), jnp.float32)], axis=1)
            else:
                outs[0][...] = e
            if want_norms:
                outs[1][...] = jnp.sqrt(jnp.sum(e * e, axis=1, keepdims=True))


def _mesh_conv_tc(parts, slots, widths, Wt, gamma, beta, *, want_norms=False,
                  Wr_t=None, br=None, block=1024):
    E = parts[0].shape[0]
    O = Wt.shape[1]
    B = min(block, E)
    NB = E // B
    nparts = len(parts)
    flat_slots = [slots[s][q] for s in range(4) for q in range(nparts)]
    g2 = gamma.reshape(1, O)
    b2 = beta.reshape(1, O)

    def pspec(c):
        return pl.BlockSpec((B, c), lambda ph, i: (jnp.where(ph == 0, i, 0), 0))

    in_specs = [pspec(p.shape[1]) for p in parts]
    in_specs += [pspec(p.shape[1]) for p in flat_slots]
    in_specs += [pl.BlockSpec(Wt.shape, lambda ph, i: (0, 0)),
                 pl.BlockSpec((1, O), lambda ph, i: (0, 0)),
                 pl.BlockSpec((1, O), lambda ph, i: (0, 0))]
    operands = list(parts) + flat_slots + [Wt, g2, b2]
    if Wr_t is not None:
        Orr = Wr_t.shape[1]
        in_specs += [pl.BlockSpec(Wr_t.shape, lambda ph, i: (0, 0)),
                     pl.BlockSpec((1, Orr), lambda ph, i: (0, 0))]
        operands += [Wr_t, br.reshape(1, Orr)]
        out_shape = [jax.ShapeDtypeStruct((E, Orr), jnp.float32)]
        out_specs = [pl.BlockSpec((B, Orr), lambda ph, i: (jnp.where(ph == 2, i, 0), 0))]
    else:
        out_shape = [jax.ShapeDtypeStruct((E, 128), jnp.float32)]
        out_specs = [pl.BlockSpec((B, 128), lambda ph, i: (jnp.where(ph == 2, i, 0), 0))]
        if want_norms:
            out_shape.append(jax.ShapeDtypeStruct((E, 1), jnp.float32))
            out_specs.append(pl.BlockSpec((B, 1), lambda ph, i: (jnp.where(ph == 2, i, 0), 0)))

    res = pl.pallas_call(
        functools.partial(_conv_body, nparts, want_norms, Wr_t is not None,
                          tuple(widths), E, O, B, 1e-5),
        grid=(3, NB),
        in_specs=in_specs,
        out_specs=out_specs,
        out_shape=out_shape,
        scratch_shapes=[pltpu.VMEM((E, O), jnp.float32),
                        pltpu.VMEM((1, O), jnp.float32),
                        pltpu.VMEM((1, O), jnp.float32),
                        pltpu.VMEM((1, O), jnp.float32)],
        interpret=_INTERPRET,
    )(*operands)
    return res



def _rank_body(k, B, NB, nc_ref, nr_ref, out_ref, c_s):
    i = pl.program_id(0)
    j = pl.program_id(1)
    nc = nc_ref[...]
    nr = nr_ref[...]

    @pl.when(j < i)
    def _():
        c_s[...] = jnp.sum((nr >= nc).astype(jnp.int32), axis=1, keepdims=True)

    @pl.when(j > i)
    def _():
        c_s[...] = jnp.sum((nr > nc).astype(jnp.int32), axis=1, keepdims=True)

    @pl.when(j == i)
    def _():
        ii = lax.broadcasted_iota(jnp.int32, (B, 1), 0)
        jj = lax.broadcasted_iota(jnp.int32, (1, B), 1)
        cmp = (nr > nc) | ((nr == nc) & (jj < ii))
        c_s[...] = jnp.sum(cmp.astype(jnp.int32), axis=1, keepdims=True)

    @pl.when(j == 0)
    def _():
        out_ref[...] = c_s[...]

    @pl.when(j > 0)
    def _():
        out_ref[...] = out_ref[...] + c_s[...]

    @pl.when(j == NB - 1)
    def _():
        out_ref[...] = (out_ref[...] < k).astype(jnp.int32)


def _topk_mask_tc(norms_col, norms_row, k, B=1024):
    E = norms_col.shape[0]
    NB = E // B
    return pl.pallas_call(
        functools.partial(_rank_body, k, B, NB),
        grid=(NB, NB),
        in_specs=[pl.BlockSpec((B, 1), lambda i, j: (i, 0)),
                  pl.BlockSpec((1, B), lambda i, j: (0, j))],
        out_specs=pl.BlockSpec((B, 1), lambda i, j: (i, 0)),
        out_shape=jax.ShapeDtypeStruct((E, 1), jnp.int32),
        scratch_shapes=[pltpu.VMEM((B, 1), jnp.int32)],
        interpret=_INTERPRET,
    )(norms_col, norms_row)



_BIGI = 1 << 30


def _remap_body(B, E, mc_ref, mrb_ref, mrf_ref, remap_ref, src_ref):
    i = pl.program_id(0)
    mc = mc_ref[...] > 0
    mrb = mrb_ref[...] > 0
    mrf = mrf_ref[...] > 0
    ii = lax.broadcasted_iota(jnp.int32, (B, 1), 0)
    jj = lax.broadcasted_iota(jnp.int32, (1, B), 1)
    gi = i * B + ii
    gj = i * B + jj
    gjf = lax.broadcasted_iota(jnp.int32, (1, E), 1)
    before = mrf & (gjf < i * B)
    after = mrf & (gjf >= (i + 1) * B)
    pfx = jnp.sum(before.astype(jnp.int32))
    lprev = jnp.max(jnp.where(before, gjf, -1))
    rnext = jnp.min(jnp.where(after, gjf, _BIGI))
    le = mrb & (jj <= ii)
    cnt = pfx + jnp.sum(le.astype(jnp.int32), axis=1, keepdims=True)
    L = jnp.maximum(jnp.max(jnp.where(le, gj, -1), axis=1, keepdims=True), lprev)
    R = jnp.minimum(jnp.min(jnp.where(mrb & (jj >= ii), gj, _BIGI),
                            axis=1, keepdims=True), rnext)
    remap_ref[...] = jnp.where(mc, cnt - 1, -1)
    useL = (L >= 0) & ((R >= _BIGI) | ((gi - L) <= (R - gi)))
    src_ref[...] = jnp.where(useL, cnt - 1, cnt)


def _remap_src_tc(mask_col, mask_row, B=512):
    E = mask_col.shape[0]
    NB = E // B
    return pl.pallas_call(
        functools.partial(_remap_body, B, E),
        grid=(NB,),
        in_specs=[pl.BlockSpec((B, 1), lambda i: (i, 0)),
                  pl.BlockSpec((1, B), lambda i: (0, i)),
                  pl.BlockSpec((1, E), lambda i: (0, 0))],
        out_specs=[pl.BlockSpec((B, 1), lambda i: (i, 0)),
                   pl.BlockSpec((B, 1), lambda i: (i, 0))],
        out_shape=[jax.ShapeDtypeStruct((E, 1), jnp.int32),
                   jax.ShapeDtypeStruct((E, 1), jnp.int32)],
        interpret=_INTERPRET,
    )(mask_col, mask_row, mask_row)



def _keep_body(Bt, Bj, NBj, rm_ref, out_ref):
    t = pl.program_id(0)
    j = pl.program_id(1)
    rm = rm_ref[...]
    tidx = t * Bt + lax.broadcasted_iota(jnp.int32, (Bt, 1), 0)
    jidx = j * Bj + lax.broadcasted_iota(jnp.int32, (1, Bj), 1)
    c = jnp.sum(jnp.where(rm == tidx, jidx, 0), axis=1, keepdims=True)

    @pl.when(j == 0)
    def _():
        out_ref[...] = c

    @pl.when(j > 0)
    def _():
        out_ref[...] = out_ref[...] + c


def _keep_tc(remap_row, k, Bt=512, Bj=1024):
    E = remap_row.shape[1]
    NBt, NBj = k // Bt, E // Bj
    return pl.pallas_call(
        functools.partial(_keep_body, Bt, Bj, NBj),
        grid=(NBt, NBj),
        in_specs=[pl.BlockSpec((1, Bj), lambda t, j: (0, j))],
        out_specs=pl.BlockSpec((Bt, 1), lambda t, j: (t, 0)),
        out_shape=jax.ShapeDtypeStruct((k, 1), jnp.int32),
        interpret=_INTERPRET,
    )(remap_row)


def _heads_body(e_ref, wst, bs, wc1t, bc1, wc2t, bc2, sum_ref, log_ref):
    e = e_ref[...]
    sum_ref[...] = jnp.dot(e, wst[...], preferred_element_type=jnp.float32) + bs[...]
    g = jnp.max(e, axis=0, keepdims=True)
    h = jnp.maximum(jnp.dot(g, wc1t[...], preferred_element_type=jnp.float32)
                    + bc1[...], 0.0)
    log_ref[...] = jnp.dot(h, wc2t[...], preferred_element_type=jnp.float32) + bc2[...]


def _heads_tc(e2p, Ws, bs, Wc1, bc1, Wc2, bc2):
    k, C = e2p.shape
    F = Ws.shape[0]
    K = Wc2.shape[0]
    H = Wc1.shape[0]
    return pl.pallas_call(
        _heads_body,
        out_shape=[jax.ShapeDtypeStruct((k, F), jnp.float32),
                   jax.ShapeDtypeStruct((1, K), jnp.float32)],
        interpret=_INTERPRET,
    )(e2p, Ws.T, bs.reshape(1, F), Wc1.T, bc1.reshape(1, H), Wc2.T,
      bc2.reshape(1, K))



def _sc_mesh():
    return plsc.VectorSubcoreMesh(core_axis_name="c", subcore_axis_name="s",
                                  num_cores=2, num_subcores=16)


_NW = 32


def _sc_neighbor_gather(table, nbT, src=None):
    E = nbT.shape[1]
    Q = E // _NW
    NC = Q // 128
    D = table.shape[1]
    hs = src is not None
    ng = 5 if hs else 4

    out_type = [jax.ShapeDtypeStruct((E, D), jnp.float32)] * ng
    scratch = ([pltpu.VMEM((128,), jnp.int32)] * 4
               + [pltpu.VMEM((128,), jnp.int32)] * 4
               + [pltpu.VMEM((128, D), jnp.float32)] * ng
               + ([pltpu.VMEM((E,), jnp.int32)] if hs else [])
               + [pltpu.SemaphoreType.DMA] * 3)

    def body(*refs):
        p = 1 + 1 + (1 if hs else 0)
        t_ref, nbf_ref = refs[0], refs[1]
        src_ref = refs[2] if hs else None
        o_refs = refs[p:p + ng]; p += ng
        nbidx = refs[p:p + 4]; p += 4
        cidx = refs[p:p + 4]; p += 4
        rows = refs[p:p + ng]; p += ng
        if hs:
            sfull = refs[p]; p += 1
        semI, semG, semS = refs[p:p + 3]

        w = lax.axis_index("s") * 2 + lax.axis_index("c")
        if hs:
            pltpu.sync_copy(src_ref, sfull)
        for c in range(NC):
            base = w * Q + c * 128
            di = [pltpu.async_copy(nbf_ref.at[pl.ds(s * E + base, 128)],
                                   nbidx[s], semI) for s in range(4)]
            dg = []
            if hs:
                dg.append(pltpu.async_copy(
                    t_ref.at[sfull.at[pl.ds(base, 128)]], rows[4], semG))
            for s in range(4):
                di[s].wait()
                if hs:
                    for c16 in range(8):
                        i16 = nbidx[s][pl.ds(c16 * 16, 16)]
                        cidx[s][pl.ds(c16 * 16, 16)] = plsc.load_gather(
                            sfull, [i16])
                    idxr = cidx[s]
                else:
                    idxr = nbidx[s]
                dg.append(pltpu.async_copy(t_ref.at[idxr], rows[s], semG))
            for d in dg:
                d.wait()
            ds = [pltpu.async_copy(rows[s], o_refs[s].at[pl.ds(base, 128)],
                                   semS) for s in range(ng)]
            for d in ds:
                d.wait()

    fn = pl.kernel(body, out_type=out_type, mesh=_sc_mesh(),
                   scratch_types=scratch,
                   compiler_params=pltpu.CompilerParams(
                       needs_layout_passes=False))
    operands = [table, nbT.reshape(-1)] + ([src] if hs else [])
    flat = fn(*operands)
    if hs:
        return flat[4], list(flat[:4])
    return None, list(flat)


def _sc_pool_gather(h, nbf, keep, remap, k, want_nb):
    E = h.shape[0]
    Qk = k // _NW
    cQ = min(Qk, 128)
    NC = Qk // cQ

    out_type = [jax.ShapeDtypeStruct((k, 128), jnp.float32)]
    if want_nb:
        out_type.append(jax.ShapeDtypeStruct((4 * k,), jnp.int32))
    scratch = [pltpu.VMEM((cQ,), jnp.int32),
               pltpu.VMEM((cQ, 128), jnp.float32),
               pltpu.SemaphoreType.DMA, pltpu.SemaphoreType.DMA]
    if want_nb:
        scratch = ([pltpu.VMEM((E,), jnp.int32),
                    pltpu.VMEM((4 * E,), jnp.int32)]
                   + [pltpu.VMEM((cQ,), jnp.int32)] * 4 + scratch)

    def body(*refs):
        if want_nb:
            (h_ref, nbf_ref, keep_ref, remap_ref, hp_ref, nbo_ref,
             rfull, nbsf, o0, o1, o2, o3, kv, hrows, semG, semS) = refs
            nbo = [o0, o1, o2, o3]
        else:
            h_ref, keep_ref, hp_ref, kv, hrows, semG, semS = refs
        w = lax.axis_index("s") * 2 + lax.axis_index("c")
        if want_nb:
            pltpu.sync_copy(remap_ref, rfull)
            pltpu.sync_copy(nbf_ref, nbsf)
        iota = lax.iota(jnp.int32, 16)
        for c in range(NC):
            base = w * Qk + c * cQ
            pltpu.sync_copy(keep_ref.at[pl.ds(base, cQ)], kv)
            dg = pltpu.async_copy(h_ref.at[kv], hrows, semG)
            if want_nb:
                for c16 in range(cQ // 16):
                    k16 = kv[pl.ds(c16 * 16, 16)]
                    t16 = base + c16 * 16 + iota
                    for s in range(4):
                        nv = plsc.load_gather(nbsf, [k16 + s * E])
                        rv = plsc.load_gather(rfull, [nv])
                        nbo[s][pl.ds(c16 * 16, 16)] = jnp.where(rv < 0, t16, rv)
            dg.wait()
            dst = [pltpu.async_copy(hrows, hp_ref.at[pl.ds(base, cQ)], semS)]
            if want_nb:
                dst += [pltpu.async_copy(nbo[s],
                                         nbo_ref.at[pl.ds(s * k + base, cQ)],
                                         semS) for s in range(4)]
            for d in dst:
                d.wait()

    fn = pl.kernel(body, out_type=out_type, mesh=_sc_mesh(),
                   scratch_types=scratch,
                   compiler_params=pltpu.CompilerParams(
                       needs_layout_passes=False))
    if want_nb:
        return fn(h, nbf, keep, remap)
    res = fn(h, keep)
    return (res[0] if isinstance(res, (list, tuple)) else res), None



def _expand_wt(W, widths, padded, opad=128):
    O = W.shape[0]
    CT = sum(widths)
    blocks = []
    for s in range(5):
        off = s * CT
        for w, p in zip(widths, padded):
            blk = W[:, off:off + w].T
            if p > w:
                blk = jnp.concatenate([blk, jnp.zeros((p - w, O), W.dtype)], axis=0)
            blocks.append(blk)
            off += w
    Wt = jnp.concatenate(blocks, axis=0)
    if opad > O:
        Wt = jnp.concatenate([Wt, jnp.zeros((Wt.shape[0], opad - O), W.dtype)],
                             axis=1)
    return Wt


def _pad1(v, n=128):
    return jnp.concatenate([v, jnp.zeros((n - v.shape[0],), v.dtype)])



def kernel(x, nb, W1, g1, b1, W2, g2, b2, Ws, bs, Wd2, gd2, bd2,
           Wd1, gd1, bd1, Wr, br, Wc1, bc1, Wc2, bc2):
    E, F = x.shape
    t1, t2 = max(E // 2, 1), max(E // 8, 1)
    nb = nb.astype(jnp.int32)
    nbc = jnp.clip(nb, 0, E - 1)
    nbT = nbc.T
    nbc_flat = nbc.reshape(-1)
    xpad = jnp.concatenate([x, jnp.zeros((E, 128 - F), x.dtype)], axis=1)

    W1t, W2t, Wd2t, Wd1t, Wrt = W1.T, W2.T, Wd2.T, Wd1.T, Wr.T

    _, gx_slots = _sc_neighbor_gather(xpad, nbT)
    e1, n1 = _mesh_conv_tc([xpad], [[s] for s in gx_slots], [F], W1t,
                           g1, b1, want_norms=True)

    m1 = _topk_mask_tc(n1, n1.reshape(1, E), t1)
    r1, s1 = _remap_src_tc(m1, m1.reshape(1, E))
    remap1 = r1.reshape(E)
    src1 = s1.reshape(E)
    keep1 = _keep_tc(r1.reshape(1, E), t1).reshape(t1)
    hp1, nb1f = _sc_pool_gather(e1, nbT.reshape(-1), keep1, remap1, t1, True)
    e1p = hp1
    nb1T = nb1f.reshape(4, t1)

    _, ge_slots = _sc_neighbor_gather(hp1, nb1T)
    e2, n2 = _mesh_conv_tc([e1p], [[s] for s in ge_slots], [64], W2t, g2, b2,
                           want_norms=True)

    m2 = _topk_mask_tc(n2, n2.reshape(1, t1), t2)
    r2, s2 = _remap_src_tc(m2, m2.reshape(1, t1))
    remap2 = r2.reshape(t1)
    src2 = s2.reshape(t1)
    keep2 = _keep_tc(r2.reshape(1, t1), t2).reshape(t2)
    hp2, _ = _sc_pool_gather(e2, None, keep2, remap2, t2, False)
    e2p = hp2

    summary, logits = _heads_tc(e2p, Ws, bs, Wc1, bc1, Wc2, bc2)

    u2, gu2_slots = _sc_neighbor_gather(hp2, nb1T, src=src2)
    d2 = _mesh_conv_tc([u2, e1p],
                       [[a, b] for a, b in zip(gu2_slots, ge_slots)],
                       [128, 64], Wd2t, gd2, bd2)[0]

    u1, gu1_slots = _sc_neighbor_gather(d2, nbT, src=src1)
    recon = _mesh_conv_tc([u1, xpad],
                          [[a, b] for a, b in zip(gu1_slots, gx_slots)],
                          [64, F], Wd1t, gd1, bd1, Wr_t=Wrt, br=br)[0]

    return summary, recon, logits

# --- scband reference (transcript-rebuilt; emitter-appended) ---
"""Pipeline reference for scband-geo-conv-net3-dmesh-summariser-8323646619917 (READ-ONLY COPY).

The authoritative reference and input builder live on the scoring server;
editing this copy changes nothing except your own understanding.
"""

import jax, jax.numpy as jnp
import numpy as np


def _mesh_conv(x, nb, W, gamma, beta):
    E, C = x.shape
    n = x[jnp.clip(nb, 0, E - 1).reshape(-1)].reshape(E, 4, C)
    p1 = jnp.sort(n[:, :2, :], axis=1)
    p2 = jnp.sort(n[:, 2:, :], axis=1)
    feat = jnp.concatenate([x, p1[:, 0], p1[:, 1], p2[:, 0], p2[:, 1]], axis=1)
    h = feat @ W.T
    mu = h.mean(axis=0)
    var = h.var(axis=0)
    h = (h - mu) / jnp.sqrt(var + 1e-5) * gamma + beta
    return jax.nn.relu(h)


def _mesh_pool(x, nb, target):
    E = x.shape[0]
    norm = jnp.linalg.norm(x, axis=1)
    keep = jnp.sort(jnp.argsort(-norm)[:target])
    x_p = x[keep]
    remap = jnp.full((E,), -1, dtype=jnp.int32).at[keep].set(jnp.arange(target, dtype=jnp.int32))
    nb_r = remap[jnp.clip(nb[keep], 0, E - 1)]
    si = jnp.broadcast_to(jnp.arange(target, dtype=jnp.int32)[:, None], nb_r.shape)
    return x_p, jnp.where(nb_r < 0, si, nb_r), keep


def _mesh_unpool(x_c, keep, E_fine):
    Ec, C = x_c.shape
    xf = jnp.zeros((E_fine, C), x_c.dtype).at[keep].set(x_c)
    n_miss = E_fine - Ec
    if n_miss > 0:
        mask = jnp.ones((E_fine,), dtype=bool).at[keep].set(False)
        miss = jnp.where(mask, size=n_miss)[0]
        nn_idx = jnp.argmin(jnp.abs(keep.astype(jnp.float32)[None, :] - miss.astype(jnp.float32)[:, None]), axis=1)
        xf = xf.at[miss].set(x_c[nn_idx])
    return xf


def _forward(x, nb, params):
    (W1, g1, b1, W2, g2, b2, Ws, bs, Wd2, gd2, bd2, Wd1, gd1, bd1, Wr, br, Wc1, bc1, Wc2, bc2) = params
    E = x.shape[0]
    t1 = max(E // 2, 1)
    t2 = max(E // 8, 1)
    e1 = _mesh_conv(x, nb, W1, g1, b1)
    e1p, nb1, keep1 = _mesh_pool(e1, nb, t1)
    e2 = _mesh_conv(e1p, nb1, W2, g2, b2)
    e2p, nb2, keep2 = _mesh_pool(e2, nb1, t2)
    summary = e2p @ Ws.T + bs
    d2 = _mesh_unpool(e2p, keep2, e2.shape[0])
    d2 = _mesh_conv(jnp.concatenate([d2, e1p], axis=1), nb1, Wd2, gd2, bd2)
    d1 = _mesh_unpool(d2, keep1, e1.shape[0])
    d1 = _mesh_conv(jnp.concatenate([d1, x], axis=1), nb, Wd1, gd1, bd1)
    recon = d1 @ Wr.T + br
    g = e2p.max(axis=0, keepdims=True)
    logits = jax.nn.relu(g @ Wc1.T + bc1) @ Wc2.T + bc2
    return summary, recon, logits


def setup_inputs(seed: int = 0):
    key = jax.random.key(seed)
    ks = jax.random.split(key, 16)
    E, F, K = 8192, 5, 30
    def lin(k, o, i):
        return (jax.random.normal(k, (o, i), jnp.float32) / np.sqrt(i)).astype(jnp.float32)
    inp = {}
    inp['x'] = jax.random.normal(ks[0], (E, F), jnp.float32)
    inp['nb'] = jax.random.randint(ks[1], (E, 4), 0, E)
    inp['W1'] = lin(ks[2], 64, F * 5)
    inp['g1'] = jnp.ones((64,), jnp.float32)
    inp['b1'] = jnp.zeros((64,), jnp.float32)
    inp['W2'] = lin(ks[3], 128, 64 * 5)
    inp['g2'] = jnp.ones((128,), jnp.float32)
    inp['b2'] = jnp.zeros((128,), jnp.float32)
    inp['Ws'] = lin(ks[4], F, 128)
    inp['bs'] = jnp.zeros((F,), jnp.float32)
    inp['Wd2'] = lin(ks[5], 64, 192 * 5)
    inp['gd2'] = jnp.ones((64,), jnp.float32)
    inp['bd2'] = jnp.zeros((64,), jnp.float32)
    inp['Wd1'] = lin(ks[6], 32, 69 * 5)
    inp['gd1'] = jnp.ones((32,), jnp.float32)
    inp['bd1'] = jnp.zeros((32,), jnp.float32)
    inp['Wr'] = lin(ks[7], F, 32)
    inp['br'] = jnp.zeros((F,), jnp.float32)
    inp['Wc1'] = lin(ks[8], 64, 128)
    inp['bc1'] = jnp.zeros((64,), jnp.float32)
    inp['Wc2'] = lin(ks[9], K, 64)
    inp['bc2'] = jnp.zeros((K,), jnp.float32)
    return inp


def reference(x, nb, W1, g1, b1, W2, g2, b2, Ws, bs, Wd2, gd2, bd2, Wd1, gd1, bd1, Wr, br, Wc1, bc1, Wc2, bc2):
    params = (W1, g1, b1, W2, g2, b2, Ws, bs, Wd2, gd2, bd2, Wd1, gd1, bd1, Wr, br, Wc1, bc1, Wc2, bc2)
    return _forward(x, nb, params)

if __name__ == "__main__":
    import jax
    _d = setup_inputs()
    print(jax.jit(kernel)(*tuple(_d.values())))

</pallas_src>

<mosaic_0001>
#map = affine_map<(d0, d1) -> (0, 0)>
#map1 = affine_map<(d0, d1) -> (0)>
module attributes {stable_mosaic.version = 14 : i64} {
  func.func @body(%arg0: i32, %arg1: i32, %arg2: memref<8192x128xf32, #tpu.memory_space<hbm>>, %arg3: memref<32768xi32, #tpu.memory_space<hbm>>, %arg4: memref<8192x128xf32, #tpu.memory_space<hbm>>, %arg5: memref<8192x128xf32, #tpu.memory_space<hbm>>, %arg6: memref<8192x128xf32, #tpu.memory_space<hbm>>, %arg7: memref<8192x128xf32, #tpu.memory_space<hbm>>, %arg8: memref<128xi32, #tpu.memory_space<vmem>>, %arg9: memref<128xi32, #tpu.memory_space<vmem>>, %arg10: memref<128xi32, #tpu.memory_space<vmem>>, %arg11: memref<128xi32, #tpu.memory_space<vmem>>, %arg12: memref<128xi32, #tpu.memory_space<vmem>>, %arg13: memref<128xi32, #tpu.memory_space<vmem>>, %arg14: memref<128xi32, #tpu.memory_space<vmem>>, %arg15: memref<128xi32, #tpu.memory_space<vmem>>, %arg16: memref<128x128xf32, #tpu.memory_space<vmem>>, %arg17: memref<128x128xf32, #tpu.memory_space<vmem>>, %arg18: memref<128x128xf32, #tpu.memory_space<vmem>>, %arg19: memref<128x128xf32, #tpu.memory_space<vmem>>, %arg20: memref<!tpu.dma_semaphore, #tpu.memory_space<semaphore_mem>>, %arg21: memref<!tpu.dma_semaphore, #tpu.memory_space<semaphore_mem>>, %arg22: memref<!tpu.dma_semaphore, #tpu.memory_space<semaphore_mem>>) attributes {dimension_semantics = [#tpu.dimension_semantics<core_parallel>, #tpu.dimension_semantics<subcore_parallel>], iteration_bounds = array<i64: 2, 16>, scalar_prefetch = 0 : i64, scratch_operands = 15 : i64, tpu.core_type = #tpu.core_type<sc_vector_subcore>, window_params = [{transform_indices = #map}, {transform_indices = #map1}, {transform_indices = #map}, {transform_indices = #map}, {transform_indices = #map}, {transform_indices = #map}]} {
    %mul3A = arith.constant 2 : i32
    %mul3A_0 = arith.muli %arg1, %mul3A : i32
    %add3A = arith.addi %mul3A_0, %arg0 : i32
    %mul3A_1 = arith.constant 256 : i32
    %mul3A_2 = arith.muli %add3A, %mul3A_1 : i32
    %add3A_3 = arith.constant 0 : i32
    %add3A_4 = arith.addi %mul3A_2, %add3A_3 : i32
    %add3A_5 = arith.constant 0 : i32
    %add3A_6 = arith.addi %add3A_5, %add3A_4 : i32
    %dma_start3A = tpu.memref_slice %arg3[%add3A_6] : memref<32768xi32, #tpu.memory_space<hbm>> -> memref<128xi32, #tpu.memory_space<hbm>>
    %dma_start3A_7 = tpu.memref_slice %arg3[%add3A_6] : memref<32768xi32, #tpu.memory_space<hbm>> -> memref<128xi32, #tpu.memory_space<hbm>>
    tpu.enqueue_dma source(%dma_start3A_7 : memref<128xi32, #tpu.memory_space<hbm>>) target(%arg8 : memref<128xi32, #tpu.memory_space<vmem>>) target_semaphore(%arg20 : memref<!tpu.dma_semaphore, #tpu.memory_space<semaphore_mem>>)
    %add3A_8 = arith.constant 8192 : i32
    %add3A_9 = arith.addi %add3A_8, %add3A_4 : i32
    %dma_start3A_10 = tpu.memref_slice %arg3[%add3A_9] : memref<32768xi32, #tpu.memory_space<hbm>> -> memref<128xi32, #tpu.memory_space<hbm>>
    %dma_start3A_11 = tpu.memref_slice %arg3[%add3A_9] : memref<32768xi32, #tpu.memory_space<hbm>> -> memref<128xi32, #tpu.memory_space<hbm>>
    tpu.enqueue_dma source(%dma_start3A_11 : memref<128xi32, #tpu.memory_space<hbm>>) target(%arg9 : memref<128xi32, #tpu.memory_space<vmem>>) target_semaphore(%arg20 : memref<!tpu.dma_semaphore, #tpu.memory_space<semaphore_mem>>)
    %add3A_12 = arith.constant 16384 : i32
    %add3A_13 = arith.addi %add3A_12, %add3A_4 : i32
    %dma_start3A_14 = tpu.memref_slice %arg3[%add3A_13] : memref<32768xi32, #tpu.memory_space<hbm>> -> memref<128xi32, #tpu.memory_space<hbm>>
    %dma_start3A_15 = tpu.memref_slice %arg3[%add3A_13] : memref<32768xi32, #tpu.memory_space<hbm>> -> memref<128xi32, #tpu.memory_space<hbm>>
    tpu.enqueue_dma source(%dma_start3A_15 : memref<128xi32, #tpu.memory_space<hbm>>) target(%arg10 : memref<128xi32, #tpu.memory_space<vmem>>) target_semaphore(%arg20 : memref<!tpu.dma_semaphore, #tpu.memory_space<semaphore_mem>>)
    %add3A_16 = arith.constant 24576 : i32
    %add3A_17 = arith.addi %add3A_16, %add3A_4 : i32
    %dma_start3A_18 = tpu.memref_slice %arg3[%add3A_17] : memref<32768xi32, #tpu.memory_space<hbm>> -> memref<128xi32, #tpu.memory_space<hbm>>
    %dma_start3A_19 = tpu.memref_slice %arg3[%add3A_17] : memref<32768xi32, #tpu.memory_space<hbm>> -> memref<128xi32, #tpu.memory_space<hbm>>
    tpu.enqueue_dma source(%dma_start3A_19 : memref<128xi32, #tpu.memory_space<hbm>>) target(%arg11 : memref<128xi32, #tpu.memory_space<vmem>>) target_semaphore(%arg20 : memref<!tpu.dma_semaphore, #tpu.memory_space<semaphore_mem>>)
    %dma_wait3A = tpu.memref_slice %arg3[%add3A_6] : memref<32768xi32, #tpu.memory_space<hbm>> -> memref<128xi32, #tpu.memory_space<hbm>>
    %dma_wait3A_20 = tpu.memref_slice %arg3[%add3A_6] : memref<32768xi32, #tpu.memory_space<hbm>> -> memref<128xi32, #tpu.memory_space<hbm>>
    tpu.wait_dma2 semaphore(%arg20 : memref<!tpu.dma_semaphore, #tpu.memory_space<semaphore_mem>>) src(%dma_wait3A_20 : memref<128xi32, #tpu.memory_space<hbm>>) dst(%arg8 : memref<128xi32, #tpu.memory_space<vmem>>)
    %dma_start3A_21 = arith.constant 0 : i32
    %dma_start3A_22 = arith.constant 0 : i32
    %dma_start3A_23 = tpu.memref_slice %arg2[%dma_start3A_21, %dma_start3A_22] : memref<8192x128xf32, #tpu.memory_space<hbm>> -> memref<8192x128xf32, #tpu.memory_space<hbm>>
    tpu.enqueue_indirect_dma source(%dma_start3A_23 : memref<8192x128xf32, #tpu.memory_space<hbm>>) target(%arg16 : memref<128x128xf32, #tpu.memory_space<vmem>>) offsets(%arg8 : memref<128xi32, #tpu.memory_space<vmem>>) semaphore(%arg21 : memref<!tpu.dma_semaphore, #tpu.memory_space<semaphore_mem>>)
    %dma_wait3A_24 = tpu.memref_slice %arg3[%add3A_9] : memref<32768xi32, #tpu.memory_space<hbm>> -> memref<128xi32, #tpu.memory_space<hbm>>
    %dma_wait3A_25 = tpu.memref_slice %arg3[%add3A_9] : memref<32768xi32, #tpu.memory_space<hbm>> -> memref<128xi32, #tpu.memory_space<hbm>>
    tpu.wait_dma2 semaphore(%arg20 : memref<!tpu.dma_semaphore, #tpu.memory_space<semaphore_mem>>) src(%dma_wait3A_25 : memref<128xi32, #tpu.memory_space<hbm>>) dst(%arg9 : memref<128xi32, #tpu.memory_space<vmem>>)
    %dma_start3A_26 = arith.constant 0 : i32
    %dma_start3A_27 = arith.constant 0 : i32
    %dma_start3A_28 = tpu.memref_slice %arg2[%dma_start3A_26, %dma_start3A_27] : memref<8192x128xf32, #tpu.memory_space<hbm>> -> memref<8192x128xf32, #tpu.memory_space<hbm>>
    tpu.enqueue_indirect_dma source(%dma_start3A_28 : memref<8192x128xf32, #tpu.memory_space<hbm>>) target(%arg17 : memref<128x128xf32, #tpu.memory_space<vmem>>) offsets(%arg9 : memref<128xi32, #tpu.memory_space<vmem>>) semaphore(%arg21 : memref<!tpu.dma_semaphore, #tpu.memory_space<semaphore_mem>>)
    %dma_wait3A_29 = tpu.memref_slice %arg3[%add3A_13] : memref<32768xi32, #tpu.memory_space<hbm>> -> memref<128xi32, #tpu.memory_space<hbm>>
    %dma_wait3A_30 = tpu.memref_slice %arg3[%add3A_13] : memref<32768xi32, #tpu.memory_space<hbm>> -> memref<128xi32, #tpu.memory_space<hbm>>
    tpu.wait_dma2 semaphore(%arg20 : memref<!tpu.dma_semaphore, #tpu.memory_space<semaphore_mem>>) src(%dma_wait3A_30 : memref<128xi32, #tpu.memory_space<hbm>>) dst(%arg10 : memref<128xi32, #tpu.memory_space<vmem>>)
    %dma_start3A_31 = arith.constant 0 : i32
    %dma_start3A_32 = arith.constant 0 : i32
    %dma_start3A_33 = tpu.memref_slice %arg2[%dma_start3A_31, %dma_start3A_32] : memref<8192x128xf32, #tpu.memory_space<hbm>> -> memref<8192x128xf32, #tpu.memory_space<hbm>>
    tpu.enqueue_indirect_dma source(%dma_start3A_33 : memref<8192x128xf32, #tpu.memory_space<hbm>>) target(%arg18 : memref<128x128xf32, #tpu.memory_space<vmem>>) offsets(%arg10 : memref<128xi32, #tpu.memory_space<vmem>>) semaphore(%arg21 : memref<!tpu.dma_semaphore, #tpu.memory_space<semaphore_mem>>)
    %dma_wait3A_34 = tpu.memref_slice %arg3[%add3A_17] : memref<32768xi32, #tpu.memory_space<hbm>> -> memref<128xi32, #tpu.memory_space<hbm>>
    %dma_wait3A_35 = tpu.memref_slice %arg3[%add3A_17] : memref<32768xi32, #tpu.memory_space<hbm>> -> memref<128xi32, #tpu.memory_space<hbm>>
    tpu.wait_dma2 semaphore(%arg20 : memref<!tpu.dma_semaphore, #tpu.memory_space<semaphore_mem>>) src(%dma_wait3A_35 : memref<128xi32, #tpu.memory_space<hbm>>) dst(%arg11 : memref<128xi32, #tpu.memory_space<vmem>>)
    %dma_start3A_36 = arith.constant 0 : i32
    %dma_start3A_37 = arith.constant 0 : i32
    %dma_start3A_38 = tpu.memref_slice %arg2[%dma_start3A_36, %dma_start3A_37] : memref<8192x128xf32, #tpu.memory_space<hbm>> -> memref<8192x128xf32, #tpu.memory_space<hbm>>
    tpu.enqueue_indirect_dma source(%dma_start3A_38 : memref<8192x128xf32, #tpu.memory_space<hbm>>) target(%arg19 : memref<128x128xf32, #tpu.memory_space<vmem>>) offsets(%arg11 : memref<128xi32, #tpu.memory_space<vmem>>) semaphore(%arg21 : memref<!tpu.dma_semaphore, #tpu.memory_space<semaphore_mem>>)
    %dma_wait3A_39 = arith.constant 0 : i32
    %dma_wait3A_40 = arith.constant 0 : i32
    %dma_wait3A_41 = tpu.memref_slice %arg2[%dma_wait3A_39, %dma_wait3A_40] : memref<8192x128xf32, #tpu.memory_space<hbm>> -> memref<8192x128xf32, #tpu.memory_space<hbm>>
    tpu.wait_indirect_dma semaphore(%arg21 : memref<!tpu.dma_semaphore, #tpu.memory_space<semaphore_mem>>) src(%dma_wait3A_41 : memref<8192x128xf32, #tpu.memory_space<hbm>>) dst(%arg16 : memref<128x128xf32, #tpu.memory_space<vmem>>)
    %dma_wait3A_42 = arith.constant 0 : i32
    %dma_wait3A_43 = arith.constant 0 : i32
    %dma_wait3A_44 = tpu.memref_slice %arg2[%dma_wait3A_42, %dma_wait3A_43] : memref<8192x128xf32, #tpu.memory_space<hbm>> -> memref<8192x128xf32, #tpu.memory_space<hbm>>
    tpu.wait_indirect_dma semaphore(%arg21 : memref<!tpu.dma_semaphore, #tpu.memory_space<semaphore_mem>>) src(%dma_wait3A_44 : memref<8192x128xf32, #tpu.memory_space<hbm>>) dst(%arg17 : memref<128x128xf32, #tpu.memory_space<vmem>>)
    %dma_wait3A_45 = arith.constant 0 : i32
    %dma_wait3A_46 = arith.constant 0 : i32
    %dma_wait3A_47 = tpu.memref_slice %arg2[%dma_wait3A_45, %dma_wait3A_46] : memref<8192x128xf32, #tpu.memory_space<hbm>> -> memref<8192x128xf32, #tpu.memory_space<hbm>>
    tpu.wait_indirect_dma semaphore(%arg21 : memref<!tpu.dma_semaphore, #tpu.memory_space<semaphore_mem>>) src(%dma_wait3A_47 : memref<8192x128xf32, #tpu.memory_space<hbm>>) dst(%arg18 : memref<128x128xf32, #tpu.memory_space<vmem>>)
    %dma_wait3A_48 = arith.constant 0 : i32
    %dma_wait3A_49 = arith.constant 0 : i32
    %dma_wait3A_50 = tpu.memref_slice %arg2[%dma_wait3A_48, %dma_wait3A_49] : memref<8192x128xf32, #tpu.memory_space<hbm>> -> memref<8192x128xf32, #tpu.memory_space<hbm>>
    tpu.wait_indirect_dma semaphore(%arg21 : memref<!tpu.dma_semaphore, #tpu.memory_space<semaphore_mem>>) src(%dma_wait3A_50 : memref<8192x128xf32, #tpu.memory_space<hbm>>) dst(%arg19 : memref<128x128xf32, #tpu.memory_space<vmem>>)
    %dma_start3A_51 = arith.constant 0 : i32
    %dma_start3A_52 = tpu.memref_slice %arg4[%add3A_4, %dma_start3A_51] : memref<8192x128xf32, #tpu.memory_space<hbm>> -> memref<128x128xf32, #tpu.memory_space<hbm>>
    %dma_start3A_53 = arith.constant 0 : i32
    %dma_start3A_54 = tpu.memref_slice %arg4[%add3A_4, %dma_start3A_53] : memref<8192x128xf32, #tpu.memory_space<hbm>> -> memref<128x128xf32, #tpu.memory_space<hbm>>
    tpu.enqueue_dma source(%arg16 : memref<128x128xf32, #tpu.memory_space<vmem>>) target(%dma_start3A_54 : memref<128x128xf32, #tpu.memory_space<hbm>>) target_semaphore(%arg22 : memref<!tpu.dma_semaphore, #tpu.memory_space<semaphore_mem>>)
    %dma_start3A_55 = arith.constant 0 : i32
    %dma_start3A_56 = tpu.memref_slice %arg5[%add3A_4, %dma_start3A_55] : memref<8192x128xf32, #tpu.memory_space<hbm>> -> memref<128x128xf32, #tpu.memory_space<hbm>>
    %dma_start3A_57 = arith.constant 0 : i32
    %dma_start3A_58 = tpu.memref_slice %arg5[%add3A_4, %dma_start3A_57] : memref<8192x128xf32, #tpu.memory_space<hbm>> -> memref<128x128xf32, #tpu.memory_space<hbm>>
    tpu.enqueue_dma source(%arg17 : memref<128x128xf32, #tpu.memory_space<vmem>>) target(%dma_start3A_58 : memref<128x128xf32, #tpu.memory_space<hbm>>) target_semaphore(%arg22 : memref<!tpu.dma_semaphore, #tpu.memory_space<semaphore_mem>>)
    %dma_start3A_59 = arith.constant 0 : i32
    %dma_start3A_60 = tpu.memref_slice %arg6[%add3A_4, %dma_start3A_59] : memref<8192x128xf32, #tpu.memory_space<hbm>> -> memref<128x128xf32, #tpu.memory_space<hbm>>
    %dma_start3A_61 = arith.constant 0 : i32
    %dma_start3A_62 = tpu.memref_slice %arg6[%add3A_4, %dma_start3A_61] : memref<8192x128xf32, #tpu.memory_space<hbm>> -> memref<128x128xf32, #tpu.memory_space<hbm>>
    tpu.enqueue_dma source(%arg18 : memref<128x128xf32, #tpu.memory_space<vmem>>) target(%dma_start3A_62 : memref<128x128xf32, #tpu.memory_space<hbm>>) target_semaphore(%arg22 : memref<!tpu.dma_semaphore, #tpu.memory_space<semaphore_mem>>)
    %dma_start3A_63 = arith.constant 0 : i32
    %dma_start3A_64 = tpu.memref_slice %arg7[%add3A_4, %dma_start3A_63] : memref<8192x128xf32, #tpu.memory_space<hbm>> -> memref<128x128xf32, #tpu.memory_space<hbm>>
    %dma_start3A_65 = arith.constant 0 : i32
    %dma_start3A_66 = tpu.memref_slice %arg7[%add3A_4, %dma_start3A_65] : memref<8192x128xf32, #tpu.memory_space<hbm>> -> memref<128x128xf32, #tpu.memory_space<hbm>>
    tpu.enqueue_dma source(%arg19 : memref<128x128xf32, #tpu.memory_space<vmem>>) target(%dma_start3A_66 : memref<128x128xf32, #tpu.memory_space<hbm>>) target_semaphore(%arg22 : memref<!tpu.dma_semaphore, #tpu.memory_space<semaphore_mem>>)
    %dma_wait3A_67 = arith.constant 0 : i32
    %dma_wait3A_68 = tpu.memref_slice %arg4[%add3A_4, %dma_wait3A_67] : memref<8192x128xf32, #tpu.memory_space<hbm>> -> memref<128x128xf32, #tpu.memory_space<hbm>>
    %dma_wait3A_69 = arith.constant 0 : i32
    %dma_wait3A_70 = tpu.memref_slice %arg4[%add3A_4, %dma_wait3A_69] : memref<8192x128xf32, #tpu.memory_space<hbm>> -> memref<128x128xf32, #tpu.memory_space<hbm>>
    tpu.wait_dma2 semaphore(%arg22 : memref<!tpu.dma_semaphore, #tpu.memory_space<semaphore_mem>>) src(%arg16 : memref<128x128xf32, #tpu.memory_space<vmem>>) dst(%dma_wait3A_70 : memref<128x128xf32, #tpu.memory_space<hbm>>)
    %dma_wait3A_71 = arith.constant 0 : i32
    %dma_wait3A_72 = tpu.memref_slice %arg5[%add3A_4, %dma_wait3A_71] : memref<8192x128xf32, #tpu.memory_space<hbm>> -> memref<128x128xf32, #tpu.memory_space<hbm>>
    %dma_wait3A_73 = arith.constant 0 : i32
    %dma_wait3A_74 = tpu.memref_slice %arg5[%add3A_4, %dma_wait3A_73] : memref<8192x128xf32, #tpu.memory_space<hbm>> -> memref<128x128xf32, #tpu.memory_space<hbm>>
    tpu.wait_dma2 semaphore(%arg22 : memref<!tpu.dma_semaphore, #tpu.memory_space<semaphore_mem>>) src(%arg17 : memref<128x128xf32, #tpu.memory_space<vmem>>) dst(%dma_wait3A_74 : memref<128x128xf32, #tpu.memory_space<hbm>>)
    %dma_wait3A_75 = arith.constant 0 : i32
    %dma_wait3A_76 = tpu.memref_slice %arg6[%add3A_4, %dma_wait3A_75] : memref<8192x128xf32, #tpu.memory_space<hbm>> -> memref<128x128xf32, #tpu.memory_space<hbm>>
    %dma_wait3A_77 = arith.constant 0 : i32
    %dma_wait3A_78 = tpu.memref_slice %arg6[%add3A_4, %dma_wait3A_77] : memref<8192x128xf32, #tpu.memory_space<hbm>> -> memref<128x128xf32, #tpu.memory_space<hbm>>
    tpu.wait_dma2 semaphore(%arg22 : memref<!tpu.dma_semaphore, #tpu.memory_space<semaphore_mem>>) src(%arg18 : memref<128x128xf32, #tpu.memory_space<vmem>>) dst(%dma_wait3A_78 : memref<128x128xf32, #tpu.memory_space<hbm>>)
    %dma_wait3A_79 = arith.constant 0 : i32
    %dma_wait3A_80 = tpu.memref_slice %arg7[%add3A_4, %dma_wait3A_79] : memref<8192x128xf32, #tpu.memory_space<hbm>> -> memref<128x128xf32, #tpu.memory_space<hbm>>
    %dma_wait3A_81 = arith.constant 0 : i32
    %dma_wait3A_82 = tpu.memref_slice %arg7[%add3A_4, %dma_wait3A_81] : memref<8192x128xf32, #tpu.memory_space<hbm>> -> memref<128x128xf32, #tpu.memory_space<hbm>>
    tpu.wait_dma2 semaphore(%arg22 : memref<!tpu.dma_semaphore, #tpu.memory_space<semaphore_mem>>) src(%arg19 : memref<128x128xf32, #tpu.memory_space<vmem>>) dst(%dma_wait3A_82 : memref<128x128xf32, #tpu.memory_space<hbm>>)
    %mul3A_83 = arith.constant 256 : i32
    %mul3A_84 = arith.muli %add3A, %mul3A_83 : i32
    %add3A_85 = arith.constant 128 : i32
    %add3A_86 = arith.addi %mul3A_84, %add3A_85 : i32
    %add3A_87 = arith.constant 0 : i32
    %add3A_88 = arith.addi %add3A_87, %add3A_86 : i32
    %dma_start3A_89 = tpu.memref_slice %arg3[%add3A_88] : memref<32768xi32, #tpu.memory_space<hbm>> -> memref<128xi32, #tpu.memory_space<hbm>>
    %dma_start3A_90 = tpu.memref_slice %arg3[%add3A_88] : memref<32768xi32, #tpu.memory_space<hbm>> -> memref<128xi32, #tpu.memory_space<hbm>>
    tpu.enqueue_dma source(%dma_start3A_90 : memref<128xi32, #tpu.memory_space<hbm>>) target(%arg8 : memref<128xi32, #tpu.memory_space<vmem>>) target_semaphore(%arg20 : memref<!tpu.dma_semaphore, #tpu.memory_space<semaphore_mem>>)
    %add3A_91 = arith.constant 8192 : i32
    %add3A_92 = arith.addi %add3A_91, %add3A_86 : i32
    %dma_start3A_93 = tpu.memref_slice %arg3[%add3A_92] : memref<32768xi32, #tpu.memory_space<hbm>> -> memref<128xi32, #tpu.memory_space<hbm>>
    %dma_start3A_94 = tpu.memref_slice %arg3[%add3A_92] : memref<32768xi32, #tpu.memory_space<hbm>> -> memref<128xi32, #tpu.memory_space<hbm>>
    tpu.enqueue_dma source(%dma_start3A_94 : memref<128xi32, #tpu.memory_space<hbm>>) target(%arg9 : memref<128xi32, #tpu.memory_space<vmem>>) target_semaphore(%arg20 : memref<!tpu.dma_semaphore, #tpu.memory_space<semaphore_mem>>)
    %add3A_95 = arith.constant 16384 : i32
    %add3A_96 = arith.addi %add3A_95, %add3A_86 : i32
    %dma_start3A_97 = tpu.memref_slice %arg3[%add3A_96] : memref<32768xi32, #tpu.memory_space<hbm>> -> memref<128xi32, #tpu.memory_space<hbm>>
    %dma_start3A_98 = tpu.memref_slice %arg3[%add3A_96] : memref<32768xi32, #tpu.memory_space<hbm>> -> memref<128xi32, #tpu.memory_space<hbm>>
    tpu.enqueue_dma source(%dma_start3A_98 : memref<128xi32, #tpu.memory_space<hbm>>) target(%arg10 : memref<128xi32, #tpu.memory_space<vmem>>) target_semaphore(%arg20 : memref<!tpu.dma_semaphore, #tpu.memory_space<semaphore_mem>>)
    %add3A_99 = arith.constant 24576 : i32
    %add3A_100 = arith.addi %add3A_99, %add3A_86 : i32
    %dma_start3A_101 = tpu.memref_slice %arg3[%add3A_100] : memref<32768xi32, #tpu.memory_space<hbm>> -> memref<128xi32, #tpu.memory_space<hbm>>
    %dma_start3A_102 = tpu.memref_slice %arg3[%add3A_100] : memref<32768xi32, #tpu.memory_space<hbm>> -> memref<128xi32, #tpu.memory_space<hbm>>
    tpu.enqueue_dma source(%dma_start3A_102 : memref<128xi32, #tpu.memory_space<hbm>>) target(%arg11 : memref<128xi32, #tpu.memory_space<vmem>>) target_semaphore(%arg20 : memref<!tpu.dma_semaphore, #tpu.memory_space<semaphore_mem>>)
    %dma_wait3A_103 = tpu.memref_slice %arg3[%add3A_88] : memref<32768xi32, #tpu.memory_space<hbm>> -> memref<128xi32, #tpu.memory_space<hbm>>
    %dma_wait3A_104 = tpu.memref_slice %arg3[%add3A_88] : memref<32768xi32, #tpu.memory_space<hbm>> -> memref<128xi32, #tpu.memory_space<hbm>>
    tpu.wait_dma2 semaphore(%arg20 : memref<!tpu.dma_semaphore, #tpu.memory_space<semaphore_mem>>) src(%dma_wait3A_104 : memref<128xi32, #tpu.memory_space<hbm>>) dst(%arg8 : memref<128xi32, #tpu.memory_space<vmem>>)
    %dma_start3A_105 = arith.constant 0 : i32
    %dma_start3A_106 = arith.constant 0 : i32
    %dma_start3A_107 = tpu.memref_slice %arg2[%dma_start3A_105, %dma_start3A_106] : memref<8192x128xf32, #tpu.memory_space<hbm>> -> memref<8192x128xf32, #tpu.memory_space<hbm>>
    tpu.enqueue_indirect_dma source(%dma_start3A_107 : memref<8192x128xf32, #tpu.memory_space<hbm>>) target(%arg16 : memref<128x128xf32, #tpu.memory_space<vmem>>) offsets(%arg8 : memref<128xi32, #tpu.memory_space<vmem>>) semaphore(%arg21 : memref<!tpu.dma_semaphore, #tpu.memory_space<semaphore_mem>>)
    %dma_wait3A_108 = tpu.memref_slice %arg3[%add3A_92] : memref<32768xi32, #tpu.memory_space<hbm>> -> memref<128xi32, #tpu.memory_space<hbm>>
    %dma_wait3A_109 = tpu.memref_slice %arg3[%add3A_92] : memref<32768xi32, #tpu.memory_space<hbm>> -> memref<128xi32, #tpu.memory_space<hbm>>
    tpu.wait_dma2 semaphore(%arg20 : memref<!tpu.dma_semaphore, #tpu.memory_space<semaphore_mem>>) src(%dma_wait3A_109 : memref<128xi32, #tpu.memory_space<hbm>>) dst(%arg9 : memref<128xi32, #tpu.memory_space<vmem>>)
    %dma_start3A_110 = arith.constant 0 : i32
    %dma_start3A_111 = arith.constant 0 : i32
    %dma_start3A_112 = tpu.memref_slice %arg2[%dma_start3A_110, %dma_start3A_111] : memref<8192x128xf32, #tpu.memory_space<hbm>> -> memref<8192x128xf32, #tpu.memory_space<hbm>>
    tpu.enqueue_indirect_dma source(%dma_start3A_112 : memref<8192x128xf32, #tpu.memory_space<hbm>>) target(%arg17 : memref<128x128xf32, #tpu.memory_space<vmem>>) offsets(%arg9 : memref<128xi32, #tpu.memory_space<vmem>>) semaphore(%arg21 : memref<!tpu.dma_semaphore, #tpu.memory_space<semaphore_mem>>)
    %dma_wait3A_113 = tpu.memref_slice %arg3[%add3A_96] : memref<32768xi32, #tpu.memory_space<hbm>> -> memref<128xi32, #tpu.memory_space<hbm>>
    %dma_wait3A_114 = tpu.memref_slice %arg3[%add3A_96] : memref<32768xi32, #tpu.memory_space<hbm>> -> memref<128xi32, #tpu.memory_space<hbm>>
    tpu.wait_dma2 semaphore(%arg20 : memref<!tpu.dma_semaphore, #tpu.memory_space<semaphore_mem>>) src(%dma_wait3A_114 : memref<128xi32, #tpu.memory_space<hbm>>) dst(%arg10 : memref<128xi32, #tpu.memory_space<vmem>>)
    %dma_start3A_115 = arith.constant 0 : i32
    %dma_start3A_116 = arith.constant 0 : i32
    %dma_start3A_117 = tpu.memref_slice %arg2[%dma_start3A_115, %dma_start3A_116] : memref<8192x128xf32, #tpu.memory_space<hbm>> -> memref<8192x128xf32, #tpu.memory_space<hbm>>
    tpu.enqueue_indirect_dma source(%dma_start3A_117 : memref<8192x128xf32, #tpu.memory_space<hbm>>) target(%arg18 : memref<128x128xf32, #tpu.memory_space<vmem>>) offsets(%arg10 : memref<128xi32, #tpu.memory_space<vmem>>) semaphore(%arg21 : memref<!tpu.dma_semaphore, #tpu.memory_space<semaphore_mem>>)
    %dma_wait3A_118 = tpu.memref_slice %arg3[%add3A_100] : memref<32768xi32, #tpu.memory_space<hbm>> -> memref<128xi32, #tpu.memory_space<hbm>>
    %dma_wait3A_119 = tpu.memref_slice %arg3[%add3A_100] : memref<32768xi32, #tpu.memory_space<hbm>> -> memref<128xi32, #tpu.memory_space<hbm>>
    tpu.wait_dma2 semaphore(%arg20 : memref<!tpu.dma_semaphore, #tpu.memory_space<semaphore_mem>>) src(%dma_wait3A_119 : memref<128xi32, #tpu.memory_space<hbm>>) dst(%arg11 : memref<128xi32, #tpu.memory_space<vmem>>)
    %dma_start3A_120 = arith.constant 0 : i32
    %dma_start3A_121 = arith.constant 0 : i32
    %dma_start3A_122 = tpu.memref_slice %arg2[%dma_start3A_120, %dma_start3A_121] : memref<8192x128xf32, #tpu.memory_space<hbm>> -> memref<8192x128xf32, #tpu.memory_space<hbm>>
    tpu.enqueue_indirect_dma source(%dma_start3A_122 : memref<8192x128xf32, #tpu.memory_space<hbm>>) target(%arg19 : memref<128x128xf32, #tpu.memory_space<vmem>>) offsets(%arg11 : memref<128xi32, #tpu.memory_space<vmem>>) semaphore(%arg21 : memref<!tpu.dma_semaphore, #tpu.memory_space<semaphore_mem>>)
    %dma_wait3A_123 = arith.constant 0 : i32
    %dma_wait3A_124 = arith.constant 0 : i32
    %dma_wait3A_125 = tpu.memref_slice %arg2[%dma_wait3A_123, %dma_wait3A_124] : memref<8192x128xf32, #tpu.memory_space<hbm>> -> memref<8192x128xf32, #tpu.memory_space<hbm>>
    tpu.wait_indirect_dma semaphore(%arg21 : memref<!tpu.dma_semaphore, #tpu.memory_space<semaphore_mem>>) src(%dma_wait3A_125 : memref<8192x128xf32, #tpu.memory_space<hbm>>) dst(%arg16 : memref<128x128xf32, #tpu.memory_space<vmem>>)
    %dma_wait3A_126 = arith.constant 0 : i32
    %dma_wait3A_127 = arith.constant 0 : i32
    %dma_wait3A_128 = tpu.memref_slice %arg2[%dma_wait3A_126, %dma_wait3A_127] : memref<8192x128xf32, #tpu.memory_space<hbm>> -> memref<8192x128xf32, #tpu.memory_space<hbm>>
    tpu.wait_indirect_dma semaphore(%arg21 : memref<!tpu.dma_semaphore, #tpu.memory_space<semaphore_mem>>) src(%dma_wait3A_128 : memref<8192x128xf32, #tpu.memory_space<hbm>>) dst(%arg17 : memref<128x128xf32, #tpu.memory_space<vmem>>)
    %dma_wait3A_129 = arith.constant 0 : i32
    %dma_wait3A_130 = arith.constant 0 : i32
    %dma_wait3A_131 = tpu.memref_slice %arg2[%dma_wait3A_129, %dma_wait3A_130] : memref<8192x128xf32, #tpu.memory_space<hbm>> -> memref<8192x128xf32, #tpu.memory_space<hbm>>
    tpu.wait_indirect_dma semaphore(%arg21 : memref<!tpu.dma_semaphore, #tpu.memory_space<semaphore_mem>>) src(%dma_wait3A_131 : memref<8192x128xf32, #tpu.memory_space<hbm>>) dst(%arg18 : memref<128x128xf32, #tpu.memory_space<vmem>>)
    %dma_wait3A_132 = arith.constant 0 : i32
    %dma_wait3A_133 = arith.constant 0 : i32
    %dma_wait3A_134 = tpu.memref_slice %arg2[%dma_wait3A_132, %dma_wait3A_133] : memref<8192x128xf32, #tpu.memory_space<hbm>> -> memref<8192x128xf32, #tpu.memory_space<hbm>>
    tpu.wait_indirect_dma semaphore(%arg21 : memref<!tpu.dma_semaphore, #tpu.memory_space<semaphore_mem>>) src(%dma_wait3A_134 : memref<8192x128xf32, #tpu.memory_space<hbm>>) dst(%arg19 : memref<128x128xf32, #tpu.memory_space<vmem>>)
    %dma_start3A_135 = arith.constant 0 : i32
    %dma_start3A_136 = tpu.memref_slice %arg4[%add3A_86, %dma_start3A_135] : memref<8192x128xf32, #tpu.memory_space<hbm>> -> memref<128x128xf32, #tpu.memory_space<hbm>>
    %dma_start3A_137 = arith.constant 0 : i32
    %dma_start3A_138 = tpu.memref_slice %arg4[%add3A_86, %dma_start3A_137] : memref<8192x128xf32, #tpu.memory_space<hbm>> -> memref<128x128xf32, #tpu.memory_space<hbm>>
    tpu.enqueue_dma source(%arg16 : memref<128x128xf32, #tpu.memory_space<vmem>>) target(%dma_start3A_138 : memref<128x128xf32, #tpu.memory_space<hbm>>) target_semaphore(%arg22 : memref<!tpu.dma_semaphore, #tpu.memory_space<semaphore_mem>>)
    %dma_start3A_139 = arith.constant 0 : i32
    %dma_start3A_140 = tpu.memref_slice %arg5[%add3A_86, %dma_start3A_139] : memref<8192x128xf32, #tpu.memory_space<hbm>> -> memref<128x128xf32, #tpu.memory_space<hbm>>
    %dma_start3A_141 = arith.constant 0 : i32
    %dma_start3A_142 = tpu.memref_slice %arg5[%add3A_86, %dma_start3A_141] : memref<8192x128xf32, #tpu.memory_space<hbm>> -> memref<128x128xf32, #tpu.memory_space<hbm>>
    tpu.enqueue_dma source(%arg17 : memref<128x128xf32, #tpu.memory_space<vmem>>) target(%dma_start3A_142 : memref<128x128xf32, #tpu.memory_space<hbm>>) target_semaphore(%arg22 : memref<!tpu.dma_semaphore, #tpu.memory_space<semaphore_mem>>)
    %dma_start3A_143 = arith.constant 0 : i32
    %dma_start3A_144 = tpu.memref_slice %arg6[%add3A_86, %dma_start3A_143] : memref<8192x128xf32, #tpu.memory_space<hbm>> -> memref<128x128xf32, #tpu.memory_space<hbm>>
    %dma_start3A_145 = arith.constant 0 : i32
    %dma_start3A_146 = tpu.memref_slice %arg6[%add3A_86, %dma_start3A_145] : memref<8192x128xf32, #tpu.memory_space<hbm>> -> memref<128x128xf32, #tpu.memory_space<hbm>>
    tpu.enqueue_dma source(%arg18 : memref<128x128xf32, #tpu.memory_space<vmem>>) target(%dma_start3A_146 : memref<128x128xf32, #tpu.memory_space<hbm>>) target_semaphore(%arg22 : memref<!tpu.dma_semaphore, #tpu.memory_space<semaphore_mem>>)
    %dma_start3A_147 = arith.constant 0 : i32
    %dma_start3A_148 = tpu.memref_slice %arg7[%add3A_86, %dma_start3A_147] : memref<8192x128xf32, #tpu.memory_space<hbm>> -> memref<128x128xf32, #tpu.memory_space<hbm>>
    %dma_start3A_149 = arith.constant 0 : i32
    %dma_start3A_150 = tpu.memref_slice %arg7[%add3A_86, %dma_start3A_149] : memref<8192x128xf32, #tpu.memory_space<hbm>> -> memref<128x128xf32, #tpu.memory_space<hbm>>
    tpu.enqueue_dma source(%arg19 : memref<128x128xf32, #tpu.memory_space<vmem>>) target(%dma_start3A_150 : memref<128x128xf32, #tpu.memory_space<hbm>>) target_semaphore(%arg22 : memref<!tpu.dma_semaphore, #tpu.memory_space<semaphore_mem>>)
    %dma_wait3A_151 = arith.constant 0 : i32
    %dma_wait3A_152 = tpu.memref_slice %arg4[%add3A_86, %dma_wait3A_151] : memref<8192x128xf32, #tpu.memory_space<hbm>> -> memref<128x128xf32, #tpu.memory_space<hbm>>
    %dma_wait3A_153 = arith.constant 0 : i32
    %dma_wait3A_154 = tpu.memref_slice %arg4[%add3A_86, %dma_wait3A_153] : memref<8192x128xf32, #tpu.memory_space<hbm>> -> memref<128x128xf32, #tpu.memory_space<hbm>>
    tpu.wait_dma2 semaphore(%arg22 : memref<!tpu.dma_semaphore, #tpu.memory_space<semaphore_mem>>) src(%arg16 : memref<128x128xf32, #tpu.memory_space<vmem>>) dst(%dma_wait3A_154 : memref<128x128xf32, #tpu.memory_space<hbm>>)
    %dma_wait3A_155 = arith.constant 0 : i32
    %dma_wait3A_156 = tpu.memref_slice %arg5[%add3A_86, %dma_wait3A_155] : memref<8192x128xf32, #tpu.memory_space<hbm>> -> memref<128x128xf32, #tpu.memory_space<hbm>>
    %dma_wait3A_157 = arith.constant 0 : i32
    %dma_wait3A_158 = tpu.memref_slice %arg5[%add3A_86, %dma_wait3A_157] : memref<8192x128xf32, #tpu.memory_space<hbm>> -> memref<128x128xf32, #tpu.memory_space<hbm>>
    tpu.wait_dma2 semaphore(%arg22 : memref<!tpu.dma_semaphore, #tpu.memory_space<semaphore_mem>>) src(%arg17 : memref<128x128xf32, #tpu.memory_space<vmem>>) dst(%dma_wait3A_158 : memref<128x128xf32, #tpu.memory_space<hbm>>)
    %dma_wait3A_159 = arith.constant 0 : i32
    %dma_wait3A_160 = tpu.memref_slice %arg6[%add3A_86, %dma_wait3A_159] : memref<8192x128xf32, #tpu.memory_space<hbm>> -> memref<128x128xf32, #tpu.memory_space<hbm>>
    %dma_wait3A_161 = arith.constant 0 : i32
    %dma_wait3A_162 = tpu.memref_slice %arg6[%add3A_86, %dma_wait3A_161] : memref<8192x128xf32, #tpu.memory_space<hbm>> -> memref<128x128xf32, #tpu.memory_space<hbm>>
    tpu.wait_dma2 semaphore(%arg22 : memref<!tpu.dma_semaphore, #tpu.memory_space<semaphore_mem>>) src(%arg18 : memref<128x128xf32, #tpu.memory_space<vmem>>) dst(%dma_wait3A_162 : memref<128x128xf32, #tpu.memory_space<hbm>>)
    %dma_wait3A_163 = arith.constant 0 : i32
    %dma_wait3A_164 = tpu.memref_slice %arg7[%add3A_86, %dma_wait3A_163] : memref<8192x128xf32, #tpu.memory_space<hbm>> -> memref<128x128xf32, #tpu.memory_space<hbm>>
    %dma_wait3A_165 = arith.constant 0 : i32
    %dma_wait3A_166 = tpu.memref_slice %arg7[%add3A_86, %dma_wait3A_165] : memref<8192x128xf32, #tpu.memory_space<hbm>> -> memref<128x128xf32, #tpu.memory_space<hbm>>
    tpu.wait_dma2 semaphore(%arg22 : memref<!tpu.dma_semaphore, #tpu.memory_space<semaphore_mem>>) src(%arg19 : memref<128x128xf32, #tpu.memory_space<vmem>>) dst(%dma_wait3A_166 : memref<128x128xf32, #tpu.memory_space<hbm>>)
    return
  }
}

#map = affine_map<(d0, d1) -> (0, 0)>
#map1 = affine_map<(d0, d1) -> (0)>
module attributes {stable_mosaic.version = 14 : i64} {
  func.func @body(%arg0: i32, %arg1: i32, %arg2: memref<8192x128xf32, #tpu.memory_space<hbm>>, %arg3: memref<32768xi32, #tpu.memory_space<hbm>>, %arg4: memref<4096xi32, #tpu.memory_space<hbm>>, %arg5: memref<8192xi32, #tpu.memory_space<hbm>>, %arg6: memref<4096x128xf32, #tpu.memory_space<hbm>>, %arg7: memref<16384xi32, #tpu.memory_space<hbm>>, %arg8: memref<8192xi32, #tpu.memory_space<vmem>>, %arg9: memref<32768xi32, #tpu.memory_space<vmem>>, %arg10: memref<128xi32, #tpu.memory_space<vmem>>, %arg11: memref<128xi32, #tpu.memory_space<vmem>>, %arg12: memref<128xi32, #tpu.memory_space<vmem>>, %arg13: memref<128xi32, #tpu.memory_space<vmem>>, %arg14: memref<128xi32, #tpu.memory_space<vmem>>, %arg15: memref<128x128xf32, #tpu.memory_space<vmem>>, %arg16: memref<!tpu.dma_semaphore, #tpu.memory_space<semaphore_mem>>, %arg17: memref<!tpu.dma_semaphore, #tpu.memory_space<semaphore_mem>>) attributes {dimension_semantics = [#tpu.dimension_semantics<core_parallel>, #tpu.dimension_semantics<subcore_parallel>], iteration_bounds = array<i64: 2, 16>, scalar_prefetch = 0 : i64, scratch_operands = 10 : i64, tpu.core_type = #tpu.core_type<sc_vector_subcore>, window_params = [{transform_indices = #map}, {transform_indices = #map1}, {transform_indices = #map1}, {transform_indices = #map1}, {transform_indices = #map}, {transform_indices = #map1}]} {
    %mul3A = arith.constant 2 : i32
    %mul3A_0 = arith.muli %arg1, %mul3A : i32
    %add3A = arith.addi %mul3A_0, %arg0 : i32
    "tpu.region"() ({
      %run_scoped3A = tpu.sem_alloc : memref<!tpu.dma_semaphore, #tpu.memory_space<semaphore_mem>>
      tpu.enqueue_dma source(%arg5 : memref<8192xi32, #tpu.memory_space<hbm>>) target(%arg8 : memref<8192xi32, #tpu.memory_space<vmem>>) target_semaphore(%run_scoped3A : memref<!tpu.dma_semaphore, #tpu.memory_space<semaphore_mem>>)
      tpu.wait_dma2 semaphore(%run_scoped3A : memref<!tpu.dma_semaphore, #tpu.memory_space<semaphore_mem>>) src(%arg5 : memref<8192xi32, #tpu.memory_space<hbm>>) dst(%arg8 : memref<8192xi32, #tpu.memory_space<vmem>>)
      tpu.yield
    }) : () -> ()
    "tpu.region"() ({
      %run_scoped3A = tpu.sem_alloc : memref<!tpu.dma_semaphore, #tpu.memory_space<semaphore_mem>>
      tpu.enqueue_dma source(%arg3 : memref<32768xi32, #tpu.memory_space<hbm>>) target(%arg9 : memref<32768xi32, #tpu.memory_space<vmem>>) target_semaphore(%run_scoped3A : memref<!tpu.dma_semaphore, #tpu.memory_space<semaphore_mem>>)
      tpu.wait_dma2 semaphore(%run_scoped3A : memref<!tpu.dma_semaphore, #tpu.memory_space<semaphore_mem>>) src(%arg3 : memref<32768xi32, #tpu.memory_space<hbm>>) dst(%arg9 : memref<32768xi32, #tpu.memory_space<vmem>>)
      tpu.yield
    }) : () -> ()
    %iota3A = tpu.iota {dimensions = array<i32: 0>} : vector<16xi32>
    %mul3A_1 = arith.constant 128 : i32
    %mul3A_2 = arith.muli %add3A, %mul3A_1 : i32
    %add3A_3 = arith.constant 0 : i32
    %add3A_4 = arith.addi %mul3A_2, %add3A_3 : i32
    "tpu.region"() ({
      %run_scoped3A = tpu.sem_alloc : memref<!tpu.dma_semaphore, #tpu.memory_space<semaphore_mem>>
      %dma_start3A_436 = tpu.memref_slice %arg4[%add3A_4] : memref<4096xi32, #tpu.memory_space<hbm>> -> memref<128xi32, #tpu.memory_space<hbm>>
      %dma_start3A_437 = tpu.memref_slice %arg4[%add3A_4] : memref<4096xi32, #tpu.memory_space<hbm>> -> memref<128xi32, #tpu.memory_space<hbm>>
      tpu.enqueue_dma source(%dma_start3A_437 : memref<128xi32, #tpu.memory_space<hbm>>) target(%arg14 : memref<128xi32, #tpu.memory_space<vmem>>) target_semaphore(%run_scoped3A : memref<!tpu.dma_semaphore, #tpu.memory_space<semaphore_mem>>)
      %dma_wait3A_438 = tpu.memref_slice %arg4[%add3A_4] : memref<4096xi32, #tpu.memory_space<hbm>> -> memref<128xi32, #tpu.memory_space<hbm>>
      %dma_wait3A_439 = tpu.memref_slice %arg4[%add3A_4] : memref<4096xi32, #tpu.memory_space<hbm>> -> memref<128xi32, #tpu.memory_space<hbm>>
      tpu.wait_dma2 semaphore(%run_scoped3A : memref<!tpu.dma_semaphore, #tpu.memory_space<semaphore_mem>>) src(%dma_wait3A_439 : memref<128xi32, #tpu.memory_space<hbm>>) dst(%arg14 : memref<128xi32, #tpu.memory_space<vmem>>)
      tpu.yield
    }) : () -> ()
    %dma_start3A = arith.constant 0 : i32
    %dma_start3A_5 = arith.constant 0 : i32
    %dma_start3A_6 = tpu.memref_slice %arg2[%dma_start3A, %dma_start3A_5] : memref<8192x128xf32, #tpu.memory_space<hbm>> -> memref<8192x128xf32, #tpu.memory_space<hbm>>
    tpu.enqueue_indirect_dma source(%dma_start3A_6 : memref<8192x128xf32, #tpu.memory_space<hbm>>) target(%arg15 : memref<128x128xf32, #tpu.memory_space<vmem>>) offsets(%arg14 : memref<128xi32, #tpu.memory_space<vmem>>) semaphore(%arg16 : memref<!tpu.dma_semaphore, #tpu.memory_space<semaphore_mem>>)
    %get3A = arith.constant 0 : index
    %get3A_7 = tpu.vector_load %arg14[%get3A] {strides = array<i32>} : memref<128xi32, #tpu.memory_space<vmem>>, vector<16xi32>,
    %add3A_8 = arith.constant 0 : i32
    %add3A_9 = arith.addi %add3A_4, %add3A_8 : i32
    %add3A_10 = vector.broadcast %add3A_9 : i32 to vector<16xi32>
    %add3A_11 = arith.addi %add3A_10, %iota3A : vector<16xi32>
    %add3A_12 = arith.constant 0 : i32
    %add3A_13 = vector.broadcast %add3A_12 : i32 to vector<16xi32>
    %add3A_14 = arith.addi %get3A_7, %add3A_13 : vector<16xi32>
    %gather3A = tpu.vector_load_idx %arg9[%add3A_14] : memref<32768xi32, #tpu.memory_space<vmem>>[vector<16xi32>], vector<16xi32>,
    %gather3A_15 = tpu.vector_load_idx %arg8[%gather3A] : memref<8192xi32, #tpu.memory_space<vmem>>[vector<16xi32>], vector<16xi32>,
    %lt3A = arith.constant 0 : i32
    %lt3A_16 = vector.broadcast %lt3A : i32 to vector<16xi32>
    %lt3A_17 = arith.cmpi slt, %gather3A_15, %lt3A_16 : vector<16xi32>
    %select_n3A = arith.select %lt3A_17, %add3A_11, %gather3A_15 : vector<16xi1>, vector<16xi32>
    %swap3A = arith.constant 0 : index
    %swap3A_18 = tpu.vector_load %arg10[%swap3A] {strides = array<i32>} : memref<128xi32, #tpu.memory_space<vmem>>, vector<16xi32>,
    tpu.vector_store %arg10[%swap3A], %select_n3A {strides = array<i32>} : memref<128xi32, #tpu.memory_space<vmem>>, vector<16xi32>,
    %add3A_19 = arith.constant 8192 : i32
    %add3A_20 = vector.broadcast %add3A_19 : i32 to vector<16xi32>
    %add3A_21 = arith.addi %get3A_7, %add3A_20 : vector<16xi32>
    %gather3A_22 = tpu.vector_load_idx %arg9[%add3A_21] : memref<32768xi32, #tpu.memory_space<vmem>>[vector<16xi32>], vector<16xi32>,
    %gather3A_23 = tpu.vector_load_idx %arg8[%gather3A_22] : memref<8192xi32, #tpu.memory_space<vmem>>[vector<16xi32>], vector<16xi32>,
    %lt3A_24 = arith.constant 0 : i32
    %lt3A_25 = vector.broadcast %lt3A_24 : i32 to vector<16xi32>
    %lt3A_26 = arith.cmpi slt, %gather3A_23, %lt3A_25 : vector<16xi32>
    %select_n3A_27 = arith.select %lt3A_26, %add3A_11, %gather3A_23 : vector<16xi1>, vector<16xi32>
    %swap3A_28 = arith.constant 0 : index
    %swap3A_29 = tpu.vector_load %arg11[%swap3A_28] {strides = array<i32>} : memref<128xi32, #tpu.memory_space<vmem>>, vector<16xi32>,
    tpu.vector_store %arg11[%swap3A_28], %select_n3A_27 {strides = array<i32>} : memref<128xi32, #tpu.memory_space<vmem>>, vector<16xi32>,
    %add3A_30 = arith.constant 16384 : i32
    %add3A_31 = vector.broadcast %add3A_30 : i32 to vector<16xi32>
    %add3A_32 = arith.addi %get3A_7, %add3A_31 : vector<16xi32>
    %gather3A_33 = tpu.vector_load_idx %arg9[%add3A_32] : memref<32768xi32, #tpu.memory_space<vmem>>[vector<16xi32>], vector<16xi32>,
    %gather3A_34 = tpu.vector_load_idx %arg8[%gather3A_33] : memref<8192xi32, #tpu.memory_space<vmem>>[vector<16xi32>], vector<16xi32>,
    %lt3A_35 = arith.constant 0 : i32
    %lt3A_36 = vector.broadcast %lt3A_35 : i32 to vector<16xi32>
    %lt3A_37 = arith.cmpi slt, %gather3A_34, %lt3A_36 : vector<16xi32>
    %select_n3A_38 = arith.select %lt3A_37, %add3A_11, %gather3A_34 : vector<16xi1>, vector<16xi32>
    %swap3A_39 = arith.constant 0 : index
    %swap3A_40 = tpu.vector_load %arg12[%swap3A_39] {strides = array<i32>} : memref<128xi32, #tpu.memory_space<vmem>>, vector<16xi32>,
    tpu.vector_store %arg12[%swap3A_39], %select_n3A_38 {strides = array<i32>} : memref<128xi32, #tpu.memory_space<vmem>>, vector<16xi32>,
    %add3A_41 = arith.constant 24576 : i32
    %add3A_42 = vector.broadcast %add3A_41 : i32 to vector<16xi32>
    %add3A_43 = arith.addi %get3A_7, %add3A_42 : vector<16xi32>
    %gather3A_44 = tpu.vector_load_idx %arg9[%add3A_43] : memref<32768xi32, #tpu.memory_space<vmem>>[vector<16xi32>], vector<16xi32>,
    %gather3A_45 = tpu.vector_load_idx %arg8[%gather3A_44] : memref<8192xi32, #tpu.memory_space<vmem>>[vector<16xi32>], vector<16xi32>,
    %lt3A_46 = arith.constant 0 : i32
    %lt3A_47 = vector.broadcast %lt3A_46 : i32 to vector<16xi32>
    %lt3A_48 = arith.cmpi slt, %gather3A_45, %lt3A_47 : vector<16xi32>
    %select_n3A_49 = arith.select %lt3A_48, %add3A_11, %gather3A_45 : vector<16xi1>, vector<16xi32>
    %swap3A_50 = arith.constant 0 : index
    %swap3A_51 = tpu.vector_load %arg13[%swap3A_50] {strides = array<i32>} : memref<128xi32, #tpu.memory_space<vmem>>, vector<16xi32>,
    tpu.vector_store %arg13[%swap3A_50], %select_n3A_49 {strides = array<i32>} : memref<128xi32, #tpu.memory_space<vmem>>, vector<16xi32>,
    %get3A_52 = arith.constant 16 : index
    %get3A_53 = tpu.vector_load %arg14[%get3A_52] {strides = array<i32>} : memref<128xi32, #tpu.memory_space<vmem>>, vector<16xi32>,
    %add3A_54 = arith.constant 16 : i32
    %add3A_55 = arith.addi %add3A_4, %add3A_54 : i32
    %add3A_56 = vector.broadcast %add3A_55 : i32 to vector<16xi32>
    %add3A_57 = arith.addi %add3A_56, %iota3A : vector<16xi32>
    %add3A_58 = arith.constant 0 : i32
    %add3A_59 = vector.broadcast %add3A_58 : i32 to vector<16xi32>
    %add3A_60 = arith.addi %get3A_53, %add3A_59 : vector<16xi32>
    %gather3A_61 = tpu.vector_load_idx %arg9[%add3A_60] : memref<32768xi32, #tpu.memory_space<vmem>>[vector<16xi32>], vector<16xi32>,
    %gather3A_62 = tpu.vector_load_idx %arg8[%gather3A_61] : memref<8192xi32, #tpu.memory_space<vmem>>[vector<16xi32>], vector<16xi32>,
    %lt3A_63 = arith.constant 0 : i32
    %lt3A_64 = vector.broadcast %lt3A_63 : i32 to vector<16xi32>
    %lt3A_65 = arith.cmpi slt, %gather3A_62, %lt3A_64 : vector<16xi32>
    %select_n3A_66 = arith.select %lt3A_65, %add3A_57, %gather3A_62 : vector<16xi1>, vector<16xi32>
    %swap3A_67 = arith.constant 16 : index
    %swap3A_68 = tpu.vector_load %arg10[%swap3A_67] {strides = array<i32>} : memref<128xi32, #tpu.memory_space<vmem>>, vector<16xi32>,
    tpu.vector_store %arg10[%swap3A_67], %select_n3A_66 {strides = array<i32>} : memref<128xi32, #tpu.memory_space<vmem>>, vector<16xi32>,
    %add3A_69 = arith.constant 8192 : i32
    %add3A_70 = vector.broadcast %add3A_69 : i32 to vector<16xi32>
    %add3A_71 = arith.addi %get3A_53, %add3A_70 : vector<16xi32>
    %gather3A_72 = tpu.vector_load_idx %arg9[%add3A_71] : memref<32768xi32, #tpu.memory_space<vmem>>[vector<16xi32>], vector<16xi32>,
    %gather3A_73 = tpu.vector_load_idx %arg8[%gather3A_72] : memref<8192xi32, #tpu.memory_space<vmem>>[vector<16xi32>], vector<16xi32>,
    %lt3A_74 = arith.constant 0 : i32
    %lt3A_75 = vector.broadcast %lt3A_74 : i32 to vector<16xi32>
    %lt3A_76 = arith.cmpi slt, %gather3A_73, %lt3A_75 : vector<16xi32>
    %select_n3A_77 = arith.select %lt3A_76, %add3A_57, %gather3A_73 : vector<16xi1>, vector<16xi32>
    %swap3A_78 = arith.constant 16 : index
    %swap3A_79 = tpu.vector_load %arg11[%swap3A_78] {strides = array<i32>} : memref<128xi32, #tpu.memory_space<vmem>>, vector<16xi32>,
    tpu.vector_store %arg11[%swap3A_78], %select_n3A_77 {strides = array<i32>} : memref<128xi32, #tpu.memory_space<vmem>>, vector<16xi32>,
    %add3A_80 = arith.constant 16384 : i32
    %add3A_81 = vector.broadcast %add3A_80 : i32 to vector<16xi32>
    %add3A_82 = arith.addi %get3A_53, %add3A_81 : vector<16xi32>
    %gather3A_83 = tpu.vector_load_idx %arg9[%add3A_82] : memref<32768xi32, #tpu.memory_space<vmem>>[vector<16xi32>], vector<16xi32>,
    %gather3A_84 = tpu.vector_load_idx %arg8[%gather3A_83] : memref<8192xi32, #tpu.memory_space<vmem>>[vector<16xi32>], vector<16xi32>,
    %lt3A_85 = arith.constant 0 : i32
    %lt3A_86 = vector.broadcast %lt3A_85 : i32 to vector<16xi32>
    %lt3A_87 = arith.cmpi slt, %gather3A_84, %lt3A_86 : vector<16xi32>
    %select_n3A_88 = arith.select %lt3A_87, %add3A_57, %gather3A_84 : vector<16xi1>, vector<16xi32>
    %swap3A_89 = arith.constant 16 : index
    %swap3A_90 = tpu.vector_load %arg12[%swap3A_89] {strides = array<i32>} : memref<128xi32, #tpu.memory_space<vmem>>, vector<16xi32>,
    tpu.vector_store %arg12[%swap3A_89], %select_n3A_88 {strides = array<i32>} : memref<128xi32, #tpu.memory_space<vmem>>, vector<16xi32>,
    %add3A_91 = arith.constant 24576 : i32
    %add3A_92 = vector.broadcast %add3A_91 : i32 to vector<16xi32>
    %add3A_93 = arith.addi %get3A_53, %add3A_92 : vector<16xi32>
    %gather3A_94 = tpu.vector_load_idx %arg9[%add3A_93] : memref<32768xi32, #tpu.memory_space<vmem>>[vector<16xi32>], vector<16xi32>,
    %gather3A_95 = tpu.vector_load_idx %arg8[%gather3A_94] : memref<8192xi32, #tpu.memory_space<vmem>>[vector<16xi32>], vector<16xi32>,
    %lt3A_96 = arith.constant 0 : i32
    %lt3A_97 = vector.broadcast %lt3A_96 : i32 to vector<16xi32>
    %lt3A_98 = arith.cmpi slt, %gather3A_95, %lt3A_97 : vector<16xi32>
    %select_n3A_99 = arith.select %lt3A_98, %add3A_57, %gather3A_95 : vector<16xi1>, vector<16xi32>
    %swap3A_100 = arith.constant 16 : index
    %swap3A_101 = tpu.vector_load %arg13[%swap3A_100] {strides = array<i32>} : memref<128xi32, #tpu.memory_space<vmem>>, vector<16xi32>,
    tpu.vector_store %arg13[%swap3A_100], %select_n3A_99 {strides = array<i32>} : memref<128xi32, #tpu.memory_space<vmem>>, vector<16xi32>,
    %get3A_102 = arith.constant 32 : index
    %get3A_103 = tpu.vector_load %arg14[%get3A_102] {strides = array<i32>} : memref<128xi32, #tpu.memory_space<vmem>>, vector<16xi32>,
    %add3A_104 = arith.constant 32 : i32
    %add3A_105 = arith.addi %add3A_4, %add3A_104 : i32
    %add3A_106 = vector.broadcast %add3A_105 : i32 to vector<16xi32>
    %add3A_107 = arith.addi %add3A_106, %iota3A : vector<16xi32>
    %add3A_108 = arith.constant 0 : i32
    %add3A_109 = vector.broadcast %add3A_108 : i32 to vector<16xi32>
    %add3A_110 = arith.addi %get3A_103, %add3A_109 : vector<16xi32>
    %gather3A_111 = tpu.vector_load_idx %arg9[%add3A_110] : memref<32768xi32, #tpu.memory_space<vmem>>[vector<16xi32>], vector<16xi32>,
    %gather3A_112 = tpu.vector_load_idx %arg8[%gather3A_111] : memref<8192xi32, #tpu.memory_space<vmem>>[vector<16xi32>], vector<16xi32>,
    %lt3A_113 = arith.constant 0 : i32
    %lt3A_114 = vector.broadcast %lt3A_113 : i32 to vector<16xi32>
    %lt3A_115 = arith.cmpi slt, %gather3A_112, %lt3A_114 : vector<16xi32>
    %select_n3A_116 = arith.select %lt3A_115, %add3A_107, %gather3A_112 : vector<16xi1>, vector<16xi32>
    %swap3A_117 = arith.constant 32 : index
    %swap3A_118 = tpu.vector_load %arg10[%swap3A_117] {strides = array<i32>} : memref<128xi32, #tpu.memory_space<vmem>>, vector<16xi32>,
    tpu.vector_store %arg10[%swap3A_117], %select_n3A_116 {strides = array<i32>} : memref<128xi32, #tpu.memory_space<vmem>>, vector<16xi32>,
    %add3A_119 = arith.constant 8192 : i32
    %add3A_120 = vector.broadcast %add3A_119 : i32 to vector<16xi32>
    %add3A_121 = arith.addi %get3A_103, %add3A_120 : vector<16xi32>
    %gather3A_122 = tpu.vector_load_idx %arg9[%add3A_121] : memref<32768xi32, #tpu.memory_space<vmem>>[vector<16xi32>], vector<16xi32>,
    %gather3A_123 = tpu.vector_load_idx %arg8[%gather3A_122] : memref<8192xi32, #tpu.memory_space<vmem>>[vector<16xi32>], vector<16xi32>,
    %lt3A_124 = arith.constant 0 : i32
    %lt3A_125 = vector.broadcast %lt3A_124 : i32 to vector<16xi32>
    %lt3A_126 = arith.cmpi slt, %gather3A_123, %lt3A_125 : vector<16xi32>
    %select_n3A_127 = arith.select %lt3A_126, %add3A_107, %gather3A_123 : vector<16xi1>, vector<16xi32>
    %swap3A_128 = arith.constant 32 : index
    %swap3A_129 = tpu.vector_load %arg11[%swap3A_128] {strides = array<i32>} : memref<128xi32, #tpu.memory_space<vmem>>, vector<16xi32>,
    tpu.vector_store %arg11[%swap3A_128], %select_n3A_127 {strides = array<i32>} : memref<128xi32, #tpu.memory_space<vmem>>, vector<16xi32>,
    %add3A_130 = arith.constant 16384 : i32
    %add3A_131 = vector.broadcast %add3A_130 : i32 to vector<16xi32>
    %add3A_132 = arith.addi %get3A_103, %add3A_131 : vector<16xi32>
    %gather3A_133 = tpu.vector_load_idx %arg9[%add3A_132] : memref<32768xi32, #tpu.memory_space<vmem>>[vector<16xi32>], vector<16xi32>,
    %gather3A_134 = tpu.vector_load_idx %arg8[%gather3A_133] : memref<8192xi32, #tpu.memory_space<vmem>>[vector<16xi32>], vector<16xi32>,
    %lt3A_135 = arith.constant 0 : i32
    %lt3A_136 = vector.broadcast %lt3A_135 : i32 to vector<16xi32>
    %lt3A_137 = arith.cmpi slt, %gather3A_134, %lt3A_136 : vector<16xi32>
    %select_n3A_138 = arith.select %lt3A_137, %add3A_107, %gather3A_134 : vector<16xi1>, vector<16xi32>
    %swap3A_139 = arith.constant 32 : index
    %swap3A_140 = tpu.vector_load %arg12[%swap3A_139] {strides = array<i32>} : memref<128xi32, #tpu.memory_space<vmem>>, vector<16xi32>,
    tpu.vector_store %arg12[%swap3A_139], %select_n3A_138 {strides = array<i32>} : memref<128xi32, #tpu.memory_space<vmem>>, vector<16xi32>,
    %add3A_141 = arith.constant 24576 : i32
    %add3A_142 = vector.broadcast %add3A_141 : i32 to vector<16xi32>
    %add3A_143 = arith.addi %get3A_103, %add3A_142 : vector<16xi32>
    %gather3A_144 = tpu.vector_load_idx %arg9[%add3A_143] : memref<32768xi32, #tpu.memory_space<vmem>>[vector<16xi32>], vector<16xi32>,
    %gather3A_145 = tpu.vector_load_idx %arg8[%gather3A_144] : memref<8192xi32, #tpu.memory_space<vmem>>[vector<16xi32>], vector<16xi32>,
    %lt3A_146 = arith.constant 0 : i32
    %lt3A_147 = vector.broadcast %lt3A_146 : i32 to vector<16xi32>
    %lt3A_148 = arith.cmpi slt, %gather3A_145, %lt3A_147 : vector<16xi32>
    %select_n3A_149 = arith.select %lt3A_148, %add3A_107, %gather3A_145 : vector<16xi1>, vector<16xi32>
    %swap3A_150 = arith.constant 32 : index
    %swap3A_151 = tpu.vector_load %arg13[%swap3A_150] {strides = array<i32>} : memref<128xi32, #tpu.memory_space<vmem>>, vector<16xi32>,
    tpu.vector_store %arg13[%swap3A_150], %select_n3A_149 {strides = array<i32>} : memref<128xi32, #tpu.memory_space<vmem>>, vector<16xi32>,
    %get3A_152 = arith.constant 48 : index
    %get3A_153 = tpu.vector_load %arg14[%get3A_152] {strides = array<i32>} : memref<128xi32, #tpu.memory_space<vmem>>, vector<16xi32>,
    %add3A_154 = arith.constant 48 : i32
    %add3A_155 = arith.addi %add3A_4, %add3A_154 : i32
    %add3A_156 = vector.broadcast %add3A_155 : i32 to vector<16xi32>
    %add3A_157 = arith.addi %add3A_156, %iota3A : vector<16xi32>
    %add3A_158 = arith.constant 0 : i32
    %add3A_159 = vector.broadcast %add3A_158 : i32 to vector<16xi32>
    %add3A_160 = arith.addi %get3A_153, %add3A_159 : vector<16xi32>
    %gather3A_161 = tpu.vector_load_idx %arg9[%add3A_160] : memref<32768xi32, #tpu.memory_space<vmem>>[vector<16xi32>], vector<16xi32>,
    %gather3A_162 = tpu.vector_load_idx %arg8[%gather3A_161] : memref<8192xi32, #tpu.memory_space<vmem>>[vector<16xi32>], vector<16xi32>,
    %lt3A_163 = arith.constant 0 : i32
    %lt3A_164 = vector.broadcast %lt3A_163 : i32 to vector<16xi32>
    %lt3A_165 = arith.cmpi slt, %gather3A_162, %lt3A_164 : vector<16xi32>
    %select_n3A_166 = arith.select %lt3A_165, %add3A_157, %gather3A_162 : vector<16xi1>, vector<16xi32>
    %swap3A_167 = arith.constant 48 : index
    %swap3A_168 = tpu.vector_load %arg10[%swap3A_167] {strides = array<i32>} : memref<128xi32, #tpu.memory_space<vmem>>, vector<16xi32>,
    tpu.vector_store %arg10[%swap3A_167], %select_n3A_166 {strides = array<i32>} : memref<128xi32, #tpu.memory_space<vmem>>, vector<16xi32>,
    %add3A_169 = arith.constant 8192 : i32
    %add3A_170 = vector.broadcast %add3A_169 : i32 to vector<16xi32>
    %add3A_171 = arith.addi %get3A_153, %add3A_170 : vector<16xi32>
    %gather3A_172 = tpu.vector_load_idx %arg9[%add3A_171] : memref<32768xi32, #tpu.memory_space<vmem>>[vector<16xi32>], vector<16xi32>,
    %gather3A_173 = tpu.vector_load_idx %arg8[%gather3A_172] : memref<8192xi32, #tpu.memory_space<vmem>>[vector<16xi32>], vector<16xi32>,
    %lt3A_174 = arith.constant 0 : i32
    %lt3A_175 = vector.broadcast %lt3A_174 : i32 to vector<16xi32>
    %lt3A_176 = arith.cmpi slt, %gather3A_173, %lt3A_175 : vector<16xi32>
    %select_n3A_177 = arith.select %lt3A_176, %add3A_157, %gather3A_173 : vector<16xi1>, vector<16xi32>
    %swap3A_178 = arith.constant 48 : index
    %swap3A_179 = tpu.vector_load %arg11[%swap3A_178] {strides = array<i32>} : memref<128xi32, #tpu.memory_space<vmem>>, vector<16xi32>,
    tpu.vector_store %arg11[%swap3A_178], %select_n3A_177 {strides = array<i32>} : memref<128xi32, #tpu.memory_space<vmem>>, vector<16xi32>,
    %add3A_180 = arith.constant 16384 : i32
    %add3A_181 = vector.broadcast %add3A_180 : i32 to vector<16xi32>
    %add3A_182 = arith.addi %get3A_153, %add3A_181 : vector<16xi32>
    %gather3A_183 = tpu.vector_load_idx %arg9[%add3A_182] : memref<32768xi32, #tpu.memory_space<vmem>>[vector<16xi32>], vector<16xi32>,
    %gather3A_184 = tpu.vector_load_idx %arg8[%gather3A_183] : memref<8192xi32, #tpu.memory_space<vmem>>[vector<16xi32>], vector<16xi32>,
    %lt3A_185 = arith.constant 0 : i32
    %lt3A_186 = vector.broadcast %lt3A_185 : i32 to vector<16xi32>
    %lt3A_187 = arith.cmpi slt, %gather3A_184, %lt3A_186 : vector<16xi32>
    %select_n3A_188 = arith.select %lt3A_187, %add3A_157, %gather3A_184 : vector<16xi1>, vector<16xi32>
    %swap3A_189 = arith.constant 48 : index
    %swap3A_190 = tpu.vector_load %arg12[%swap3A_189] {strides = array<i32>} : memref<128xi32, #tpu.memory_space<vmem>>, vector<16xi32>,
    tpu.vector_store %arg12[%swap3A_189], %select_n3A_188 {strides = array<i32>} : memref<128xi32, #tpu.memory_space<vmem>>, vector<16xi32>,
    %add3A_191 = arith.constant 24576 : i32
    %add3A_192 = vector.broadcast %add3A_191 : i32 to vector<16xi32>
    %add3A_193 = arith.addi %get3A_153, %add3A_192 : vector<16xi32>
    %gather3A_194 = tpu.vector_load_idx %arg9[%add3A_193] : memref<32768xi32, #tpu.memory_space<vmem>>[vector<16xi32>], vector<16xi32>,
    %gather3A_195 = tpu.vector_load_idx %arg8[%gather3A_194] : memref<8192xi32, #tpu.memory_space<vmem>>[vector<16xi32>], vector<16xi32>,
    %lt3A_196 = arith.constant 0 : i32
    %lt3A_197 = vector.broadcast %lt3A_196 : i32 to vector<16xi32>
    %lt3A_198 = arith.cmpi slt, %gather3A_195, %lt3A_197 : vector<16xi32>
    %select_n3A_199 = arith.select %lt3A_198, %add3A_157, %gather3A_195 : vector<16xi1>, vector<16xi32>
    %swap3A_200 = arith.constant 48 : index
    %swap3A_201 = tpu.vector_load %arg13[%swap3A_200] {strides = array<i32>} : memref<128xi32, #tpu.memory_space<vmem>>, vector<16xi32>,
    tpu.vector_store %arg13[%swap3A_200], %select_n3A_199 {strides = array<i32>} : memref<128xi32, #tpu.memory_space<vmem>>, vector<16xi32>,
    %get3A_202 = arith.constant 64 : index
    %get3A_203 = tpu.vector_load %arg14[%get3A_202] {strides = array<i32>} : memref<128xi32, #tpu.memory_space<vmem>>, vector<16xi32>,
    %add3A_204 = arith.constant 64 : i32
    %add3A_205 = arith.addi %add3A_4, %add3A_204 : i32
    %add3A_206 = vector.broadcast %add3A_205 : i32 to vector<16xi32>
    %add3A_207 = arith.addi %add3A_206, %iota3A : vector<16xi32>
    %add3A_208 = arith.constant 0 : i32
    %add3A_209 = vector.broadcast %add3A_208 : i32 to vector<16xi32>
    %add3A_210 = arith.addi %get3A_203, %add3A_209 : vector<16xi32>
    %gather3A_211 = tpu.vector_load_idx %arg9[%add3A_210] : memref<32768xi32, #tpu.memory_space<vmem>>[vector<16xi32>], vector<16xi32>,
    %gather3A_212 = tpu.vector_load_idx %arg8[%gather3A_211] : memref<8192xi32, #tpu.memory_space<vmem>>[vector<16xi32>], vector<16xi32>,
    %lt3A_213 = arith.constant 0 : i32
    %lt3A_214 = vector.broadcast %lt3A_213 : i32 to vector<16xi32>
    %lt3A_215 = arith.cmpi slt, %gather3A_212, %lt3A_214 : vector<16xi32>
    %select_n3A_216 = arith.select %lt3A_215, %add3A_207, %gather3A_212 : vector<16xi1>, vector<16xi32>
    %swap3A_217 = arith.constant 64 : index
    %swap3A_218 = tpu.vector_load %arg10[%swap3A_217] {strides = array<i32>} : memref<128xi32, #tpu.memory_space<vmem>>, vector<16xi32>,
    tpu.vector_store %arg10[%swap3A_217], %select_n3A_216 {strides = array<i32>} : memref<128xi32, #tpu.memory_space<vmem>>, vector<16xi32>,
    %add3A_219 = arith.constant 8192 : i32
    %add3A_220 = vector.broadcast %add3A_219 : i32 to vector<16xi32>
    %add3A_221 = arith.addi %get3A_203, %add3A_220 : vector<16xi32>
    %gather3A_222 = tpu.vector_load_idx %arg9[%add3A_221] : memref<32768xi32, #tpu.memory_space<vmem>>[vector<16xi32>], vector<16xi32>,
    %gather3A_223 = tpu.vector_load_idx %arg8[%gather3A_222] : memref<8192xi32, #tpu.memory_space<vmem>>[vector<16xi32>], vector<16xi32>,
    %lt3A_224 = arith.constant 0 : i32
    %lt3A_225 = vector.broadcast %lt3A_224 : i32 to vector<16xi32>
    %lt3A_226 = arith.cmpi slt, %gather3A_223, %lt3A_225 : vector<16xi32>
    %select_n3A_227 = arith.select %lt3A_226, %add3A_207, %gather3A_223 : vector<16xi1>, vector<16xi32>
    %swap3A_228 = arith.constant 64 : index
    %swap3A_229 = tpu.vector_load %arg11[%swap3A_228] {strides = array<i32>} : memref<128xi32, #tpu.memory_space<vmem>>, vector<16xi32>,
    tpu.vector_store %arg11[%swap3A_228], %select_n3A_227 {strides = array<i32>} : memref<128xi32, #tpu.memory_space<vmem>>, vector<16xi32>,
    %add3A_230 = arith.constant 16384 : i32
    %add3A_231 = vector.broadcast %add3A_230 : i32 to vector<16xi32>
    %add3A_232 = arith.addi %get3A_203, %add3A_231 : vector<16xi32>
    %gather3A_233 = tpu.vector_load_idx %arg9[%add3A_232] : memref<32768xi32, #tpu.memory_space<vmem>>[vector<16xi32>], vector<16xi32>,
    %gather3A_234 = tpu.vector_load_idx %arg8[%gather3A_233] : memref<8192xi32, #tpu.memory_space<vmem>>[vector<16xi32>], vector<16xi32>,
    %lt3A_235 = arith.constant 0 : i32
    %lt3A_236 = vector.broadcast %lt3A_235 : i32 to vector<16xi32>
    %lt3A_237 = arith.cmpi slt, %gather3A_234, %lt3A_236 : vector<16xi32>
    %select_n3A_238 = arith.select %lt3A_237, %add3A_207, %gather3A_234 : vector<16xi1>, vector<16xi32>
    %swap3A_239 = arith.constant 64 : index
    %swap3A_240 = tpu.vector_load %arg12[%swap3A_239] {strides = array<i32>} : memref<128xi32, #tpu.memory_space<vmem>>, vector<16xi32>,
    tpu.vector_store %arg12[%swap3A_239], %select_n3A_238 {strides = array<i32>} : memref<128xi32, #tpu.memory_space<vmem>>, vector<16xi32>,
    %add3A_241 = arith.constant 24576 : i32
    %add3A_242 = vector.broadcast %add3A_241 : i32 to vector<16xi32>
    %add3A_243 = arith.addi %get3A_203, %add3A_242 : vector<16xi32>
    %gather3A_244 = tpu.vector_load_idx %arg9[%add3A_243] : memref<32768xi32, #tpu.memory_space<vmem>>[vector<16xi32>], vector<16xi32>,
    %gather3A_245 = tpu.vector_load_idx %arg8[%gather3A_244] : memref<8192xi32, #tpu.memory_space<vmem>>[vector<16xi32>], vector<16xi32>,
    %lt3A_246 = arith.constant 0 : i32
    %lt3A_247 = vector.broadcast %lt3A_246 : i32 to vector<16xi32>
    %lt3A_248 = arith.cmpi slt, %gather3A_245, %lt3A_247 : vector<16xi32>
    %select_n3A_249 = arith.select %lt3A_248, %add3A_207, %gather3A_245 : vector<16xi1>, vector<16xi32>
    %swap3A_250 = arith.constant 64 : index
    %swap3A_251 = tpu.vector_load %arg13[%swap3A_250] {strides = array<i32>} : memref<128xi32, #tpu.memory_space<vmem>>, vector<16xi32>,
    tpu.vector_store %arg13[%swap3A_250], %select_n3A_249 {strides = array<i32>} : memref<128xi32, #tpu.memory_space<vmem>>, vector<16xi32>,
    %get3A_252 = arith.constant 80 : index
    %get3A_253 = tpu.vector_load %arg14[%get3A_252] {strides = array<i32>} : memref<128xi32, #tpu.memory_space<vmem>>, vector<16xi32>,
    %add3A_254 = arith.constant 80 : i32
    %add3A_255 = arith.addi %add3A_4, %add3A_254 : i32
    %add3A_256 = vector.broadcast %add3A_255 : i32 to vector<16xi32>
    %add3A_257 = arith.addi %add3A_256, %iota3A : vector<16xi32>
    %add3A_258 = arith.constant 0 : i32
    %add3A_259 = vector.broadcast %add3A_258 : i32 to vector<16xi32>
    %add3A_260 = arith.addi %get3A_253, %add3A_259 : vector<16xi32>
    %gather3A_261 = tpu.vector_load_idx %arg9[%add3A_260] : memref<32768xi32, #tpu.memory_space<vmem>>[vector<16xi32>], vector<16xi32>,
    %gather3A_262 = tpu.vector_load_idx %arg8[%gather3A_261] : memref<8192xi32, #tpu.memory_space<vmem>>[vector<16xi32>], vector<16xi32>,
    %lt3A_263 = arith.constant 0 : i32
    %lt3A_264 = vector.broadcast %lt3A_263 : i32 to vector<16xi32>
    %lt3A_265 = arith.cmpi slt, %gather3A_262, %lt3A_264 : vector<16xi32>
    %select_n3A_266 = arith.select %lt3A_265, %add3A_257, %gather3A_262 : vector<16xi1>, vector<16xi32>
    %swap3A_267 = arith.constant 80 : index
    %swap3A_268 = tpu.vector_load %arg10[%swap3A_267] {strides = array<i32>} : memref<128xi32, #tpu.memory_space<vmem>>, vector<16xi32>,
    tpu.vector_store %arg10[%swap3A_267], %select_n3A_266 {strides = array<i32>} : memref<128xi32, #tpu.memory_space<vmem>>, vector<16xi32>,
    %add3A_269 = arith.constant 8192 : i32
    %add3A_270 = vector.broadcast %add3A_269 : i32 to vector<16xi32>
    %add3A_271 = arith.addi %get3A_253, %add3A_270 : vector<16xi32>
    %gather3A_272 = tpu.vector_load_idx %arg9[%add3A_271] : memref<32768xi32, #tpu.memory_space<vmem>>[vector<16xi32>], vector<16xi32>,
    %gather3A_273 = tpu.vector_load_idx %arg8[%gather3A_272] : memref<8192xi32, #tpu.memory_space<vmem>>[vector<16xi32>], vector<16xi32>,
    %lt3A_274 = arith.constant 0 : i32
    %lt3A_275 = vector.broadcast %lt3A_274 : i32 to vector<16xi32>
    %lt3A_276 = arith.cmpi slt, %gather3A_273, %lt3A_275 : vector<16xi32>
    %select_n3A_277 = arith.select %lt3A_276, %add3A_257, %gather3A_273 : vector<16xi1>, vector<16xi32>
    %swap3A_278 = arith.constant 80 : index
    %swap3A_279 = tpu.vector_load %arg11[%swap3A_278] {strides = array<i32>} : memref<128xi32, #tpu.memory_space<vmem>>, vector<16xi32>,
    tpu.vector_store %arg11[%swap3A_278], %select_n3A_277 {strides = array<i32>} : memref<128xi32, #tpu.memory_space<vmem>>, vector<16xi32>,
    %add3A_280 = arith.constant 16384 : i32
    %add3A_281 = vector.broadcast %add3A_280 : i32 to vector<16xi32>
    %add3A_282 = arith.addi %get3A_253, %add3A_281 : vector<16xi32>
    %gather3A_283 = tpu.vector_load_idx %arg9[%add3A_282] : memref<32768xi32, #tpu.memory_space<vmem>>[vector<16xi32>], vector<16xi32>,
    %gather3A_284 = tpu.vector_load_idx %arg8[%gather3A_283] : memref<8192xi32, #tpu.memory_space<vmem>>[vector<16xi32>], vector<16xi32>,
    %lt3A_285 = arith.constant 0 : i32
    %lt3A_286 = vector.broadcast %lt3A_285 : i32 to vector<16xi32>
    %lt3A_287 = arith.cmpi slt, %gather3A_284, %lt3A_286 : vector<16xi32>
    %select_n3A_288 = arith.select %lt3A_287, %add3A_257, %gather3A_284 : vector<16xi1>, vector<16xi32>
    %swap3A_289 = arith.constant 80 : index
    %swap3A_290 = tpu.vector_load %arg12[%swap3A_289] {strides = array<i32>} : memref<128xi32, #tpu.memory_space<vmem>>, vector<16xi32>,
    tpu.vector_store %arg12[%swap3A_289], %select_n3A_288 {strides = array<i32>} : memref<128xi32, #tpu.memory_space<vmem>>, vector<16xi32>,
    %add3A_291 = arith.constant 24576 : i32
    %add3A_292 = vector.broadcast %add3A_291 : i32 to vector<16xi32>
    %add3A_293 = arith.addi %get3A_253, %add3A_292 : vector<16xi32>
    %gather3A_294 = tpu.vector_load_idx %arg9[%add3A_293] : memref<32768xi32, #tpu.memory_space<vmem>>[vector<16xi32>], vector<16xi32>,
    %gather3A_295 = tpu.vector_load_idx %arg8[%gather3A_294] : memref<8192xi32, #tpu.memory_space<vmem>>[vector<16xi32>], vector<16xi32>,
    %lt3A_296 = arith.constant 0 : i32
    %lt3A_297 = vector.broadcast %lt3A_296 : i32 to vector<16xi32>
    %lt3A_298 = arith.cmpi slt, %gather3A_295, %lt3A_297 : vector<16xi32>
    %select_n3A_299 = arith.select %lt3A_298, %add3A_257, %gather3A_295 : vector<16xi1>, vector<16xi32>
    %swap3A_300 = arith.constant 80 : index
    %swap3A_301 = tpu.vector_load %arg13[%swap3A_300] {strides = array<i32>} : memref<128xi32, #tpu.memory_space<vmem>>, vector<16xi32>,
    tpu.vector_store %arg13[%swap3A_300], %select_n3A_299 {strides = array<i32>} : memref<128xi32, #tpu.memory_space<vmem>>, vector<16xi32>,
    %get3A_302 = arith.constant 96 : index
    %get3A_303 = tpu.vector_load %arg14[%get3A_302] {strides = array<i32>} : memref<128xi32, #tpu.memory_space<vmem>>, vector<16xi32>,
    %add3A_304 = arith.constant 96 : i32
    %add3A_305 = arith.addi %add3A_4, %add3A_304 : i32
    %add3A_306 = vector.broadcast %add3A_305 : i32 to vector<16xi32>
    %add3A_307 = arith.addi %add3A_306, %iota3A : vector<16xi32>
    %add3A_308 = arith.constant 0 : i32
    %add3A_309 = vector.broadcast %add3A_308 : i32 to vector<16xi32>
    %add3A_310 = arith.addi %get3A_303, %add3A_309 : vector<16xi32>
    %gather3A_311 = tpu.vector_load_idx %arg9[%add3A_310] : memref<32768xi32, #tpu.memory_space<vmem>>[vector<16xi32>], vector<16xi32>,
    %gather3A_312 = tpu.vector_load_idx %arg8[%gather3A_311] : memref<8192xi32, #tpu.memory_space<vmem>>[vector<16xi32>], vector<16xi32>,
    %lt3A_313 = arith.constant 0 : i32
    %lt3A_314 = vector.broadcast %lt3A_313 : i32 to vector<16xi32>
    %lt3A_315 = arith.cmpi slt, %gather3A_312, %lt3A_314 : vector<16xi32>
    %select_n3A_316 = arith.select %lt3A_315, %add3A_307, %gather3A_312 : vector<16xi1>, vector<16xi32>
    %swap3A_317 = arith.constant 96 : index
    %swap3A_318 = tpu.vector_load %arg10[%swap3A_317] {strides = array<i32>} : memref<128xi32, #tpu.memory_space<vmem>>, vector<16xi32>,
    tpu.vector_store %arg10[%swap3A_317], %select_n3A_316 {strides = array<i32>} : memref<128xi32, #tpu.memory_space<vmem>>, vector<16xi32>,
    %add3A_319 = arith.constant 8192 : i32
    %add3A_320 = vector.broadcast %add3A_319 : i32 to vector<16xi32>
    %add3A_321 = arith.addi %get3A_303, %add3A_320 : vector<16xi32>
    %gather3A_322 = tpu.vector_load_idx %arg9[%add3A_321] : memref<32768xi32, #tpu.memory_space<vmem>>[vector<16xi32>], vector<16xi32>,
    %gather3A_323 = tpu.vector_load_idx %arg8[%gather3A_322] : memref<8192xi32, #tpu.memory_space<vmem>>[vector<16xi32>], vector<16xi32>,
    %lt3A_324 = arith.constant 0 : i32
    %lt3A_325 = vector.broadcast %lt3A_324 : i32 to vector<16xi32>
    %lt3A_326 = arith.cmpi slt, %gather3A_323, %lt3A_325 : vector<16xi32>
    %select_n3A_327 = arith.select %lt3A_326, %add3A_307, %gather3A_323 : vector<16xi1>, vector<16xi32>
    %swap3A_328 = arith.constant 96 : index
    %swap3A_329 = tpu.vector_load %arg11[%swap3A_328] {strides = array<i32>} : memref<128xi32, #tpu.memory_space<vmem>>, vector<16xi32>,
    tpu.vector_store %arg11[%swap3A_328], %select_n3A_327 {strides = array<i32>} : memref<128xi32, #tpu.memory_space<vmem>>, vector<16xi32>,
    %add3A_330 = arith.constant 16384 : i32
    %add3A_331 = vector.broadcast %add3A_330 : i32 to vector<16xi32>
    %add3A_332 = arith.addi %get3A_303, %add3A_331 : vector<16xi32>
    %gather3A_333 = tpu.vector_load_idx %arg9[%add3A_332] : memref<32768xi32, #tpu.memory_space<vmem>>[vector<16xi32>], vector<16xi32>,
    %gather3A_334 = tpu.vector_load_idx %arg8[%gather3A_333] : memref<8192xi32, #tpu.memory_space<vmem>>[vector<16xi32>], vector<16xi32>,
    %lt3A_335 = arith.constant 0 : i32
    %lt3A_336 = vector.broadcast %lt3A_335 : i32 to vector<16xi32>
    %lt3A_337 = arith.cmpi slt, %gather3A_334, %lt3A_336 : vector<16xi32>
    %select_n3A_338 = arith.select %lt3A_337, %add3A_307, %gather3A_334 : vector<16xi1>, vector<16xi32>
    %swap3A_339 = arith.constant 96 : index
    %swap3A_340 = tpu.vector_load %arg12[%swap3A_339] {strides = array<i32>} : memref<128xi32, #tpu.memory_space<vmem>>, vector<16xi32>,
    tpu.vector_store %arg12[%swap3A_339], %select_n3A_338 {strides = array<i32>} : memref<128xi32, #tpu.memory_space<vmem>>, vector<16xi32>,
    %add3A_341 = arith.constant 24576 : i32
    %add3A_342 = vector.broadcast %add3A_341 : i32 to vector<16xi32>
    %add3A_343 = arith.addi %get3A_303, %add3A_342 : vector<16xi32>
    %gather3A_344 = tpu.vector_load_idx %arg9[%add3A_343] : memref<32768xi32, #tpu.memory_space<vmem>>[vector<16xi32>], vector<16xi32>,
    %gather3A_345 = tpu.vector_load_idx %arg8[%gather3A_344] : memref<8192xi32, #tpu.memory_space<vmem>>[vector<16xi32>], vector<16xi32>,
    %lt3A_346 = arith.constant 0 : i32
    %lt3A_347 = vector.broadcast %lt3A_346 : i32 to vector<16xi32>
    %lt3A_348 = arith.cmpi slt, %gather3A_345, %lt3A_347 : vector<16xi32>
    %select_n3A_349 = arith.select %lt3A_348, %add3A_307, %gather3A_345 : vector<16xi1>, vector<16xi32>
    %swap3A_350 = arith.constant 96 : index
    %swap3A_351 = tpu.vector_load %arg13[%swap3A_350] {strides = array<i32>} : memref<128xi32, #tpu.memory_space<vmem>>, vector<16xi32>,
    tpu.vector_store %arg13[%swap3A_350], %select_n3A_349 {strides = array<i32>} : memref<128xi32, #tpu.memory_space<vmem>>, vector<16xi32>,
    %get3A_352 = arith.constant 112 : index
    %get3A_353 = tpu.vector_load %arg14[%get3A_352] {strides = array<i32>} : memref<128xi32, #tpu.memory_space<vmem>>, vector<16xi32>,
    %add3A_354 = arith.constant 112 : i32
    %add3A_355 = arith.addi %add3A_4, %add3A_354 : i32
    %add3A_356 = vector.broadcast %add3A_355 : i32 to vector<16xi32>
    %add3A_357 = arith.addi %add3A_356, %iota3A : vector<16xi32>
    %add3A_358 = arith.constant 0 : i32
    %add3A_359 = vector.broadcast %add3A_358 : i32 to vector<16xi32>
    %add3A_360 = arith.addi %get3A_353, %add3A_359 : vector<16xi32>
    %gather3A_361 = tpu.vector_load_idx %arg9[%add3A_360] : memref<32768xi32, #tpu.memory_space<vmem>>[vector<16xi32>], vector<16xi32>,
    %gather3A_362 = tpu.vector_load_idx %arg8[%gather3A_361] : memref<8192xi32, #tpu.memory_space<vmem>>[vector<16xi32>], vector<16xi32>,
    %lt3A_363 = arith.constant 0 : i32
    %lt3A_364 = vector.broadcast %lt3A_363 : i32 to vector<16xi32>
    %lt3A_365 = arith.cmpi slt, %gather3A_362, %lt3A_364 : vector<16xi32>
    %select_n3A_366 = arith.select %lt3A_365, %add3A_357, %gather3A_362 : vector<16xi1>, vector<16xi32>
    %swap3A_367 = arith.constant 112 : index
    %swap3A_368 = tpu.vector_load %arg10[%swap3A_367] {strides = array<i32>} : memref<128xi32, #tpu.memory_space<vmem>>, vector<16xi32>,
    tpu.vector_store %arg10[%swap3A_367], %select_n3A_366 {strides = array<i32>} : memref<128xi32, #tpu.memory_space<vmem>>, vector<16xi32>,
    %add3A_369 = arith.constant 8192 : i32
    %add3A_370 = vector.broadcast %add3A_369 : i32 to vector<16xi32>
    %add3A_371 = arith.addi %get3A_353, %add3A_370 : vector<16xi32>
    %gather3A_372 = tpu.vector_load_idx %arg9[%add3A_371] : memref<32768xi32, #tpu.memory_space<vmem>>[vector<16xi32>], vector<16xi32>,
    %gather3A_373 = tpu.vector_load_idx %arg8[%gather3A_372] : memref<8192xi32, #tpu.memory_space<vmem>>[vector<16xi32>], vector<16xi32>,
    %lt3A_374 = arith.constant 0 : i32
    %lt3A_375 = vector.broadcast %lt3A_374 : i32 to vector<16xi32>
    %lt3A_376 = arith.cmpi slt, %gather3A_373, %lt3A_375 : vector<16xi32>
    %select_n3A_377 = arith.select %lt3A_376, %add3A_357, %gather3A_373 : vector<16xi1>, vector<16xi32>
    %swap3A_378 = arith.constant 112 : index
    %swap3A_379 = tpu.vector_load %arg11[%swap3A_378] {strides = array<i32>} : memref<128xi32, #tpu.memory_space<vmem>>, vector<16xi32>,
    tpu.vector_store %arg11[%swap3A_378], %select_n3A_377 {strides = array<i32>} : memref<128xi32, #tpu.memory_space<vmem>>, vector<16xi32>,
    %add3A_380 = arith.constant 16384 : i32
    %add3A_381 = vector.broadcast %add3A_380 : i32 to vector<16xi32>
    %add3A_382 = arith.addi %get3A_353, %add3A_381 : vector<16xi32>
    %gather3A_383 = tpu.vector_load_idx %arg9[%add3A_382] : memref<32768xi32, #tpu.memory_space<vmem>>[vector<16xi32>], vector<16xi32>,
    %gather3A_384 = tpu.vector_load_idx %arg8[%gather3A_383] : memref<8192xi32, #tpu.memory_space<vmem>>[vector<16xi32>], vector<16xi32>,
    %lt3A_385 = arith.constant 0 : i32
    %lt3A_386 = vector.broadcast %lt3A_385 : i32 to vector<16xi32>
    %lt3A_387 = arith.cmpi slt, %gather3A_384, %lt3A_386 : vector<16xi32>
    %select_n3A_388 = arith.select %lt3A_387, %add3A_357, %gather3A_384 : vector<16xi1>, vector<16xi32>
    %swap3A_389 = arith.constant 112 : index
    %swap3A_390 = tpu.vector_load %arg12[%swap3A_389] {strides = array<i32>} : memref<128xi32, #tpu.memory_space<vmem>>, vector<16xi32>,
    tpu.vector_store %arg12[%swap3A_389], %select_n3A_388 {strides = array<i32>} : memref<128xi32, #tpu.memory_space<vmem>>, vector<16xi32>,
    %add3A_391 = arith.constant 24576 : i32
    %add3A_392 = vector.broadcast %add3A_391 : i32 to vector<16xi32>
    %add3A_393 = arith.addi %get3A_353, %add3A_392 : vector<16xi32>
    %gather3A_394 = tpu.vector_load_idx %arg9[%add3A_393] : memref<32768xi32, #tpu.memory_space<vmem>>[vector<16xi32>], vector<16xi32>,
    %gather3A_395 = tpu.vector_load_idx %arg8[%gather3A_394] : memref<8192xi32, #tpu.memory_space<vmem>>[vector<16xi32>], vector<16xi32>,
    %lt3A_396 = arith.constant 0 : i32
    %lt3A_397 = vector.broadcast %lt3A_396 : i32 to vector<16xi32>
    %lt3A_398 = arith.cmpi slt, %gather3A_395, %lt3A_397 : vector<16xi32>
    %select_n3A_399 = arith.select %lt3A_398, %add3A_357, %gather3A_395 : vector<16xi1>, vector<16xi32>
    %swap3A_400 = arith.constant 112 : index
    %swap3A_401 = tpu.vector_load %arg13[%swap3A_400] {strides = array<i32>} : memref<128xi32, #tpu.memory_space<vmem>>, vector<16xi32>,
    tpu.vector_store %arg13[%swap3A_400], %select_n3A_399 {strides = array<i32>} : memref<128xi32, #tpu.memory_space<vmem>>, vector<16xi32>,
    %dma_wait3A = arith.constant 0 : i32
    %dma_wait3A_402 = arith.constant 0 : i32
    %dma_wait3A_403 = tpu.memref_slice %arg2[%dma_wait3A, %dma_wait3A_402] : memref<8192x128xf32, #tpu.memory_space<hbm>> -> memref<8192x128xf32, #tpu.memory_space<hbm>>
    tpu.wait_indirect_dma semaphore(%arg16 : memref<!tpu.dma_semaphore, #tpu.memory_space<semaphore_mem>>) src(%dma_wait3A_403 : memref<8192x128xf32, #tpu.memory_space<hbm>>) dst(%arg15 : memref<128x128xf32, #tpu.memory_space<vmem>>)
    %dma_start3A_404 = arith.constant 0 : i32
    %dma_start3A_405 = tpu.memref_slice %arg6[%add3A_4, %dma_start3A_404] : memref<4096x128xf32, #tpu.memory_space<hbm>> -> memref<128x128xf32, #tpu.memory_space<hbm>>
    %dma_start3A_406 = arith.constant 0 : i32
    %dma_start3A_407 = tpu.memref_slice %arg6[%add3A_4, %dma_start3A_406] : memref<4096x128xf32, #tpu.memory_space<hbm>> -> memref<128x128xf32, #tpu.memory_space<hbm>>
    tpu.enqueue_dma source(%arg15 : memref<128x128xf32, #tpu.memory_space<vmem>>) target(%dma_start3A_407 : memref<128x128xf32, #tpu.memory_space<hbm>>) target_semaphore(%arg17 : memref<!tpu.dma_semaphore, #tpu.memory_space<semaphore_mem>>)
    %add3A_408 = arith.constant 0 : i32
    %add3A_409 = arith.addi %add3A_408, %add3A_4 : i32
    %dma_start3A_410 = tpu.memref_slice %arg7[%add3A_409] : memref<16384xi32, #tpu.memory_space<hbm>> -> memref<128xi32, #tpu.memory_space<hbm>>
    %dma_start3A_411 = tpu.memref_slice %arg7[%add3A_409] : memref<16384xi32, #tpu.memory_space<hbm>> -> memref<128xi32, #tpu.memory_space<hbm>>
    tpu.enqueue_dma source(%arg10 : memref<128xi32, #tpu.memory_space<vmem>>) target(%dma_start3A_411 : memref<128xi32, #tpu.memory_space<hbm>>) target_semaphore(%arg17 : memref<!tpu.dma_semaphore, #tpu.memory_space<semaphore_mem>>)
    %add3A_412 = arith.constant 4096 : i32
    %add3A_413 = arith.addi %add3A_412, %add3A_4 : i32
    %dma_start3A_414 = tpu.memref_slice %arg7[%add3A_413] : memref<16384xi32, #tpu.memory_space<hbm>> -> memref<128xi32, #tpu.memory_space<hbm>>
    %dma_start3A_415 = tpu.memref_slice %arg7[%add3A_413] : memref<16384xi32, #tpu.memory_space<hbm>> -> memref<128xi32, #tpu.memory_space<hbm>>
    tpu.enqueue_dma source(%arg11 : memref<128xi32, #tpu.memory_space<vmem>>) target(%dma_start3A_415 : memref<128xi32, #tpu.memory_space<hbm>>) target_semaphore(%arg17 : memref<!tpu.dma_semaphore, #tpu.memory_space<semaphore_mem>>)
    %add3A_416 = arith.constant 8192 : i32
    %add3A_417 = arith.addi %add3A_416, %add3A_4 : i32
    %dma_start3A_418 = tpu.memref_slice %arg7[%add3A_417] : memref<16384xi32, #tpu.memory_space<hbm>> -> memref<128xi32, #tpu.memory_space<hbm>>
    %dma_start3A_419 = tpu.memref_slice %arg7[%add3A_417] : memref<16384xi32, #tpu.memory_space<hbm>> -> memref<128xi32, #tpu.memory_space<hbm>>
    tpu.enqueue_dma source(%arg12 : memref<128xi32, #tpu.memory_space<vmem>>) target(%dma_start3A_419 : memref<128xi32, #tpu.memory_space<hbm>>) target_semaphore(%arg17 : memref<!tpu.dma_semaphore, #tpu.memory_space<semaphore_mem>>)
    %add3A_420 = arith.constant 12288 : i32
    %add3A_421 = arith.addi %add3A_420, %add3A_4 : i32
    %dma_start3A_422 = tpu.memref_slice %arg7[%add3A_421] : memref<16384xi32, #tpu.memory_space<hbm>> -> memref<128xi32, #tpu.memory_space<hbm>>
    %dma_start3A_423 = tpu.memref_slice %arg7[%add3A_421] : memref<16384xi32, #tpu.memory_space<hbm>> -> memref<128xi32, #tpu.memory_space<hbm>>
    tpu.enqueue_dma source(%arg13 : memref<128xi32, #tpu.memory_space<vmem>>) target(%dma_start3A_423 : memref<128xi32, #tpu.memory_space<hbm>>) target_semaphore(%arg17 : memref<!tpu.dma_semaphore, #tpu.memory_space<semaphore_mem>>)
    %dma_wait3A_424 = arith.constant 0 : i32
    %dma_wait3A_425 = tpu.memref_slice %arg6[%add3A_4, %dma_wait3A_424] : memref<4096x128xf32, #tpu.memory_space<hbm>> -> memref<128x128xf32, #tpu.memory_space<hbm>>
    %dma_wait3A_426 = arith.constant 0 : i32
    %dma_wait3A_427 = tpu.memref_slice %arg6[%add3A_4, %dma_wait3A_426] : memref<4096x128xf32, #tpu.memory_space<hbm>> -> memref<128x128xf32, #tpu.memory_space<hbm>>
    tpu.wait_dma2 semaphore(%arg17 : memref<!tpu.dma_semaphore, #tpu.memory_space<semaphore_mem>>) src(%arg15 : memref<128x128xf32, #tpu.memory_space<vmem>>) dst(%dma_wait3A_427 : memref<128x128xf32, #tpu.memory_space<hbm>>)
    %dma_wait3A_428 = tpu.memref_slice %arg7[%add3A_409] : memref<16384xi32, #tpu.memory_space<hbm>> -> memref<128xi32, #tpu.memory_space<hbm>>
    %dma_wait3A_429 = tpu.memref_slice %arg7[%add3A_409] : memref<16384xi32, #tpu.memory_space<hbm>> -> memref<128xi32, #tpu.memory_space<hbm>>
    tpu.wait_dma2 semaphore(%arg17 : memref<!tpu.dma_semaphore, #tpu.memory_space<semaphore_mem>>) src(%arg10 : memref<128xi32, #tpu.memory_space<vmem>>) dst(%dma_wait3A_429 : memref<128xi32, #tpu.memory_space<hbm>>)
    %dma_wait3A_430 = tpu.memref_slice %arg7[%add3A_413] : memref<16384xi32, #tpu.memory_space<hbm>> -> memref<128xi32, #tpu.memory_space<hbm>>
    %dma_wait3A_431 = tpu.memref_slice %arg7[%add3A_413] : memref<16384xi32, #tpu.memory_space<hbm>> -> memref<128xi32, #tpu.memory_space<hbm>>
    tpu.wait_dma2 semaphore(%arg17 : memref<!tpu.dma_semaphore, #tpu.memory_space<semaphore_mem>>) src(%arg11 : memref<128xi32, #tpu.memory_space<vmem>>) dst(%dma_wait3A_431 : memref<128xi32, #tpu.memory_space<hbm>>)
    %dma_wait3A_432 = tpu.memref_slice %arg7[%add3A_417] : memref<16384xi32, #tpu.memory_space<hbm>> -> memref<128xi32, #tpu.memory_space<hbm>>
    %dma_wait3A_433 = tpu.memref_slice %arg7[%add3A_417] : memref<16384xi32, #tpu.memory_space<hbm>> -> memref<128xi32, #tpu.memory_space<hbm>>
    tpu.wait_dma2 semaphore(%arg17 : memref<!tpu.dma_semaphore, #tpu.memory_space<semaphore_mem>>) src(%arg12 : memref<128xi32, #tpu.memory_space<vmem>>) dst(%dma_wait3A_433 : memref<128xi32, #tpu.memory_space<hbm>>)
    %dma_wait3A_434 = tpu.memref_slice %arg7[%add3A_421] : memref<16384xi32, #tpu.memory_space<hbm>> -> memref<128xi32, #tpu.memory_space<hbm>>
    %dma_wait3A_435 = tpu.memref_slice %arg7[%add3A_421] : memref<16384xi32, #tpu.memory_space<hbm>> -> memref<128xi32, #tpu.memory_space<hbm>>
    tpu.wait_dma2 semaphore(%arg17 : memref<!tpu.dma_semaphore, #tpu.memory_space<semaphore_mem>>) src(%arg13 : memref<128xi32, #tpu.memory_space<vmem>>) dst(%dma_wait3A_435 : memref<128xi32, #tpu.memory_space<hbm>>)
    return
  }
}

#map = affine_map<(d0, d1) -> (0, 0)>
#map1 = affine_map<(d0, d1) -> (0)>
module attributes {stable_mosaic.version = 14 : i64} {
  func.func @body(%arg0: i32, %arg1: i32, %arg2: memref<4096x128xf32, #tpu.memory_space<hbm>>, %arg3: memref<1024xi32, #tpu.memory_space<hbm>>, %arg4: memref<1024x128xf32, #tpu.memory_space<hbm>>, %arg5: memref<32xi32, #tpu.memory_space<vmem>>, %arg6: memref<32x128xf32, #tpu.memory_space<vmem>>, %arg7: memref<!tpu.dma_semaphore, #tpu.memory_space<semaphore_mem>>, %arg8: memref<!tpu.dma_semaphore, #tpu.memory_space<semaphore_mem>>) attributes {dimension_semantics = [#tpu.dimension_semantics<core_parallel>, #tpu.dimension_semantics<subcore_parallel>], iteration_bounds = array<i64: 2, 16>, scalar_prefetch = 0 : i64, scratch_operands = 4 : i64, tpu.core_type = #tpu.core_type<sc_vector_subcore>, window_params = [{transform_indices = #map}, {transform_indices = #map1}, {transform_indices = #map}]} {
    %mul3A = arith.constant 2 : i32
    %mul3A_0 = arith.muli %arg1, %mul3A : i32
    %add3A = arith.addi %mul3A_0, %arg0 : i32
    %iota3A = tpu.iota {dimensions = array<i32: 0>} : vector<16xi32>
    %mul3A_1 = arith.constant 32 : i32
    %mul3A_2 = arith.muli %add3A, %mul3A_1 : i32
    %add3A_3 = arith.constant 0 : i32
    %add3A_4 = arith.addi %mul3A_2, %add3A_3 : i32
    "tpu.region"() ({
      %run_scoped3A = tpu.sem_alloc : memref<!tpu.dma_semaphore, #tpu.memory_space<semaphore_mem>>
      %dma_start3A_17 = tpu.memref_slice %arg3[%add3A_4] : memref<1024xi32, #tpu.memory_space<hbm>> -> memref<32xi32, #tpu.memory_space<hbm>>
      %dma_start3A_18 = tpu.memref_slice %arg3[%add3A_4] : memref<1024xi32, #tpu.memory_space<hbm>> -> memref<32xi32, #tpu.memory_space<hbm>>
      tpu.enqueue_dma source(%dma_start3A_18 : memref<32xi32, #tpu.memory_space<hbm>>) target(%arg5 : memref<32xi32, #tpu.memory_space<vmem>>) target_semaphore(%run_scoped3A : memref<!tpu.dma_semaphore, #tpu.memory_space<semaphore_mem>>)
      %dma_wait3A_19 = tpu.memref_slice %arg3[%add3A_4] : memref<1024xi32, #tpu.memory_space<hbm>> -> memref<32xi32, #tpu.memory_space<hbm>>
      %dma_wait3A_20 = tpu.memref_slice %arg3[%add3A_4] : memref<1024xi32, #tpu.memory_space<hbm>> -> memref<32xi32, #tpu.memory_space<hbm>>
      tpu.wait_dma2 semaphore(%run_scoped3A : memref<!tpu.dma_semaphore, #tpu.memory_space<semaphore_mem>>) src(%dma_wait3A_20 : memref<32xi32, #tpu.memory_space<hbm>>) dst(%arg5 : memref<32xi32, #tpu.memory_space<vmem>>)
      tpu.yield
    }) : () -> ()
    %dma_start3A = arith.constant 0 : i32
    %dma_start3A_5 = arith.constant 0 : i32
    %dma_start3A_6 = tpu.memref_slice %arg2[%dma_start3A, %dma_start3A_5] : memref<4096x128xf32, #tpu.memory_space<hbm>> -> memref<4096x128xf32, #tpu.memory_space<hbm>>
    tpu.enqueue_indirect_dma source(%dma_start3A_6 : memref<4096x128xf32, #tpu.memory_space<hbm>>) target(%arg6 : memref<32x128xf32, #tpu.memory_space<vmem>>) offsets(%arg5 : memref<32xi32, #tpu.memory_space<vmem>>) semaphore(%arg7 : memref<!tpu.dma_semaphore, #tpu.memory_space<semaphore_mem>>)
    %dma_wait3A = arith.constant 0 : i32
    %dma_wait3A_7 = arith.constant 0 : i32
    %dma_wait3A_8 = tpu.memref_slice %arg2[%dma_wait3A, %dma_wait3A_7] : memref<4096x128xf32, #tpu.memory_space<hbm>> -> memref<4096x128xf32, #tpu.memory_space<hbm>>
    tpu.wait_indirect_dma semaphore(%arg7 : memref<!tpu.dma_semaphore, #tpu.memory_space<semaphore_mem>>) src(%dma_wait3A_8 : memref<4096x128xf32, #tpu.memory_space<hbm>>) dst(%arg6 : memref<32x128xf32, #tpu.memory_space<vmem>>)
    %dma_start3A_9 = arith.constant 0 : i32
    %dma_start3A_10 = tpu.memref_slice %arg4[%add3A_4, %dma_start3A_9] : memref<1024x128xf32, #tpu.memory_space<hbm>> -> memref<32x128xf32, #tpu.memory_space<hbm>>
    %dma_start3A_11 = arith.constant 0 : i32
    %dma_start3A_12 = tpu.memref_slice %arg4[%add3A_4, %dma_start3A_11] : memref<1024x128xf32, #tpu.memory_space<hbm>> -> memref<32x128xf32, #tpu.memory_space<hbm>>
    tpu.enqueue_dma source(%arg6 : memref<32x128xf32, #tpu.memory_space<vmem>>) target(%dma_start3A_12 : memref<32x128xf32, #tpu.memory_space<hbm>>) target_semaphore(%arg8 : memref<!tpu.dma_semaphore, #tpu.memory_space<semaphore_mem>>)
    %dma_wait3A_13 = arith.constant 0 : i32
    %dma_wait3A_14 = tpu.memref_slice %arg4[%add3A_4, %dma_wait3A_13] : memref<1024x128xf32, #tpu.memory_space<hbm>> -> memref<32x128xf32, #tpu.memory_space<hbm>>
    %dma_wait3A_15 = arith.constant 0 : i32
    %dma_wait3A_16 = tpu.memref_slice %arg4[%add3A_4, %dma_wait3A_15] : memref<1024x128xf32, #tpu.memory_space<hbm>> -> memref<32x128xf32, #tpu.memory_space<hbm>>
    tpu.wait_dma2 semaphore(%arg8 : memref<!tpu.dma_semaphore, #tpu.memory_space<semaphore_mem>>) src(%arg6 : memref<32x128xf32, #tpu.memory_space<vmem>>) dst(%dma_wait3A_16 : memref<32x128xf32, #tpu.memory_space<hbm>>)
    return
  }
}

#map = affine_map<(d0, d1) -> (0, 0)>
#map1 = affine_map<(d0, d1) -> (0)>
module attributes {stable_mosaic.version = 14 : i64} {
  func.func @body(%arg0: i32, %arg1: i32, %arg2: memref<4096x128xf32, #tpu.memory_space<hbm>>, %arg3: memref<16384xi32, #tpu.memory_space<hbm>>, %arg4: memref<4096x128xf32, #tpu.memory_space<hbm>>, %arg5: memref<4096x128xf32, #tpu.memory_space<hbm>>, %arg6: memref<4096x128xf32, #tpu.memory_space<hbm>>, %arg7: memref<4096x128xf32, #tpu.memory_space<hbm>>, %arg8: memref<128xi32, #tpu.memory_space<vmem>>, %arg9: memref<128xi32, #tpu.memory_space<vmem>>, %arg10: memref<128xi32, #tpu.memory_space<vmem>>, %arg11: memref<128xi32, #tpu.memory_space<vmem>>, %arg12: memref<128xi32, #tpu.memory_space<vmem>>, %arg13: memref<128xi32, #tpu.memory_space<vmem>>, %arg14: memref<128xi32, #tpu.memory_space<vmem>>, %arg15: memref<128xi32, #tpu.memory_space<vmem>>, %arg16: memref<128x128xf32, #tpu.memory_space<vmem>>, %arg17: memref<128x128xf32, #tpu.memory_space<vmem>>, %arg18: memref<128x128xf32, #tpu.memory_space<vmem>>, %arg19: memref<128x128xf32, #tpu.memory_space<vmem>>, %arg20: memref<!tpu.dma_semaphore, #tpu.memory_space<semaphore_mem>>, %arg21: memref<!tpu.dma_semaphore, #tpu.memory_space<semaphore_mem>>, %arg22: memref<!tpu.dma_semaphore, #tpu.memory_space<semaphore_mem>>) attributes {dimension_semantics = [#tpu.dimension_semantics<core_parallel>, #tpu.dimension_semantics<subcore_parallel>], iteration_bounds = array<i64: 2, 16>, scalar_prefetch = 0 : i64, scratch_operands = 15 : i64, tpu.core_type = #tpu.core_type<sc_vector_subcore>, window_params = [{transform_indices = #map}, {transform_indices = #map1}, {transform_indices = #map}, {transform_indices = #map}, {transform_indices = #map}, {transform_indices = #map}]} {
    %mul3A = arith.constant 2 : i32
    %mul3A_0 = arith.muli %arg1, %mul3A : i32
    %add3A = arith.addi %mul3A_0, %arg0 : i32
    %mul3A_1 = arith.constant 128 : i32
    %mul3A_2 = arith.muli %add3A, %mul3A_1 : i32
    %add3A_3 = arith.constant 0 : i32
    %add3A_4 = arith.addi %mul3A_2, %add3A_3 : i32
    %add3A_5 = arith.constant 0 : i32
    %add3A_6 = arith.addi %add3A_5, %add3A_4 : i32
    %dma_start3A = tpu.memref_slice %arg3[%add3A_6] : memref<16384xi32, #tpu.memory_space<hbm>> -> memref<128xi32, #tpu.memory_space<hbm>>
    %dma_start3A_7 = tpu.memref_slice %arg3[%add3A_6] : memref<16384xi32, #tpu.memory_space<hbm>> -> memref<128xi32, #tpu.memory_space<hbm>>
    tpu.enqueue_dma source(%dma_start3A_7 : memref<128xi32, #tpu.memory_space<hbm>>) target(%arg8 : memref<128xi32, #tpu.memory_space<vmem>>) target_semaphore(%arg20 : memref<!tpu.dma_semaphore, #tpu.memory_space<semaphore_mem>>)
    %add3A_8 = arith.constant 4096 : i32
    %add3A_9 = arith.addi %add3A_8, %add3A_4 : i32
    %dma_start3A_10 = tpu.memref_slice %arg3[%add3A_9] : memref<16384xi32, #tpu.memory_space<hbm>> -> memref<128xi32, #tpu.memory_space<hbm>>
    %dma_start3A_11 = tpu.memref_slice %arg3[%add3A_9] : memref<16384xi32, #tpu.memory_space<hbm>> -> memref<128xi32, #tpu.memory_space<hbm>>
    tpu.enqueue_dma source(%dma_start3A_11 : memref<128xi32, #tpu.memory_space<hbm>>) target(%arg9 : memref<128xi32, #tpu.memory_space<vmem>>) target_semaphore(%arg20 : memref<!tpu.dma_semaphore, #tpu.memory_space<semaphore_mem>>)
    %add3A_12 = arith.constant 8192 : i32
    %add3A_13 = arith.addi %add3A_12, %add3A_4 : i32
    %dma_start3A_14 = tpu.memref_slice %arg3[%add3A_13] : memref<16384xi32, #tpu.memory_space<hbm>> -> memref<128xi32, #tpu.memory_space<hbm>>
    %dma_start3A_15 = tpu.memref_slice %arg3[%add3A_13] : memref<16384xi32, #tpu.memory_space<hbm>> -> memref<128xi32, #tpu.memory_space<hbm>>
    tpu.enqueue_dma source(%dma_start3A_15 : memref<128xi32, #tpu.memory_space<hbm>>) target(%arg10 : memref<128xi32, #tpu.memory_space<vmem>>) target_semaphore(%arg20 : memref<!tpu.dma_semaphore, #tpu.memory_space<semaphore_mem>>)
    %add3A_16 = arith.constant 12288 : i32
    %add3A_17 = arith.addi %add3A_16, %add3A_4 : i32
    %dma_start3A_18 = tpu.memref_slice %arg3[%add3A_17] : memref<16384xi32, #tpu.memory_space<hbm>> -> memref<128xi32, #tpu.memory_space<hbm>>
    %dma_start3A_19 = tpu.memref_slice %arg3[%add3A_17] : memref<16384xi32, #tpu.memory_space<hbm>> -> memref<128xi32, #tpu.memory_space<hbm>>
    tpu.enqueue_dma source(%dma_start3A_19 : memref<128xi32, #tpu.memory_space<hbm>>) target(%arg11 : memref<128xi32, #tpu.memory_space<vmem>>) target_semaphore(%arg20 : memref<!tpu.dma_semaphore, #tpu.memory_space<semaphore_mem>>)
    %dma_wait3A = tpu.memref_slice %arg3[%add3A_6] : memref<16384xi32, #tpu.memory_space<hbm>> -> memref<128xi32, #tpu.memory_space<hbm>>
    %dma_wait3A_20 = tpu.memref_slice %arg3[%add3A_6] : memref<16384xi32, #tpu.memory_space<hbm>> -> memref<128xi32, #tpu.memory_space<hbm>>
    tpu.wait_dma2 semaphore(%arg20 : memref<!tpu.dma_semaphore, #tpu.memory_space<semaphore_mem>>) src(%dma_wait3A_20 : memref<128xi32, #tpu.memory_space<hbm>>) dst(%arg8 : memref<128xi32, #tpu.memory_space<vmem>>)
    %dma_start3A_21 = arith.constant 0 : i32
    %dma_start3A_22 = arith.constant 0 : i32
    %dma_start3A_23 = tpu.memref_slice %arg2[%dma_start3A_21, %dma_start3A_22] : memref<4096x128xf32, #tpu.memory_space<hbm>> -> memref<4096x128xf32, #tpu.memory_space<hbm>>
    tpu.enqueue_indirect_dma source(%dma_start3A_23 : memref<4096x128xf32, #tpu.memory_space<hbm>>) target(%arg16 : memref<128x128xf32, #tpu.memory_space<vmem>>) offsets(%arg8 : memref<128xi32, #tpu.memory_space<vmem>>) semaphore(%arg21 : memref<!tpu.dma_semaphore, #tpu.memory_space<semaphore_mem>>)
    %dma_wait3A_24 = tpu.memref_slice %arg3[%add3A_9] : memref<16384xi32, #tpu.memory_space<hbm>> -> memref<128xi32, #tpu.memory_space<hbm>>
    %dma_wait3A_25 = tpu.memref_slice %arg3[%add3A_9] : memref<16384xi32, #tpu.memory_space<hbm>> -> memref<128xi32, #tpu.memory_space<hbm>>
    tpu.wait_dma2 semaphore(%arg20 : memref<!tpu.dma_semaphore, #tpu.memory_space<semaphore_mem>>) src(%dma_wait3A_25 : memref<128xi32, #tpu.memory_space<hbm>>) dst(%arg9 : memref<128xi32, #tpu.memory_space<vmem>>)
    %dma_start3A_26 = arith.constant 0 : i32
    %dma_start3A_27 = arith.constant 0 : i32
    %dma_start3A_28 = tpu.memref_slice %arg2[%dma_start3A_26, %dma_start3A_27] : memref<4096x128xf32, #tpu.memory_space<hbm>> -> memref<4096x128xf32, #tpu.memory_space<hbm>>
    tpu.enqueue_indirect_dma source(%dma_start3A_28 : memref<4096x128xf32, #tpu.memory_space<hbm>>) target(%arg17 : memref<128x128xf32, #tpu.memory_space<vmem>>) offsets(%arg9 : memref<128xi32, #tpu.memory_space<vmem>>) semaphore(%arg21 : memref<!tpu.dma_semaphore, #tpu.memory_space<semaphore_mem>>)
    %dma_wait3A_29 = tpu.memref_slice %arg3[%add3A_13] : memref<16384xi32, #tpu.memory_space<hbm>> -> memref<128xi32, #tpu.memory_space<hbm>>
    %dma_wait3A_30 = tpu.memref_slice %arg3[%add3A_13] : memref<16384xi32, #tpu.memory_space<hbm>> -> memref<128xi32, #tpu.memory_space<hbm>>
    tpu.wait_dma2 semaphore(%arg20 : memref<!tpu.dma_semaphore, #tpu.memory_space<semaphore_mem>>) src(%dma_wait3A_30 : memref<128xi32, #tpu.memory_space<hbm>>) dst(%arg10 : memref<128xi32, #tpu.memory_space<vmem>>)
    %dma_start3A_31 = arith.constant 0 : i32
    %dma_start3A_32 = arith.constant 0 : i32
    %dma_start3A_33 = tpu.memref_slice %arg2[%dma_start3A_31, %dma_start3A_32] : memref<4096x128xf32, #tpu.memory_space<hbm>> -> memref<4096x128xf32, #tpu.memory_space<hbm>>
    tpu.enqueue_indirect_dma source(%dma_start3A_33 : memref<4096x128xf32, #tpu.memory_space<hbm>>) target(%arg18 : memref<128x128xf32, #tpu.memory_space<vmem>>) offsets(%arg10 : memref<128xi32, #tpu.memory_space<vmem>>) semaphore(%arg21 : memref<!tpu.dma_semaphore, #tpu.memory_space<semaphore_mem>>)
    %dma_wait3A_34 = tpu.memref_slice %arg3[%add3A_17] : memref<16384xi32, #tpu.memory_space<hbm>> -> memref<128xi32, #tpu.memory_space<hbm>>
    %dma_wait3A_35 = tpu.memref_slice %arg3[%add3A_17] : memref<16384xi32, #tpu.memory_space<hbm>> -> memref<128xi32, #tpu.memory_space<hbm>>
    tpu.wait_dma2 semaphore(%arg20 : memref<!tpu.dma_semaphore, #tpu.memory_space<semaphore_mem>>) src(%dma_wait3A_35 : memref<128xi32, #tpu.memory_space<hbm>>) dst(%arg11 : memref<128xi32, #tpu.memory_space<vmem>>)
    %dma_start3A_36 = arith.constant 0 : i32
    %dma_start3A_37 = arith.constant 0 : i32
    %dma_start3A_38 = tpu.memref_slice %arg2[%dma_start3A_36, %dma_start3A_37] : memref<4096x128xf32, #tpu.memory_space<hbm>> -> memref<4096x128xf32, #tpu.memory_space<hbm>>
    tpu.enqueue_indirect_dma source(%dma_start3A_38 : memref<4096x128xf32, #tpu.memory_space<hbm>>) target(%arg19 : memref<128x128xf32, #tpu.memory_space<vmem>>) offsets(%arg11 : memref<128xi32, #tpu.memory_space<vmem>>) semaphore(%arg21 : memref<!tpu.dma_semaphore, #tpu.memory_space<semaphore_mem>>)
    %dma_wait3A_39 = arith.constant 0 : i32
    %dma_wait3A_40 = arith.constant 0 : i32
    %dma_wait3A_41 = tpu.memref_slice %arg2[%dma_wait3A_39, %dma_wait3A_40] : memref<4096x128xf32, #tpu.memory_space<hbm>> -> memref<4096x128xf32, #tpu.memory_space<hbm>>
    tpu.wait_indirect_dma semaphore(%arg21 : memref<!tpu.dma_semaphore, #tpu.memory_space<semaphore_mem>>) src(%dma_wait3A_41 : memref<4096x128xf32, #tpu.memory_space<hbm>>) dst(%arg16 : memref<128x128xf32, #tpu.memory_space<vmem>>)
    %dma_wait3A_42 = arith.constant 0 : i32
    %dma_wait3A_43 = arith.constant 0 : i32
    %dma_wait3A_44 = tpu.memref_slice %arg2[%dma_wait3A_42, %dma_wait3A_43] : memref<4096x128xf32, #tpu.memory_space<hbm>> -> memref<4096x128xf32, #tpu.memory_space<hbm>>
    tpu.wait_indirect_dma semaphore(%arg21 : memref<!tpu.dma_semaphore, #tpu.memory_space<semaphore_mem>>) src(%dma_wait3A_44 : memref<4096x128xf32, #tpu.memory_space<hbm>>) dst(%arg17 : memref<128x128xf32, #tpu.memory_space<vmem>>)
    %dma_wait3A_45 = arith.constant 0 : i32
    %dma_wait3A_46 = arith.constant 0 : i32
    %dma_wait3A_47 = tpu.memref_slice %arg2[%dma_wait3A_45, %dma_wait3A_46] : memref<4096x128xf32, #tpu.memory_space<hbm>> -> memref<4096x128xf32, #tpu.memory_space<hbm>>
    tpu.wait_indirect_dma semaphore(%arg21 : memref<!tpu.dma_semaphore, #tpu.memory_space<semaphore_mem>>) src(%dma_wait3A_47 : memref<4096x128xf32, #tpu.memory_space<hbm>>) dst(%arg18 : memref<128x128xf32, #tpu.memory_space<vmem>>)
    %dma_wait3A_48 = arith.constant 0 : i32
    %dma_wait3A_49 = arith.constant 0 : i32
    %dma_wait3A_50 = tpu.memref_slice %arg2[%dma_wait3A_48, %dma_wait3A_49] : memref<4096x128xf32, #tpu.memory_space<hbm>> -> memref<4096x128xf32, #tpu.memory_space<hbm>>
    tpu.wait_indirect_dma semaphore(%arg21 : memref<!tpu.dma_semaphore, #tpu.memory_space<semaphore_mem>>) src(%dma_wait3A_50 : memref<4096x128xf32, #tpu.memory_space<hbm>>) dst(%arg19 : memref<128x128xf32, #tpu.memory_space<vmem>>)
    %dma_start3A_51 = arith.constant 0 : i32
    %dma_start3A_52 = tpu.memref_slice %arg4[%add3A_4, %dma_start3A_51] : memref<4096x128xf32, #tpu.memory_space<hbm>> -> memref<128x128xf32, #tpu.memory_space<hbm>>
    %dma_start3A_53 = arith.constant 0 : i32
    %dma_start3A_54 = tpu.memref_slice %arg4[%add3A_4, %dma_start3A_53] : memref<4096x128xf32, #tpu.memory_space<hbm>> -> memref<128x128xf32, #tpu.memory_space<hbm>>
    tpu.enqueue_dma source(%arg16 : memref<128x128xf32, #tpu.memory_space<vmem>>) target(%dma_start3A_54 : memref<128x128xf32, #tpu.memory_space<hbm>>) target_semaphore(%arg22 : memref<!tpu.dma_semaphore, #tpu.memory_space<semaphore_mem>>)
    %dma_start3A_55 = arith.constant 0 : i32
    %dma_start3A_56 = tpu.memref_slice %arg5[%add3A_4, %dma_start3A_55] : memref<4096x128xf32, #tpu.memory_space<hbm>> -> memref<128x128xf32, #tpu.memory_space<hbm>>
    %dma_start3A_57 = arith.constant 0 : i32
    %dma_start3A_58 = tpu.memref_slice %arg5[%add3A_4, %dma_start3A_57] : memref<4096x128xf32, #tpu.memory_space<hbm>> -> memref<128x128xf32, #tpu.memory_space<hbm>>
    tpu.enqueue_dma source(%arg17 : memref<128x128xf32, #tpu.memory_space<vmem>>) target(%dma_start3A_58 : memref<128x128xf32, #tpu.memory_space<hbm>>) target_semaphore(%arg22 : memref<!tpu.dma_semaphore, #tpu.memory_space<semaphore_mem>>)
    %dma_start3A_59 = arith.constant 0 : i32
    %dma_start3A_60 = tpu.memref_slice %arg6[%add3A_4, %dma_start3A_59] : memref<4096x128xf32, #tpu.memory_space<hbm>> -> memref<128x128xf32, #tpu.memory_space<hbm>>
    %dma_start3A_61 = arith.constant 0 : i32
    %dma_start3A_62 = tpu.memref_slice %arg6[%add3A_4, %dma_start3A_61] : memref<4096x128xf32, #tpu.memory_space<hbm>> -> memref<128x128xf32, #tpu.memory_space<hbm>>
    tpu.enqueue_dma source(%arg18 : memref<128x128xf32, #tpu.memory_space<vmem>>) target(%dma_start3A_62 : memref<128x128xf32, #tpu.memory_space<hbm>>) target_semaphore(%arg22 : memref<!tpu.dma_semaphore, #tpu.memory_space<semaphore_mem>>)
    %dma_start3A_63 = arith.constant 0 : i32
    %dma_start3A_64 = tpu.memref_slice %arg7[%add3A_4, %dma_start3A_63] : memref<4096x128xf32, #tpu.memory_space<hbm>> -> memref<128x128xf32, #tpu.memory_space<hbm>>
    %dma_start3A_65 = arith.constant 0 : i32
    %dma_start3A_66 = tpu.memref_slice %arg7[%add3A_4, %dma_start3A_65] : memref<4096x128xf32, #tpu.memory_space<hbm>> -> memref<128x128xf32, #tpu.memory_space<hbm>>
    tpu.enqueue_dma source(%arg19 : memref<128x128xf32, #tpu.memory_space<vmem>>) target(%dma_start3A_66 : memref<128x128xf32, #tpu.memory_space<hbm>>) target_semaphore(%arg22 : memref<!tpu.dma_semaphore, #tpu.memory_space<semaphore_mem>>)
    %dma_wait3A_67 = arith.constant 0 : i32
    %dma_wait3A_68 = tpu.memref_slice %arg4[%add3A_4, %dma_wait3A_67] : memref<4096x128xf32, #tpu.memory_space<hbm>> -> memref<128x128xf32, #tpu.memory_space<hbm>>
    %dma_wait3A_69 = arith.constant 0 : i32
    %dma_wait3A_70 = tpu.memref_slice %arg4[%add3A_4, %dma_wait3A_69] : memref<4096x128xf32, #tpu.memory_space<hbm>> -> memref<128x128xf32, #tpu.memory_space<hbm>>
    tpu.wait_dma2 semaphore(%arg22 : memref<!tpu.dma_semaphore, #tpu.memory_space<semaphore_mem>>) src(%arg16 : memref<128x128xf32, #tpu.memory_space<vmem>>) dst(%dma_wait3A_70 : memref<128x128xf32, #tpu.memory_space<hbm>>)
    %dma_wait3A_71 = arith.constant 0 : i32
    %dma_wait3A_72 = tpu.memref_slice %arg5[%add3A_4, %dma_wait3A_71] : memref<4096x128xf32, #tpu.memory_space<hbm>> -> memref<128x128xf32, #tpu.memory_space<hbm>>
    %dma_wait3A_73 = arith.constant 0 : i32
    %dma_wait3A_74 = tpu.memref_slice %arg5[%add3A_4, %dma_wait3A_73] : memref<4096x128xf32, #tpu.memory_space<hbm>> -> memref<128x128xf32, #tpu.memory_space<hbm>>
    tpu.wait_dma2 semaphore(%arg22 : memref<!tpu.dma_semaphore, #tpu.memory_space<semaphore_mem>>) src(%arg17 : memref<128x128xf32, #tpu.memory_space<vmem>>) dst(%dma_wait3A_74 : memref<128x128xf32, #tpu.memory_space<hbm>>)
    %dma_wait3A_75 = arith.constant 0 : i32
    %dma_wait3A_76 = tpu.memref_slice %arg6[%add3A_4, %dma_wait3A_75] : memref<4096x128xf32, #tpu.memory_space<hbm>> -> memref<128x128xf32, #tpu.memory_space<hbm>>
    %dma_wait3A_77 = arith.constant 0 : i32
    %dma_wait3A_78 = tpu.memref_slice %arg6[%add3A_4, %dma_wait3A_77] : memref<4096x128xf32, #tpu.memory_space<hbm>> -> memref<128x128xf32, #tpu.memory_space<hbm>>
    tpu.wait_dma2 semaphore(%arg22 : memref<!tpu.dma_semaphore, #tpu.memory_space<semaphore_mem>>) src(%arg18 : memref<128x128xf32, #tpu.memory_space<vmem>>) dst(%dma_wait3A_78 : memref<128x128xf32, #tpu.memory_space<hbm>>)
    %dma_wait3A_79 = arith.constant 0 : i32
    %dma_wait3A_80 = tpu.memref_slice %arg7[%add3A_4, %dma_wait3A_79] : memref<4096x128xf32, #tpu.memory_space<hbm>> -> memref<128x128xf32, #tpu.memory_space<hbm>>
    %dma_wait3A_81 = arith.constant 0 : i32
    %dma_wait3A_82 = tpu.memref_slice %arg7[%add3A_4, %dma_wait3A_81] : memref<4096x128xf32, #tpu.memory_space<hbm>> -> memref<128x128xf32, #tpu.memory_space<hbm>>
    tpu.wait_dma2 semaphore(%arg22 : memref<!tpu.dma_semaphore, #tpu.memory_space<semaphore_mem>>) src(%arg19 : memref<128x128xf32, #tpu.memory_space<vmem>>) dst(%dma_wait3A_82 : memref<128x128xf32, #tpu.memory_space<hbm>>)
    return
  }
}

#map = affine_map<(d0, d1) -> (0, 0)>
#map1 = affine_map<(d0, d1) -> (0)>
module attributes {stable_mosaic.version = 14 : i64} {
  func.func @body(%arg0: i32, %arg1: i32, %arg2: memref<1024x128xf32, #tpu.memory_space<hbm>>, %arg3: memref<16384xi32, #tpu.memory_space<hbm>>, %arg4: memref<4096xi32, #tpu.memory_space<hbm>>, %arg5: memref<4096x128xf32, #tpu.memory_space<hbm>>, %arg6: memref<4096x128xf32, #tpu.memory_space<hbm>>, %arg7: memref<4096x128xf32, #tpu.memory_space<hbm>>, %arg8: memref<4096x128xf32, #tpu.memory_space<hbm>>, %arg9: memref<4096x128xf32, #tpu.memory_space<hbm>>, %arg10: memref<128xi32, #tpu.memory_space<vmem>>, %arg11: memref<128xi32, #tpu.memory_space<vmem>>, %arg12: memref<128xi32, #tpu.memory_space<vmem>>, %arg13: memref<128xi32, #tpu.memory_space<vmem>>, %arg14: memref<128xi32, #tpu.memory_space<vmem>>, %arg15: memref<128xi32, #tpu.memory_space<vmem>>, %arg16: memref<128xi32, #tpu.memory_space<vmem>>, %arg17: memref<128xi32, #tpu.memory_space<vmem>>, %arg18: memref<128x128xf32, #tpu.memory_space<vmem>>, %arg19: memref<128x128xf32, #tpu.memory_space<vmem>>, %arg20: memref<128x128xf32, #tpu.memory_space<vmem>>, %arg21: memref<128x128xf32, #tpu.memory_space<vmem>>, %arg22: memref<128x128xf32, #tpu.memory_space<vmem>>, %arg23: memref<4096xi32, #tpu.memory_space<vmem>>, %arg24: memref<!tpu.dma_semaphore, #tpu.memory_space<semaphore_mem>>, %arg25: memref<!tpu.dma_semaphore, #tpu.memory_space<semaphore_mem>>, %arg26: memref<!tpu.dma_semaphore, #tpu.memory_space<semaphore_mem>>) attributes {dimension_semantics = [#tpu.dimension_semantics<core_parallel>, #tpu.dimension_semantics<subcore_parallel>], iteration_bounds = array<i64: 2, 16>, scalar_prefetch = 0 : i64, scratch_operands = 17 : i64, tpu.core_type = #tpu.core_type<sc_vector_subcore>, window_params = [{transform_indices = #map}, {transform_indices = #map1}, {transform_indices = #map1}, {transform_indices = #map}, {transform_indices = #map}, {transform_indices = #map}, {transform_indices = #map}, {transform_indices = #map}]} {
    %mul3A = arith.constant 2 : i32
    %mul3A_0 = arith.muli %arg1, %mul3A : i32
    %add3A = arith.addi %mul3A_0, %arg0 : i32
    "tpu.region"() ({
      %run_scoped3A = tpu.sem_alloc : memref<!tpu.dma_semaphore, #tpu.memory_space<semaphore_mem>>
      tpu.enqueue_dma source(%arg4 : memref<4096xi32, #tpu.memory_space<hbm>>) target(%arg23 : memref<4096xi32, #tpu.memory_space<vmem>>) target_semaphore(%run_scoped3A : memref<!tpu.dma_semaphore, #tpu.memory_space<semaphore_mem>>)
      tpu.wait_dma2 semaphore(%run_scoped3A : memref<!tpu.dma_semaphore, #tpu.memory_space<semaphore_mem>>) src(%arg4 : memref<4096xi32, #tpu.memory_space<hbm>>) dst(%arg23 : memref<4096xi32, #tpu.memory_space<vmem>>)
      tpu.yield
    }) : () -> ()
    %mul3A_1 = arith.constant 128 : i32
    %mul3A_2 = arith.muli %add3A, %mul3A_1 : i32
    %add3A_3 = arith.constant 0 : i32
    %add3A_4 = arith.addi %mul3A_2, %add3A_3 : i32
    %add3A_5 = arith.constant 0 : i32
    %add3A_6 = arith.addi %add3A_5, %add3A_4 : i32
    %dma_start3A = tpu.memref_slice %arg3[%add3A_6] : memref<16384xi32, #tpu.memory_space<hbm>> -> memref<128xi32, #tpu.memory_space<hbm>>
    %dma_start3A_7 = tpu.memref_slice %arg3[%add3A_6] : memref<16384xi32, #tpu.memory_space<hbm>> -> memref<128xi32, #tpu.memory_space<hbm>>
    tpu.enqueue_dma source(%dma_start3A_7 : memref<128xi32, #tpu.memory_space<hbm>>) target(%arg10 : memref<128xi32, #tpu.memory_space<vmem>>) target_semaphore(%arg24 : memref<!tpu.dma_semaphore, #tpu.memory_space<semaphore_mem>>)
    %add3A_8 = arith.constant 4096 : i32
    %add3A_9 = arith.addi %add3A_8, %add3A_4 : i32
    %dma_start3A_10 = tpu.memref_slice %arg3[%add3A_9] : memref<16384xi32, #tpu.memory_space<hbm>> -> memref<128xi32, #tpu.memory_space<hbm>>
    %dma_start3A_11 = tpu.memref_slice %arg3[%add3A_9] : memref<16384xi32, #tpu.memory_space<hbm>> -> memref<128xi32, #tpu.memory_space<hbm>>
    tpu.enqueue_dma source(%dma_start3A_11 : memref<128xi32, #tpu.memory_space<hbm>>) target(%arg11 : memref<128xi32, #tpu.memory_space<vmem>>) target_semaphore(%arg24 : memref<!tpu.dma_semaphore, #tpu.memory_space<semaphore_mem>>)
    %add3A_12 = arith.constant 8192 : i32
    %add3A_13 = arith.addi %add3A_12, %add3A_4 : i32
    %dma_start3A_14 = tpu.memref_slice %arg3[%add3A_13] : memref<16384xi32, #tpu.memory_space<hbm>> -> memref<128xi32, #tpu.memory_space<hbm>>
    %dma_start3A_15 = tpu.memref_slice %arg3[%add3A_13] : memref<16384xi32, #tpu.memory_space<hbm>> -> memref<128xi32, #tpu.memory_space<hbm>>
    tpu.enqueue_dma source(%dma_start3A_15 : memref<128xi32, #tpu.memory_space<hbm>>) target(%arg12 : memref<128xi32, #tpu.memory_space<vmem>>) target_semaphore(%arg24 : memref<!tpu.dma_semaphore, #tpu.memory_space<semaphore_mem>>)
    %add3A_16 = arith.constant 12288 : i32
    %add3A_17 = arith.addi %add3A_16, %add3A_4 : i32
    %dma_start3A_18 = tpu.memref_slice %arg3[%add3A_17] : memref<16384xi32, #tpu.memory_space<hbm>> -> memref<128xi32, #tpu.memory_space<hbm>>
    %dma_start3A_19 = tpu.memref_slice %arg3[%add3A_17] : memref<16384xi32, #tpu.memory_space<hbm>> -> memref<128xi32, #tpu.memory_space<hbm>>
    tpu.enqueue_dma source(%dma_start3A_19 : memref<128xi32, #tpu.memory_space<hbm>>) target(%arg13 : memref<128xi32, #tpu.memory_space<vmem>>) target_semaphore(%arg24 : memref<!tpu.dma_semaphore, #tpu.memory_space<semaphore_mem>>)
    %dma_start3A_20 = tpu.memref_slice %arg23[%add3A_4] : memref<4096xi32, #tpu.memory_space<vmem>> -> memref<128xi32, #tpu.memory_space<vmem>>
    %dma_start3A_21 = arith.constant 0 : i32
    %dma_start3A_22 = arith.constant 0 : i32
    %dma_start3A_23 = tpu.memref_slice %arg2[%dma_start3A_21, %dma_start3A_22] : memref<1024x128xf32, #tpu.memory_space<hbm>> -> memref<1024x128xf32, #tpu.memory_space<hbm>>
    tpu.enqueue_indirect_dma source(%dma_start3A_23 : memref<1024x128xf32, #tpu.memory_space<hbm>>) target(%arg22 : memref<128x128xf32, #tpu.memory_space<vmem>>) offsets(%dma_start3A_20 : memref<128xi32, #tpu.memory_space<vmem>>) semaphore(%arg25 : memref<!tpu.dma_semaphore, #tpu.memory_space<semaphore_mem>>)
    %dma_wait3A = tpu.memref_slice %arg3[%add3A_6] : memref<16384xi32, #tpu.memory_space<hbm>> -> memref<128xi32, #tpu.memory_space<hbm>>
    %dma_wait3A_24 = tpu.memref_slice %arg3[%add3A_6] : memref<16384xi32, #tpu.memory_space<hbm>> -> memref<128xi32, #tpu.memory_space<hbm>>
    tpu.wait_dma2 semaphore(%arg24 : memref<!tpu.dma_semaphore, #tpu.memory_space<semaphore_mem>>) src(%dma_wait3A_24 : memref<128xi32, #tpu.memory_space<hbm>>) dst(%arg10 : memref<128xi32, #tpu.memory_space<vmem>>)
    %get3A = arith.constant 0 : index
    %get3A_25 = tpu.vector_load %arg10[%get3A] {strides = array<i32>} : memref<128xi32, #tpu.memory_space<vmem>>, vector<16xi32>,
    %gather3A = tpu.vector_load_idx %arg23[%get3A_25] : memref<4096xi32, #tpu.memory_space<vmem>>[vector<16xi32>], vector<16xi32>,
    %swap3A = arith.constant 0 : index
    %swap3A_26 = tpu.vector_load %arg14[%swap3A] {strides = array<i32>} : memref<128xi32, #tpu.memory_space<vmem>>, vector<16xi32>,
    tpu.vector_store %arg14[%swap3A], %gather3A {strides = array<i32>} : memref<128xi32, #tpu.memory_space<vmem>>, vector<16xi32>,
    %get3A_27 = arith.constant 16 : index
    %get3A_28 = tpu.vector_load %arg10[%get3A_27] {strides = array<i32>} : memref<128xi32, #tpu.memory_space<vmem>>, vector<16xi32>,
    %gather3A_29 = tpu.vector_load_idx %arg23[%get3A_28] : memref<4096xi32, #tpu.memory_space<vmem>>[vector<16xi32>], vector<16xi32>,
    %swap3A_30 = arith.constant 16 : index
    %swap3A_31 = tpu.vector_load %arg14[%swap3A_30] {strides = array<i32>} : memref<128xi32, #tpu.memory_space<vmem>>, vector<16xi32>,
    tpu.vector_store %arg14[%swap3A_30], %gather3A_29 {strides = array<i32>} : memref<128xi32, #tpu.memory_space<vmem>>, vector<16xi32>,
    %get3A_32 = arith.constant 32 : index
    %get3A_33 = tpu.vector_load %arg10[%get3A_32] {strides = array<i32>} : memref<128xi32, #tpu.memory_space<vmem>>, vector<16xi32>,
    %gather3A_34 = tpu.vector_load_idx %arg23[%get3A_33] : memref<4096xi32, #tpu.memory_space<vmem>>[vector<16xi32>], vector<16xi32>,
    %swap3A_35 = arith.constant 32 : index
    %swap3A_36 = tpu.vector_load %arg14[%swap3A_35] {strides = array<i32>} : memref<128xi32, #tpu.memory_space<vmem>>, vector<16xi32>,
    tpu.vector_store %arg14[%swap3A_35], %gather3A_34 {strides = array<i32>} : memref<128xi32, #tpu.memory_space<vmem>>, vector<16xi32>,
    %get3A_37 = arith.constant 48 : index
    %get3A_38 = tpu.vector_load %arg10[%get3A_37] {strides = array<i32>} : memref<128xi32, #tpu.memory_space<vmem>>, vector<16xi32>,
    %gather3A_39 = tpu.vector_load_idx %arg23[%get3A_38] : memref<4096xi32, #tpu.memory_space<vmem>>[vector<16xi32>], vector<16xi32>,
    %swap3A_40 = arith.constant 48 : index
    %swap3A_41 = tpu.vector_load %arg14[%swap3A_40] {strides = array<i32>} : memref<128xi32, #tpu.memory_space<vmem>>, vector<16xi32>,
    tpu.vector_store %arg14[%swap3A_40], %gather3A_39 {strides = array<i32>} : memref<128xi32, #tpu.memory_space<vmem>>, vector<16xi32>,
    %get3A_42 = arith.constant 64 : index
    %get3A_43 = tpu.vector_load %arg10[%get3A_42] {strides = array<i32>} : memref<128xi32, #tpu.memory_space<vmem>>, vector<16xi32>,
    %gather3A_44 = tpu.vector_load_idx %arg23[%get3A_43] : memref<4096xi32, #tpu.memory_space<vmem>>[vector<16xi32>], vector<16xi32>,
    %swap3A_45 = arith.constant 64 : index
    %swap3A_46 = tpu.vector_load %arg14[%swap3A_45] {strides = array<i32>} : memref<128xi32, #tpu.memory_space<vmem>>, vector<16xi32>,
    tpu.vector_store %arg14[%swap3A_45], %gather3A_44 {strides = array<i32>} : memref<128xi32, #tpu.memory_space<vmem>>, vector<16xi32>,
    %get3A_47 = arith.constant 80 : index
    %get3A_48 = tpu.vector_load %arg10[%get3A_47] {strides = array<i32>} : memref<128xi32, #tpu.memory_space<vmem>>, vector<16xi32>,
    %gather3A_49 = tpu.vector_load_idx %arg23[%get3A_48] : memref<4096xi32, #tpu.memory_space<vmem>>[vector<16xi32>], vector<16xi32>,
    %swap3A_50 = arith.constant 80 : index
    %swap3A_51 = tpu.vector_load %arg14[%swap3A_50] {strides = array<i32>} : memref<128xi32, #tpu.memory_space<vmem>>, vector<16xi32>,
    tpu.vector_store %arg14[%swap3A_50], %gather3A_49 {strides = array<i32>} : memref<128xi32, #tpu.memory_space<vmem>>, vector<16xi32>,
    %get3A_52 = arith.constant 96 : index
    %get3A_53 = tpu.vector_load %arg10[%get3A_52] {strides = array<i32>} : memref<128xi32, #tpu.memory_space<vmem>>, vector<16xi32>,
    %gather3A_54 = tpu.vector_load_idx %arg23[%get3A_53] : memref<4096xi32, #tpu.memory_space<vmem>>[vector<16xi32>], vector<16xi32>,
    %swap3A_55 = arith.constant 96 : index
    %swap3A_56 = tpu.vector_load %arg14[%swap3A_55] {strides = array<i32>} : memref<128xi32, #tpu.memory_space<vmem>>, vector<16xi32>,
    tpu.vector_store %arg14[%swap3A_55], %gather3A_54 {strides = array<i32>} : memref<128xi32, #tpu.memory_space<vmem>>, vector<16xi32>,
    %get3A_57 = arith.constant 112 : index
    %get3A_58 = tpu.vector_load %arg10[%get3A_57] {strides = array<i32>} : memref<128xi32, #tpu.memory_space<vmem>>, vector<16xi32>,
    %gather3A_59 = tpu.vector_load_idx %arg23[%get3A_58] : memref<4096xi32, #tpu.memory_space<vmem>>[vector<16xi32>], vector<16xi32>,
    %swap3A_60 = arith.constant 112 : index
    %swap3A_61 = tpu.vector_load %arg14[%swap3A_60] {strides = array<i32>} : memref<128xi32, #tpu.memory_space<vmem>>, vector<16xi32>,
    tpu.vector_store %arg14[%swap3A_60], %gather3A_59 {strides = array<i32>} : memref<128xi32, #tpu.memory_space<vmem>>, vector<16xi32>,
    %dma_start3A_62 = arith.constant 0 : i32
    %dma_start3A_63 = arith.constant 0 : i32
    %dma_start3A_64 = tpu.memref_slice %arg2[%dma_start3A_62, %dma_start3A_63] : memref<1024x128xf32, #tpu.memory_space<hbm>> -> memref<1024x128xf32, #tpu.memory_space<hbm>>
    tpu.enqueue_indirect_dma source(%dma_start3A_64 : memref<1024x128xf32, #tpu.memory_space<hbm>>) target(%arg18 : memref<128x128xf32, #tpu.memory_space<vmem>>) offsets(%arg14 : memref<128xi32, #tpu.memory_space<vmem>>) semaphore(%arg25 : memref<!tpu.dma_semaphore, #tpu.memory_space<semaphore_mem>>)
    %dma_wait3A_65 = tpu.memref_slice %arg3[%add3A_9] : memref<16384xi32, #tpu.memory_space<hbm>> -> memref<128xi32, #tpu.memory_space<hbm>>
    %dma_wait3A_66 = tpu.memref_slice %arg3[%add3A_9] : memref<16384xi32, #tpu.memory_space<hbm>> -> memref<128xi32, #tpu.memory_space<hbm>>
    tpu.wait_dma2 semaphore(%arg24 : memref<!tpu.dma_semaphore, #tpu.memory_space<semaphore_mem>>) src(%dma_wait3A_66 : memref<128xi32, #tpu.memory_space<hbm>>) dst(%arg11 : memref<128xi32, #tpu.memory_space<vmem>>)
    %get3A_67 = arith.constant 0 : index
    %get3A_68 = tpu.vector_load %arg11[%get3A_67] {strides = array<i32>} : memref<128xi32, #tpu.memory_space<vmem>>, vector<16xi32>,
    %gather3A_69 = tpu.vector_load_idx %arg23[%get3A_68] : memref<4096xi32, #tpu.memory_space<vmem>>[vector<16xi32>], vector<16xi32>,
    %swap3A_70 = arith.constant 0 : index
    %swap3A_71 = tpu.vector_load %arg15[%swap3A_70] {strides = array<i32>} : memref<128xi32, #tpu.memory_space<vmem>>, vector<16xi32>,
    tpu.vector_store %arg15[%swap3A_70], %gather3A_69 {strides = array<i32>} : memref<128xi32, #tpu.memory_space<vmem>>, vector<16xi32>,
    %get3A_72 = arith.constant 16 : index
    %get3A_73 = tpu.vector_load %arg11[%get3A_72] {strides = array<i32>} : memref<128xi32, #tpu.memory_space<vmem>>, vector<16xi32>,
    %gather3A_74 = tpu.vector_load_idx %arg23[%get3A_73] : memref<4096xi32, #tpu.memory_space<vmem>>[vector<16xi32>], vector<16xi32>,
    %swap3A_75 = arith.constant 16 : index
    %swap3A_76 = tpu.vector_load %arg15[%swap3A_75] {strides = array<i32>} : memref<128xi32, #tpu.memory_space<vmem>>, vector<16xi32>,
    tpu.vector_store %arg15[%swap3A_75], %gather3A_74 {strides = array<i32>} : memref<128xi32, #tpu.memory_space<vmem>>, vector<16xi32>,
    %get3A_77 = arith.constant 32 : index
    %get3A_78 = tpu.vector_load %arg11[%get3A_77] {strides = array<i32>} : memref<128xi32, #tpu.memory_space<vmem>>, vector<16xi32>,
    %gather3A_79 = tpu.vector_load_idx %arg23[%get3A_78] : memref<4096xi32, #tpu.memory_space<vmem>>[vector<16xi32>], vector<16xi32>,
    %swap3A_80 = arith.constant 32 : index
    %swap3A_81 = tpu.vector_load %arg15[%swap3A_80] {strides = array<i32>} : memref<128xi32, #tpu.memory_space<vmem>>, vector<16xi32>,
    tpu.vector_store %arg15[%swap3A_80], %gather3A_79 {strides = array<i32>} : memref<128xi32, #tpu.memory_space<vmem>>, vector<16xi32>,
    %get3A_82 = arith.constant 48 : index
    %get3A_83 = tpu.vector_load %arg11[%get3A_82] {strides = array<i32>} : memref<128xi32, #tpu.memory_space<vmem>>, vector<16xi32>,
    %gather3A_84 = tpu.vector_load_idx %arg23[%get3A_83] : memref<4096xi32, #tpu.memory_space<vmem>>[vector<16xi32>], vector<16xi32>,
    %swap3A_85 = arith.constant 48 : index
    %swap3A_86 = tpu.vector_load %arg15[%swap3A_85] {strides = array<i32>} : memref<128xi32, #tpu.memory_space<vmem>>, vector<16xi32>,
    tpu.vector_store %arg15[%swap3A_85], %gather3A_84 {strides = array<i32>} : memref<128xi32, #tpu.memory_space<vmem>>, vector<16xi32>,
    %get3A_87 = arith.constant 64 : index
    %get3A_88 = tpu.vector_load %arg11[%get3A_87] {strides = array<i32>} : memref<128xi32, #tpu.memory_space<vmem>>, vector<16xi32>,
    %gather3A_89 = tpu.vector_load_idx %arg23[%get3A_88] : memref<4096xi32, #tpu.memory_space<vmem>>[vector<16xi32>], vector<16xi32>,
    %swap3A_90 = arith.constant 64 : index
    %swap3A_91 = tpu.vector_load %arg15[%swap3A_90] {strides = array<i32>} : memref<128xi32, #tpu.memory_space<vmem>>, vector<16xi32>,
    tpu.vector_store %arg15[%swap3A_90], %gather3A_89 {strides = array<i32>} : memref<128xi32, #tpu.memory_space<vmem>>, vector<16xi32>,
    %get3A_92 = arith.constant 80 : index
    %get3A_93 = tpu.vector_load %arg11[%get3A_92] {strides = array<i32>} : memref<128xi32, #tpu.memory_space<vmem>>, vector<16xi32>,
    %gather3A_94 = tpu.vector_load_idx %arg23[%get3A_93] : memref<4096xi32, #tpu.memory_space<vmem>>[vector<16xi32>], vector<16xi32>,
    %swap3A_95 = arith.constant 80 : index
    %swap3A_96 = tpu.vector_load %arg15[%swap3A_95] {strides = array<i32>} : memref<128xi32, #tpu.memory_space<vmem>>, vector<16xi32>,
    tpu.vector_store %arg15[%swap3A_95], %gather3A_94 {strides = array<i32>} : memref<128xi32, #tpu.memory_space<vmem>>, vector<16xi32>,
    %get3A_97 = arith.constant 96 : index
    %get3A_98 = tpu.vector_load %arg11[%get3A_97] {strides = array<i32>} : memref<128xi32, #tpu.memory_space<vmem>>, vector<16xi32>,
    %gather3A_99 = tpu.vector_load_idx %arg23[%get3A_98] : memref<4096xi32, #tpu.memory_space<vmem>>[vector<16xi32>], vector<16xi32>,
    %swap3A_100 = arith.constant 96 : index
    %swap3A_101 = tpu.vector_load %arg15[%swap3A_100] {strides = array<i32>} : memref<128xi32, #tpu.memory_space<vmem>>, vector<16xi32>,
    tpu.vector_store %arg15[%swap3A_100], %gather3A_99 {strides = array<i32>} : memref<128xi32, #tpu.memory_space<vmem>>, vector<16xi32>,
    %get3A_102 = arith.constant 112 : index
    %get3A_103 = tpu.vector_load %arg11[%get3A_102] {strides = array<i32>} : memref<128xi32, #tpu.memory_space<vmem>>, vector<16xi32>,
    %gather3A_104 = tpu.vector_load_idx %arg23[%get3A_103] : memref<4096xi32, #tpu.memory_space<vmem>>[vector<16xi32>], vector<16xi32>,
    %swap3A_105 = arith.constant 112 : index
    %swap3A_106 = tpu.vector_load %arg15[%swap3A_105] {strides = array<i32>} : memref<128xi32, #tpu.memory_space<vmem>>, vector<16xi32>,
    tpu.vector_store %arg15[%swap3A_105], %gather3A_104 {strides = array<i32>} : memref<128xi32, #tpu.memory_space<vmem>>, vector<16xi32>,
    %dma_start3A_107 = arith.constant 0 : i32
    %dma_start3A_108 = arith.constant 0 : i32
    %dma_start3A_109 = tpu.memref_slice %arg2[%dma_start3A_107, %dma_start3A_108] : memref<1024x128xf32, #tpu.memory_space<hbm>> -> memref<1024x128xf32, #tpu.memory_space<hbm>>
    tpu.enqueue_indirect_dma source(%dma_start3A_109 : memref<1024x128xf32, #tpu.memory_space<hbm>>) target(%arg19 : memref<128x128xf32, #tpu.memory_space<vmem>>) offsets(%arg15 : memref<128xi32, #tpu.memory_space<vmem>>) semaphore(%arg25 : memref<!tpu.dma_semaphore, #tpu.memory_space<semaphore_mem>>)
    %dma_wait3A_110 = tpu.memref_slice %arg3[%add3A_13] : memref<16384xi32, #tpu.memory_space<hbm>> -> memref<128xi32, #tpu.memory_space<hbm>>
    %dma_wait3A_111 = tpu.memref_slice %arg3[%add3A_13] : memref<16384xi32, #tpu.memory_space<hbm>> -> memref<128xi32, #tpu.memory_space<hbm>>
    tpu.wait_dma2 semaphore(%arg24 : memref<!tpu.dma_semaphore, #tpu.memory_space<semaphore_mem>>) src(%dma_wait3A_111 : memref<128xi32, #tpu.memory_space<hbm>>) dst(%arg12 : memref<128xi32, #tpu.memory_space<vmem>>)
    %get3A_112 = arith.constant 0 : index
    %get3A_113 = tpu.vector_load %arg12[%get3A_112] {strides = array<i32>} : memref<128xi32, #tpu.memory_space<vmem>>, vector<16xi32>,
    %gather3A_114 = tpu.vector_load_idx %arg23[%get3A_113] : memref<4096xi32, #tpu.memory_space<vmem>>[vector<16xi32>], vector<16xi32>,
    %swap3A_115 = arith.constant 0 : index
    %swap3A_116 = tpu.vector_load %arg16[%swap3A_115] {strides = array<i32>} : memref<128xi32, #tpu.memory_space<vmem>>, vector<16xi32>,
    tpu.vector_store %arg16[%swap3A_115], %gather3A_114 {strides = array<i32>} : memref<128xi32, #tpu.memory_space<vmem>>, vector<16xi32>,
    %get3A_117 = arith.constant 16 : index
    %get3A_118 = tpu.vector_load %arg12[%get3A_117] {strides = array<i32>} : memref<128xi32, #tpu.memory_space<vmem>>, vector<16xi32>,
    %gather3A_119 = tpu.vector_load_idx %arg23[%get3A_118] : memref<4096xi32, #tpu.memory_space<vmem>>[vector<16xi32>], vector<16xi32>,
    %swap3A_120 = arith.constant 16 : index
    %swap3A_121 = tpu.vector_load %arg16[%swap3A_120] {strides = array<i32>} : memref<128xi32, #tpu.memory_space<vmem>>, vector<16xi32>,
    tpu.vector_store %arg16[%swap3A_120], %gather3A_119 {strides = array<i32>} : memref<128xi32, #tpu.memory_space<vmem>>, vector<16xi32>,
    %get3A_122 = arith.constant 32 : index
    %get3A_123 = tpu.vector_load %arg12[%get3A_122] {strides = array<i32>} : memref<128xi32, #tpu.memory_space<vmem>>, vector<16xi32>,
    %gather3A_124 = tpu.vector_load_idx %arg23[%get3A_123] : memref<4096xi32, #tpu.memory_space<vmem>>[vector<16xi32>], vector<16xi32>,
    %swap3A_125 = arith.constant 32 : index
    %swap3A_126 = tpu.vector_load %arg16[%swap3A_125] {strides = array<i32>} : memref<128xi32, #tpu.memory_space<vmem>>, vector<16xi32>,
    tpu.vector_store %arg16[%swap3A_125], %gather3A_124 {strides = array<i32>} : memref<128xi32, #tpu.memory_space<vmem>>, vector<16xi32>,
    %get3A_127 = arith.constant 48 : index
    %get3A_128 = tpu.vector_load %arg12[%get3A_127] {strides = array<i32>} : memref<128xi32, #tpu.memory_space<vmem>>, vector<16xi32>,
    %gather3A_129 = tpu.vector_load_idx %arg23[%get3A_128] : memref<4096xi32, #tpu.memory_space<vmem>>[vector<16xi32>], vector<16xi32>,
    %swap3A_130 = arith.constant 48 : index
    %swap3A_131 = tpu.vector_load %arg16[%swap3A_130] {strides = array<i32>} : memref<128xi32, #tpu.memory_space<vmem>>, vector<16xi32>,
    tpu.vector_store %arg16[%swap3A_130], %gather3A_129 {strides = array<i32>} : memref<128xi32, #tpu.memory_space<vmem>>, vector<16xi32>,
    %get3A_132 = arith.constant 64 : index
    %get3A_133 = tpu.vector_load %arg12[%get3A_132] {strides = array<i32>} : memref<128xi32, #tpu.memory_space<vmem>>, vector<16xi32>,
    %gather3A_134 = tpu.vector_load_idx %arg23[%get3A_133] : memref<4096xi32, #tpu.memory_space<vmem>>[vector<16xi32>], vector<16xi32>,
    %swap3A_135 = arith.constant 64 : index
    %swap3A_136 = tpu.vector_load %arg16[%swap3A_135] {strides = array<i32>} : memref<128xi32, #tpu.memory_space<vmem>>, vector<16xi32>,
    tpu.vector_store %arg16[%swap3A_135], %gather3A_134 {strides = array<i32>} : memref<128xi32, #tpu.memory_space<vmem>>, vector<16xi32>,
    %get3A_137 = arith.constant 80 : index
    %get3A_138 = tpu.vector_load %arg12[%get3A_137] {strides = array<i32>} : memref<128xi32, #tpu.memory_space<vmem>>, vector<16xi32>,
    %gather3A_139 = tpu.vector_load_idx %arg23[%get3A_138] : memref<4096xi32, #tpu.memory_space<vmem>>[vector<16xi32>], vector<16xi32>,
    %swap3A_140 = arith.constant 80 : index
    %swap3A_141 = tpu.vector_load %arg16[%swap3A_140] {strides = array<i32>} : memref<128xi32, #tpu.memory_space<vmem>>, vector<16xi32>,
    tpu.vector_store %arg16[%swap3A_140], %gather3A_139 {strides = array<i32>} : memref<128xi32, #tpu.memory_space<vmem>>, vector<16xi32>,
    %get3A_142 = arith.constant 96 : index
    %get3A_143 = tpu.vector_load %arg12[%get3A_142] {strides = array<i32>} : memref<128xi32, #tpu.memory_space<vmem>>, vector<16xi32>,
    %gather3A_144 = tpu.vector_load_idx %arg23[%get3A_143] : memref<4096xi32, #tpu.memory_space<vmem>>[vector<16xi32>], vector<16xi32>,
    %swap3A_145 = arith.constant 96 : index
    %swap3A_146 = tpu.vector_load %arg16[%swap3A_145] {strides = array<i32>} : memref<128xi32, #tpu.memory_space<vmem>>, vector<16xi32>,
    tpu.vector_store %arg16[%swap3A_145], %gather3A_144 {strides = array<i32>} : memref<128xi32, #tpu.memory_space<vmem>>, vector<16xi32>,
    %get3A_147 = arith.constant 112 : index
    %get3A_148 = tpu.vector_load %arg12[%get3A_147] {strides = array<i32>} : memref<128xi32, #tpu.memory_space<vmem>>, vector<16xi32>,
    %gather3A_149 = tpu.vector_load_idx %arg23[%get3A_148] : memref<4096xi32, #tpu.memory_space<vmem>>[vector<16xi32>], vector<16xi32>,
    %swap3A_150 = arith.constant 112 : index
    %swap3A_151 = tpu.vector_load %arg16[%swap3A_150] {strides = array<i32>} : memref<128xi32, #tpu.memory_space<vmem>>, vector<16xi32>,
    tpu.vector_store %arg16[%swap3A_150], %gather3A_149 {strides = array<i32>} : memref<128xi32, #tpu.memory_space<vmem>>, vector<16xi32>,
    %dma_start3A_152 = arith.constant 0 : i32
    %dma_start3A_153 = arith.constant 0 : i32
    %dma_start3A_154 = tpu.memref_slice %arg2[%dma_start3A_152, %dma_start3A_153] : memref<1024x128xf32, #tpu.memory_space<hbm>> -> memref<1024x128xf32, #tpu.memory_space<hbm>>
    tpu.enqueue_indirect_dma source(%dma_start3A_154 : memref<1024x128xf32, #tpu.memory_space<hbm>>) target(%arg20 : memref<128x128xf32, #tpu.memory_space<vmem>>) offsets(%arg16 : memref<128xi32, #tpu.memory_space<vmem>>) semaphore(%arg25 : memref<!tpu.dma_semaphore, #tpu.memory_space<semaphore_mem>>)
    %dma_wait3A_155 = tpu.memref_slice %arg3[%add3A_17] : memref<16384xi32, #tpu.memory_space<hbm>> -> memref<128xi32, #tpu.memory_space<hbm>>
    %dma_wait3A_156 = tpu.memref_slice %arg3[%add3A_17] : memref<16384xi32, #tpu.memory_space<hbm>> -> memref<128xi32, #tpu.memory_space<hbm>>
    tpu.wait_dma2 semaphore(%arg24 : memref<!tpu.dma_semaphore, #tpu.memory_space<semaphore_mem>>) src(%dma_wait3A_156 : memref<128xi32, #tpu.memory_space<hbm>>) dst(%arg13 : memref<128xi32, #tpu.memory_space<vmem>>)
    %get3A_157 = arith.constant 0 : index
    %get3A_158 = tpu.vector_load %arg13[%get3A_157] {strides = array<i32>} : memref<128xi32, #tpu.memory_space<vmem>>, vector<16xi32>,
    %gather3A_159 = tpu.vector_load_idx %arg23[%get3A_158] : memref<4096xi32, #tpu.memory_space<vmem>>[vector<16xi32>], vector<16xi32>,
    %swap3A_160 = arith.constant 0 : index
    %swap3A_161 = tpu.vector_load %arg17[%swap3A_160] {strides = array<i32>} : memref<128xi32, #tpu.memory_space<vmem>>, vector<16xi32>,
    tpu.vector_store %arg17[%swap3A_160], %gather3A_159 {strides = array<i32>} : memref<128xi32, #tpu.memory_space<vmem>>, vector<16xi32>,
    %get3A_162 = arith.constant 16 : index
    %get3A_163 = tpu.vector_load %arg13[%get3A_162] {strides = array<i32>} : memref<128xi32, #tpu.memory_space<vmem>>, vector<16xi32>,
    %gather3A_164 = tpu.vector_load_idx %arg23[%get3A_163] : memref<4096xi32, #tpu.memory_space<vmem>>[vector<16xi32>], vector<16xi32>,
    %swap3A_165 = arith.constant 16 : index
    %swap3A_166 = tpu.vector_load %arg17[%swap3A_165] {strides = array<i32>} : memref<128xi32, #tpu.memory_space<vmem>>, vector<16xi32>,
    tpu.vector_store %arg17[%swap3A_165], %gather3A_164 {strides = array<i32>} : memref<128xi32, #tpu.memory_space<vmem>>, vector<16xi32>,
    %get3A_167 = arith.constant 32 : index
    %get3A_168 = tpu.vector_load %arg13[%get3A_167] {strides = array<i32>} : memref<128xi32, #tpu.memory_space<vmem>>, vector<16xi32>,
    %gather3A_169 = tpu.vector_load_idx %arg23[%get3A_168] : memref<4096xi32, #tpu.memory_space<vmem>>[vector<16xi32>], vector<16xi32>,
    %swap3A_170 = arith.constant 32 : index
    %swap3A_171 = tpu.vector_load %arg17[%swap3A_170] {strides = array<i32>} : memref<128xi32, #tpu.memory_space<vmem>>, vector<16xi32>,
    tpu.vector_store %arg17[%swap3A_170], %gather3A_169 {strides = array<i32>} : memref<128xi32, #tpu.memory_space<vmem>>, vector<16xi32>,
    %get3A_172 = arith.constant 48 : index
    %get3A_173 = tpu.vector_load %arg13[%get3A_172] {strides = array<i32>} : memref<128xi32, #tpu.memory_space<vmem>>, vector<16xi32>,
    %gather3A_174 = tpu.vector_load_idx %arg23[%get3A_173] : memref<4096xi32, #tpu.memory_space<vmem>>[vector<16xi32>], vector<16xi32>,
    %swap3A_175 = arith.constant 48 : index
    %swap3A_176 = tpu.vector_load %arg17[%swap3A_175] {strides = array<i32>} : memref<128xi32, #tpu.memory_space<vmem>>, vector<16xi32>,
    tpu.vector_store %arg17[%swap3A_175], %gather3A_174 {strides = array<i32>} : memref<128xi32, #tpu.memory_space<vmem>>, vector<16xi32>,
    %get3A_177 = arith.constant 64 : index
    %get3A_178 = tpu.vector_load %arg13[%get3A_177] {strides = array<i32>} : memref<128xi32, #tpu.memory_space<vmem>>, vector<16xi32>,
    %gather3A_179 = tpu.vector_load_idx %arg23[%get3A_178] : memref<4096xi32, #tpu.memory_space<vmem>>[vector<16xi32>], vector<16xi32>,
    %swap3A_180 = arith.constant 64 : index
    %swap3A_181 = tpu.vector_load %arg17[%swap3A_180] {strides = array<i32>} : memref<128xi32, #tpu.memory_space<vmem>>, vector<16xi32>,
    tpu.vector_store %arg17[%swap3A_180], %gather3A_179 {strides = array<i32>} : memref<128xi32, #tpu.memory_space<vmem>>, vector<16xi32>,
    %get3A_182 = arith.constant 80 : index
    %get3A_183 = tpu.vector_load %arg13[%get3A_182] {strides = array<i32>} : memref<128xi32, #tpu.memory_space<vmem>>, vector<16xi32>,
    %gather3A_184 = tpu.vector_load_idx %arg23[%get3A_183] : memref<4096xi32, #tpu.memory_space<vmem>>[vector<16xi32>], vector<16xi32>,
    %swap3A_185 = arith.constant 80 : index
    %swap3A_186 = tpu.vector_load %arg17[%swap3A_185] {strides = array<i32>} : memref<128xi32, #tpu.memory_space<vmem>>, vector<16xi32>,
    tpu.vector_store %arg17[%swap3A_185], %gather3A_184 {strides = array<i32>} : memref<128xi32, #tpu.memory_space<vmem>>, vector<16xi32>,
    %get3A_187 = arith.constant 96 : index
    %get3A_188 = tpu.vector_load %arg13[%get3A_187] {strides = array<i32>} : memref<128xi32, #tpu.memory_space<vmem>>, vector<16xi32>,
    %gather3A_189 = tpu.vector_load_idx %arg23[%get3A_188] : memref<4096xi32, #tpu.memory_space<vmem>>[vector<16xi32>], vector<16xi32>,
    %swap3A_190 = arith.constant 96 : index
    %swap3A_191 = tpu.vector_load %arg17[%swap3A_190] {strides = array<i32>} : memref<128xi32, #tpu.memory_space<vmem>>, vector<16xi32>,
    tpu.vector_store %arg17[%swap3A_190], %gather3A_189 {strides = array<i32>} : memref<128xi32, #tpu.memory_space<vmem>>, vector<16xi32>,
    %get3A_192 = arith.constant 112 : index
    %get3A_193 = tpu.vector_load %arg13[%get3A_192] {strides = array<i32>} : memref<128xi32, #tpu.memory_space<vmem>>, vector<16xi32>,
    %gather3A_194 = tpu.vector_load_idx %arg23[%get3A_193] : memref<4096xi32, #tpu.memory_space<vmem>>[vector<16xi32>], vector<16xi32>,
    %swap3A_195 = arith.constant 112 : index
    %swap3A_196 = tpu.vector_load %arg17[%swap3A_195] {strides = array<i32>} : memref<128xi32, #tpu.memory_space<vmem>>, vector<16xi32>,
    tpu.vector_store %arg17[%swap3A_195], %gather3A_194 {strides = array<i32>} : memref<128xi32, #tpu.memory_space<vmem>>, vector<16xi32>,
    %dma_start3A_197 = arith.constant 0 : i32
    %dma_start3A_198 = arith.constant 0 : i32
    %dma_start3A_199 = tpu.memref_slice %arg2[%dma_start3A_197, %dma_start3A_198] : memref<1024x128xf32, #tpu.memory_space<hbm>> -> memref<1024x128xf32, #tpu.memory_space<hbm>>
    tpu.enqueue_indirect_dma source(%dma_start3A_199 : memref<1024x128xf32, #tpu.memory_space<hbm>>) target(%arg21 : memref<128x128xf32, #tpu.memory_space<vmem>>) offsets(%arg17 : memref<128xi32, #tpu.memory_space<vmem>>) semaphore(%arg25 : memref<!tpu.dma_semaphore, #tpu.memory_space<semaphore_mem>>)
    %dma_wait3A_200 = tpu.memref_slice %arg23[%add3A_4] : memref<4096xi32, #tpu.memory_space<vmem>> -> memref<128xi32, #tpu.memory_space<vmem>>
    %dma_wait3A_201 = arith.constant 0 : i32
    %dma_wait3A_202 = arith.constant 0 : i32
    %dma_wait3A_203 = tpu.memref_slice %arg2[%dma_wait3A_201, %dma_wait3A_202] : memref<1024x128xf32, #tpu.memory_space<hbm>> -> memref<1024x128xf32, #tpu.memory_space<hbm>>
    tpu.wait_indirect_dma semaphore(%arg25 : memref<!tpu.dma_semaphore, #tpu.memory_space<semaphore_mem>>) src(%dma_wait3A_203 : memref<1024x128xf32, #tpu.memory_space<hbm>>) dst(%arg22 : memref<128x128xf32, #tpu.memory_space<vmem>>)
    %dma_wait3A_204 = arith.constant 0 : i32
    %dma_wait3A_205 = arith.constant 0 : i32
    %dma_wait3A_206 = tpu.memref_slice %arg2[%dma_wait3A_204, %dma_wait3A_205] : memref<1024x128xf32, #tpu.memory_space<hbm>> -> memref<1024x128xf32, #tpu.memory_space<hbm>>
    tpu.wait_indirect_dma semaphore(%arg25 : memref<!tpu.dma_semaphore, #tpu.memory_space<semaphore_mem>>) src(%dma_wait3A_206 : memref<1024x128xf32, #tpu.memory_space<hbm>>) dst(%arg18 : memref<128x128xf32, #tpu.memory_space<vmem>>)
    %dma_wait3A_207 = arith.constant 0 : i32
    %dma_wait3A_208 = arith.constant 0 : i32
    %dma_wait3A_209 = tpu.memref_slice %arg2[%dma_wait3A_207, %dma_wait3A_208] : memref<1024x128xf32, #tpu.memory_space<hbm>> -> memref<1024x128xf32, #tpu.memory_space<hbm>>
    tpu.wait_indirect_dma semaphore(%arg25 : memref<!tpu.dma_semaphore, #tpu.memory_space<semaphore_mem>>) src(%dma_wait3A_209 : memref<1024x128xf32, #tpu.memory_space<hbm>>) dst(%arg19 : memref<128x128xf32, #tpu.memory_space<vmem>>)
    %dma_wait3A_210 = arith.constant 0 : i32
    %dma_wait3A_211 = arith.constant 0 : i32
    %dma_wait3A_212 = tpu.memref_slice %arg2[%dma_wait3A_210, %dma_wait3A_211] : memref<1024x128xf32, #tpu.memory_space<hbm>> -> memref<1024x128xf32, #tpu.memory_space<hbm>>
    tpu.wait_indirect_dma semaphore(%arg25 : memref<!tpu.dma_semaphore, #tpu.memory_space<semaphore_mem>>) src(%dma_wait3A_212 : memref<1024x128xf32, #tpu.memory_space<hbm>>) dst(%arg20 : memref<128x128xf32, #tpu.memory_space<vmem>>)
    %dma_wait3A_213 = arith.constant 0 : i32
    %dma_wait3A_214 = arith.constant 0 : i32
    %dma_wait3A_215 = tpu.memref_slice %arg2[%dma_wait3A_213, %dma_wait3A_214] : memref<1024x128xf32, #tpu.memory_space<hbm>> -> memref<1024x128xf32, #tpu.memory_space<hbm>>
    tpu.wait_indirect_dma semaphore(%arg25 : memref<!tpu.dma_semaphore, #tpu.memory_space<semaphore_mem>>) src(%dma_wait3A_215 : memref<1024x128xf32, #tpu.memory_space<hbm>>) dst(%arg21 : memref<128x128xf32, #tpu.memory_space<vmem>>)
    %dma_start3A_216 = arith.constant 0 : i32
    %dma_start3A_217 = tpu.memref_slice %arg5[%add3A_4, %dma_start3A_216] : memref<4096x128xf32, #tpu.memory_space<hbm>> -> memref<128x128xf32, #tpu.memory_space<hbm>>
    %dma_start3A_218 = arith.constant 0 : i32
    %dma_start3A_219 = tpu.memref_slice %arg5[%add3A_4, %dma_start3A_218] : memref<4096x128xf32, #tpu.memory_space<hbm>> -> memref<128x128xf32, #tpu.memory_space<hbm>>
    tpu.enqueue_dma source(%arg18 : memref<128x128xf32, #tpu.memory_space<vmem>>) target(%dma_start3A_219 : memref<128x128xf32, #tpu.memory_space<hbm>>) target_semaphore(%arg26 : memref<!tpu.dma_semaphore, #tpu.memory_space<semaphore_mem>>)
    %dma_start3A_220 = arith.constant 0 : i32
    %dma_start3A_221 = tpu.memref_slice %arg6[%add3A_4, %dma_start3A_220] : memref<4096x128xf32, #tpu.memory_space<hbm>> -> memref<128x128xf32, #tpu.memory_space<hbm>>
    %dma_start3A_222 = arith.constant 0 : i32
    %dma_start3A_223 = tpu.memref_slice %arg6[%add3A_4, %dma_start3A_222] : memref<4096x128xf32, #tpu.memory_space<hbm>> -> memref<128x128xf32, #tpu.memory_space<hbm>>
    tpu.enqueue_dma source(%arg19 : memref<128x128xf32, #tpu.memory_space<vmem>>) target(%dma_start3A_223 : memref<128x128xf32, #tpu.memory_space<hbm>>) target_semaphore(%arg26 : memref<!tpu.dma_semaphore, #tpu.memory_space<semaphore_mem>>)
    %dma_start3A_224 = arith.constant 0 : i32
    %dma_start3A_225 = tpu.memref_slice %arg7[%add3A_4, %dma_start3A_224] : memref<4096x128xf32, #tpu.memory_space<hbm>> -> memref<128x128xf32, #tpu.memory_space<hbm>>
    %dma_start3A_226 = arith.constant 0 : i32
    %dma_start3A_227 = tpu.memref_slice %arg7[%add3A_4, %dma_start3A_226] : memref<4096x128xf32, #tpu.memory_space<hbm>> -> memref<128x128xf32, #tpu.memory_space<hbm>>
    tpu.enqueue_dma source(%arg20 : memref<128x128xf32, #tpu.memory_space<vmem>>) target(%dma_start3A_227 : memref<128x128xf32, #tpu.memory_space<hbm>>) target_semaphore(%arg26 : memref<!tpu.dma_semaphore, #tpu.memory_space<semaphore_mem>>)
    %dma_start3A_228 = arith.constant 0 : i32
    %dma_start3A_229 = tpu.memref_slice %arg8[%add3A_4, %dma_start3A_228] : memref<4096x128xf32, #tpu.memory_space<hbm>> -> memref<128x128xf32, #tpu.memory_space<hbm>>
    %dma_start3A_230 = arith.constant 0 : i32
    %dma_start3A_231 = tpu.memref_slice %arg8[%add3A_4, %dma_start3A_230] : memref<4096x128xf32, #tpu.memory_space<hbm>> -> memref<128x128xf32, #tpu.memory_space<hbm>>
    tpu.enqueue_dma source(%arg21 : memref<128x128xf32, #tpu.memory_space<vmem>>) target(%dma_start3A_231 : memref<128x128xf32, #tpu.memory_space<hbm>>) target_semaphore(%arg26 : memref<!tpu.dma_semaphore, #tpu.memory_space<semaphore_mem>>)
    %dma_start3A_232 = arith.constant 0 : i32
    %dma_start3A_233 = tpu.memref_slice %arg9[%add3A_4, %dma_start3A_232] : memref<4096x128xf32, #tpu.memory_space<hbm>> -> memref<128x128xf32, #tpu.memory_space<hbm>>
    %dma_start3A_234 = arith.constant 0 : i32
    %dma_start3A_235 = tpu.memref_slice %arg9[%add3A_4, %dma_start3A_234] : memref<4096x128xf32, #tpu.memory_space<hbm>> -> memref<128x128xf32, #tpu.memory_space<hbm>>
    tpu.enqueue_dma source(%arg22 : memref<128x128xf32, #tpu.memory_space<vmem>>) target(%dma_start3A_235 : memref<128x128xf32, #tpu.memory_space<hbm>>) target_semaphore(%arg26 : memref<!tpu.dma_semaphore, #tpu.memory_space<semaphore_mem>>)
    %dma_wait3A_236 = arith.constant 0 : i32
    %dma_wait3A_237 = tpu.memref_slice %arg5[%add3A_4, %dma_wait3A_236] : memref<4096x128xf32, #tpu.memory_space<hbm>> -> memref<128x128xf32, #tpu.memory_space<hbm>>
    %dma_wait3A_238 = arith.constant 0 : i32
    %dma_wait3A_239 = tpu.memref_slice %arg5[%add3A_4, %dma_wait3A_238] : memref<4096x128xf32, #tpu.memory_space<hbm>> -> memref<128x128xf32, #tpu.memory_space<hbm>>
    tpu.wait_dma2 semaphore(%arg26 : memref<!tpu.dma_semaphore, #tpu.memory_space<semaphore_mem>>) src(%arg18 : memref<128x128xf32, #tpu.memory_space<vmem>>) dst(%dma_wait3A_239 : memref<128x128xf32, #tpu.memory_space<hbm>>)
    %dma_wait3A_240 = arith.constant 0 : i32
    %dma_wait3A_241 = tpu.memref_slice %arg6[%add3A_4, %dma_wait3A_240] : memref<4096x128xf32, #tpu.memory_space<hbm>> -> memref<128x128xf32, #tpu.memory_space<hbm>>
    %dma_wait3A_242 = arith.constant 0 : i32
    %dma_wait3A_243 = tpu.memref_slice %arg6[%add3A_4, %dma_wait3A_242] : memref<4096x128xf32, #tpu.memory_space<hbm>> -> memref<128x128xf32, #tpu.memory_space<hbm>>
    tpu.wait_dma2 semaphore(%arg26 : memref<!tpu.dma_semaphore, #tpu.memory_space<semaphore_mem>>) src(%arg19 : memref<128x128xf32, #tpu.memory_space<vmem>>) dst(%dma_wait3A_243 : memref<128x128xf32, #tpu.memory_space<hbm>>)
    %dma_wait3A_244 = arith.constant 0 : i32
    %dma_wait3A_245 = tpu.memref_slice %arg7[%add3A_4, %dma_wait3A_244] : memref<4096x128xf32, #tpu.memory_space<hbm>> -> memref<128x128xf32, #tpu.memory_space<hbm>>
    %dma_wait3A_246 = arith.constant 0 : i32
    %dma_wait3A_247 = tpu.memref_slice %arg7[%add3A_4, %dma_wait3A_246] : memref<4096x128xf32, #tpu.memory_space<hbm>> -> memref<128x128xf32, #tpu.memory_space<hbm>>
    tpu.wait_dma2 semaphore(%arg26 : memref<!tpu.dma_semaphore, #tpu.memory_space<semaphore_mem>>) src(%arg20 : memref<128x128xf32, #tpu.memory_space<vmem>>) dst(%dma_wait3A_247 : memref<128x128xf32, #tpu.memory_space<hbm>>)
    %dma_wait3A_248 = arith.constant 0 : i32
    %dma_wait3A_249 = tpu.memref_slice %arg8[%add3A_4, %dma_wait3A_248] : memref<4096x128xf32, #tpu.memory_space<hbm>> -> memref<128x128xf32, #tpu.memory_space<hbm>>
    %dma_wait3A_250 = arith.constant 0 : i32
    %dma_wait3A_251 = tpu.memref_slice %arg8[%add3A_4, %dma_wait3A_250] : memref<4096x128xf32, #tpu.memory_space<hbm>> -> memref<128x128xf32, #tpu.memory_space<hbm>>
    tpu.wait_dma2 semaphore(%arg26 : memref<!tpu.dma_semaphore, #tpu.memory_space<semaphore_mem>>) src(%arg21 : memref<128x128xf32, #tpu.memory_space<vmem>>) dst(%dma_wait3A_251 : memref<128x128xf32, #tpu.memory_space<hbm>>)
    %dma_wait3A_252 = arith.constant 0 : i32
    %dma_wait3A_253 = tpu.memref_slice %arg9[%add3A_4, %dma_wait3A_252] : memref<4096x128xf32, #tpu.memory_space<hbm>> -> memref<128x128xf32, #tpu.memory_space<hbm>>
    %dma_wait3A_254 = arith.constant 0 : i32
    %dma_wait3A_255 = tpu.memref_slice %arg9[%add3A_4, %dma_wait3A_254] : memref<4096x128xf32, #tpu.memory_space<hbm>> -> memref<128x128xf32, #tpu.memory_space<hbm>>
    tpu.wait_dma2 semaphore(%arg26 : memref<!tpu.dma_semaphore, #tpu.memory_space<semaphore_mem>>) src(%arg22 : memref<128x128xf32, #tpu.memory_space<vmem>>) dst(%dma_wait3A_255 : memref<128x128xf32, #tpu.memory_space<hbm>>)
    return
  }
}

#map = affine_map<(d0, d1) -> (0, 0)>
#map1 = affine_map<(d0, d1) -> (0)>
module attributes {stable_mosaic.version = 14 : i64} {
  func.func @body(%arg0: i32, %arg1: i32, %arg2: memref<4096x128xf32, #tpu.memory_space<hbm>>, %arg3: memref<32768xi32, #tpu.memory_space<hbm>>, %arg4: memref<8192xi32, #tpu.memory_space<hbm>>, %arg5: memref<8192x128xf32, #tpu.memory_space<hbm>>, %arg6: memref<8192x128xf32, #tpu.memory_space<hbm>>, %arg7: memref<8192x128xf32, #tpu.memory_space<hbm>>, %arg8: memref<8192x128xf32, #tpu.memory_space<hbm>>, %arg9: memref<8192x128xf32, #tpu.memory_space<hbm>>, %arg10: memref<128xi32, #tpu.memory_space<vmem>>, %arg11: memref<128xi32, #tpu.memory_space<vmem>>, %arg12: memref<128xi32, #tpu.memory_space<vmem>>, %arg13: memref<128xi32, #tpu.memory_space<vmem>>, %arg14: memref<128xi32, #tpu.memory_space<vmem>>, %arg15: memref<128xi32, #tpu.memory_space<vmem>>, %arg16: memref<128xi32, #tpu.memory_space<vmem>>, %arg17: memref<128xi32, #tpu.memory_space<vmem>>, %arg18: memref<128x128xf32, #tpu.memory_space<vmem>>, %arg19: memref<128x128xf32, #tpu.memory_space<vmem>>, %arg20: memref<128x128xf32, #tpu.memory_space<vmem>>, %arg21: memref<128x128xf32, #tpu.memory_space<vmem>>, %arg22: memref<128x128xf32, #tpu.memory_space<vmem>>, %arg23: memref<8192xi32, #tpu.memory_space<vmem>>, %arg24: memref<!tpu.dma_semaphore, #tpu.memory_space<semaphore_mem>>, %arg25: memref<!tpu.dma_semaphore, #tpu.memory_space<semaphore_mem>>, %arg26: memref<!tpu.dma_semaphore, #tpu.memory_space<semaphore_mem>>) attributes {dimension_semantics = [#tpu.dimension_semantics<core_parallel>, #tpu.dimension_semantics<subcore_parallel>], iteration_bounds = array<i64: 2, 16>, scalar_prefetch = 0 : i64, scratch_operands = 17 : i64, tpu.core_type = #tpu.core_type<sc_vector_subcore>, window_params = [{transform_indices = #map}, {transform_indices = #map1}, {transform_indices = #map1}, {transform_indices = #map}, {transform_indices = #map}, {transform_indices = #map}, {transform_indices = #map}, {transform_indices = #map}]} {
    %mul3A = arith.constant 2 : i32
    %mul3A_0 = arith.muli %arg1, %mul3A : i32
    %add3A = arith.addi %mul3A_0, %arg0 : i32
    "tpu.region"() ({
      %run_scoped3A = tpu.sem_alloc : memref<!tpu.dma_semaphore, #tpu.memory_space<semaphore_mem>>
      tpu.enqueue_dma source(%arg4 : memref<8192xi32, #tpu.memory_space<hbm>>) target(%arg23 : memref<8192xi32, #tpu.memory_space<vmem>>) target_semaphore(%run_scoped3A : memref<!tpu.dma_semaphore, #tpu.memory_space<semaphore_mem>>)
      tpu.wait_dma2 semaphore(%run_scoped3A : memref<!tpu.dma_semaphore, #tpu.memory_space<semaphore_mem>>) src(%arg4 : memref<8192xi32, #tpu.memory_space<hbm>>) dst(%arg23 : memref<8192xi32, #tpu.memory_space<vmem>>)
      tpu.yield
    }) : () -> ()
    %mul3A_1 = arith.constant 256 : i32
    %mul3A_2 = arith.muli %add3A, %mul3A_1 : i32
    %add3A_3 = arith.constant 0 : i32
    %add3A_4 = arith.addi %mul3A_2, %add3A_3 : i32
    %add3A_5 = arith.constant 0 : i32
    %add3A_6 = arith.addi %add3A_5, %add3A_4 : i32
    %dma_start3A = tpu.memref_slice %arg3[%add3A_6] : memref<32768xi32, #tpu.memory_space<hbm>> -> memref<128xi32, #tpu.memory_space<hbm>>
    %dma_start3A_7 = tpu.memref_slice %arg3[%add3A_6] : memref<32768xi32, #tpu.memory_space<hbm>> -> memref<128xi32, #tpu.memory_space<hbm>>
    tpu.enqueue_dma source(%dma_start3A_7 : memref<128xi32, #tpu.memory_space<hbm>>) target(%arg10 : memref<128xi32, #tpu.memory_space<vmem>>) target_semaphore(%arg24 : memref<!tpu.dma_semaphore, #tpu.memory_space<semaphore_mem>>)
    %add3A_8 = arith.constant 8192 : i32
    %add3A_9 = arith.addi %add3A_8, %add3A_4 : i32
    %dma_start3A_10 = tpu.memref_slice %arg3[%add3A_9] : memref<32768xi32, #tpu.memory_space<hbm>> -> memref<128xi32, #tpu.memory_space<hbm>>
    %dma_start3A_11 = tpu.memref_slice %arg3[%add3A_9] : memref<32768xi32, #tpu.memory_space<hbm>> -> memref<128xi32, #tpu.memory_space<hbm>>
    tpu.enqueue_dma source(%dma_start3A_11 : memref<128xi32, #tpu.memory_space<hbm>>) target(%arg11 : memref<128xi32, #tpu.memory_space<vmem>>) target_semaphore(%arg24 : memref<!tpu.dma_semaphore, #tpu.memory_space<semaphore_mem>>)
    %add3A_12 = arith.constant 16384 : i32
    %add3A_13 = arith.addi %add3A_12, %add3A_4 : i32
    %dma_start3A_14 = tpu.memref_slice %arg3[%add3A_13] : memref<32768xi32, #tpu.memory_space<hbm>> -> memref<128xi32, #tpu.memory_space<hbm>>
    %dma_start3A_15 = tpu.memref_slice %arg3[%add3A_13] : memref<32768xi32, #tpu.memory_space<hbm>> -> memref<128xi32, #tpu.memory_space<hbm>>
    tpu.enqueue_dma source(%dma_start3A_15 : memref<128xi32, #tpu.memory_space<hbm>>) target(%arg12 : memref<128xi32, #tpu.memory_space<vmem>>) target_semaphore(%arg24 : memref<!tpu.dma_semaphore, #tpu.memory_space<semaphore_mem>>)
    %add3A_16 = arith.constant 24576 : i32
    %add3A_17 = arith.addi %add3A_16, %add3A_4 : i32
    %dma_start3A_18 = tpu.memref_slice %arg3[%add3A_17] : memref<32768xi32, #tpu.memory_space<hbm>> -> memref<128xi32, #tpu.memory_space<hbm>>
    %dma_start3A_19 = tpu.memref_slice %arg3[%add3A_17] : memref<32768xi32, #tpu.memory_space<hbm>> -> memref<128xi32, #tpu.memory_space<hbm>>
    tpu.enqueue_dma source(%dma_start3A_19 : memref<128xi32, #tpu.memory_space<hbm>>) target(%arg13 : memref<128xi32, #tpu.memory_space<vmem>>) target_semaphore(%arg24 : memref<!tpu.dma_semaphore, #tpu.memory_space<semaphore_mem>>)
    %dma_start3A_20 = tpu.memref_slice %arg23[%add3A_4] : memref<8192xi32, #tpu.memory_space<vmem>> -> memref<128xi32, #tpu.memory_space<vmem>>
    %dma_start3A_21 = arith.constant 0 : i32
    %dma_start3A_22 = arith.constant 0 : i32
    %dma_start3A_23 = tpu.memref_slice %arg2[%dma_start3A_21, %dma_start3A_22] : memref<4096x128xf32, #tpu.memory_space<hbm>> -> memref<4096x128xf32, #tpu.memory_space<hbm>>
    tpu.enqueue_indirect_dma source(%dma_start3A_23 : memref<4096x128xf32, #tpu.memory_space<hbm>>) target(%arg22 : memref<128x128xf32, #tpu.memory_space<vmem>>) offsets(%dma_start3A_20 : memref<128xi32, #tpu.memory_space<vmem>>) semaphore(%arg25 : memref<!tpu.dma_semaphore, #tpu.memory_space<semaphore_mem>>)
    %dma_wait3A = tpu.memref_slice %arg3[%add3A_6] : memref<32768xi32, #tpu.memory_space<hbm>> -> memref<128xi32, #tpu.memory_space<hbm>>
    %dma_wait3A_24 = tpu.memref_slice %arg3[%add3A_6] : memref<32768xi32, #tpu.memory_space<hbm>> -> memref<128xi32, #tpu.memory_space<hbm>>
    tpu.wait_dma2 semaphore(%arg24 : memref<!tpu.dma_semaphore, #tpu.memory_space<semaphore_mem>>) src(%dma_wait3A_24 : memref<128xi32, #tpu.memory_space<hbm>>) dst(%arg10 : memref<128xi32, #tpu.memory_space<vmem>>)
    %get3A = arith.constant 0 : index
    %get3A_25 = tpu.vector_load %arg10[%get3A] {strides = array<i32>} : memref<128xi32, #tpu.memory_space<vmem>>, vector<16xi32>,
    %gather3A = tpu.vector_load_idx %arg23[%get3A_25] : memref<8192xi32, #tpu.memory_space<vmem>>[vector<16xi32>], vector<16xi32>,
    %swap3A = arith.constant 0 : index
    %swap3A_26 = tpu.vector_load %arg14[%swap3A] {strides = array<i32>} : memref<128xi32, #tpu.memory_space<vmem>>, vector<16xi32>,
    tpu.vector_store %arg14[%swap3A], %gather3A {strides = array<i32>} : memref<128xi32, #tpu.memory_space<vmem>>, vector<16xi32>,
    %get3A_27 = arith.constant 16 : index
    %get3A_28 = tpu.vector_load %arg10[%get3A_27] {strides = array<i32>} : memref<128xi32, #tpu.memory_space<vmem>>, vector<16xi32>,
    %gather3A_29 = tpu.vector_load_idx %arg23[%get3A_28] : memref<8192xi32, #tpu.memory_space<vmem>>[vector<16xi32>], vector<16xi32>,
    %swap3A_30 = arith.constant 16 : index
    %swap3A_31 = tpu.vector_load %arg14[%swap3A_30] {strides = array<i32>} : memref<128xi32, #tpu.memory_space<vmem>>, vector<16xi32>,
    tpu.vector_store %arg14[%swap3A_30], %gather3A_29 {strides = array<i32>} : memref<128xi32, #tpu.memory_space<vmem>>, vector<16xi32>,
    %get3A_32 = arith.constant 32 : index
    %get3A_33 = tpu.vector_load %arg10[%get3A_32] {strides = array<i32>} : memref<128xi32, #tpu.memory_space<vmem>>, vector<16xi32>,
    %gather3A_34 = tpu.vector_load_idx %arg23[%get3A_33] : memref<8192xi32, #tpu.memory_space<vmem>>[vector<16xi32>], vector<16xi32>,
    %swap3A_35 = arith.constant 32 : index
    %swap3A_36 = tpu.vector_load %arg14[%swap3A_35] {strides = array<i32>} : memref<128xi32, #tpu.memory_space<vmem>>, vector<16xi32>,
    tpu.vector_store %arg14[%swap3A_35], %gather3A_34 {strides = array<i32>} : memref<128xi32, #tpu.memory_space<vmem>>, vector<16xi32>,
    %get3A_37 = arith.constant 48 : index
    %get3A_38 = tpu.vector_load %arg10[%get3A_37] {strides = array<i32>} : memref<128xi32, #tpu.memory_space<vmem>>, vector<16xi32>,
    %gather3A_39 = tpu.vector_load_idx %arg23[%get3A_38] : memref<8192xi32, #tpu.memory_space<vmem>>[vector<16xi32>], vector<16xi32>,
    %swap3A_40 = arith.constant 48 : index
    %swap3A_41 = tpu.vector_load %arg14[%swap3A_40] {strides = array<i32>} : memref<128xi32, #tpu.memory_space<vmem>>, vector<16xi32>,
    tpu.vector_store %arg14[%swap3A_40], %gather3A_39 {strides = array<i32>} : memref<128xi32, #tpu.memory_space<vmem>>, vector<16xi32>,
    %get3A_42 = arith.constant 64 : index
    %get3A_43 = tpu.vector_load %arg10[%get3A_42] {strides = array<i32>} : memref<128xi32, #tpu.memory_space<vmem>>, vector<16xi32>,
    %gather3A_44 = tpu.vector_load_idx %arg23[%get3A_43] : memref<8192xi32, #tpu.memory_space<vmem>>[vector<16xi32>], vector<16xi32>,
    %swap3A_45 = arith.constant 64 : index
    %swap3A_46 = tpu.vector_load %arg14[%swap3A_45] {strides = array<i32>} : memref<128xi32, #tpu.memory_space<vmem>>, vector<16xi32>,
    tpu.vector_store %arg14[%swap3A_45], %gather3A_44 {strides = array<i32>} : memref<128xi32, #tpu.memory_space<vmem>>, vector<16xi32>,
    %get3A_47 = arith.constant 80 : index
    %get3A_48 = tpu.vector_load %arg10[%get3A_47] {strides = array<i32>} : memref<128xi32, #tpu.memory_space<vmem>>, vector<16xi32>,
    %gather3A_49 = tpu.vector_load_idx %arg23[%get3A_48] : memref<8192xi32, #tpu.memory_space<vmem>>[vector<16xi32>], vector<16xi32>,
    %swap3A_50 = arith.constant 80 : index
    %swap3A_51 = tpu.vector_load %arg14[%swap3A_50] {strides = array<i32>} : memref<128xi32, #tpu.memory_space<vmem>>, vector<16xi32>,
    tpu.vector_store %arg14[%swap3A_50], %gather3A_49 {strides = array<i32>} : memref<128xi32, #tpu.memory_space<vmem>>, vector<16xi32>,
    %get3A_52 = arith.constant 96 : index
    %get3A_53 = tpu.vector_load %arg10[%get3A_52] {strides = array<i32>} : memref<128xi32, #tpu.memory_space<vmem>>, vector<16xi32>,
    %gather3A_54 = tpu.vector_load_idx %arg23[%get3A_53] : memref<8192xi32, #tpu.memory_space<vmem>>[vector<16xi32>], vector<16xi32>,
    %swap3A_55 = arith.constant 96 : index
    %swap3A_56 = tpu.vector_load %arg14[%swap3A_55] {strides = array<i32>} : memref<128xi32, #tpu.memory_space<vmem>>, vector<16xi32>,
    tpu.vector_store %arg14[%swap3A_55], %gather3A_54 {strides = array<i32>} : memref<128xi32, #tpu.memory_space<vmem>>, vector<16xi32>,
    %get3A_57 = arith.constant 112 : index
    %get3A_58 = tpu.vector_load %arg10[%get3A_57] {strides = array<i32>} : memref<128xi32, #tpu.memory_space<vmem>>, vector<16xi32>,
    %gather3A_59 = tpu.vector_load_idx %arg23[%get3A_58] : memref<8192xi32, #tpu.memory_space<vmem>>[vector<16xi32>], vector<16xi32>,
    %swap3A_60 = arith.constant 112 : index
    %swap3A_61 = tpu.vector_load %arg14[%swap3A_60] {strides = array<i32>} : memref<128xi32, #tpu.memory_space<vmem>>, vector<16xi32>,
    tpu.vector_store %arg14[%swap3A_60], %gather3A_59 {strides = array<i32>} : memref<128xi32, #tpu.memory_space<vmem>>, vector<16xi32>,
    %dma_start3A_62 = arith.constant 0 : i32
    %dma_start3A_63 = arith.constant 0 : i32
    %dma_start3A_64 = tpu.memref_slice %arg2[%dma_start3A_62, %dma_start3A_63] : memref<4096x128xf32, #tpu.memory_space<hbm>> -> memref<4096x128xf32, #tpu.memory_space<hbm>>
    tpu.enqueue_indirect_dma source(%dma_start3A_64 : memref<4096x128xf32, #tpu.memory_space<hbm>>) target(%arg18 : memref<128x128xf32, #tpu.memory_space<vmem>>) offsets(%arg14 : memref<128xi32, #tpu.memory_space<vmem>>) semaphore(%arg25 : memref<!tpu.dma_semaphore, #tpu.memory_space<semaphore_mem>>)
    %dma_wait3A_65 = tpu.memref_slice %arg3[%add3A_9] : memref<32768xi32, #tpu.memory_space<hbm>> -> memref<128xi32, #tpu.memory_space<hbm>>
    %dma_wait3A_66 = tpu.memref_slice %arg3[%add3A_9] : memref<32768xi32, #tpu.memory_space<hbm>> -> memref<128xi32, #tpu.memory_space<hbm>>
    tpu.wait_dma2 semaphore(%arg24 : memref<!tpu.dma_semaphore, #tpu.memory_space<semaphore_mem>>) src(%dma_wait3A_66 : memref<128xi32, #tpu.memory_space<hbm>>) dst(%arg11 : memref<128xi32, #tpu.memory_space<vmem>>)
    %get3A_67 = arith.constant 0 : index
    %get3A_68 = tpu.vector_load %arg11[%get3A_67] {strides = array<i32>} : memref<128xi32, #tpu.memory_space<vmem>>, vector<16xi32>,
    %gather3A_69 = tpu.vector_load_idx %arg23[%get3A_68] : memref<8192xi32, #tpu.memory_space<vmem>>[vector<16xi32>], vector<16xi32>,
    %swap3A_70 = arith.constant 0 : index
    %swap3A_71 = tpu.vector_load %arg15[%swap3A_70] {strides = array<i32>} : memref<128xi32, #tpu.memory_space<vmem>>, vector<16xi32>,
    tpu.vector_store %arg15[%swap3A_70], %gather3A_69 {strides = array<i32>} : memref<128xi32, #tpu.memory_space<vmem>>, vector<16xi32>,
    %get3A_72 = arith.constant 16 : index
    %get3A_73 = tpu.vector_load %arg11[%get3A_72] {strides = array<i32>} : memref<128xi32, #tpu.memory_space<vmem>>, vector<16xi32>,
    %gather3A_74 = tpu.vector_load_idx %arg23[%get3A_73] : memref<8192xi32, #tpu.memory_space<vmem>>[vector<16xi32>], vector<16xi32>,
    %swap3A_75 = arith.constant 16 : index
    %swap3A_76 = tpu.vector_load %arg15[%swap3A_75] {strides = array<i32>} : memref<128xi32, #tpu.memory_space<vmem>>, vector<16xi32>,
    tpu.vector_store %arg15[%swap3A_75], %gather3A_74 {strides = array<i32>} : memref<128xi32, #tpu.memory_space<vmem>>, vector<16xi32>,
    %get3A_77 = arith.constant 32 : index
    %get3A_78 = tpu.vector_load %arg11[%get3A_77] {strides = array<i32>} : memref<128xi32, #tpu.memory_space<vmem>>, vector<16xi32>,
    %gather3A_79 = tpu.vector_load_idx %arg23[%get3A_78] : memref<8192xi32, #tpu.memory_space<vmem>>[vector<16xi32>], vector<16xi32>,
    %swap3A_80 = arith.constant 32 : index
    %swap3A_81 = tpu.vector_load %arg15[%swap3A_80] {strides = array<i32>} : memref<128xi32, #tpu.memory_space<vmem>>, vector<16xi32>,
    tpu.vector_store %arg15[%swap3A_80], %gather3A_79 {strides = array<i32>} : memref<128xi32, #tpu.memory_space<vmem>>, vector<16xi32>,
    %get3A_82 = arith.constant 48 : index
    %get3A_83 = tpu.vector_load %arg11[%get3A_82] {strides = array<i32>} : memref<128xi32, #tpu.memory_space<vmem>>, vector<16xi32>,
    %gather3A_84 = tpu.vector_load_idx %arg23[%get3A_83] : memref<8192xi32, #tpu.memory_space<vmem>>[vector<16xi32>], vector<16xi32>,
    %swap3A_85 = arith.constant 48 : index
    %swap3A_86 = tpu.vector_load %arg15[%swap3A_85] {strides = array<i32>} : memref<128xi32, #tpu.memory_space<vmem>>, vector<16xi32>,
    tpu.vector_store %arg15[%swap3A_85], %gather3A_84 {strides = array<i32>} : memref<128xi32, #tpu.memory_space<vmem>>, vector<16xi32>,
    %get3A_87 = arith.constant 64 : index
    %get3A_88 = tpu.vector_load %arg11[%get3A_87] {strides = array<i32>} : memref<128xi32, #tpu.memory_space<vmem>>, vector<16xi32>,
    %gather3A_89 = tpu.vector_load_idx %arg23[%get3A_88] : memref<8192xi32, #tpu.memory_space<vmem>>[vector<16xi32>], vector<16xi32>,
    %swap3A_90 = arith.constant 64 : index
    %swap3A_91 = tpu.vector_load %arg15[%swap3A_90] {strides = array<i32>} : memref<128xi32, #tpu.memory_space<vmem>>, vector<16xi32>,
    tpu.vector_store %arg15[%swap3A_90], %gather3A_89 {strides = array<i32>} : memref<128xi32, #tpu.memory_space<vmem>>, vector<16xi32>,
    %get3A_92 = arith.constant 80 : index
    %get3A_93 = tpu.vector_load %arg11[%get3A_92] {strides = array<i32>} : memref<128xi32, #tpu.memory_space<vmem>>, vector<16xi32>,
    %gather3A_94 = tpu.vector_load_idx %arg23[%get3A_93] : memref<8192xi32, #tpu.memory_space<vmem>>[vector<16xi32>], vector<16xi32>,
    %swap3A_95 = arith.constant 80 : index
    %swap3A_96 = tpu.vector_load %arg15[%swap3A_95] {strides = array<i32>} : memref<128xi32, #tpu.memory_space<vmem>>, vector<16xi32>,
    tpu.vector_store %arg15[%swap3A_95], %gather3A_94 {strides = array<i32>} : memref<128xi32, #tpu.memory_space<vmem>>, vector<16xi32>,
    %get3A_97 = arith.constant 96 : index
    %get3A_98 = tpu.vector_load %arg11[%get3A_97] {strides = array<i32>} : memref<128xi32, #tpu.memory_space<vmem>>, vector<16xi32>,
    %gather3A_99 = tpu.vector_load_idx %arg23[%get3A_98] : memref<8192xi32, #tpu.memory_space<vmem>>[vector<16xi32>], vector<16xi32>,
    %swap3A_100 = arith.constant 96 : index
    %swap3A_101 = tpu.vector_load %arg15[%swap3A_100] {strides = array<i32>} : memref<128xi32, #tpu.memory_space<vmem>>, vector<16xi32>,
    tpu.vector_store %arg15[%swap3A_100], %gather3A_99 {strides = array<i32>} : memref<128xi32, #tpu.memory_space<vmem>>, vector<16xi32>,
    %get3A_102 = arith.constant 112 : index
    %get3A_103 = tpu.vector_load %arg11[%get3A_102] {strides = array<i32>} : memref<128xi32, #tpu.memory_space<vmem>>, vector<16xi32>,
    %gather3A_104 = tpu.vector_load_idx %arg23[%get3A_103] : memref<8192xi32, #tpu.memory_space<vmem>>[vector<16xi32>], vector<16xi32>,
    %swap3A_105 = arith.constant 112 : index
    %swap3A_106 = tpu.vector_load %arg15[%swap3A_105] {strides = array<i32>} : memref<128xi32, #tpu.memory_space<vmem>>, vector<16xi32>,
    tpu.vector_store %arg15[%swap3A_105], %gather3A_104 {strides = array<i32>} : memref<128xi32, #tpu.memory_space<vmem>>, vector<16xi32>,
    %dma_start3A_107 = arith.constant 0 : i32
    %dma_start3A_108 = arith.constant 0 : i32
    %dma_start3A_109 = tpu.memref_slice %arg2[%dma_start3A_107, %dma_start3A_108] : memref<4096x128xf32, #tpu.memory_space<hbm>> -> memref<4096x128xf32, #tpu.memory_space<hbm>>
    tpu.enqueue_indirect_dma source(%dma_start3A_109 : memref<4096x128xf32, #tpu.memory_space<hbm>>) target(%arg19 : memref<128x128xf32, #tpu.memory_space<vmem>>) offsets(%arg15 : memref<128xi32, #tpu.memory_space<vmem>>) semaphore(%arg25 : memref<!tpu.dma_semaphore, #tpu.memory_space<semaphore_mem>>)
    %dma_wait3A_110 = tpu.memref_slice %arg3[%add3A_13] : memref<32768xi32, #tpu.memory_space<hbm>> -> memref<128xi32, #tpu.memory_space<hbm>>
    %dma_wait3A_111 = tpu.memref_slice %arg3[%add3A_13] : memref<32768xi32, #tpu.memory_space<hbm>> -> memref<128xi32, #tpu.memory_space<hbm>>
    tpu.wait_dma2 semaphore(%arg24 : memref<!tpu.dma_semaphore, #tpu.memory_space<semaphore_mem>>) src(%dma_wait3A_111 : memref<128xi32, #tpu.memory_space<hbm>>) dst(%arg12 : memref<128xi32, #tpu.memory_space<vmem>>)
    %get3A_112 = arith.constant 0 : index
    %get3A_113 = tpu.vector_load %arg12[%get3A_112] {strides = array<i32>} : memref<128xi32, #tpu.memory_space<vmem>>, vector<16xi32>,
    %gather3A_114 = tpu.vector_load_idx %arg23[%get3A_113] : memref<8192xi32, #tpu.memory_space<vmem>>[vector<16xi32>], vector<16xi32>,
    %swap3A_115 = arith.constant 0 : index
    %swap3A_116 = tpu.vector_load %arg16[%swap3A_115] {strides = array<i32>} : memref<128xi32, #tpu.memory_space<vmem>>, vector<16xi32>,
    tpu.vector_store %arg16[%swap3A_115], %gather3A_114 {strides = array<i32>} : memref<128xi32, #tpu.memory_space<vmem>>, vector<16xi32>,
    %get3A_117 = arith.constant 16 : index
    %get3A_118 = tpu.vector_load %arg12[%get3A_117] {strides = array<i32>} : memref<128xi32, #tpu.memory_space<vmem>>, vector<16xi32>,
    %gather3A_119 = tpu.vector_load_idx %arg23[%get3A_118] : memref<8192xi32, #tpu.memory_space<vmem>>[vector<16xi32>], vector<16xi32>,
    %swap3A_120 = arith.constant 16 : index
    %swap3A_121 = tpu.vector_load %arg16[%swap3A_120] {strides = array<i32>} : memref<128xi32, #tpu.memory_space<vmem>>, vector<16xi32>,
    tpu.vector_store %arg16[%swap3A_120], %gather3A_119 {strides = array<i32>} : memref<128xi32, #tpu.memory_space<vmem>>, vector<16xi32>,
    %get3A_122 = arith.constant 32 : index
    %get3A_123 = tpu.vector_load %arg12[%get3A_122] {strides = array<i32>} : memref<128xi32, #tpu.memory_space<vmem>>, vector<16xi32>,
    %gather3A_124 = tpu.vector_load_idx %arg23[%get3A_123] : memref<8192xi32, #tpu.memory_space<vmem>>[vector<16xi32>], vector<16xi32>,
    %swap3A_125 = arith.constant 32 : index
    %swap3A_126 = tpu.vector_load %arg16[%swap3A_125] {strides = array<i32>} : memref<128xi32, #tpu.memory_space<vmem>>, vector<16xi32>,
    tpu.vector_store %arg16[%swap3A_125], %gather3A_124 {strides = array<i32>} : memref<128xi32, #tpu.memory_space<vmem>>, vector<16xi32>,
    %get3A_127 = arith.constant 48 : index
    %get3A_128 = tpu.vector_load %arg12[%get3A_127] {strides = array<i32>} : memref<128xi32, #tpu.memory_space<vmem>>, vector<16xi32>,
    %gather3A_129 = tpu.vector_load_idx %arg23[%get3A_128] : memref<8192xi32, #tpu.memory_space<vmem>>[vector<16xi32>], vector<16xi32>,
    %swap3A_130 = arith.constant 48 : index
    %swap3A_131 = tpu.vector_load %arg16[%swap3A_130] {strides = array<i32>} : memref<128xi32, #tpu.memory_space<vmem>>, vector<16xi32>,
    tpu.vector_store %arg16[%swap3A_130], %gather3A_129 {strides = array<i32>} : memref<128xi32, #tpu.memory_space<vmem>>, vector<16xi32>,
    %get3A_132 = arith.constant 64 : index
    %get3A_133 = tpu.vector_load %arg12[%get3A_132] {strides = array<i32>} : memref<128xi32, #tpu.memory_space<vmem>>, vector<16xi32>,
    %gather3A_134 = tpu.vector_load_idx %arg23[%get3A_133] : memref<8192xi32, #tpu.memory_space<vmem>>[vector<16xi32>], vector<16xi32>,
    %swap3A_135 = arith.constant 64 : index
    %swap3A_136 = tpu.vector_load %arg16[%swap3A_135] {strides = array<i32>} : memref<128xi32, #tpu.memory_space<vmem>>, vector<16xi32>,
    tpu.vector_store %arg16[%swap3A_135], %gather3A_134 {strides = array<i32>} : memref<128xi32, #tpu.memory_space<vmem>>, vector<16xi32>,
    %get3A_137 = arith.constant 80 : index
    %get3A_138 = tpu.vector_load %arg12[%get3A_137] {strides = array<i32>} : memref<128xi32, #tpu.memory_space<vmem>>, vector<16xi32>,
    %gather3A_139 = tpu.vector_load_idx %arg23[%get3A_138] : memref<8192xi32, #tpu.memory_space<vmem>>[vector<16xi32>], vector<16xi32>,
    %swap3A_140 = arith.constant 80 : index
    %swap3A_141 = tpu.vector_load %arg16[%swap3A_140] {strides = array<i32>} : memref<128xi32, #tpu.memory_space<vmem>>, vector<16xi32>,
    tpu.vector_store %arg16[%swap3A_140], %gather3A_139 {strides = array<i32>} : memref<128xi32, #tpu.memory_space<vmem>>, vector<16xi32>,
    %get3A_142 = arith.constant 96 : index
    %get3A_143 = tpu.vector_load %arg12[%get3A_142] {strides = array<i32>} : memref<128xi32, #tpu.memory_space<vmem>>, vector<16xi32>,
    %gather3A_144 = tpu.vector_load_idx %arg23[%get3A_143] : memref<8192xi32, #tpu.memory_space<vmem>>[vector<16xi32>], vector<16xi32>,
    %swap3A_145 = arith.constant 96 : index
    %swap3A_146 = tpu.vector_load %arg16[%swap3A_145] {strides = array<i32>} : memref<128xi32, #tpu.memory_space<vmem>>, vector<16xi32>,
    tpu.vector_store %arg16[%swap3A_145], %gather3A_144 {strides = array<i32>} : memref<128xi32, #tpu.memory_space<vmem>>, vector<16xi32>,
    %get3A_147 = arith.constant 112 : index
    %get3A_148 = tpu.vector_load %arg12[%get3A_147] {strides = array<i32>} : memref<128xi32, #tpu.memory_space<vmem>>, vector<16xi32>,
    %gather3A_149 = tpu.vector_load_idx %arg23[%get3A_148] : memref<8192xi32, #tpu.memory_space<vmem>>[vector<16xi32>], vector<16xi32>,
    %swap3A_150 = arith.constant 112 : index
    %swap3A_151 = tpu.vector_load %arg16[%swap3A_150] {strides = array<i32>} : memref<128xi32, #tpu.memory_space<vmem>>, vector<16xi32>,
    tpu.vector_store %arg16[%swap3A_150], %gather3A_149 {strides = array<i32>} : memref<128xi32, #tpu.memory_space<vmem>>, vector<16xi32>,
    %dma_start3A_152 = arith.constant 0 : i32
    %dma_start3A_153 = arith.constant 0 : i32
    %dma_start3A_154 = tpu.memref_slice %arg2[%dma_start3A_152, %dma_start3A_153] : memref<4096x128xf32, #tpu.memory_space<hbm>> -> memref<4096x128xf32, #tpu.memory_space<hbm>>
    tpu.enqueue_indirect_dma source(%dma_start3A_154 : memref<4096x128xf32, #tpu.memory_space<hbm>>) target(%arg20 : memref<128x128xf32, #tpu.memory_space<vmem>>) offsets(%arg16 : memref<128xi32, #tpu.memory_space<vmem>>) semaphore(%arg25 : memref<!tpu.dma_semaphore, #tpu.memory_space<semaphore_mem>>)
    %dma_wait3A_155 = tpu.memref_slice %arg3[%add3A_17] : memref<32768xi32, #tpu.memory_space<hbm>> -> memref<128xi32, #tpu.memory_space<hbm>>
    %dma_wait3A_156 = tpu.memref_slice %arg3[%add3A_17] : memref<32768xi32, #tpu.memory_space<hbm>> -> memref<128xi32, #tpu.memory_space<hbm>>
    tpu.wait_dma2 semaphore(%arg24 : memref<!tpu.dma_semaphore, #tpu.memory_space<semaphore_mem>>) src(%dma_wait3A_156 : memref<128xi32, #tpu.memory_space<hbm>>) dst(%arg13 : memref<128xi32, #tpu.memory_space<vmem>>)
    %get3A_157 = arith.constant 0 : index
    %get3A_158 = tpu.vector_load %arg13[%get3A_157] {strides = array<i32>} : memref<128xi32, #tpu.memory_space<vmem>>, vector<16xi32>,
    %gather3A_159 = tpu.vector_load_idx %arg23[%get3A_158] : memref<8192xi32, #tpu.memory_space<vmem>>[vector<16xi32>], vector<16xi32>,
    %swap3A_160 = arith.constant 0 : index
    %swap3A_161 = tpu.vector_load %arg17[%swap3A_160] {strides = array<i32>} : memref<128xi32, #tpu.memory_space<vmem>>, vector<16xi32>,
    tpu.vector_store %arg17[%swap3A_160], %gather3A_159 {strides = array<i32>} : memref<128xi32, #tpu.memory_space<vmem>>, vector<16xi32>,
    %get3A_162 = arith.constant 16 : index
    %get3A_163 = tpu.vector_load %arg13[%get3A_162] {strides = array<i32>} : memref<128xi32, #tpu.memory_space<vmem>>, vector<16xi32>,
    %gather3A_164 = tpu.vector_load_idx %arg23[%get3A_163] : memref<8192xi32, #tpu.memory_space<vmem>>[vector<16xi32>], vector<16xi32>,
    %swap3A_165 = arith.constant 16 : index
    %swap3A_166 = tpu.vector_load %arg17[%swap3A_165] {strides = array<i32>} : memref<128xi32, #tpu.memory_space<vmem>>, vector<16xi32>,
    tpu.vector_store %arg17[%swap3A_165], %gather3A_164 {strides = array<i32>} : memref<128xi32, #tpu.memory_space<vmem>>, vector<16xi32>,
    %get3A_167 = arith.constant 32 : index
    %get3A_168 = tpu.vector_load %arg13[%get3A_167] {strides = array<i32>} : memref<128xi32, #tpu.memory_space<vmem>>, vector<16xi32>,
    %gather3A_169 = tpu.vector_load_idx %arg23[%get3A_168] : memref<8192xi32, #tpu.memory_space<vmem>>[vector<16xi32>], vector<16xi32>,
    %swap3A_170 = arith.constant 32 : index
    %swap3A_171 = tpu.vector_load %arg17[%swap3A_170] {strides = array<i32>} : memref<128xi32, #tpu.memory_space<vmem>>, vector<16xi32>,
    tpu.vector_store %arg17[%swap3A_170], %gather3A_169 {strides = array<i32>} : memref<128xi32, #tpu.memory_space<vmem>>, vector<16xi32>,
    %get3A_172 = arith.constant 48 : index
    %get3A_173 = tpu.vector_load %arg13[%get3A_172] {strides = array<i32>} : memref<128xi32, #tpu.memory_space<vmem>>, vector<16xi32>,
    %gather3A_174 = tpu.vector_load_idx %arg23[%get3A_173] : memref<8192xi32, #tpu.memory_space<vmem>>[vector<16xi32>], vector<16xi32>,
    %swap3A_175 = arith.constant 48 : index
    %swap3A_176 = tpu.vector_load %arg17[%swap3A_175] {strides = array<i32>} : memref<128xi32, #tpu.memory_space<vmem>>, vector<16xi32>,
    tpu.vector_store %arg17[%swap3A_175], %gather3A_174 {strides = array<i32>} : memref<128xi32, #tpu.memory_space<vmem>>, vector<16xi32>,
    %get3A_177 = arith.constant 64 : index
    %get3A_178 = tpu.vector_load %arg13[%get3A_177] {strides = array<i32>} : memref<128xi32, #tpu.memory_space<vmem>>, vector<16xi32>,
    %gather3A_179 = tpu.vector_load_idx %arg23[%get3A_178] : memref<8192xi32, #tpu.memory_space<vmem>>[vector<16xi32>], vector<16xi32>,
    %swap3A_180 = arith.constant 64 : index
    %swap3A_181 = tpu.vector_load %arg17[%swap3A_180] {strides = array<i32>} : memref<128xi32, #tpu.memory_space<vmem>>, vector<16xi32>,
    tpu.vector_store %arg17[%swap3A_180], %gather3A_179 {strides = array<i32>} : memref<128xi32, #tpu.memory_space<vmem>>, vector<16xi32>,
    %get3A_182 = arith.constant 80 : index
    %get3A_183 = tpu.vector_load %arg13[%get3A_182] {strides = array<i32>} : memref<128xi32, #tpu.memory_space<vmem>>, vector<16xi32>,
    %gather3A_184 = tpu.vector_load_idx %arg23[%get3A_183] : memref<8192xi32, #tpu.memory_space<vmem>>[vector<16xi32>], vector<16xi32>,
    %swap3A_185 = arith.constant 80 : index
    %swap3A_186 = tpu.vector_load %arg17[%swap3A_185] {strides = array<i32>} : memref<128xi32, #tpu.memory_space<vmem>>, vector<16xi32>,
    tpu.vector_store %arg17[%swap3A_185], %gather3A_184 {strides = array<i32>} : memref<128xi32, #tpu.memory_space<vmem>>, vector<16xi32>,
    %get3A_187 = arith.constant 96 : index
    %get3A_188 = tpu.vector_load %arg13[%get3A_187] {strides = array<i32>} : memref<128xi32, #tpu.memory_space<vmem>>, vector<16xi32>,
    %gather3A_189 = tpu.vector_load_idx %arg23[%get3A_188] : memref<8192xi32, #tpu.memory_space<vmem>>[vector<16xi32>], vector<16xi32>,
    %swap3A_190 = arith.constant 96 : index
    %swap3A_191 = tpu.vector_load %arg17[%swap3A_190] {strides = array<i32>} : memref<128xi32, #tpu.memory_space<vmem>>, vector<16xi32>,
    tpu.vector_store %arg17[%swap3A_190], %gather3A_189 {strides = array<i32>} : memref<128xi32, #tpu.memory_space<vmem>>, vector<16xi32>,
    %get3A_192 = arith.constant 112 : index
    %get3A_193 = tpu.vector_load %arg13[%get3A_192] {strides = array<i32>} : memref<128xi32, #tpu.memory_space<vmem>>, vector<16xi32>,
    %gather3A_194 = tpu.vector_load_idx %arg23[%get3A_193] : memref<8192xi32, #tpu.memory_space<vmem>>[vector<16xi32>], vector<16xi32>,
    %swap3A_195 = arith.constant 112 : index
    %swap3A_196 = tpu.vector_load %arg17[%swap3A_195] {strides = array<i32>} : memref<128xi32, #tpu.memory_space<vmem>>, vector<16xi32>,
    tpu.vector_store %arg17[%swap3A_195], %gather3A_194 {strides = array<i32>} : memref<128xi32, #tpu.memory_space<vmem>>, vector<16xi32>,
    %dma_start3A_197 = arith.constant 0 : i32
    %dma_start3A_198 = arith.constant 0 : i32
    %dma_start3A_199 = tpu.memref_slice %arg2[%dma_start3A_197, %dma_start3A_198] : memref<4096x128xf32, #tpu.memory_space<hbm>> -> memref<4096x128xf32, #tpu.memory_space<hbm>>
    tpu.enqueue_indirect_dma source(%dma_start3A_199 : memref<4096x128xf32, #tpu.memory_space<hbm>>) target(%arg21 : memref<128x128xf32, #tpu.memory_space<vmem>>) offsets(%arg17 : memref<128xi32, #tpu.memory_space<vmem>>) semaphore(%arg25 : memref<!tpu.dma_semaphore, #tpu.memory_space<semaphore_mem>>)
    %dma_wait3A_200 = tpu.memref_slice %arg23[%add3A_4] : memref<8192xi32, #tpu.memory_space<vmem>> -> memref<128xi32, #tpu.memory_space<vmem>>
    %dma_wait3A_201 = arith.constant 0 : i32
    %dma_wait3A_202 = arith.constant 0 : i32
    %dma_wait3A_203 = tpu.memref_slice %arg2[%dma_wait3A_201, %dma_wait3A_202] : memref<4096x128xf32, #tpu.memory_space<hbm>> -> memref<4096x128xf32, #tpu.memory_space<hbm>>
    tpu.wait_indirect_dma semaphore(%arg25 : memref<!tpu.dma_semaphore, #tpu.memory_space<semaphore_mem>>) src(%dma_wait3A_203 : memref<4096x128xf32, #tpu.memory_space<hbm>>) dst(%arg22 : memref<128x128xf32, #tpu.memory_space<vmem>>)
    %dma_wait3A_204 = arith.constant 0 : i32
    %dma_wait3A_205 = arith.constant 0 : i32
    %dma_wait3A_206 = tpu.memref_slice %arg2[%dma_wait3A_204, %dma_wait3A_205] : memref<4096x128xf32, #tpu.memory_space<hbm>> -> memref<4096x128xf32, #tpu.memory_space<hbm>>
    tpu.wait_indirect_dma semaphore(%arg25 : memref<!tpu.dma_semaphore, #tpu.memory_space<semaphore_mem>>) src(%dma_wait3A_206 : memref<4096x128xf32, #tpu.memory_space<hbm>>) dst(%arg18 : memref<128x128xf32, #tpu.memory_space<vmem>>)
    %dma_wait3A_207 = arith.constant 0 : i32
    %dma_wait3A_208 = arith.constant 0 : i32
    %dma_wait3A_209 = tpu.memref_slice %arg2[%dma_wait3A_207, %dma_wait3A_208] : memref<4096x128xf32, #tpu.memory_space<hbm>> -> memref<4096x128xf32, #tpu.memory_space<hbm>>
    tpu.wait_indirect_dma semaphore(%arg25 : memref<!tpu.dma_semaphore, #tpu.memory_space<semaphore_mem>>) src(%dma_wait3A_209 : memref<4096x128xf32, #tpu.memory_space<hbm>>) dst(%arg19 : memref<128x128xf32, #tpu.memory_space<vmem>>)
    %dma_wait3A_210 = arith.constant 0 : i32
    %dma_wait3A_211 = arith.constant 0 : i32
    %dma_wait3A_212 = tpu.memref_slice %arg2[%dma_wait3A_210, %dma_wait3A_211] : memref<4096x128xf32, #tpu.memory_space<hbm>> -> memref<4096x128xf32, #tpu.memory_space<hbm>>
    tpu.wait_indirect_dma semaphore(%arg25 : memref<!tpu.dma_semaphore, #tpu.memory_space<semaphore_mem>>) src(%dma_wait3A_212 : memref<4096x128xf32, #tpu.memory_space<hbm>>) dst(%arg20 : memref<128x128xf32, #tpu.memory_space<vmem>>)
    %dma_wait3A_213 = arith.constant 0 : i32
    %dma_wait3A_214 = arith.constant 0 : i32
    %dma_wait3A_215 = tpu.memref_slice %arg2[%dma_wait3A_213, %dma_wait3A_214] : memref<4096x128xf32, #tpu.memory_space<hbm>> -> memref<4096x128xf32, #tpu.memory_space<hbm>>
    tpu.wait_indirect_dma semaphore(%arg25 : memref<!tpu.dma_semaphore, #tpu.memory_space<semaphore_mem>>) src(%dma_wait3A_215 : memref<4096x128xf32, #tpu.memory_space<hbm>>) dst(%arg21 : memref<128x128xf32, #tpu.memory_space<vmem>>)
    %dma_start3A_216 = arith.constant 0 : i32
    %dma_start3A_217 = tpu.memref_slice %arg5[%add3A_4, %dma_start3A_216] : memref<8192x128xf32, #tpu.memory_space<hbm>> -> memref<128x128xf32, #tpu.memory_space<hbm>>
    %dma_start3A_218 = arith.constant 0 : i32
    %dma_start3A_219 = tpu.memref_slice %arg5[%add3A_4, %dma_start3A_218] : memref<8192x128xf32, #tpu.memory_space<hbm>> -> memref<128x128xf32, #tpu.memory_space<hbm>>
    tpu.enqueue_dma source(%arg18 : memref<128x128xf32, #tpu.memory_space<vmem>>) target(%dma_start3A_219 : memref<128x128xf32, #tpu.memory_space<hbm>>) target_semaphore(%arg26 : memref<!tpu.dma_semaphore, #tpu.memory_space<semaphore_mem>>)
    %dma_start3A_220 = arith.constant 0 : i32
    %dma_start3A_221 = tpu.memref_slice %arg6[%add3A_4, %dma_start3A_220] : memref<8192x128xf32, #tpu.memory_space<hbm>> -> memref<128x128xf32, #tpu.memory_space<hbm>>
    %dma_start3A_222 = arith.constant 0 : i32
    %dma_start3A_223 = tpu.memref_slice %arg6[%add3A_4, %dma_start3A_222] : memref<8192x128xf32, #tpu.memory_space<hbm>> -> memref<128x128xf32, #tpu.memory_space<hbm>>
    tpu.enqueue_dma source(%arg19 : memref<128x128xf32, #tpu.memory_space<vmem>>) target(%dma_start3A_223 : memref<128x128xf32, #tpu.memory_space<hbm>>) target_semaphore(%arg26 : memref<!tpu.dma_semaphore, #tpu.memory_space<semaphore_mem>>)
    %dma_start3A_224 = arith.constant 0 : i32
    %dma_start3A_225 = tpu.memref_slice %arg7[%add3A_4, %dma_start3A_224] : memref<8192x128xf32, #tpu.memory_space<hbm>> -> memref<128x128xf32, #tpu.memory_space<hbm>>
    %dma_start3A_226 = arith.constant 0 : i32
    %dma_start3A_227 = tpu.memref_slice %arg7[%add3A_4, %dma_start3A_226] : memref<8192x128xf32, #tpu.memory_space<hbm>> -> memref<128x128xf32, #tpu.memory_space<hbm>>
    tpu.enqueue_dma source(%arg20 : memref<128x128xf32, #tpu.memory_space<vmem>>) target(%dma_start3A_227 : memref<128x128xf32, #tpu.memory_space<hbm>>) target_semaphore(%arg26 : memref<!tpu.dma_semaphore, #tpu.memory_space<semaphore_mem>>)
    %dma_start3A_228 = arith.constant 0 : i32
    %dma_start3A_229 = tpu.memref_slice %arg8[%add3A_4, %dma_start3A_228] : memref<8192x128xf32, #tpu.memory_space<hbm>> -> memref<128x128xf32, #tpu.memory_space<hbm>>
    %dma_start3A_230 = arith.constant 0 : i32
    %dma_start3A_231 = tpu.memref_slice %arg8[%add3A_4, %dma_start3A_230] : memref<8192x128xf32, #tpu.memory_space<hbm>> -> memref<128x128xf32, #tpu.memory_space<hbm>>
    tpu.enqueue_dma source(%arg21 : memref<128x128xf32, #tpu.memory_space<vmem>>) target(%dma_start3A_231 : memref<128x128xf32, #tpu.memory_space<hbm>>) target_semaphore(%arg26 : memref<!tpu.dma_semaphore, #tpu.memory_space<semaphore_mem>>)
    %dma_start3A_232 = arith.constant 0 : i32
    %dma_start3A_233 = tpu.memref_slice %arg9[%add3A_4, %dma_start3A_232] : memref<8192x128xf32, #tpu.memory_space<hbm>> -> memref<128x128xf32, #tpu.memory_space<hbm>>
    %dma_start3A_234 = arith.constant 0 : i32
    %dma_start3A_235 = tpu.memref_slice %arg9[%add3A_4, %dma_start3A_234] : memref<8192x128xf32, #tpu.memory_space<hbm>> -> memref<128x128xf32, #tpu.memory_space<hbm>>
    tpu.enqueue_dma source(%arg22 : memref<128x128xf32, #tpu.memory_space<vmem>>) target(%dma_start3A_235 : memref<128x128xf32, #tpu.memory_space<hbm>>) target_semaphore(%arg26 : memref<!tpu.dma_semaphore, #tpu.memory_space<semaphore_mem>>)
    %dma_wait3A_236 = arith.constant 0 : i32
    %dma_wait3A_237 = tpu.memref_slice %arg5[%add3A_4, %dma_wait3A_236] : memref<8192x128xf32, #tpu.memory_space<hbm>> -> memref<128x128xf32, #tpu.memory_space<hbm>>
    %dma_wait3A_238 = arith.constant 0 : i32
    %dma_wait3A_239 = tpu.memref_slice %arg5[%add3A_4, %dma_wait3A_238] : memref<8192x128xf32, #tpu.memory_space<hbm>> -> memref<128x128xf32, #tpu.memory_space<hbm>>
    tpu.wait_dma2 semaphore(%arg26 : memref<!tpu.dma_semaphore, #tpu.memory_space<semaphore_mem>>) src(%arg18 : memref<128x128xf32, #tpu.memory_space<vmem>>) dst(%dma_wait3A_239 : memref<128x128xf32, #tpu.memory_space<hbm>>)
    %dma_wait3A_240 = arith.constant 0 : i32
    %dma_wait3A_241 = tpu.memref_slice %arg6[%add3A_4, %dma_wait3A_240] : memref<8192x128xf32, #tpu.memory_space<hbm>> -> memref<128x128xf32, #tpu.memory_space<hbm>>
    %dma_wait3A_242 = arith.constant 0 : i32
    %dma_wait3A_243 = tpu.memref_slice %arg6[%add3A_4, %dma_wait3A_242] : memref<8192x128xf32, #tpu.memory_space<hbm>> -> memref<128x128xf32, #tpu.memory_space<hbm>>
    tpu.wait_dma2 semaphore(%arg26 : memref<!tpu.dma_semaphore, #tpu.memory_space<semaphore_mem>>) src(%arg19 : memref<128x128xf32, #tpu.memory_space<vmem>>) dst(%dma_wait3A_243 : memref<128x128xf32, #tpu.memory_space<hbm>>)
    %dma_wait3A_244 = arith.constant 0 : i32
    %dma_wait3A_245 = tpu.memref_slice %arg7[%add3A_4, %dma_wait3A_244] : memref<8192x128xf32, #tpu.memory_space<hbm>> -> memref<128x128xf32, #tpu.memory_space<hbm>>
    %dma_wait3A_246 = arith.constant 0 : i32
    %dma_wait3A_247 = tpu.memref_slice %arg7[%add3A_4, %dma_wait3A_246] : memref<8192x128xf32, #tpu.memory_space<hbm>> -> memref<128x128xf32, #tpu.memory_space<hbm>>
    tpu.wait_dma2 semaphore(%arg26 : memref<!tpu.dma_semaphore, #tpu.memory_space<semaphore_mem>>) src(%arg20 : memref<128x128xf32, #tpu.memory_space<vmem>>) dst(%dma_wait3A_247 : memref<128x128xf32, #tpu.memory_space<hbm>>)
    %dma_wait3A_248 = arith.constant 0 : i32
    %dma_wait3A_249 = tpu.memref_slice %arg8[%add3A_4, %dma_wait3A_248] : memref<8192x128xf32, #tpu.memory_space<hbm>> -> memref<128x128xf32, #tpu.memory_space<hbm>>
    %dma_wait3A_250 = arith.constant 0 : i32
    %dma_wait3A_251 = tpu.memref_slice %arg8[%add3A_4, %dma_wait3A_250] : memref<8192x128xf32, #tpu.memory_space<hbm>> -> memref<128x128xf32, #tpu.memory_space<hbm>>
    tpu.wait_dma2 semaphore(%arg26 : memref<!tpu.dma_semaphore, #tpu.memory_space<semaphore_mem>>) src(%arg21 : memref<128x128xf32, #tpu.memory_space<vmem>>) dst(%dma_wait3A_251 : memref<128x128xf32, #tpu.memory_space<hbm>>)
    %dma_wait3A_252 = arith.constant 0 : i32
    %dma_wait3A_253 = tpu.memref_slice %arg9[%add3A_4, %dma_wait3A_252] : memref<8192x128xf32, #tpu.memory_space<hbm>> -> memref<128x128xf32, #tpu.memory_space<hbm>>
    %dma_wait3A_254 = arith.constant 0 : i32
    %dma_wait3A_255 = tpu.memref_slice %arg9[%add3A_4, %dma_wait3A_254] : memref<8192x128xf32, #tpu.memory_space<hbm>> -> memref<128x128xf32, #tpu.memory_space<hbm>>
    tpu.wait_dma2 semaphore(%arg26 : memref<!tpu.dma_semaphore, #tpu.memory_space<semaphore_mem>>) src(%arg22 : memref<128x128xf32, #tpu.memory_space<vmem>>) dst(%dma_wait3A_255 : memref<128x128xf32, #tpu.memory_space<hbm>>)
    %mul3A_256 = arith.constant 256 : i32
    %mul3A_257 = arith.muli %add3A, %mul3A_256 : i32
    %add3A_258 = arith.constant 128 : i32
    %add3A_259 = arith.addi %mul3A_257, %add3A_258 : i32
    %add3A_260 = arith.constant 0 : i32
    %add3A_261 = arith.addi %add3A_260, %add3A_259 : i32
    %dma_start3A_262 = tpu.memref_slice %arg3[%add3A_261] : memref<32768xi32, #tpu.memory_space<hbm>> -> memref<128xi32, #tpu.memory_space<hbm>>
    %dma_start3A_263 = tpu.memref_slice %arg3[%add3A_261] : memref<32768xi32, #tpu.memory_space<hbm>> -> memref<128xi32, #tpu.memory_space<hbm>>
    tpu.enqueue_dma source(%dma_start3A_263 : memref<128xi32, #tpu.memory_space<hbm>>) target(%arg10 : memref<128xi32, #tpu.memory_space<vmem>>) target_semaphore(%arg24 : memref<!tpu.dma_semaphore, #tpu.memory_space<semaphore_mem>>)
    %add3A_264 = arith.constant 8192 : i32
    %add3A_265 = arith.addi %add3A_264, %add3A_259 : i32
    %dma_start3A_266 = tpu.memref_slice %arg3[%add3A_265] : memref<32768xi32, #tpu.memory_space<hbm>> -> memref<128xi32, #tpu.memory_space<hbm>>
    %dma_start3A_267 = tpu.memref_slice %arg3[%add3A_265] : memref<32768xi32, #tpu.memory_space<hbm>> -> memref<128xi32, #tpu.memory_space<hbm>>
    tpu.enqueue_dma source(%dma_start3A_267 : memref<128xi32, #tpu.memory_space<hbm>>) target(%arg11 : memref<128xi32, #tpu.memory_space<vmem>>) target_semaphore(%arg24 : memref<!tpu.dma_semaphore, #tpu.memory_space<semaphore_mem>>)
    %add3A_268 = arith.constant 16384 : i32
    %add3A_269 = arith.addi %add3A_268, %add3A_259 : i32
    %dma_start3A_270 = tpu.memref_slice %arg3[%add3A_269] : memref<32768xi32, #tpu.memory_space<hbm>> -> memref<128xi32, #tpu.memory_space<hbm>>
    %dma_start3A_271 = tpu.memref_slice %arg3[%add3A_269] : memref<32768xi32, #tpu.memory_space<hbm>> -> memref<128xi32, #tpu.memory_space<hbm>>
    tpu.enqueue_dma source(%dma_start3A_271 : memref<128xi32, #tpu.memory_space<hbm>>) target(%arg12 : memref<128xi32, #tpu.memory_space<vmem>>) target_semaphore(%arg24 : memref<!tpu.dma_semaphore, #tpu.memory_space<semaphore_mem>>)
    %add3A_272 = arith.constant 24576 : i32
    %add3A_273 = arith.addi %add3A_272, %add3A_259 : i32
    %dma_start3A_274 = tpu.memref_slice %arg3[%add3A_273] : memref<32768xi32, #tpu.memory_space<hbm>> -> memref<128xi32, #tpu.memory_space<hbm>>
    %dma_start3A_275 = tpu.memref_slice %arg3[%add3A_273] : memref<32768xi32, #tpu.memory_space<hbm>> -> memref<128xi32, #tpu.memory_space<hbm>>
    tpu.enqueue_dma source(%dma_start3A_275 : memref<128xi32, #tpu.memory_space<hbm>>) target(%arg13 : memref<128xi32, #tpu.memory_space<vmem>>) target_semaphore(%arg24 : memref<!tpu.dma_semaphore, #tpu.memory_space<semaphore_mem>>)
    %dma_start3A_276 = tpu.memref_slice %arg23[%add3A_259] : memref<8192xi32, #tpu.memory_space<vmem>> -> memref<128xi32, #tpu.memory_space<vmem>>
    %dma_start3A_277 = arith.constant 0 : i32
    %dma_start3A_278 = arith.constant 0 : i32
    %dma_start3A_279 = tpu.memref_slice %arg2[%dma_start3A_277, %dma_start3A_278] : memref<4096x128xf32, #tpu.memory_space<hbm>> -> memref<4096x128xf32, #tpu.memory_space<hbm>>
    tpu.enqueue_indirect_dma source(%dma_start3A_279 : memref<4096x128xf32, #tpu.memory_space<hbm>>) target(%arg22 : memref<128x128xf32, #tpu.memory_space<vmem>>) offsets(%dma_start3A_276 : memref<128xi32, #tpu.memory_space<vmem>>) semaphore(%arg25 : memref<!tpu.dma_semaphore, #tpu.memory_space<semaphore_mem>>)
    %dma_wait3A_280 = tpu.memref_slice %arg3[%add3A_261] : memref<32768xi32, #tpu.memory_space<hbm>> -> memref<128xi32, #tpu.memory_space<hbm>>
    %dma_wait3A_281 = tpu.memref_slice %arg3[%add3A_261] : memref<32768xi32, #tpu.memory_space<hbm>> -> memref<128xi32, #tpu.memory_space<hbm>>
    tpu.wait_dma2 semaphore(%arg24 : memref<!tpu.dma_semaphore, #tpu.memory_space<semaphore_mem>>) src(%dma_wait3A_281 : memref<128xi32, #tpu.memory_space<hbm>>) dst(%arg10 : memref<128xi32, #tpu.memory_space<vmem>>)
    %get3A_282 = arith.constant 0 : index
    %get3A_283 = tpu.vector_load %arg10[%get3A_282] {strides = array<i32>} : memref<128xi32, #tpu.memory_space<vmem>>, vector<16xi32>,
    %gather3A_284 = tpu.vector_load_idx %arg23[%get3A_283] : memref<8192xi32, #tpu.memory_space<vmem>>[vector<16xi32>], vector<16xi32>,
    %swap3A_285 = arith.constant 0 : index
    %swap3A_286 = tpu.vector_load %arg14[%swap3A_285] {strides = array<i32>} : memref<128xi32, #tpu.memory_space<vmem>>, vector<16xi32>,
    tpu.vector_store %arg14[%swap3A_285], %gather3A_284 {strides = array<i32>} : memref<128xi32, #tpu.memory_space<vmem>>, vector<16xi32>,
    %get3A_287 = arith.constant 16 : index
    %get3A_288 = tpu.vector_load %arg10[%get3A_287] {strides = array<i32>} : memref<128xi32, #tpu.memory_space<vmem>>, vector<16xi32>,
    %gather3A_289 = tpu.vector_load_idx %arg23[%get3A_288] : memref<8192xi32, #tpu.memory_space<vmem>>[vector<16xi32>], vector<16xi32>,
    %swap3A_290 = arith.constant 16 : index
    %swap3A_291 = tpu.vector_load %arg14[%swap3A_290] {strides = array<i32>} : memref<128xi32, #tpu.memory_space<vmem>>, vector<16xi32>,
    tpu.vector_store %arg14[%swap3A_290], %gather3A_289 {strides = array<i32>} : memref<128xi32, #tpu.memory_space<vmem>>, vector<16xi32>,
    %get3A_292 = arith.constant 32 : index
    %get3A_293 = tpu.vector_load %arg10[%get3A_292] {strides = array<i32>} : memref<128xi32, #tpu.memory_space<vmem>>, vector<16xi32>,
    %gather3A_294 = tpu.vector_load_idx %arg23[%get3A_293] : memref<8192xi32, #tpu.memory_space<vmem>>[vector<16xi32>], vector<16xi32>,
    %swap3A_295 = arith.constant 32 : index
    %swap3A_296 = tpu.vector_load %arg14[%swap3A_295] {strides = array<i32>} : memref<128xi32, #tpu.memory_space<vmem>>, vector<16xi32>,
    tpu.vector_store %arg14[%swap3A_295], %gather3A_294 {strides = array<i32>} : memref<128xi32, #tpu.memory_space<vmem>>, vector<16xi32>,
    %get3A_297 = arith.constant 48 : index
    %get3A_298 = tpu.vector_load %arg10[%get3A_297] {strides = array<i32>} : memref<128xi32, #tpu.memory_space<vmem>>, vector<16xi32>,
    %gather3A_299 = tpu.vector_load_idx %arg23[%get3A_298] : memref<8192xi32, #tpu.memory_space<vmem>>[vector<16xi32>], vector<16xi32>,
    %swap3A_300 = arith.constant 48 : index
    %swap3A_301 = tpu.vector_load %arg14[%swap3A_300] {strides = array<i32>} : memref<128xi32, #tpu.memory_space<vmem>>, vector<16xi32>,
    tpu.vector_store %arg14[%swap3A_300], %gather3A_299 {strides = array<i32>} : memref<128xi32, #tpu.memory_space<vmem>>, vector<16xi32>,
    %get3A_302 = arith.constant 64 : index
    %get3A_303 = tpu.vector_load %arg10[%get3A_302] {strides = array<i32>} : memref<128xi32, #tpu.memory_space<vmem>>, vector<16xi32>,
    %gather3A_304 = tpu.vector_load_idx %arg23[%get3A_303] : memref<8192xi32, #tpu.memory_space<vmem>>[vector<16xi32>], vector<16xi32>,
    %swap3A_305 = arith.constant 64 : index
    %swap3A_306 = tpu.vector_load %arg14[%swap3A_305] {strides = array<i32>} : memref<128xi32, #tpu.memory_space<vmem>>, vector<16xi32>,
    tpu.vector_store %arg14[%swap3A_305], %gather3A_304 {strides = array<i32>} : memref<128xi32, #tpu.memory_space<vmem>>, vector<16xi32>,
    %get3A_307 = arith.constant 80 : index
    %get3A_308 = tpu.vector_load %arg10[%get3A_307] {strides = array<i32>} : memref<128xi32, #tpu.memory_space<vmem>>, vector<16xi32>,
    %gather3A_309 = tpu.vector_load_idx %arg23[%get3A_308] : memref<8192xi32, #tpu.memory_space<vmem>>[vector<16xi32>], vector<16xi32>,
    %swap3A_310 = arith.constant 80 : index
    %swap3A_311 = tpu.vector_load %arg14[%swap3A_310] {strides = array<i32>} : memref<128xi32, #tpu.memory_space<vmem>>, vector<16xi32>,
    tpu.vector_store %arg14[%swap3A_310], %gather3A_309 {strides = array<i32>} : memref<128xi32, #tpu.memory_space<vmem>>, vector<16xi32>,
    %get3A_312 = arith.constant 96 : index
    %get3A_313 = tpu.vector_load %arg10[%get3A_312] {strides = array<i32>} : memref<128xi32, #tpu.memory_space<vmem>>, vector<16xi32>,
    %gather3A_314 = tpu.vector_load_idx %arg23[%get3A_313] : memref<8192xi32, #tpu.memory_space<vmem>>[vector<16xi32>], vector<16xi32>,
    %swap3A_315 = arith.constant 96 : index
    %swap3A_316 = tpu.vector_load %arg14[%swap3A_315] {strides = array<i32>} : memref<128xi32, #tpu.memory_space<vmem>>, vector<16xi32>,
    tpu.vector_store %arg14[%swap3A_315], %gather3A_314 {strides = array<i32>} : memref<128xi32, #tpu.memory_space<vmem>>, vector<16xi32>,
    %get3A_317 = arith.constant 112 : index
    %get3A_318 = tpu.vector_load %arg10[%get3A_317] {strides = array<i32>} : memref<128xi32, #tpu.memory_space<vmem>>, vector<16xi32>,
    %gather3A_319 = tpu.vector_load_idx %arg23[%get3A_318] : memref<8192xi32, #tpu.memory_space<vmem>>[vector<16xi32>], vector<16xi32>,
    %swap3A_320 = arith.constant 112 : index
    %swap3A_321 = tpu.vector_load %arg14[%swap3A_320] {strides = array<i32>} : memref<128xi32, #tpu.memory_space<vmem>>, vector<16xi32>,
    tpu.vector_store %arg14[%swap3A_320], %gather3A_319 {strides = array<i32>} : memref<128xi32, #tpu.memory_space<vmem>>, vector<16xi32>,
    %dma_start3A_322 = arith.constant 0 : i32
    %dma_start3A_323 = arith.constant 0 : i32
    %dma_start3A_324 = tpu.memref_slice %arg2[%dma_start3A_322, %dma_start3A_323] : memref<4096x128xf32, #tpu.memory_space<hbm>> -> memref<4096x128xf32, #tpu.memory_space<hbm>>
    tpu.enqueue_indirect_dma source(%dma_start3A_324 : memref<4096x128xf32, #tpu.memory_space<hbm>>) target(%arg18 : memref<128x128xf32, #tpu.memory_space<vmem>>) offsets(%arg14 : memref<128xi32, #tpu.memory_space<vmem>>) semaphore(%arg25 : memref<!tpu.dma_semaphore, #tpu.memory_space<semaphore_mem>>)
    %dma_wait3A_325 = tpu.memref_slice %arg3[%add3A_265] : memref<32768xi32, #tpu.memory_space<hbm>> -> memref<128xi32, #tpu.memory_space<hbm>>
    %dma_wait3A_326 = tpu.memref_slice %arg3[%add3A_265] : memref<32768xi32, #tpu.memory_space<hbm>> -> memref<128xi32, #tpu.memory_space<hbm>>
    tpu.wait_dma2 semaphore(%arg24 : memref<!tpu.dma_semaphore, #tpu.memory_space<semaphore_mem>>) src(%dma_wait3A_326 : memref<128xi32, #tpu.memory_space<hbm>>) dst(%arg11 : memref<128xi32, #tpu.memory_space<vmem>>)
    %get3A_327 = arith.constant 0 : index
    %get3A_328 = tpu.vector_load %arg11[%get3A_327] {strides = array<i32>} : memref<128xi32, #tpu.memory_space<vmem>>, vector<16xi32>,
    %gather3A_329 = tpu.vector_load_idx %arg23[%get3A_328] : memref<8192xi32, #tpu.memory_space<vmem>>[vector<16xi32>], vector<16xi32>,
    %swap3A_330 = arith.constant 0 : index
    %swap3A_331 = tpu.vector_load %arg15[%swap3A_330] {strides = array<i32>} : memref<128xi32, #tpu.memory_space<vmem>>, vector<16xi32>,
    tpu.vector_store %arg15[%swap3A_330], %gather3A_329 {strides = array<i32>} : memref<128xi32, #tpu.memory_space<vmem>>, vector<16xi32>,
    %get3A_332 = arith.constant 16 : index
    %get3A_333 = tpu.vector_load %arg11[%get3A_332] {strides = array<i32>} : memref<128xi32, #tpu.memory_space<vmem>>, vector<16xi32>,
    %gather3A_334 = tpu.vector_load_idx %arg23[%get3A_333] : memref<8192xi32, #tpu.memory_space<vmem>>[vector<16xi32>], vector<16xi32>,
    %swap3A_335 = arith.constant 16 : index
    %swap3A_336 = tpu.vector_load %arg15[%swap3A_335] {strides = array<i32>} : memref<128xi32, #tpu.memory_space<vmem>>, vector<16xi32>,
    tpu.vector_store %arg15[%swap3A_335], %gather3A_334 {strides = array<i32>} : memref<128xi32, #tpu.memory_space<vmem>>, vector<16xi32>,
    %get3A_337 = arith.constant 32 : index
    %get3A_338 = tpu.vector_load %arg11[%get3A_337] {strides = array<i32>} : memref<128xi32, #tpu.memory_space<vmem>>, vector<16xi32>,
    %gather3A_339 = tpu.vector_load_idx %arg23[%get3A_338] : memref<8192xi32, #tpu.memory_space<vmem>>[vector<16xi32>], vector<16xi32>,
    %swap3A_340 = arith.constant 32 : index
    %swap3A_341 = tpu.vector_load %arg15[%swap3A_340] {strides = array<i32>} : memref<128xi32, #tpu.memory_space<vmem>>, vector<16xi32>,
    tpu.vector_store %arg15[%swap3A_340], %gather3A_339 {strides = array<i32>} : memref<128xi32, #tpu.memory_space<vmem>>, vector<16xi32>,
    %get3A_342 = arith.constant 48 : index
    %get3A_343 = tpu.vector_load %arg11[%get3A_342] {strides = array<i32>} : memref<128xi32, #tpu.memory_space<vmem>>, vector<16xi32>,
    %gather3A_344 = tpu.vector_load_idx %arg23[%get3A_343] : memref<8192xi32, #tpu.memory_space<vmem>>[vector<16xi32>], vector<16xi32>,
    %swap3A_345 = arith.constant 48 : index
    %swap3A_346 = tpu.vector_load %arg15[%swap3A_345] {strides = array<i32>} : memref<128xi32, #tpu.memory_space<vmem>>, vector<16xi32>,
    tpu.vector_store %arg15[%swap3A_345], %gather3A_344 {strides = array<i32>} : memref<128xi32, #tpu.memory_space<vmem>>, vector<16xi32>,
    %get3A_347 = arith.constant 64 : index
    %get3A_348 = tpu.vector_load %arg11[%get3A_347] {strides = array<i32>} : memref<128xi32, #tpu.memory_space<vmem>>, vector<16xi32>,
    %gather3A_349 = tpu.vector_load_idx %arg23[%get3A_348] : memref<8192xi32, #tpu.memory_space<vmem>>[vector<16xi32>], vector<16xi32>,
    %swap3A_350 = arith.constant 64 : index
    %swap3A_351 = tpu.vector_load %arg15[%swap3A_350] {strides = array<i32>} : memref<128xi32, #tpu.memory_space<vmem>>, vector<16xi32>,
    tpu.vector_store %arg15[%swap3A_350], %gather3A_349 {strides = array<i32>} : memref<128xi32, #tpu.memory_space<vmem>>, vector<16xi32>,
    %get3A_352 = arith.constant 80 : index
    %get3A_353 = tpu.vector_load %arg11[%get3A_352] {strides = array<i32>} : memref<128xi32, #tpu.memory_space<vmem>>, vector<16xi32>,
    %gather3A_354 = tpu.vector_load_idx %arg23[%get3A_353] : memref<8192xi32, #tpu.memory_space<vmem>>[vector<16xi32>], vector<16xi32>,
    %swap3A_355 = arith.constant 80 : index
    %swap3A_356 = tpu.vector_load %arg15[%swap3A_355] {strides = array<i32>} : memref<128xi32, #tpu.memory_space<vmem>>, vector<16xi32>,
    tpu.vector_store %arg15[%swap3A_355], %gather3A_354 {strides = array<i32>} : memref<128xi32, #tpu.memory_space<vmem>>, vector<16xi32>,
    %get3A_357 = arith.constant 96 : index
    %get3A_358 = tpu.vector_load %arg11[%get3A_357] {strides = array<i32>} : memref<128xi32, #tpu.memory_space<vmem>>, vector<16xi32>,
    %gather3A_359 = tpu.vector_load_idx %arg23[%get3A_358] : memref<8192xi32, #tpu.memory_space<vmem>>[vector<16xi32>], vector<16xi32>,
    %swap3A_360 = arith.constant 96 : index
    %swap3A_361 = tpu.vector_load %arg15[%swap3A_360] {strides = array<i32>} : memref<128xi32, #tpu.memory_space<vmem>>, vector<16xi32>,
    tpu.vector_store %arg15[%swap3A_360], %gather3A_359 {strides = array<i32>} : memref<128xi32, #tpu.memory_space<vmem>>, vector<16xi32>,
    %get3A_362 = arith.constant 112 : index
    %get3A_363 = tpu.vector_load %arg11[%get3A_362] {strides = array<i32>} : memref<128xi32, #tpu.memory_space<vmem>>, vector<16xi32>,
    %gather3A_364 = tpu.vector_load_idx %arg23[%get3A_363] : memref<8192xi32, #tpu.memory_space<vmem>>[vector<16xi32>], vector<16xi32>,
    %swap3A_365 = arith.constant 112 : index
    %swap3A_366 = tpu.vector_load %arg15[%swap3A_365] {strides = array<i32>} : memref<128xi32, #tpu.memory_space<vmem>>, vector<16xi32>,
    tpu.vector_store %arg15[%swap3A_365], %gather3A_364 {strides = array<i32>} : memref<128xi32, #tpu.memory_space<vmem>>, vector<16xi32>,
    %dma_start3A_367 = arith.constant 0 : i32
    %dma_start3A_368 = arith.constant 0 : i32
    %dma_start3A_369 = tpu.memref_slice %arg2[%dma_start3A_367, %dma_start3A_368] : memref<4096x128xf32, #tpu.memory_space<hbm>> -> memref<4096x128xf32, #tpu.memory_space<hbm>>
    tpu.enqueue_indirect_dma source(%dma_start3A_369 : memref<4096x128xf32, #tpu.memory_space<hbm>>) target(%arg19 : memref<128x128xf32, #tpu.memory_space<vmem>>) offsets(%arg15 : memref<128xi32, #tpu.memory_space<vmem>>) semaphore(%arg25 : memref<!tpu.dma_semaphore, #tpu.memory_space<semaphore_mem>>)
    %dma_wait3A_370 = tpu.memref_slice %arg3[%add3A_269] : memref<32768xi32, #tpu.memory_space<hbm>> -> memref<128xi32, #tpu.memory_space<hbm>>
    %dma_wait3A_371 = tpu.memref_slice %arg3[%add3A_269] : memref<32768xi32, #tpu.memory_space<hbm>> -> memref<128xi32, #tpu.memory_space<hbm>>
    tpu.wait_dma2 semaphore(%arg24 : memref<!tpu.dma_semaphore, #tpu.memory_space<semaphore_mem>>) src(%dma_wait3A_371 : memref<128xi32, #tpu.memory_space<hbm>>) dst(%arg12 : memref<128xi32, #tpu.memory_space<vmem>>)
    %get3A_372 = arith.constant 0 : index
    %get3A_373 = tpu.vector_load %arg12[%get3A_372] {strides = array<i32>} : memref<128xi32, #tpu.memory_space<vmem>>, vector<16xi32>,
    %gather3A_374 = tpu.vector_load_idx %arg23[%get3A_373] : memref<8192xi32, #tpu.memory_space<vmem>>[vector<16xi32>], vector<16xi32>,
    %swap3A_375 = arith.constant 0 : index
    %swap3A_376 = tpu.vector_load %arg16[%swap3A_375] {strides = array<i32>} : memref<128xi32, #tpu.memory_space<vmem>>, vector<16xi32>,
    tpu.vector_store %arg16[%swap3A_375], %gather3A_374 {strides = array<i32>} : memref<128xi32, #tpu.memory_space<vmem>>, vector<16xi32>,
    %get3A_377 = arith.constant 16 : index
    %get3A_378 = tpu.vector_load %arg12[%get3A_377] {strides = array<i32>} : memref<128xi32, #tpu.memory_space<vmem>>, vector<16xi32>,
    %gather3A_379 = tpu.vector_load_idx %arg23[%get3A_378] : memref<8192xi32, #tpu.memory_space<vmem>>[vector<16xi32>], vector<16xi32>,
    %swap3A_380 = arith.constant 16 : index
    %swap3A_381 = tpu.vector_load %arg16[%swap3A_380] {strides = array<i32>} : memref<128xi32, #tpu.memory_space<vmem>>, vector<16xi32>,
    tpu.vector_store %arg16[%swap3A_380], %gather3A_379 {strides = array<i32>} : memref<128xi32, #tpu.memory_space<vmem>>, vector<16xi32>,
    %get3A_382 = arith.constant 32 : index
    %get3A_383 = tpu.vector_load %arg12[%get3A_382] {strides = array<i32>} : memref<128xi32, #tpu.memory_space<vmem>>, vector<16xi32>,
    %gather3A_384 = tpu.vector_load_idx %arg23[%get3A_383] : memref<8192xi32, #tpu.memory_space<vmem>>[vector<16xi32>], vector<16xi32>,
    %swap3A_385 = arith.constant 32 : index
    %swap3A_386 = tpu.vector_load %arg16[%swap3A_385] {strides = array<i32>} : memref<128xi32, #tpu.memory_space<vmem>>, vector<16xi32>,
    tpu.vector_store %arg16[%swap3A_385], %gather3A_384 {strides = array<i32>} : memref<128xi32, #tpu.memory_space<vmem>>, vector<16xi32>,
    %get3A_387 = arith.constant 48 : index
    %get3A_388 = tpu.vector_load %arg12[%get3A_387] {strides = array<i32>} : memref<128xi32, #tpu.memory_space<vmem>>, vector<16xi32>,
    %gather3A_389 = tpu.vector_load_idx %arg23[%get3A_388] : memref<8192xi32, #tpu.memory_space<vmem>>[vector<16xi32>], vector<16xi32>,
    %swap3A_390 = arith.constant 48 : index
    %swap3A_391 = tpu.vector_load %arg16[%swap3A_390] {strides = array<i32>} : memref<128xi32, #tpu.memory_space<vmem>>, vector<16xi32>,
    tpu.vector_store %arg16[%swap3A_390], %gather3A_389 {strides = array<i32>} : memref<128xi32, #tpu.memory_space<vmem>>, vector<16xi32>,
    %get3A_392 = arith.constant 64 : index
    %get3A_393 = tpu.vector_load %arg12[%get3A_392] {strides = array<i32>} : memref<128xi32, #tpu.memory_space<vmem>>, vector<16xi32>,
    %gather3A_394 = tpu.vector_load_idx %arg23[%get3A_393] : memref<8192xi32, #tpu.memory_space<vmem>>[vector<16xi32>], vector<16xi32>,
    %swap3A_395 = arith.constant 64 : index
    %swap3A_396 = tpu.vector_load %arg16[%swap3A_395] {strides = array<i32>} : memref<128xi32, #tpu.memory_space<vmem>>, vector<16xi32>,
    tpu.vector_store %arg16[%swap3A_395], %gather3A_394 {strides = array<i32>} : memref<128xi32, #tpu.memory_space<vmem>>, vector<16xi32>,
    %get3A_397 = arith.constant 80 : index
    %get3A_398 = tpu.vector_load %arg12[%get3A_397] {strides = array<i32>} : memref<128xi32, #tpu.memory_space<vmem>>, vector<16xi32>,
    %gather3A_399 = tpu.vector_load_idx %arg23[%get3A_398] : memref<8192xi32, #tpu.memory_space<vmem>>[vector<16xi32>], vector<16xi32>,
    %swap3A_400 = arith.constant 80 : index
    %swap3A_401 = tpu.vector_load %arg16[%swap3A_400] {strides = array<i32>} : memref<128xi32, #tpu.memory_space<vmem>>, vector<16xi32>,
    tpu.vector_store %arg16[%swap3A_400], %gather3A_399 {strides = array<i32>} : memref<128xi32, #tpu.memory_space<vmem>>, vector<16xi32>,
    %get3A_402 = arith.constant 96 : index
    %get3A_403 = tpu.vector_load %arg12[%get3A_402] {strides = array<i32>} : memref<128xi32, #tpu.memory_space<vmem>>, vector<16xi32>,
    %gather3A_404 = tpu.vector_load_idx %arg23[%get3A_403] : memref<8192xi32, #tpu.memory_space<vmem>>[vector<16xi32>], vector<16xi32>,
    %swap3A_405 = arith.constant 96 : index
    %swap3A_406 = tpu.vector_load %arg16[%swap3A_405] {strides = array<i32>} : memref<128xi32, #tpu.memory_space<vmem>>, vector<16xi32>,
    tpu.vector_store %arg16[%swap3A_405], %gather3A_404 {strides = array<i32>} : memref<128xi32, #tpu.memory_space<vmem>>, vector<16xi32>,
    %get3A_407 = arith.constant 112 : index
    %get3A_408 = tpu.vector_load %arg12[%get3A_407] {strides = array<i32>} : memref<128xi32, #tpu.memory_space<vmem>>, vector<16xi32>,
    %gather3A_409 = tpu.vector_load_idx %arg23[%get3A_408] : memref<8192xi32, #tpu.memory_space<vmem>>[vector<16xi32>], vector<16xi32>,
    %swap3A_410 = arith.constant 112 : index
    %swap3A_411 = tpu.vector_load %arg16[%swap3A_410] {strides = array<i32>} : memref<128xi32, #tpu.memory_space<vmem>>, vector<16xi32>,
    tpu.vector_store %arg16[%swap3A_410], %gather3A_409 {strides = array<i32>} : memref<128xi32, #tpu.memory_space<vmem>>, vector<16xi32>,
    %dma_start3A_412 = arith.constant 0 : i32
    %dma_start3A_413 = arith.constant 0 : i32
    %dma_start3A_414 = tpu.memref_slice %arg2[%dma_start3A_412, %dma_start3A_413] : memref<4096x128xf32, #tpu.memory_space<hbm>> -> memref<4096x128xf32, #tpu.memory_space<hbm>>
    tpu.enqueue_indirect_dma source(%dma_start3A_414 : memref<4096x128xf32, #tpu.memory_space<hbm>>) target(%arg20 : memref<128x128xf32, #tpu.memory_space<vmem>>) offsets(%arg16 : memref<128xi32, #tpu.memory_space<vmem>>) semaphore(%arg25 : memref<!tpu.dma_semaphore, #tpu.memory_space<semaphore_mem>>)
    %dma_wait3A_415 = tpu.memref_slice %arg3[%add3A_273] : memref<32768xi32, #tpu.memory_space<hbm>> -> memref<128xi32, #tpu.memory_space<hbm>>
    %dma_wait3A_416 = tpu.memref_slice %arg3[%add3A_273] : memref<32768xi32, #tpu.memory_space<hbm>> -> memref<128xi32, #tpu.memory_space<hbm>>
    tpu.wait_dma2 semaphore(%arg24 : memref<!tpu.dma_semaphore, #tpu.memory_space<semaphore_mem>>) src(%dma_wait3A_416 : memref<128xi32, #tpu.memory_space<hbm>>) dst(%arg13 : memref<128xi32, #tpu.memory_space<vmem>>)
    %get3A_417 = arith.constant 0 : index
    %get3A_418 = tpu.vector_load %arg13[%get3A_417] {strides = array<i32>} : memref<128xi32, #tpu.memory_space<vmem>>, vector<16xi32>,
    %gather3A_419 = tpu.vector_load_idx %arg23[%get3A_418] : memref<8192xi32, #tpu.memory_space<vmem>>[vector<16xi32>], vector<16xi32>,
    %swap3A_420 = arith.constant 0 : index
    %swap3A_421 = tpu.vector_load %arg17[%swap3A_420] {strides = array<i32>} : memref<128xi32, #tpu.memory_space<vmem>>, vector<16xi32>,
    tpu.vector_store %arg17[%swap3A_420], %gather3A_419 {strides = array<i32>} : memref<128xi32, #tpu.memory_space<vmem>>, vector<16xi32>,
    %get3A_422 = arith.constant 16 : index
    %get3A_423 = tpu.vector_load %arg13[%get3A_422] {strides = array<i32>} : memref<128xi32, #tpu.memory_space<vmem>>, vector<16xi32>,
    %gather3A_424 = tpu.vector_load_idx %arg23[%get3A_423] : memref<8192xi32, #tpu.memory_space<vmem>>[vector<16xi32>], vector<16xi32>,
    %swap3A_425 = arith.constant 16 : index
    %swap3A_426 = tpu.vector_load %arg17[%swap3A_425] {strides = array<i32>} : memref<128xi32, #tpu.memory_space<vmem>>, vector<16xi32>,
    tpu.vector_store %arg17[%swap3A_425], %gather3A_424 {strides = array<i32>} : memref<128xi32, #tpu.memory_space<vmem>>, vector<16xi32>,
    %get3A_427 = arith.constant 32 : index
    %get3A_428 = tpu.vector_load %arg13[%get3A_427] {strides = array<i32>} : memref<128xi32, #tpu.memory_space<vmem>>, vector<16xi32>,
    %gather3A_429 = tpu.vector_load_idx %arg23[%get3A_428] : memref<8192xi32, #tpu.memory_space<vmem>>[vector<16xi32>], vector<16xi32>,
    %swap3A_430 = arith.constant 32 : index
    %swap3A_431 = tpu.vector_load %arg17[%swap3A_430] {strides = array<i32>} : memref<128xi32, #tpu.memory_space<vmem>>, vector<16xi32>,
    tpu.vector_store %arg17[%swap3A_430], %gather3A_429 {strides = array<i32>} : memref<128xi32, #tpu.memory_space<vmem>>, vector<16xi32>,
    %get3A_432 = arith.constant 48 : index
    %get3A_433 = tpu.vector_load %arg13[%get3A_432] {strides = array<i32>} : memref<128xi32, #tpu.memory_space<vmem>>, vector<16xi32>,
    %gather3A_434 = tpu.vector_load_idx %arg23[%get3A_433] : memref<8192xi32, #tpu.memory_space<vmem>>[vector<16xi32>], vector<16xi32>,
    %swap3A_435 = arith.constant 48 : index
    %swap3A_436 = tpu.vector_load %arg17[%swap3A_435] {strides = array<i32>} : memref<128xi32, #tpu.memory_space<vmem>>, vector<16xi32>,
    tpu.vector_store %arg17[%swap3A_435], %gather3A_434 {strides = array<i32>} : memref<128xi32, #tpu.memory_space<vmem>>, vector<16xi32>,
    %get3A_437 = arith.constant 64 : index
    %get3A_438 = tpu.vector_load %arg13[%get3A_437] {strides = array<i32>} : memref<128xi32, #tpu.memory_space<vmem>>, vector<16xi32>,
    %gather3A_439 = tpu.vector_load_idx %arg23[%get3A_438] : memref<8192xi32, #tpu.memory_space<vmem>>[vector<16xi32>], vector<16xi32>,
    %swap3A_440 = arith.constant 64 : index
    %swap3A_441 = tpu.vector_load %arg17[%swap3A_440] {strides = array<i32>} : memref<128xi32, #tpu.memory_space<vmem>>, vector<16xi32>,
    tpu.vector_store %arg17[%swap3A_440], %gather3A_439 {strides = array<i32>} : memref<128xi32, #tpu.memory_space<vmem>>, vector<16xi32>,
    %get3A_442 = arith.constant 80 : index
    %get3A_443 = tpu.vector_load %arg13[%get3A_442] {strides = array<i32>} : memref<128xi32, #tpu.memory_space<vmem>>, vector<16xi32>,
    %gather3A_444 = tpu.vector_load_idx %arg23[%get3A_443] : memref<8192xi32, #tpu.memory_space<vmem>>[vector<16xi32>], vector<16xi32>,
    %swap3A_445 = arith.constant 80 : index
    %swap3A_446 = tpu.vector_load %arg17[%swap3A_445] {strides = array<i32>} : memref<128xi32, #tpu.memory_space<vmem>>, vector<16xi32>,
    tpu.vector_store %arg17[%swap3A_445], %gather3A_444 {strides = array<i32>} : memref<128xi32, #tpu.memory_space<vmem>>, vector<16xi32>,
    %get3A_447 = arith.constant 96 : index
    %get3A_448 = tpu.vector_load %arg13[%get3A_447] {strides = array<i32>} : memref<128xi32, #tpu.memory_space<vmem>>, vector<16xi32>,
    %gather3A_449 = tpu.vector_load_idx %arg23[%get3A_448] : memref<8192xi32, #tpu.memory_space<vmem>>[vector<16xi32>], vector<16xi32>,
    %swap3A_450 = arith.constant 96 : index
    %swap3A_451 = tpu.vector_load %arg17[%swap3A_450] {strides = array<i32>} : memref<128xi32, #tpu.memory_space<vmem>>, vector<16xi32>,
    tpu.vector_store %arg17[%swap3A_450], %gather3A_449 {strides = array<i32>} : memref<128xi32, #tpu.memory_space<vmem>>, vector<16xi32>,
    %get3A_452 = arith.constant 112 : index
    %get3A_453 = tpu.vector_load %arg13[%get3A_452] {strides = array<i32>} : memref<128xi32, #tpu.memory_space<vmem>>, vector<16xi32>,
    %gather3A_454 = tpu.vector_load_idx %arg23[%get3A_453] : memref<8192xi32, #tpu.memory_space<vmem>>[vector<16xi32>], vector<16xi32>,
    %swap3A_455 = arith.constant 112 : index
    %swap3A_456 = tpu.vector_load %arg17[%swap3A_455] {strides = array<i32>} : memref<128xi32, #tpu.memory_space<vmem>>, vector<16xi32>,
    tpu.vector_store %arg17[%swap3A_455], %gather3A_454 {strides = array<i32>} : memref<128xi32, #tpu.memory_space<vmem>>, vector<16xi32>,
    %dma_start3A_457 = arith.constant 0 : i32
    %dma_start3A_458 = arith.constant 0 : i32
    %dma_start3A_459 = tpu.memref_slice %arg2[%dma_start3A_457, %dma_start3A_458] : memref<4096x128xf32, #tpu.memory_space<hbm>> -> memref<4096x128xf32, #tpu.memory_space<hbm>>
    tpu.enqueue_indirect_dma source(%dma_start3A_459 : memref<4096x128xf32, #tpu.memory_space<hbm>>) target(%arg21 : memref<128x128xf32, #tpu.memory_space<vmem>>) offsets(%arg17 : memref<128xi32, #tpu.memory_space<vmem>>) semaphore(%arg25 : memref<!tpu.dma_semaphore, #tpu.memory_space<semaphore_mem>>)
    %dma_wait3A_460 = tpu.memref_slice %arg23[%add3A_259] : memref<8192xi32, #tpu.memory_space<vmem>> -> memref<128xi32, #tpu.memory_space<vmem>>
    %dma_wait3A_461 = arith.constant 0 : i32
    %dma_wait3A_462 = arith.constant 0 : i32
    %dma_wait3A_463 = tpu.memref_slice %arg2[%dma_wait3A_461, %dma_wait3A_462] : memref<4096x128xf32, #tpu.memory_space<hbm>> -> memref<4096x128xf32, #tpu.memory_space<hbm>>
    tpu.wait_indirect_dma semaphore(%arg25 : memref<!tpu.dma_semaphore, #tpu.memory_space<semaphore_mem>>) src(%dma_wait3A_463 : memref<4096x128xf32, #tpu.memory_space<hbm>>) dst(%arg22 : memref<128x128xf32, #tpu.memory_space<vmem>>)
    %dma_wait3A_464 = arith.constant 0 : i32
    %dma_wait3A_465 = arith.constant 0 : i32
    %dma_wait3A_466 = tpu.memref_slice %arg2[%dma_wait3A_464, %dma_wait3A_465] : memref<4096x128xf32, #tpu.memory_space<hbm>> -> memref<4096x128xf32, #tpu.memory_space<hbm>>
    tpu.wait_indirect_dma semaphore(%arg25 : memref<!tpu.dma_semaphore, #tpu.memory_space<semaphore_mem>>) src(%dma_wait3A_466 : memref<4096x128xf32, #tpu.memory_space<hbm>>) dst(%arg18 : memref<128x128xf32, #tpu.memory_space<vmem>>)
    %dma_wait3A_467 = arith.constant 0 : i32
    %dma_wait3A_468 = arith.constant 0 : i32
    %dma_wait3A_469 = tpu.memref_slice %arg2[%dma_wait3A_467, %dma_wait3A_468] : memref<4096x128xf32, #tpu.memory_space<hbm>> -> memref<4096x128xf32, #tpu.memory_space<hbm>>
    tpu.wait_indirect_dma semaphore(%arg25 : memref<!tpu.dma_semaphore, #tpu.memory_space<semaphore_mem>>) src(%dma_wait3A_469 : memref<4096x128xf32, #tpu.memory_space<hbm>>) dst(%arg19 : memref<128x128xf32, #tpu.memory_space<vmem>>)
    %dma_wait3A_470 = arith.constant 0 : i32
    %dma_wait3A_471 = arith.constant 0 : i32
    %dma_wait3A_472 = tpu.memref_slice %arg2[%dma_wait3A_470, %dma_wait3A_471] : memref<4096x128xf32, #tpu.memory_space<hbm>> -> memref<4096x128xf32, #tpu.memory_space<hbm>>
    tpu.wait_indirect_dma semaphore(%arg25 : memref<!tpu.dma_semaphore, #tpu.memory_space<semaphore_mem>>) src(%dma_wait3A_472 : memref<4096x128xf32, #tpu.memory_space<hbm>>) dst(%arg20 : memref<128x128xf32, #tpu.memory_space<vmem>>)
    %dma_wait3A_473 = arith.constant 0 : i32
    %dma_wait3A_474 = arith.constant 0 : i32
    %dma_wait3A_475 = tpu.memref_slice %arg2[%dma_wait3A_473, %dma_wait3A_474] : memref<4096x128xf32, #tpu.memory_space<hbm>> -> memref<4096x128xf32, #tpu.memory_space<hbm>>
    tpu.wait_indirect_dma semaphore(%arg25 : memref<!tpu.dma_semaphore, #tpu.memory_space<semaphore_mem>>) src(%dma_wait3A_475 : memref<4096x128xf32, #tpu.memory_space<hbm>>) dst(%arg21 : memref<128x128xf32, #tpu.memory_space<vmem>>)
    %dma_start3A_476 = arith.constant 0 : i32
    %dma_start3A_477 = tpu.memref_slice %arg5[%add3A_259, %dma_start3A_476] : memref<8192x128xf32, #tpu.memory_space<hbm>> -> memref<128x128xf32, #tpu.memory_space<hbm>>
    %dma_start3A_478 = arith.constant 0 : i32
    %dma_start3A_479 = tpu.memref_slice %arg5[%add3A_259, %dma_start3A_478] : memref<8192x128xf32, #tpu.memory_space<hbm>> -> memref<128x128xf32, #tpu.memory_space<hbm>>
    tpu.enqueue_dma source(%arg18 : memref<128x128xf32, #tpu.memory_space<vmem>>) target(%dma_start3A_479 : memref<128x128xf32, #tpu.memory_space<hbm>>) target_semaphore(%arg26 : memref<!tpu.dma_semaphore, #tpu.memory_space<semaphore_mem>>)
    %dma_start3A_480 = arith.constant 0 : i32
    %dma_start3A_481 = tpu.memref_slice %arg6[%add3A_259, %dma_start3A_480] : memref<8192x128xf32, #tpu.memory_space<hbm>> -> memref<128x128xf32, #tpu.memory_space<hbm>>
    %dma_start3A_482 = arith.constant 0 : i32
    %dma_start3A_483 = tpu.memref_slice %arg6[%add3A_259, %dma_start3A_482] : memref<8192x128xf32, #tpu.memory_space<hbm>> -> memref<128x128xf32, #tpu.memory_space<hbm>>
    tpu.enqueue_dma source(%arg19 : memref<128x128xf32, #tpu.memory_space<vmem>>) target(%dma_start3A_483 : memref<128x128xf32, #tpu.memory_space<hbm>>) target_semaphore(%arg26 : memref<!tpu.dma_semaphore, #tpu.memory_space<semaphore_mem>>)
    %dma_start3A_484 = arith.constant 0 : i32
    %dma_start3A_485 = tpu.memref_slice %arg7[%add3A_259, %dma_start3A_484] : memref<8192x128xf32, #tpu.memory_space<hbm>> -> memref<128x128xf32, #tpu.memory_space<hbm>>
    %dma_start3A_486 = arith.constant 0 : i32
    %dma_start3A_487 = tpu.memref_slice %arg7[%add3A_259, %dma_start3A_486] : memref<8192x128xf32, #tpu.memory_space<hbm>> -> memref<128x128xf32, #tpu.memory_space<hbm>>
    tpu.enqueue_dma source(%arg20 : memref<128x128xf32, #tpu.memory_space<vmem>>) target(%dma_start3A_487 : memref<128x128xf32, #tpu.memory_space<hbm>>) target_semaphore(%arg26 : memref<!tpu.dma_semaphore, #tpu.memory_space<semaphore_mem>>)
    %dma_start3A_488 = arith.constant 0 : i32
    %dma_start3A_489 = tpu.memref_slice %arg8[%add3A_259, %dma_start3A_488] : memref<8192x128xf32, #tpu.memory_space<hbm>> -> memref<128x128xf32, #tpu.memory_space<hbm>>
    %dma_start3A_490 = arith.constant 0 : i32
    %dma_start3A_491 = tpu.memref_slice %arg8[%add3A_259, %dma_start3A_490] : memref<8192x128xf32, #tpu.memory_space<hbm>> -> memref<128x128xf32, #tpu.memory_space<hbm>>
    tpu.enqueue_dma source(%arg21 : memref<128x128xf32, #tpu.memory_space<vmem>>) target(%dma_start3A_491 : memref<128x128xf32, #tpu.memory_space<hbm>>) target_semaphore(%arg26 : memref<!tpu.dma_semaphore, #tpu.memory_space<semaphore_mem>>)
    %dma_start3A_492 = arith.constant 0 : i32
    %dma_start3A_493 = tpu.memref_slice %arg9[%add3A_259, %dma_start3A_492] : memref<8192x128xf32, #tpu.memory_space<hbm>> -> memref<128x128xf32, #tpu.memory_space<hbm>>
    %dma_start3A_494 = arith.constant 0 : i32
    %dma_start3A_495 = tpu.memref_slice %arg9[%add3A_259, %dma_start3A_494] : memref<8192x128xf32, #tpu.memory_space<hbm>> -> memref<128x128xf32, #tpu.memory_space<hbm>>
    tpu.enqueue_dma source(%arg22 : memref<128x128xf32, #tpu.memory_space<vmem>>) target(%dma_start3A_495 : memref<128x128xf32, #tpu.memory_space<hbm>>) target_semaphore(%arg26 : memref<!tpu.dma_semaphore, #tpu.memory_space<semaphore_mem>>)
    %dma_wait3A_496 = arith.constant 0 : i32
    %dma_wait3A_497 = tpu.memref_slice %arg5[%add3A_259, %dma_wait3A_496] : memref<8192x128xf32, #tpu.memory_space<hbm>> -> memref<128x128xf32, #tpu.memory_space<hbm>>
    %dma_wait3A_498 = arith.constant 0 : i32
    %dma_wait3A_499 = tpu.memref_slice %arg5[%add3A_259, %dma_wait3A_498] : memref<8192x128xf32, #tpu.memory_space<hbm>> -> memref<128x128xf32, #tpu.memory_space<hbm>>
    tpu.wait_dma2 semaphore(%arg26 : memref<!tpu.dma_semaphore, #tpu.memory_space<semaphore_mem>>) src(%arg18 : memref<128x128xf32, #tpu.memory_space<vmem>>) dst(%dma_wait3A_499 : memref<128x128xf32, #tpu.memory_space<hbm>>)
    %dma_wait3A_500 = arith.constant 0 : i32
    %dma_wait3A_501 = tpu.memref_slice %arg6[%add3A_259, %dma_wait3A_500] : memref<8192x128xf32, #tpu.memory_space<hbm>> -> memref<128x128xf32, #tpu.memory_space<hbm>>
    %dma_wait3A_502 = arith.constant 0 : i32
    %dma_wait3A_503 = tpu.memref_slice %arg6[%add3A_259, %dma_wait3A_502] : memref<8192x128xf32, #tpu.memory_space<hbm>> -> memref<128x128xf32, #tpu.memory_space<hbm>>
    tpu.wait_dma2 semaphore(%arg26 : memref<!tpu.dma_semaphore, #tpu.memory_space<semaphore_mem>>) src(%arg19 : memref<128x128xf32, #tpu.memory_space<vmem>>) dst(%dma_wait3A_503 : memref<128x128xf32, #tpu.memory_space<hbm>>)
    %dma_wait3A_504 = arith.constant 0 : i32
    %dma_wait3A_505 = tpu.memref_slice %arg7[%add3A_259, %dma_wait3A_504] : memref<8192x128xf32, #tpu.memory_space<hbm>> -> memref<128x128xf32, #tpu.memory_space<hbm>>
    %dma_wait3A_506 = arith.constant 0 : i32
    %dma_wait3A_507 = tpu.memref_slice %arg7[%add3A_259, %dma_wait3A_506] : memref<8192x128xf32, #tpu.memory_space<hbm>> -> memref<128x128xf32, #tpu.memory_space<hbm>>
    tpu.wait_dma2 semaphore(%arg26 : memref<!tpu.dma_semaphore, #tpu.memory_space<semaphore_mem>>) src(%arg20 : memref<128x128xf32, #tpu.memory_space<vmem>>) dst(%dma_wait3A_507 : memref<128x128xf32, #tpu.memory_space<hbm>>)
    %dma_wait3A_508 = arith.constant 0 : i32
    %dma_wait3A_509 = tpu.memref_slice %arg8[%add3A_259, %dma_wait3A_508] : memref<8192x128xf32, #tpu.memory_space<hbm>> -> memref<128x128xf32, #tpu.memory_space<hbm>>
    %dma_wait3A_510 = arith.constant 0 : i32
    %dma_wait3A_511 = tpu.memref_slice %arg8[%add3A_259, %dma_wait3A_510] : memref<8192x128xf32, #tpu.memory_space<hbm>> -> memref<128x128xf32, #tpu.memory_space<hbm>>
    tpu.wait_dma2 semaphore(%arg26 : memref<!tpu.dma_semaphore, #tpu.memory_space<semaphore_mem>>) src(%arg21 : memref<128x128xf32, #tpu.memory_space<vmem>>) dst(%dma_wait3A_511 : memref<128x128xf32, #tpu.memory_space<hbm>>)
    %dma_wait3A_512 = arith.constant 0 : i32
    %dma_wait3A_513 = tpu.memref_slice %arg9[%add3A_259, %dma_wait3A_512] : memref<8192x128xf32, #tpu.memory_space<hbm>> -> memref<128x128xf32, #tpu.memory_space<hbm>>
    %dma_wait3A_514 = arith.constant 0 : i32
    %dma_wait3A_515 = tpu.memref_slice %arg9[%add3A_259, %dma_wait3A_514] : memref<8192x128xf32, #tpu.memory_space<hbm>> -> memref<128x128xf32, #tpu.memory_space<hbm>>
    tpu.wait_dma2 semaphore(%arg26 : memref<!tpu.dma_semaphore, #tpu.memory_space<semaphore_mem>>) src(%arg22 : memref<128x128xf32, #tpu.memory_space<vmem>>) dst(%dma_wait3A_515 : memref<128x128xf32, #tpu.memory_space<hbm>>)
    return
  }
}

module attributes {stable_mosaic.version = 14 : i64} {
  func.func @_conv_body(%arg0: i32, %arg1: i32, %arg2: memref<1024x128xf32, #tpu.memory_space<vmem>>, %arg3: memref<1024x128xf32, #tpu.memory_space<vmem>>, %arg4: memref<1024x128xf32, #tpu.memory_space<vmem>>, %arg5: memref<1024x128xf32, #tpu.memory_space<vmem>>, %arg6: memref<1024x128xf32, #tpu.memory_space<vmem>>, %arg7: memref<25x64xf32, #tpu.memory_space<vmem>>, %arg8: memref<1x64xf32, #tpu.memory_space<vmem>>, %arg9: memref<1x64xf32, #tpu.memory_space<vmem>>, %arg10: memref<1024x128xf32, #tpu.memory_space<vmem>>, %arg11: memref<1024x1xf32, #tpu.memory_space<vmem>>, %arg12: memref<8192x64xf32, #tpu.memory_space<vmem>>, %arg13: memref<1x64xf32, #tpu.memory_space<vmem>>, %arg14: memref<1x64xf32, #tpu.memory_space<vmem>>, %arg15: memref<1x64xf32, #tpu.memory_space<vmem>>) attributes {dimension_semantics = [#tpu.dimension_semantics<arbitrary>, #tpu.dimension_semantics<arbitrary>], iteration_bounds = array<i64: 3, 8>, scalar_prefetch = 0 : i64, scratch_operands = 4 : i64, tpu.core_type = #tpu.core_type<tc>, window_params = [{transform_indices = @transform_0, window_bounds = array<i64: 1024, 128>}, {transform_indices = @transform_1, window_bounds = array<i64: 1024, 128>}, {transform_indices = @transform_2, window_bounds = array<i64: 1024, 128>}, {transform_indices = @transform_3, window_bounds = array<i64: 1024, 128>}, {transform_indices = @transform_4, window_bounds = array<i64: 1024, 128>}, {pipeline_mode = #tpu.pipeline_mode<synchronous>, transform_indices = @transform_5, window_bounds = array<i64: 25, 64>}, {pipeline_mode = #tpu.pipeline_mode<synchronous>, transform_indices = @transform_6, window_bounds = array<i64: 1, 64>}, {pipeline_mode = #tpu.pipeline_mode<synchronous>, transform_indices = @transform_7, window_bounds = array<i64: 1, 64>}, {transform_indices = @transform_8, window_bounds = array<i64: 1024, 128>}, {transform_indices = @transform_9, window_bounds = array<i64: 1024, 1>}]} {
    %eq3A = arith.constant 0 : i32
    %eq3A_0 = arith.cmpi eq, %arg0, %eq3A : i32
    %convert_element_type3A = arith.extui %eq3A_0 : i1 to i32
    %cond3A = arith.constant 0 : i32
    %cond3A_1 = arith.cmpi ne, %convert_element_type3A, %cond3A : i32
    scf.if %cond3A_1 {
      %get3A = arith.constant 0 : index
      %get3A_12 = arith.constant 0 : index
      %get3A_13 = vector.load %arg2[%get3A, %get3A_12] : memref<1024x128xf32, #tpu.memory_space<vmem>>, vector<1024x5xf32>
      %get3A_14 = arith.constant 0 : index
      %get3A_15 = arith.constant 0 : index
      %get3A_16 = vector.load %arg3[%get3A_14, %get3A_15] : memref<1024x128xf32, #tpu.memory_space<vmem>>, vector<1024x5xf32>
      %get3A_17 = arith.constant 0 : index
      %get3A_18 = arith.constant 0 : index
      %get3A_19 = vector.load %arg4[%get3A_17, %get3A_18] : memref<1024x128xf32, #tpu.memory_space<vmem>>, vector<1024x5xf32>
      %get3A_20 = arith.constant 0 : index
      %get3A_21 = arith.constant 0 : index
      %get3A_22 = vector.load %arg5[%get3A_20, %get3A_21] : memref<1024x128xf32, #tpu.memory_space<vmem>>, vector<1024x5xf32>
      %get3A_23 = arith.constant 0 : index
      %get3A_24 = arith.constant 0 : index
      %get3A_25 = vector.load %arg6[%get3A_23, %get3A_24] : memref<1024x128xf32, #tpu.memory_space<vmem>>, vector<1024x5xf32>
      %min3A = arith.minimumf %get3A_16, %get3A_19 : vector<1024x5xf32>
      %max3A = arith.maximumf %get3A_16, %get3A_19 : vector<1024x5xf32>
      %min3A_26 = arith.minimumf %get3A_22, %get3A_25 : vector<1024x5xf32>
      %max3A_27 = arith.maximumf %get3A_22, %get3A_25 : vector<1024x5xf32>
      %concatenate3A = tpu.concatenate %get3A_13, %min3A, %max3A, %min3A_26, %max3A_27 in 1 : vector<1024x5xf32>, vector<1024x5xf32>, vector<1024x5xf32>, vector<1024x5xf32>, vector<1024x5xf32> -> vector<1024x25xf32>
      %get3A_28 = arith.constant 0 : index
      %get3A_29 = arith.constant 0 : index
      %get3A_30 = vector.load %arg7[%get3A_28, %get3A_29] : memref<25x64xf32, #tpu.memory_space<vmem>>, vector<25x64xf32>
      %dot_general3A = arith.constant dense<0.000000e+00> : vector<1024x64xf32>
      %dot_general3A_31 = tpu.matmul %concatenate3A, %get3A_30, %dot_general3A {dimension_numbers = #tpu.dot_dimension_numbers<[1], [0], [0], [1], [0, 0, 1, 1], [], []>, transpose_lhs_hint = false} : vector<1024x25xf32>, vector<25x64xf32>, vector<1024x64xf32> -> vector<1024x64xf32>
      %mul3A = arith.constant 1024 : i32
      %mul3A_32 = arith.muli %arg1, %mul3A : i32
      %swap3A = arith.index_cast %mul3A_32 : i32 to index
      %swap3A_33 = arith.constant 0 : index
      %swap3A_34 = vector.load %arg12[%swap3A, %swap3A_33] : memref<8192x64xf32, #tpu.memory_space<vmem>>, vector<1024x64xf32>
      tpu.vector_store %arg12[%swap3A, %swap3A_33], %dot_general3A_31 {strides = array<i32>} : memref<8192x64xf32, #tpu.memory_space<vmem>>, vector<1024x64xf32>,
      %reduce_sum3A = arith.constant dense<0.000000e+00> : vector<64xf32>
      %reduce_sum3A_35 = vector.multi_reduction <add>, %dot_general3A_31, %reduce_sum3A [0] : vector<1024x64xf32> to vector<64xf32>
      %broadcast_in_dim3A = vector.shape_cast %reduce_sum3A_35 : vector<64xf32> to vector<1x64xf32>
      %eq3A_36 = arith.constant 0 : i32
      %eq3A_37 = arith.cmpi eq, %arg1, %eq3A_36 : i32
      %convert_element_type3A_38 = arith.extui %eq3A_37 : i1 to i32
      %cond3A_39 = arith.constant 0 : i32
      %cond3A_40 = arith.cmpi ne, %convert_element_type3A_38, %cond3A_39 : i32
      scf.if %cond3A_40 {
        %swap3A_45 = arith.constant 0 : index
        %swap3A_46 = arith.constant 0 : index
        %swap3A_47 = vector.load %arg13[%swap3A_45, %swap3A_46] : memref<1x64xf32, #tpu.memory_space<vmem>>, vector<1x64xf32>
        tpu.vector_store %arg13[%swap3A_45, %swap3A_46], %broadcast_in_dim3A {strides = array<i32>} : memref<1x64xf32, #tpu.memory_space<vmem>>, vector<1x64xf32>,
      } else {
      }
      %gt3A = arith.constant 0 : i32
      %gt3A_41 = arith.cmpi sgt, %arg1, %gt3A : i32
      %convert_element_type3A_42 = arith.extui %gt3A_41 : i1 to i32
      %cond3A_43 = arith.constant 0 : i32
      %cond3A_44 = arith.cmpi ne, %convert_element_type3A_42, %cond3A_43 : i32
      scf.if %cond3A_44 {
        %get3A_45 = arith.constant 0 : index
        %get3A_46 = arith.constant 0 : index
        %get3A_47 = vector.load %arg13[%get3A_45, %get3A_46] : memref<1x64xf32, #tpu.memory_space<vmem>>, vector<1x64xf32>
        %add3A = arith.addf %get3A_47, %broadcast_in_dim3A : vector<1x64xf32>
        %swap3A_48 = arith.constant 0 : index
        %swap3A_49 = arith.constant 0 : index
        %swap3A_50 = vector.load %arg13[%swap3A_48, %swap3A_49] : memref<1x64xf32, #tpu.memory_space<vmem>>, vector<1x64xf32>
        tpu.vector_store %arg13[%swap3A_48, %swap3A_49], %add3A {strides = array<i32>} : memref<1x64xf32, #tpu.memory_space<vmem>>, vector<1x64xf32>,
      } else {
      }
    } else {
    }
    %eq3A_2 = arith.constant 1 : i32
    %eq3A_3 = arith.cmpi eq, %arg0, %eq3A_2 : i32
    %convert_element_type3A_4 = arith.extui %eq3A_3 : i1 to i32
    %cond3A_5 = arith.constant 0 : i32
    %cond3A_6 = arith.cmpi ne, %convert_element_type3A_4, %cond3A_5 : i32
    scf.if %cond3A_6 {
      %eq3A_12 = arith.constant 0 : i32
      %eq3A_13 = arith.cmpi eq, %arg1, %eq3A_12 : i32
      %convert_element_type3A_14 = arith.extui %eq3A_13 : i1 to i32
      %cond3A_15 = arith.constant 0 : i32
      %cond3A_16 = arith.cmpi ne, %convert_element_type3A_14, %cond3A_15 : i32
      scf.if %cond3A_16 {
        %get3A_35 = arith.constant 0 : index
        %get3A_36 = arith.constant 0 : index
        %get3A_37 = vector.load %arg13[%get3A_35, %get3A_36] : memref<1x64xf32, #tpu.memory_space<vmem>>, vector<1x64xf32>
        %div3A = arith.constant 8.192000e+03 : f32
        %div3A_38 = vector.broadcast %div3A : f32 to vector<1x64xf32>
        %div3A_39 = arith.divf %get3A_37, %div3A_38 : vector<1x64xf32>
        %swap3A = arith.constant 0 : index
        %swap3A_40 = arith.constant 0 : index
        %swap3A_41 = vector.load %arg14[%swap3A, %swap3A_40] : memref<1x64xf32, #tpu.memory_space<vmem>>, vector<1x64xf32>
        tpu.vector_store %arg14[%swap3A, %swap3A_40], %div3A_39 {strides = array<i32>} : memref<1x64xf32, #tpu.memory_space<vmem>>, vector<1x64xf32>,
      } else {
      }
      %mul3A = arith.constant 1024 : i32
      %mul3A_17 = arith.muli %arg1, %mul3A : i32
      %get3A = arith.index_cast %mul3A_17 : i32 to index
      %get3A_18 = arith.constant 0 : index
      %get3A_19 = vector.load %arg12[%get3A, %get3A_18] : memref<8192x64xf32, #tpu.memory_space<vmem>>, vector<1024x64xf32>
      %get3A_20 = arith.constant 0 : index
      %get3A_21 = arith.constant 0 : index
      %get3A_22 = vector.load %arg14[%get3A_20, %get3A_21] : memref<1x64xf32, #tpu.memory_space<vmem>>, vector<1x64xf32>
      %sub3A = vector.broadcast %get3A_22 : vector<1x64xf32> to vector<1024x64xf32>
      %sub3A_23 = arith.subf %get3A_19, %sub3A : vector<1024x64xf32>
      %mul3A_24 = arith.mulf %sub3A_23, %sub3A_23 : vector<1024x64xf32>
      %reduce_sum3A = arith.constant dense<0.000000e+00> : vector<64xf32>
      %reduce_sum3A_25 = vector.multi_reduction <add>, %mul3A_24, %reduce_sum3A [0] : vector<1024x64xf32> to vector<64xf32>
      %broadcast_in_dim3A = vector.shape_cast %reduce_sum3A_25 : vector<64xf32> to vector<1x64xf32>
      %eq3A_26 = arith.constant 0 : i32
      %eq3A_27 = arith.cmpi eq, %arg1, %eq3A_26 : i32
      %convert_element_type3A_28 = arith.extui %eq3A_27 : i1 to i32
      %cond3A_29 = arith.constant 0 : i32
      %cond3A_30 = arith.cmpi ne, %convert_element_type3A_28, %cond3A_29 : i32
      scf.if %cond3A_30 {
        %swap3A = arith.constant 0 : index
        %swap3A_35 = arith.constant 0 : index
        %swap3A_36 = vector.load %arg13[%swap3A, %swap3A_35] : memref<1x64xf32, #tpu.memory_space<vmem>>, vector<1x64xf32>
        tpu.vector_store %arg13[%swap3A, %swap3A_35], %broadcast_in_dim3A {strides = array<i32>} : memref<1x64xf32, #tpu.memory_space<vmem>>, vector<1x64xf32>,
      } else {
      }
      %gt3A = arith.constant 0 : i32
      %gt3A_31 = arith.cmpi sgt, %arg1, %gt3A : i32
      %convert_element_type3A_32 = arith.extui %gt3A_31 : i1 to i32
      %cond3A_33 = arith.constant 0 : i32
      %cond3A_34 = arith.cmpi ne, %convert_element_type3A_32, %cond3A_33 : i32
      scf.if %cond3A_34 {
        %get3A_35 = arith.constant 0 : index
        %get3A_36 = arith.constant 0 : index
        %get3A_37 = vector.load %arg13[%get3A_35, %get3A_36] : memref<1x64xf32, #tpu.memory_space<vmem>>, vector<1x64xf32>
        %add3A = arith.addf %get3A_37, %broadcast_in_dim3A : vector<1x64xf32>
        %swap3A = arith.constant 0 : index
        %swap3A_38 = arith.constant 0 : index
        %swap3A_39 = vector.load %arg13[%swap3A, %swap3A_38] : memref<1x64xf32, #tpu.memory_space<vmem>>, vector<1x64xf32>
        tpu.vector_store %arg13[%swap3A, %swap3A_38], %add3A {strides = array<i32>} : memref<1x64xf32, #tpu.memory_space<vmem>>, vector<1x64xf32>,
      } else {
      }
    } else {
    }
    %eq3A_7 = arith.constant 2 : i32
    %eq3A_8 = arith.cmpi eq, %arg0, %eq3A_7 : i32
    %convert_element_type3A_9 = arith.extui %eq3A_8 : i1 to i32
    %cond3A_10 = arith.constant 0 : i32
    %cond3A_11 = arith.cmpi ne, %convert_element_type3A_9, %cond3A_10 : i32
    scf.if %cond3A_11 {
      %eq3A_12 = arith.constant 0 : i32
      %eq3A_13 = arith.cmpi eq, %arg1, %eq3A_12 : i32
      %convert_element_type3A_14 = arith.extui %eq3A_13 : i1 to i32
      %cond3A_15 = arith.constant 0 : i32
      %cond3A_16 = arith.cmpi ne, %convert_element_type3A_14, %cond3A_15 : i32
      scf.if %cond3A_16 {
        %get3A_48 = arith.constant 0 : index
        %get3A_49 = arith.constant 0 : index
        %get3A_50 = vector.load %arg13[%get3A_48, %get3A_49] : memref<1x64xf32, #tpu.memory_space<vmem>>, vector<1x64xf32>
        %div3A_51 = arith.constant 8.192000e+03 : f32
        %div3A_52 = vector.broadcast %div3A_51 : f32 to vector<1x64xf32>
        %div3A_53 = arith.divf %get3A_50, %div3A_52 : vector<1x64xf32>
        %add3A_54 = arith.constant 9.99999974E-6 : f32
        %add3A_55 = vector.broadcast %add3A_54 : f32 to vector<1x64xf32>
        %add3A_56 = arith.addf %div3A_53, %add3A_55 : vector<1x64xf32>
        %sqrt3A_57 = math.sqrt %add3A_56 : vector<1x64xf32>
        %swap3A_58 = arith.constant 0 : index
        %swap3A_59 = arith.constant 0 : index
        %swap3A_60 = vector.load %arg15[%swap3A_58, %swap3A_59] : memref<1x64xf32, #tpu.memory_space<vmem>>, vector<1x64xf32>
        tpu.vector_store %arg15[%swap3A_58, %swap3A_59], %sqrt3A_57 {strides = array<i32>} : memref<1x64xf32, #tpu.memory_space<vmem>>, vector<1x64xf32>,
      } else {
      }
      %mul3A = arith.constant 1024 : i32
      %mul3A_17 = arith.muli %arg1, %mul3A : i32
      %get3A = arith.index_cast %mul3A_17 : i32 to index
      %get3A_18 = arith.constant 0 : index
      %get3A_19 = vector.load %arg12[%get3A, %get3A_18] : memref<8192x64xf32, #tpu.memory_space<vmem>>, vector<1024x64xf32>
      %get3A_20 = arith.constant 0 : index
      %get3A_21 = arith.constant 0 : index
      %get3A_22 = vector.load %arg14[%get3A_20, %get3A_21] : memref<1x64xf32, #tpu.memory_space<vmem>>, vector<1x64xf32>
      %sub3A = vector.broadcast %get3A_22 : vector<1x64xf32> to vector<1024x64xf32>
      %sub3A_23 = arith.subf %get3A_19, %sub3A : vector<1024x64xf32>
      %get3A_24 = arith.constant 0 : index
      %get3A_25 = arith.constant 0 : index
      %get3A_26 = vector.load %arg15[%get3A_24, %get3A_25] : memref<1x64xf32, #tpu.memory_space<vmem>>, vector<1x64xf32>
      %div3A = vector.broadcast %get3A_26 : vector<1x64xf32> to vector<1024x64xf32>
      %div3A_27 = arith.divf %sub3A_23, %div3A : vector<1024x64xf32>
      %get3A_28 = arith.constant 0 : index
      %get3A_29 = arith.constant 0 : index
      %get3A_30 = vector.load %arg8[%get3A_28, %get3A_29] : memref<1x64xf32, #tpu.memory_space<vmem>>, vector<1x64xf32>
      %mul3A_31 = vector.broadcast %get3A_30 : vector<1x64xf32> to vector<1024x64xf32>
      %mul3A_32 = arith.mulf %div3A_27, %mul3A_31 : vector<1024x64xf32>
      %get3A_33 = arith.constant 0 : index
      %get3A_34 = arith.constant 0 : index
      %get3A_35 = vector.load %arg9[%get3A_33, %get3A_34] : memref<1x64xf32, #tpu.memory_space<vmem>>, vector<1x64xf32>
      %add3A = vector.broadcast %get3A_35 : vector<1x64xf32> to vector<1024x64xf32>
      %add3A_36 = arith.addf %mul3A_32, %add3A : vector<1024x64xf32>
      %max3A = arith.constant 0.000000e+00 : f32
      %max3A_37 = vector.broadcast %max3A : f32 to vector<1024x64xf32>
      %max3A_38 = arith.maximumf %add3A_36, %max3A_37 : vector<1024x64xf32>
      %broadcast_in_dim3A = arith.constant 0.000000e+00 : f32
      %broadcast_in_dim3A_39 = vector.broadcast %broadcast_in_dim3A : f32 to vector<1024x64xf32>
      %concatenate3A = tpu.concatenate %max3A_38, %broadcast_in_dim3A_39 in 1 : vector<1024x64xf32>, vector<1024x64xf32> -> vector<1024x128xf32>
      %swap3A = arith.constant 0 : index
      %swap3A_40 = arith.constant 0 : index
      %swap3A_41 = vector.load %arg10[%swap3A, %swap3A_40] : memref<1024x128xf32, #tpu.memory_space<vmem>>, vector<1024x128xf32>
      tpu.vector_store %arg10[%swap3A, %swap3A_40], %concatenate3A {strides = array<i32>} : memref<1024x128xf32, #tpu.memory_space<vmem>>, vector<1024x128xf32>,
      %mul3A_42 = arith.mulf %max3A_38, %max3A_38 : vector<1024x64xf32>
      %reduce_sum3A = arith.constant dense<0.000000e+00> : vector<1024xf32>
      %reduce_sum3A_43 = vector.multi_reduction <add>, %mul3A_42, %reduce_sum3A [1] : vector<1024x64xf32> to vector<1024xf32>
      %broadcast_in_dim3A_44 = vector.shape_cast %reduce_sum3A_43 : vector<1024xf32> to vector<1024x1xf32>
      %sqrt3A = math.sqrt %broadcast_in_dim3A_44 : vector<1024x1xf32>
      %swap3A_45 = arith.constant 0 : index
      %swap3A_46 = arith.constant 0 : index
      %swap3A_47 = vector.load %arg11[%swap3A_45, %swap3A_46] : memref<1024x1xf32, #tpu.memory_space<vmem>>, vector<1024x1xf32>
      tpu.vector_store %arg11[%swap3A_45, %swap3A_46], %sqrt3A {strides = array<i32>} : memref<1024x1xf32, #tpu.memory_space<vmem>>, vector<1024x1xf32>,
    } else {
    }
    return
  }
  func.func @transform_0(%arg0: i32, %arg1: i32) -> (i32, i32) {
    %eq3A = arith.constant 0 : i32
    %eq3A_0 = arith.cmpi eq, %arg0, %eq3A : i32
    %jit3A = arith.constant 0 : i32
    %select_n3A = arith.select %eq3A_0, %arg1, %jit3A : i32
    %c0_i32 = arith.constant 0 : i32
    %c0_i32_1 = arith.constant 0 : i32
    return %select_n3A, %c0_i32 : i32, i32
  }
  func.func @transform_1(%arg0: i32, %arg1: i32) -> (i32, i32) {
    %eq3A = arith.constant 0 : i32
    %eq3A_0 = arith.cmpi eq, %arg0, %eq3A : i32
    %jit3A = arith.constant 0 : i32
    %select_n3A = arith.select %eq3A_0, %arg1, %jit3A : i32
    %c0_i32 = arith.constant 0 : i32
    %c0_i32_1 = arith.constant 0 : i32
    return %select_n3A, %c0_i32 : i32, i32
  }
  func.func @transform_2(%arg0: i32, %arg1: i32) -> (i32, i32) {
    %eq3A = arith.constant 0 : i32
    %eq3A_0 = arith.cmpi eq, %arg0, %eq3A : i32
    %jit3A = arith.constant 0 : i32
    %select_n3A = arith.select %eq3A_0, %arg1, %jit3A : i32
    %c0_i32 = arith.constant 0 : i32
    %c0_i32_1 = arith.constant 0 : i32
    return %select_n3A, %c0_i32 : i32, i32
  }
  func.func @transform_3(%arg0: i32, %arg1: i32) -> (i32, i32) {
    %eq3A = arith.constant 0 : i32
    %eq3A_0 = arith.cmpi eq, %arg0, %eq3A : i32
    %jit3A = arith.constant 0 : i32
    %select_n3A = arith.select %eq3A_0, %arg1, %jit3A : i32
    %c0_i32 = arith.constant 0 : i32
    %c0_i32_1 = arith.constant 0 : i32
    return %select_n3A, %c0_i32 : i32, i32
  }
  func.func @transform_4(%arg0: i32, %arg1: i32) -> (i32, i32) {
    %eq3A = arith.constant 0 : i32
    %eq3A_0 = arith.cmpi eq, %arg0, %eq3A : i32
    %jit3A = arith.constant 0 : i32
    %select_n3A = arith.select %eq3A_0, %arg1, %jit3A : i32
    %c0_i32 = arith.constant 0 : i32
    %c0_i32_1 = arith.constant 0 : i32
    return %select_n3A, %c0_i32 : i32, i32
  }
  func.func @transform_5(%arg0: i32, %arg1: i32) -> (i32, i32) {
    %c0_i32 = arith.constant 0 : i32
    %c0_i32_0 = arith.constant 0 : i32
    %c0_i32_1 = arith.constant 0 : i32
    return %c0_i32, %c0_i32_0 : i32, i32
  }
  func.func @transform_6(%arg0: i32, %arg1: i32) -> (i32, i32) {
    %c0_i32 = arith.constant 0 : i32
    %c0_i32_0 = arith.constant 0 : i32
    %c0_i32_1 = arith.constant 0 : i32
    return %c0_i32, %c0_i32_0 : i32, i32
  }
  func.func @transform_7(%arg0: i32, %arg1: i32) -> (i32, i32) {
    %c0_i32 = arith.constant 0 : i32
    %c0_i32_0 = arith.constant 0 : i32
    %c0_i32_1 = arith.constant 0 : i32
    return %c0_i32, %c0_i32_0 : i32, i32
  }
  func.func @transform_8(%arg0: i32, %arg1: i32) -> (i32, i32) {
    %eq3A = arith.constant 2 : i32
    %eq3A_0 = arith.cmpi eq, %arg0, %eq3A : i32
    %jit3A = arith.constant 0 : i32
    %select_n3A = arith.select %eq3A_0, %arg1, %jit3A : i32
    %c0_i32 = arith.constant 0 : i32
    %c0_i32_1 = arith.constant 0 : i32
    return %select_n3A, %c0_i32 : i32, i32
  }
  func.func @transform_9(%arg0: i32, %arg1: i32) -> (i32, i32) {
    %eq3A = arith.constant 2 : i32
    %eq3A_0 = arith.cmpi eq, %arg0, %eq3A : i32
    %jit3A = arith.constant 0 : i32
    %select_n3A = arith.select %eq3A_0, %arg1, %jit3A : i32
    %c0_i32 = arith.constant 0 : i32
    %c0_i32_1 = arith.constant 0 : i32
    return %select_n3A, %c0_i32 : i32, i32
  }
}

module attributes {stable_mosaic.version = 14 : i64} {
  func.func @_rank_body(%arg0: i32, %arg1: i32, %arg2: memref<1024x1xf32, #tpu.memory_space<vmem>>, %arg3: memref<1x1024xf32, #tpu.memory_space<vmem>>, %arg4: memref<1024x1xi32, #tpu.memory_space<vmem>>, %arg5: memref<1024x1xi32, #tpu.memory_space<vmem>>) attributes {dimension_semantics = [#tpu.dimension_semantics<arbitrary>, #tpu.dimension_semantics<arbitrary>], iteration_bounds = array<i64: 8, 8>, scalar_prefetch = 0 : i64, scratch_operands = 1 : i64, tpu.core_type = #tpu.core_type<tc>, window_params = [{transform_indices = @transform_0, window_bounds = array<i64: 1024, 1>}, {transform_indices = @transform_1, window_bounds = array<i64: 1, 1024>}, {transform_indices = @transform_2, window_bounds = array<i64: 1024, 1>}]} {
    %get3A = arith.constant 0 : index
    %get3A_0 = arith.constant 0 : index
    %get3A_1 = vector.load %arg2[%get3A, %get3A_0] : memref<1024x1xf32, #tpu.memory_space<vmem>>, vector<1024x1xf32>
    %get3A_2 = arith.constant 0 : index
    %get3A_3 = arith.constant 0 : index
    %get3A_4 = vector.load %arg3[%get3A_2, %get3A_3] : memref<1x1024xf32, #tpu.memory_space<vmem>>, vector<1x1024xf32>
    %lt3A = arith.cmpi slt, %arg1, %arg0 : i32
    %convert_element_type3A = arith.extui %lt3A : i1 to i32
    %cond3A = arith.constant 0 : i32
    %cond3A_5 = arith.cmpi ne, %convert_element_type3A, %cond3A : i32
    scf.if %cond3A_5 {
      %ge3A = vector.broadcast %get3A_4 : vector<1x1024xf32> to vector<1024x1024xf32>
      %ge3A_27 = vector.broadcast %get3A_1 : vector<1024x1xf32> to vector<1024x1024xf32>
      %ge3A_28 = arith.cmpf oge, %ge3A, %ge3A_27 : vector<1024x1024xf32>
      %convert_element_type3A_29 = arith.extui %ge3A_28 : vector<1024x1024xi1> to vector<1024x1024xi32>
      %reduce_sum3A = arith.constant dense<0> : vector<1024xi32>
      %reduce_sum3A_30 = vector.multi_reduction <add>, %convert_element_type3A_29, %reduce_sum3A [1] : vector<1024x1024xi32> to vector<1024xi32>
      %broadcast_in_dim3A = vector.shape_cast %reduce_sum3A_30 : vector<1024xi32> to vector<1024x1xi32>
      %swap3A = arith.constant 0 : index
      %swap3A_31 = arith.constant 0 : index
      %swap3A_32 = vector.load %arg5[%swap3A, %swap3A_31] : memref<1024x1xi32, #tpu.memory_space<vmem>>, vector<1024x1xi32>
      tpu.vector_store %arg5[%swap3A, %swap3A_31], %broadcast_in_dim3A {strides = array<i32>} : memref<1024x1xi32, #tpu.memory_space<vmem>>, vector<1024x1xi32>,
    } else {
    }
    %gt3A = arith.cmpi sgt, %arg1, %arg0 : i32
    %convert_element_type3A_6 = arith.extui %gt3A : i1 to i32
    %cond3A_7 = arith.constant 0 : i32
    %cond3A_8 = arith.cmpi ne, %convert_element_type3A_6, %cond3A_7 : i32
    scf.if %cond3A_8 {
      %gt3A_27 = vector.broadcast %get3A_4 : vector<1x1024xf32> to vector<1024x1024xf32>
      %gt3A_28 = vector.broadcast %get3A_1 : vector<1024x1xf32> to vector<1024x1024xf32>
      %gt3A_29 = arith.cmpf ogt, %gt3A_27, %gt3A_28 : vector<1024x1024xf32>
      %convert_element_type3A_30 = arith.extui %gt3A_29 : vector<1024x1024xi1> to vector<1024x1024xi32>
      %reduce_sum3A = arith.constant dense<0> : vector<1024xi32>
      %reduce_sum3A_31 = vector.multi_reduction <add>, %convert_element_type3A_30, %reduce_sum3A [1] : vector<1024x1024xi32> to vector<1024xi32>
      %broadcast_in_dim3A = vector.shape_cast %reduce_sum3A_31 : vector<1024xi32> to vector<1024x1xi32>
      %swap3A = arith.constant 0 : index
      %swap3A_32 = arith.constant 0 : index
      %swap3A_33 = vector.load %arg5[%swap3A, %swap3A_32] : memref<1024x1xi32, #tpu.memory_space<vmem>>, vector<1024x1xi32>
      tpu.vector_store %arg5[%swap3A, %swap3A_32], %broadcast_in_dim3A {strides = array<i32>} : memref<1024x1xi32, #tpu.memory_space<vmem>>, vector<1024x1xi32>,
    } else {
    }
    %eq3A = arith.cmpi eq, %arg1, %arg0 : i32
    %convert_element_type3A_9 = arith.extui %eq3A : i1 to i32
    %cond3A_10 = arith.constant 0 : i32
    %cond3A_11 = arith.cmpi ne, %convert_element_type3A_9, %cond3A_10 : i32
    scf.if %cond3A_11 {
      %iota3A = tpu.iota {dimensions = array<i32: 0>} : vector<1024x1xi32>
      %iota3A_27 = tpu.iota {dimensions = array<i32: 1>} : vector<1x1024xi32>
      %gt3A_28 = vector.broadcast %get3A_4 : vector<1x1024xf32> to vector<1024x1024xf32>
      %gt3A_29 = vector.broadcast %get3A_1 : vector<1024x1xf32> to vector<1024x1024xf32>
      %gt3A_30 = arith.cmpf ogt, %gt3A_28, %gt3A_29 : vector<1024x1024xf32>
      %eq3A_31 = vector.broadcast %get3A_4 : vector<1x1024xf32> to vector<1024x1024xf32>
      %eq3A_32 = vector.broadcast %get3A_1 : vector<1024x1xf32> to vector<1024x1024xf32>
      %eq3A_33 = arith.cmpf oeq, %eq3A_31, %eq3A_32 : vector<1024x1024xf32>
      %lt3A_34 = vector.broadcast %iota3A_27 : vector<1x1024xi32> to vector<1024x1024xi32>
      %lt3A_35 = vector.broadcast %iota3A : vector<1024x1xi32> to vector<1024x1024xi32>
      %lt3A_36 = arith.cmpi slt, %lt3A_34, %lt3A_35 : vector<1024x1024xi32>
      %and3A = arith.andi %eq3A_33, %lt3A_36 : vector<1024x1024xi1>
      %or3A = arith.ori %gt3A_30, %and3A : vector<1024x1024xi1>
      %convert_element_type3A_37 = arith.extui %or3A : vector<1024x1024xi1> to vector<1024x1024xi32>
      %reduce_sum3A = arith.constant dense<0> : vector<1024xi32>
      %reduce_sum3A_38 = vector.multi_reduction <add>, %convert_element_type3A_37, %reduce_sum3A [1] : vector<1024x1024xi32> to vector<1024xi32>
      %broadcast_in_dim3A = vector.shape_cast %reduce_sum3A_38 : vector<1024xi32> to vector<1024x1xi32>
      %swap3A = arith.constant 0 : index
      %swap3A_39 = arith.constant 0 : index
      %swap3A_40 = vector.load %arg5[%swap3A, %swap3A_39] : memref<1024x1xi32, #tpu.memory_space<vmem>>, vector<1024x1xi32>
      tpu.vector_store %arg5[%swap3A, %swap3A_39], %broadcast_in_dim3A {strides = array<i32>} : memref<1024x1xi32, #tpu.memory_space<vmem>>, vector<1024x1xi32>,
    } else {
    }
    %eq3A_12 = arith.constant 0 : i32
    %eq3A_13 = arith.cmpi eq, %arg1, %eq3A_12 : i32
    %convert_element_type3A_14 = arith.extui %eq3A_13 : i1 to i32
    %cond3A_15 = arith.constant 0 : i32
    %cond3A_16 = arith.cmpi ne, %convert_element_type3A_14, %cond3A_15 : i32
    scf.if %cond3A_16 {
      %get3A_27 = arith.constant 0 : index
      %get3A_28 = arith.constant 0 : index
      %get3A_29 = vector.load %arg5[%get3A_27, %get3A_28] : memref<1024x1xi32, #tpu.memory_space<vmem>>, vector<1024x1xi32>
      %swap3A = arith.constant 0 : index
      %swap3A_30 = arith.constant 0 : index
      %swap3A_31 = vector.load %arg4[%swap3A, %swap3A_30] : memref<1024x1xi32, #tpu.memory_space<vmem>>, vector<1024x1xi32>
      tpu.vector_store %arg4[%swap3A, %swap3A_30], %get3A_29 {strides = array<i32>} : memref<1024x1xi32, #tpu.memory_space<vmem>>, vector<1024x1xi32>,
    } else {
    }
    %gt3A_17 = arith.constant 0 : i32
    %gt3A_18 = arith.cmpi sgt, %arg1, %gt3A_17 : i32
    %convert_element_type3A_19 = arith.extui %gt3A_18 : i1 to i32
    %cond3A_20 = arith.constant 0 : i32
    %cond3A_21 = arith.cmpi ne, %convert_element_type3A_19, %cond3A_20 : i32
    scf.if %cond3A_21 {
      %get3A_27 = arith.constant 0 : index
      %get3A_28 = arith.constant 0 : index
      %get3A_29 = vector.load %arg4[%get3A_27, %get3A_28] : memref<1024x1xi32, #tpu.memory_space<vmem>>, vector<1024x1xi32>
      %get3A_30 = arith.constant 0 : index
      %get3A_31 = arith.constant 0 : index
      %get3A_32 = vector.load %arg5[%get3A_30, %get3A_31] : memref<1024x1xi32, #tpu.memory_space<vmem>>, vector<1024x1xi32>
      %add3A = arith.addi %get3A_29, %get3A_32 : vector<1024x1xi32>
      %swap3A = arith.constant 0 : index
      %swap3A_33 = arith.constant 0 : index
      %swap3A_34 = vector.load %arg4[%swap3A, %swap3A_33] : memref<1024x1xi32, #tpu.memory_space<vmem>>, vector<1024x1xi32>
      tpu.vector_store %arg4[%swap3A, %swap3A_33], %add3A {strides = array<i32>} : memref<1024x1xi32, #tpu.memory_space<vmem>>, vector<1024x1xi32>,
    } else {
    }
    %eq3A_22 = arith.constant 7 : i32
    %eq3A_23 = arith.cmpi eq, %arg1, %eq3A_22 : i32
    %convert_element_type3A_24 = arith.extui %eq3A_23 : i1 to i32
    %cond3A_25 = arith.constant 0 : i32
    %cond3A_26 = arith.cmpi ne, %convert_element_type3A_24, %cond3A_25 : i32
    scf.if %cond3A_26 {
      %get3A_27 = arith.constant 0 : index
      %get3A_28 = arith.constant 0 : index
      %get3A_29 = vector.load %arg4[%get3A_27, %get3A_28] : memref<1024x1xi32, #tpu.memory_space<vmem>>, vector<1024x1xi32>
      %lt3A_30 = arith.constant 4096 : i32
      %lt3A_31 = vector.broadcast %lt3A_30 : i32 to vector<1024x1xi32>
      %lt3A_32 = arith.cmpi slt, %get3A_29, %lt3A_31 : vector<1024x1xi32>
      %convert_element_type3A_33 = arith.extui %lt3A_32 : vector<1024x1xi1> to vector<1024x1xi32>
      %swap3A = arith.constant 0 : index
      %swap3A_34 = arith.constant 0 : index
      %swap3A_35 = vector.load %arg4[%swap3A, %swap3A_34] : memref<1024x1xi32, #tpu.memory_space<vmem>>, vector<1024x1xi32>
      tpu.vector_store %arg4[%swap3A, %swap3A_34], %convert_element_type3A_33 {strides = array<i32>} : memref<1024x1xi32, #tpu.memory_space<vmem>>, vector<1024x1xi32>,
    } else {
    }
    return
  }
  func.func @transform_0(%arg0: i32, %arg1: i32) -> (i32, i32) {
    %c0_i32 = arith.constant 0 : i32
    %c0_i32_0 = arith.constant 0 : i32
    return %arg0, %c0_i32 : i32, i32
  }
  func.func @transform_1(%arg0: i32, %arg1: i32) -> (i32, i32) {
    %c0_i32 = arith.constant 0 : i32
    %c0_i32_0 = arith.constant 0 : i32
    return %c0_i32, %arg1 : i32, i32
  }
  func.func @transform_2(%arg0: i32, %arg1: i32) -> (i32, i32) {
    %c0_i32 = arith.constant 0 : i32
    %c0_i32_0 = arith.constant 0 : i32
    return %arg0, %c0_i32 : i32, i32
  }
}

module attributes {stable_mosaic.version = 14 : i64} {
  func.func @_remap_body(%arg0: i32, %arg1: memref<512x1xi32, #tpu.memory_space<vmem>>, %arg2: memref<1x512xi32, #tpu.memory_space<vmem>>, %arg3: memref<1x8192xi32, #tpu.memory_space<vmem>>, %arg4: memref<512x1xi32, #tpu.memory_space<vmem>>, %arg5: memref<512x1xi32, #tpu.memory_space<vmem>>) attributes {dimension_semantics = [#tpu.dimension_semantics<arbitrary>], iteration_bounds = array<i64: 16>, scalar_prefetch = 0 : i64, scratch_operands = 0 : i64, tpu.core_type = #tpu.core_type<tc>, window_params = [{transform_indices = @transform_0, window_bounds = array<i64: 512, 1>}, {transform_indices = @transform_1, window_bounds = array<i64: 1, 512>}, {pipeline_mode = #tpu.pipeline_mode<synchronous>, transform_indices = @transform_2, window_bounds = array<i64: 1, 8192>}, {transform_indices = @transform_3, window_bounds = array<i64: 512, 1>}, {transform_indices = @transform_4, window_bounds = array<i64: 512, 1>}]} {
    %get3A = arith.constant 0 : index
    %get3A_0 = arith.constant 0 : index
    %get3A_1 = vector.load %arg1[%get3A, %get3A_0] : memref<512x1xi32, #tpu.memory_space<vmem>>, vector<512x1xi32>
    %gt3A = arith.constant 0 : i32
    %gt3A_2 = vector.broadcast %gt3A : i32 to vector<512x1xi32>
    %gt3A_3 = arith.cmpi sgt, %get3A_1, %gt3A_2 : vector<512x1xi32>
    %get3A_4 = arith.constant 0 : index
    %get3A_5 = arith.constant 0 : index
    %get3A_6 = vector.load %arg2[%get3A_4, %get3A_5] : memref<1x512xi32, #tpu.memory_space<vmem>>, vector<1x512xi32>
    %gt3A_7 = arith.constant 0 : i32
    %gt3A_8 = vector.broadcast %gt3A_7 : i32 to vector<1x512xi32>
    %gt3A_9 = arith.cmpi sgt, %get3A_6, %gt3A_8 : vector<1x512xi32>
    %get3A_10 = arith.constant 0 : index
    %get3A_11 = arith.constant 0 : index
    %get3A_12 = vector.load %arg3[%get3A_10, %get3A_11] : memref<1x8192xi32, #tpu.memory_space<vmem>>, vector<1x8192xi32>
    %gt3A_13 = arith.constant 0 : i32
    %gt3A_14 = vector.broadcast %gt3A_13 : i32 to vector<1x8192xi32>
    %gt3A_15 = arith.cmpi sgt, %get3A_12, %gt3A_14 : vector<1x8192xi32>
    %iota3A = tpu.iota {dimensions = array<i32: 0>} : vector<512x1xi32>
    %iota3A_16 = tpu.iota {dimensions = array<i32: 1>} : vector<1x512xi32>
    %mul3A = arith.constant 512 : i32
    %mul3A_17 = arith.muli %arg0, %mul3A : i32
    %add3A = vector.broadcast %mul3A_17 : i32 to vector<512x1xi32>
    %add3A_18 = arith.addi %add3A, %iota3A : vector<512x1xi32>
    %mul3A_19 = arith.constant 512 : i32
    %mul3A_20 = arith.muli %arg0, %mul3A_19 : i32
    %add3A_21 = vector.broadcast %mul3A_20 : i32 to vector<1x512xi32>
    %add3A_22 = arith.addi %add3A_21, %iota3A_16 : vector<1x512xi32>
    %iota3A_23 = tpu.iota {dimensions = array<i32: 1>} : vector<1x8192xi32>
    %mul3A_24 = arith.constant 512 : i32
    %mul3A_25 = arith.muli %arg0, %mul3A_24 : i32
    %lt3A = vector.broadcast %mul3A_25 : i32 to vector<1x8192xi32>
    %lt3A_26 = arith.cmpi slt, %iota3A_23, %lt3A : vector<1x8192xi32>
    %and3A = arith.andi %gt3A_15, %lt3A_26 : vector<1x8192xi1>
    %add3A_27 = arith.constant 1 : i32
    %add3A_28 = arith.addi %arg0, %add3A_27 : i32
    %mul3A_29 = arith.constant 512 : i32
    %mul3A_30 = arith.muli %add3A_28, %mul3A_29 : i32
    %ge3A = vector.broadcast %mul3A_30 : i32 to vector<1x8192xi32>
    %ge3A_31 = arith.cmpi sge, %iota3A_23, %ge3A : vector<1x8192xi32>
    %and3A_32 = arith.andi %gt3A_15, %ge3A_31 : vector<1x8192xi1>
    %convert_element_type3A = arith.extui %and3A : vector<1x8192xi1> to vector<1x8192xi32>
    %reduce_sum3A = vector.shape_cast %convert_element_type3A : vector<1x8192xi32> to vector<1x1x8192xi32>
    %reduce_sum3A_33 = arith.constant dense<0> : vector<1xi32>
    %reduce_sum3A_34 = vector.multi_reduction <add>, %reduce_sum3A, %reduce_sum3A_33 [1, 2] : vector<1x1x8192xi32> to vector<1xi32>
    %reduce_sum3A_35 = vector.shape_cast %reduce_sum3A_34 : vector<1xi32> to vector<1x1x1xi32>
    %reduce_sum3A_36 = vector.extract %reduce_sum3A_35[0, 0, 0] : i32 from vector<1x1x1xi32>
    %jit3A = arith.constant -1 : i32
    %broadcast_in_dim3A = vector.broadcast %jit3A : i32 to vector<1x8192xi32>
    %select_n3A = arith.select %and3A, %iota3A_23, %broadcast_in_dim3A : vector<1x8192xi1>, vector<1x8192xi32>
    %reduce_max3A = vector.shape_cast %select_n3A : vector<1x8192xi32> to vector<1x1x8192xi32>
    %reduce_max3A_37 = arith.constant dense<-2147483648> : vector<1xi32>
    %reduce_max3A_38 = vector.multi_reduction <maxsi>, %reduce_max3A, %reduce_max3A_37 [1, 2] : vector<1x1x8192xi32> to vector<1xi32>
    %reduce_max3A_39 = vector.shape_cast %reduce_max3A_38 : vector<1xi32> to vector<1x1x1xi32>
    %reduce_max3A_40 = vector.extract %reduce_max3A_39[0, 0, 0] : i32 from vector<1x1x1xi32>
    %jit3A_41 = arith.constant 1073741824 : i32
    %broadcast_in_dim3A_42 = vector.broadcast %jit3A_41 : i32 to vector<1x8192xi32>
    %select_n3A_43 = arith.select %and3A_32, %iota3A_23, %broadcast_in_dim3A_42 : vector<1x8192xi1>, vector<1x8192xi32>
    %reduce_min3A = vector.shape_cast %select_n3A_43 : vector<1x8192xi32> to vector<1x1x8192xi32>
    %reduce_min3A_44 = arith.constant dense<2147483647> : vector<1xi32>
    %reduce_min3A_45 = vector.multi_reduction <minsi>, %reduce_min3A, %reduce_min3A_44 [1, 2] : vector<1x1x8192xi32> to vector<1xi32>
    %reduce_min3A_46 = vector.shape_cast %reduce_min3A_45 : vector<1xi32> to vector<1x1x1xi32>
    %reduce_min3A_47 = vector.extract %reduce_min3A_46[0, 0, 0] : i32 from vector<1x1x1xi32>
    %le3A = vector.broadcast %iota3A_16 : vector<1x512xi32> to vector<512x512xi32>
    %le3A_48 = vector.broadcast %iota3A : vector<512x1xi32> to vector<512x512xi32>
    %le3A_49 = arith.cmpi sle, %le3A, %le3A_48 : vector<512x512xi32>
    %and3A_50 = vector.broadcast %gt3A_9 : vector<1x512xi1> to vector<512x512xi1>
    %and3A_51 = arith.andi %and3A_50, %le3A_49 : vector<512x512xi1>
    %convert_element_type3A_52 = arith.extui %and3A_51 : vector<512x512xi1> to vector<512x512xi32>
    %reduce_sum3A_53 = arith.constant dense<0> : vector<512xi32>
    %reduce_sum3A_54 = vector.multi_reduction <add>, %convert_element_type3A_52, %reduce_sum3A_53 [1] : vector<512x512xi32> to vector<512xi32>
    %broadcast_in_dim3A_55 = vector.shape_cast %reduce_sum3A_54 : vector<512xi32> to vector<512x1xi32>
    %add3A_56 = vector.broadcast %reduce_sum3A_36 : i32 to vector<512x1xi32>
    %add3A_57 = arith.addi %add3A_56, %broadcast_in_dim3A_55 : vector<512x1xi32>
    %jit3A_58 = arith.constant -1 : i32
    %broadcast_in_dim3A_59 = vector.shape_cast %add3A_22 : vector<1x512xi32> to vector<1x512xi32>
    %broadcast_in_dim3A_60 = vector.broadcast %broadcast_in_dim3A_59 : vector<1x512xi32> to vector<512x512xi32>
    %broadcast_in_dim3A_61 = vector.broadcast %jit3A_58 : i32 to vector<512x512xi32>
    %select_n3A_62 = arith.select %and3A_51, %broadcast_in_dim3A_60, %broadcast_in_dim3A_61 : vector<512x512xi1>, vector<512x512xi32>
    %reduce_max3A_63 = arith.constant dense<-2147483648> : vector<512xi32>
    %reduce_max3A_64 = vector.multi_reduction <maxsi>, %select_n3A_62, %reduce_max3A_63 [1] : vector<512x512xi32> to vector<512xi32>
    %broadcast_in_dim3A_65 = vector.shape_cast %reduce_max3A_64 : vector<512xi32> to vector<512x1xi32>
    %max3A = vector.broadcast %reduce_max3A_40 : i32 to vector<512x1xi32>
    %max3A_66 = arith.maxsi %broadcast_in_dim3A_65, %max3A : vector<512x1xi32>
    %ge3A_67 = vector.broadcast %iota3A_16 : vector<1x512xi32> to vector<512x512xi32>
    %ge3A_68 = vector.broadcast %iota3A : vector<512x1xi32> to vector<512x512xi32>
    %ge3A_69 = arith.cmpi sge, %ge3A_67, %ge3A_68 : vector<512x512xi32>
    %and3A_70 = vector.broadcast %gt3A_9 : vector<1x512xi1> to vector<512x512xi1>
    %and3A_71 = arith.andi %and3A_70, %ge3A_69 : vector<512x512xi1>
    %jit3A_72 = arith.constant 1073741824 : i32
    %broadcast_in_dim3A_73 = vector.shape_cast %add3A_22 : vector<1x512xi32> to vector<1x512xi32>
    %broadcast_in_dim3A_74 = vector.broadcast %broadcast_in_dim3A_73 : vector<1x512xi32> to vector<512x512xi32>
    %broadcast_in_dim3A_75 = vector.broadcast %jit3A_72 : i32 to vector<512x512xi32>
    %select_n3A_76 = arith.select %and3A_71, %broadcast_in_dim3A_74, %broadcast_in_dim3A_75 : vector<512x512xi1>, vector<512x512xi32>
    %reduce_min3A_77 = arith.constant dense<2147483647> : vector<512xi32>
    %reduce_min3A_78 = vector.multi_reduction <minsi>, %select_n3A_76, %reduce_min3A_77 [1] : vector<512x512xi32> to vector<512xi32>
    %broadcast_in_dim3A_79 = vector.shape_cast %reduce_min3A_78 : vector<512xi32> to vector<512x1xi32>
    %min3A = vector.broadcast %reduce_min3A_47 : i32 to vector<512x1xi32>
    %min3A_80 = arith.minsi %broadcast_in_dim3A_79, %min3A : vector<512x1xi32>
    %sub3A = arith.constant 1 : i32
    %sub3A_81 = vector.broadcast %sub3A : i32 to vector<512x1xi32>
    %sub3A_82 = arith.subi %add3A_57, %sub3A_81 : vector<512x1xi32>
    %jit3A_83 = arith.constant -1 : i32
    %broadcast_in_dim3A_84 = vector.broadcast %jit3A_83 : i32 to vector<512x1xi32>
    %select_n3A_85 = arith.select %gt3A_3, %sub3A_82, %broadcast_in_dim3A_84 : vector<512x1xi1>, vector<512x1xi32>
    %swap3A = arith.constant 0 : index
    %swap3A_86 = arith.constant 0 : index
    %swap3A_87 = vector.load %arg4[%swap3A, %swap3A_86] : memref<512x1xi32, #tpu.memory_space<vmem>>, vector<512x1xi32>
    tpu.vector_store %arg4[%swap3A, %swap3A_86], %select_n3A_85 {strides = array<i32>} : memref<512x1xi32, #tpu.memory_space<vmem>>, vector<512x1xi32>,
    %ge3A_88 = arith.constant 0 : i32
    %ge3A_89 = vector.broadcast %ge3A_88 : i32 to vector<512x1xi32>
    %ge3A_90 = arith.cmpi sge, %max3A_66, %ge3A_89 : vector<512x1xi32>
    %ge3A_91 = arith.constant 1073741824 : i32
    %ge3A_92 = vector.broadcast %ge3A_91 : i32 to vector<512x1xi32>
    %ge3A_93 = arith.cmpi sge, %min3A_80, %ge3A_92 : vector<512x1xi32>
    %sub3A_94 = arith.subi %add3A_18, %max3A_66 : vector<512x1xi32>
    %sub3A_95 = arith.subi %min3A_80, %add3A_18 : vector<512x1xi32>
    %le3A_96 = arith.cmpi sle, %sub3A_94, %sub3A_95 : vector<512x1xi32>
    %or3A = arith.ori %ge3A_93, %le3A_96 : vector<512x1xi1>
    %and3A_97 = arith.andi %ge3A_90, %or3A : vector<512x1xi1>
    %sub3A_98 = arith.constant 1 : i32
    %sub3A_99 = vector.broadcast %sub3A_98 : i32 to vector<512x1xi32>
    %sub3A_100 = arith.subi %add3A_57, %sub3A_99 : vector<512x1xi32>
    %select_n3A_101 = arith.select %and3A_97, %sub3A_100, %add3A_57 : vector<512x1xi1>, vector<512x1xi32>
    %swap3A_102 = arith.constant 0 : index
    %swap3A_103 = arith.constant 0 : index
    %swap3A_104 = vector.load %arg5[%swap3A_102, %swap3A_103] : memref<512x1xi32, #tpu.memory_space<vmem>>, vector<512x1xi32>
    tpu.vector_store %arg5[%swap3A_102, %swap3A_103], %select_n3A_101 {strides = array<i32>} : memref<512x1xi32, #tpu.memory_space<vmem>>, vector<512x1xi32>,
    return
  }
  func.func @transform_0(%arg0: i32) -> (i32, i32) {
    %c0_i32 = arith.constant 0 : i32
    %c0_i32_0 = arith.constant 0 : i32
    return %arg0, %c0_i32 : i32, i32
  }
  func.func @transform_1(%arg0: i32) -> (i32, i32) {
    %c0_i32 = arith.constant 0 : i32
    %c0_i32_0 = arith.constant 0 : i32
    return %c0_i32, %arg0 : i32, i32
  }
  func.func @transform_2(%arg0: i32) -> (i32, i32) {
    %c0_i32 = arith.constant 0 : i32
    %c0_i32_0 = arith.constant 0 : i32
    %c0_i32_1 = arith.constant 0 : i32
    return %c0_i32, %c0_i32_0 : i32, i32
  }
  func.func @transform_3(%arg0: i32) -> (i32, i32) {
    %c0_i32 = arith.constant 0 : i32
    %c0_i32_0 = arith.constant 0 : i32
    return %arg0, %c0_i32 : i32, i32
  }
  func.func @transform_4(%arg0: i32) -> (i32, i32) {
    %c0_i32 = arith.constant 0 : i32
    %c0_i32_0 = arith.constant 0 : i32
    return %arg0, %c0_i32 : i32, i32
  }
}

module attributes {stable_mosaic.version = 14 : i64} {
  func.func @_keep_body(%arg0: i32, %arg1: i32, %arg2: memref<1x1024xi32, #tpu.memory_space<vmem>>, %arg3: memref<512x1xi32, #tpu.memory_space<vmem>>) attributes {dimension_semantics = [#tpu.dimension_semantics<arbitrary>, #tpu.dimension_semantics<arbitrary>], iteration_bounds = array<i64: 8, 8>, scalar_prefetch = 0 : i64, scratch_operands = 0 : i64, tpu.core_type = #tpu.core_type<tc>, window_params = [{transform_indices = @transform_0, window_bounds = array<i64: 1, 1024>}, {transform_indices = @transform_1, window_bounds = array<i64: 512, 1>}]} {
    %get3A = arith.constant 0 : index
    %get3A_0 = arith.constant 0 : index
    %get3A_1 = vector.load %arg2[%get3A, %get3A_0] : memref<1x1024xi32, #tpu.memory_space<vmem>>, vector<1x1024xi32>
    %mul3A = arith.constant 512 : i32
    %mul3A_2 = arith.muli %arg0, %mul3A : i32
    %iota3A = tpu.iota {dimensions = array<i32: 0>} : vector<512x1xi32>
    %add3A = vector.broadcast %mul3A_2 : i32 to vector<512x1xi32>
    %add3A_3 = arith.addi %add3A, %iota3A : vector<512x1xi32>
    %mul3A_4 = arith.constant 1024 : i32
    %mul3A_5 = arith.muli %arg1, %mul3A_4 : i32
    %iota3A_6 = tpu.iota {dimensions = array<i32: 1>} : vector<1x1024xi32>
    %add3A_7 = vector.broadcast %mul3A_5 : i32 to vector<1x1024xi32>
    %add3A_8 = arith.addi %add3A_7, %iota3A_6 : vector<1x1024xi32>
    %eq3A = vector.broadcast %get3A_1 : vector<1x1024xi32> to vector<512x1024xi32>
    %eq3A_9 = vector.broadcast %add3A_3 : vector<512x1xi32> to vector<512x1024xi32>
    %eq3A_10 = arith.cmpi eq, %eq3A, %eq3A_9 : vector<512x1024xi32>
    %jit3A = arith.constant 0 : i32
    %broadcast_in_dim3A = vector.shape_cast %add3A_8 : vector<1x1024xi32> to vector<1x1024xi32>
    %broadcast_in_dim3A_11 = vector.broadcast %broadcast_in_dim3A : vector<1x1024xi32> to vector<512x1024xi32>
    %broadcast_in_dim3A_12 = vector.broadcast %jit3A : i32 to vector<512x1024xi32>
    %select_n3A = arith.select %eq3A_10, %broadcast_in_dim3A_11, %broadcast_in_dim3A_12 : vector<512x1024xi1>, vector<512x1024xi32>
    %reduce_sum3A = arith.constant dense<0> : vector<512xi32>
    %reduce_sum3A_13 = vector.multi_reduction <add>, %select_n3A, %reduce_sum3A [1] : vector<512x1024xi32> to vector<512xi32>
    %broadcast_in_dim3A_14 = vector.shape_cast %reduce_sum3A_13 : vector<512xi32> to vector<512x1xi32>
    %eq3A_15 = arith.constant 0 : i32
    %eq3A_16 = arith.cmpi eq, %arg1, %eq3A_15 : i32
    %convert_element_type3A = arith.extui %eq3A_16 : i1 to i32
    %cond3A = arith.constant 0 : i32
    %cond3A_17 = arith.cmpi ne, %convert_element_type3A, %cond3A : i32
    scf.if %cond3A_17 {
      %swap3A = arith.constant 0 : index
      %swap3A_22 = arith.constant 0 : index
      %swap3A_23 = vector.load %arg3[%swap3A, %swap3A_22] : memref<512x1xi32, #tpu.memory_space<vmem>>, vector<512x1xi32>
      tpu.vector_store %arg3[%swap3A, %swap3A_22], %broadcast_in_dim3A_14 {strides = array<i32>} : memref<512x1xi32, #tpu.memory_space<vmem>>, vector<512x1xi32>,
    } else {
    }
    %gt3A = arith.constant 0 : i32
    %gt3A_18 = arith.cmpi sgt, %arg1, %gt3A : i32
    %convert_element_type3A_19 = arith.extui %gt3A_18 : i1 to i32
    %cond3A_20 = arith.constant 0 : i32
    %cond3A_21 = arith.cmpi ne, %convert_element_type3A_19, %cond3A_20 : i32
    scf.if %cond3A_21 {
      %get3A_22 = arith.constant 0 : index
      %get3A_23 = arith.constant 0 : index
      %get3A_24 = vector.load %arg3[%get3A_22, %get3A_23] : memref<512x1xi32, #tpu.memory_space<vmem>>, vector<512x1xi32>
      %add3A_25 = arith.addi %get3A_24, %broadcast_in_dim3A_14 : vector<512x1xi32>
      %swap3A = arith.constant 0 : index
      %swap3A_26 = arith.constant 0 : index
      %swap3A_27 = vector.load %arg3[%swap3A, %swap3A_26] : memref<512x1xi32, #tpu.memory_space<vmem>>, vector<512x1xi32>
      tpu.vector_store %arg3[%swap3A, %swap3A_26], %add3A_25 {strides = array<i32>} : memref<512x1xi32, #tpu.memory_space<vmem>>, vector<512x1xi32>,
    } else {
    }
    return
  }
  func.func @transform_0(%arg0: i32, %arg1: i32) -> (i32, i32) {
    %c0_i32 = arith.constant 0 : i32
    %c0_i32_0 = arith.constant 0 : i32
    return %c0_i32, %arg1 : i32, i32
  }
  func.func @transform_1(%arg0: i32, %arg1: i32) -> (i32, i32) {
    %c0_i32 = arith.constant 0 : i32
    %c0_i32_0 = arith.constant 0 : i32
    return %arg0, %c0_i32 : i32, i32
  }
}

module attributes {stable_mosaic.version = 14 : i64} {
  func.func @_conv_body(%arg0: i32, %arg1: i32, %arg2: memref<1024x128xf32, #tpu.memory_space<vmem>>, %arg3: memref<1024x128xf32, #tpu.memory_space<vmem>>, %arg4: memref<1024x128xf32, #tpu.memory_space<vmem>>, %arg5: memref<1024x128xf32, #tpu.memory_space<vmem>>, %arg6: memref<1024x128xf32, #tpu.memory_space<vmem>>, %arg7: memref<320x128xf32, #tpu.memory_space<vmem>>, %arg8: memref<1x128xf32, #tpu.memory_space<vmem>>, %arg9: memref<1x128xf32, #tpu.memory_space<vmem>>, %arg10: memref<1024x128xf32, #tpu.memory_space<vmem>>, %arg11: memref<1024x1xf32, #tpu.memory_space<vmem>>, %arg12: memref<4096x128xf32, #tpu.memory_space<vmem>>, %arg13: memref<1x128xf32, #tpu.memory_space<vmem>>, %arg14: memref<1x128xf32, #tpu.memory_space<vmem>>, %arg15: memref<1x128xf32, #tpu.memory_space<vmem>>) attributes {dimension_semantics = [#tpu.dimension_semantics<arbitrary>, #tpu.dimension_semantics<arbitrary>], iteration_bounds = array<i64: 3, 4>, scalar_prefetch = 0 : i64, scratch_operands = 4 : i64, tpu.core_type = #tpu.core_type<tc>, window_params = [{transform_indices = @transform_0, window_bounds = array<i64: 1024, 128>}, {transform_indices = @transform_1, window_bounds = array<i64: 1024, 128>}, {transform_indices = @transform_2, window_bounds = array<i64: 1024, 128>}, {transform_indices = @transform_3, window_bounds = array<i64: 1024, 128>}, {transform_indices = @transform_4, window_bounds = array<i64: 1024, 128>}, {pipeline_mode = #tpu.pipeline_mode<synchronous>, transform_indices = @transform_5, window_bounds = array<i64: 320, 128>}, {pipeline_mode = #tpu.pipeline_mode<synchronous>, transform_indices = @transform_6, window_bounds = array<i64: 1, 128>}, {pipeline_mode = #tpu.pipeline_mode<synchronous>, transform_indices = @transform_7, window_bounds = array<i64: 1, 128>}, {transform_indices = @transform_8, window_bounds = array<i64: 1024, 128>}, {transform_indices = @transform_9, window_bounds = array<i64: 1024, 1>}]} {
    %eq3A = arith.constant 0 : i32
    %eq3A_0 = arith.cmpi eq, %arg0, %eq3A : i32
    %convert_element_type3A = arith.extui %eq3A_0 : i1 to i32
    %cond3A = arith.constant 0 : i32
    %cond3A_1 = arith.cmpi ne, %convert_element_type3A, %cond3A : i32
    scf.if %cond3A_1 {
      %get3A = arith.constant 0 : index
      %get3A_12 = arith.constant 0 : index
      %get3A_13 = vector.load %arg2[%get3A, %get3A_12] : memref<1024x128xf32, #tpu.memory_space<vmem>>, vector<1024x64xf32>
      %get3A_14 = arith.constant 0 : index
      %get3A_15 = arith.constant 0 : index
      %get3A_16 = vector.load %arg3[%get3A_14, %get3A_15] : memref<1024x128xf32, #tpu.memory_space<vmem>>, vector<1024x64xf32>
      %get3A_17 = arith.constant 0 : index
      %get3A_18 = arith.constant 0 : index
      %get3A_19 = vector.load %arg4[%get3A_17, %get3A_18] : memref<1024x128xf32, #tpu.memory_space<vmem>>, vector<1024x64xf32>
      %get3A_20 = arith.constant 0 : index
      %get3A_21 = arith.constant 0 : index
      %get3A_22 = vector.load %arg5[%get3A_20, %get3A_21] : memref<1024x128xf32, #tpu.memory_space<vmem>>, vector<1024x64xf32>
      %get3A_23 = arith.constant 0 : index
      %get3A_24 = arith.constant 0 : index
      %get3A_25 = vector.load %arg6[%get3A_23, %get3A_24] : memref<1024x128xf32, #tpu.memory_space<vmem>>, vector<1024x64xf32>
      %min3A = arith.minimumf %get3A_16, %get3A_19 : vector<1024x64xf32>
      %max3A = arith.maximumf %get3A_16, %get3A_19 : vector<1024x64xf32>
      %min3A_26 = arith.minimumf %get3A_22, %get3A_25 : vector<1024x64xf32>
      %max3A_27 = arith.maximumf %get3A_22, %get3A_25 : vector<1024x64xf32>
      %concatenate3A = tpu.concatenate %get3A_13, %min3A, %max3A, %min3A_26, %max3A_27 in 1 : vector<1024x64xf32>, vector<1024x64xf32>, vector<1024x64xf32>, vector<1024x64xf32>, vector<1024x64xf32> -> vector<1024x320xf32>
      %get3A_28 = arith.constant 0 : index
      %get3A_29 = arith.constant 0 : index
      %get3A_30 = vector.load %arg7[%get3A_28, %get3A_29] : memref<320x128xf32, #tpu.memory_space<vmem>>, vector<320x128xf32>
      %dot_general3A = arith.constant dense<0.000000e+00> : vector<1024x128xf32>
      %dot_general3A_31 = tpu.matmul %concatenate3A, %get3A_30, %dot_general3A {dimension_numbers = #tpu.dot_dimension_numbers<[1], [0], [0], [1], [0, 0, 1, 1], [], []>, transpose_lhs_hint = false} : vector<1024x320xf32>, vector<320x128xf32>, vector<1024x128xf32> -> vector<1024x128xf32>
      %mul3A = arith.constant 1024 : i32
      %mul3A_32 = arith.muli %arg1, %mul3A : i32
      %swap3A = arith.index_cast %mul3A_32 : i32 to index
      %swap3A_33 = arith.constant 0 : index
      %swap3A_34 = vector.load %arg12[%swap3A, %swap3A_33] : memref<4096x128xf32, #tpu.memory_space<vmem>>, vector<1024x128xf32>
      tpu.vector_store %arg12[%swap3A, %swap3A_33], %dot_general3A_31 {strides = array<i32>} : memref<4096x128xf32, #tpu.memory_space<vmem>>, vector<1024x128xf32>,
      %reduce_sum3A = arith.constant dense<0.000000e+00> : vector<128xf32>
      %reduce_sum3A_35 = vector.multi_reduction <add>, %dot_general3A_31, %reduce_sum3A [0] : vector<1024x128xf32> to vector<128xf32>
      %broadcast_in_dim3A = vector.shape_cast %reduce_sum3A_35 : vector<128xf32> to vector<1x128xf32>
      %eq3A_36 = arith.constant 0 : i32
      %eq3A_37 = arith.cmpi eq, %arg1, %eq3A_36 : i32
      %convert_element_type3A_38 = arith.extui %eq3A_37 : i1 to i32
      %cond3A_39 = arith.constant 0 : i32
      %cond3A_40 = arith.cmpi ne, %convert_element_type3A_38, %cond3A_39 : i32
      scf.if %cond3A_40 {
        %swap3A_45 = arith.constant 0 : index
        %swap3A_46 = arith.constant 0 : index
        %swap3A_47 = vector.load %arg13[%swap3A_45, %swap3A_46] : memref<1x128xf32, #tpu.memory_space<vmem>>, vector<1x128xf32>
        tpu.vector_store %arg13[%swap3A_45, %swap3A_46], %broadcast_in_dim3A {strides = array<i32>} : memref<1x128xf32, #tpu.memory_space<vmem>>, vector<1x128xf32>,
      } else {
      }
      %gt3A = arith.constant 0 : i32
      %gt3A_41 = arith.cmpi sgt, %arg1, %gt3A : i32
      %convert_element_type3A_42 = arith.extui %gt3A_41 : i1 to i32
      %cond3A_43 = arith.constant 0 : i32
      %cond3A_44 = arith.cmpi ne, %convert_element_type3A_42, %cond3A_43 : i32
      scf.if %cond3A_44 {
        %get3A_45 = arith.constant 0 : index
        %get3A_46 = arith.constant 0 : index
        %get3A_47 = vector.load %arg13[%get3A_45, %get3A_46] : memref<1x128xf32, #tpu.memory_space<vmem>>, vector<1x128xf32>
        %add3A = arith.addf %get3A_47, %broadcast_in_dim3A : vector<1x128xf32>
        %swap3A_48 = arith.constant 0 : index
        %swap3A_49 = arith.constant 0 : index
        %swap3A_50 = vector.load %arg13[%swap3A_48, %swap3A_49] : memref<1x128xf32, #tpu.memory_space<vmem>>, vector<1x128xf32>
        tpu.vector_store %arg13[%swap3A_48, %swap3A_49], %add3A {strides = array<i32>} : memref<1x128xf32, #tpu.memory_space<vmem>>, vector<1x128xf32>,
      } else {
      }
    } else {
    }
    %eq3A_2 = arith.constant 1 : i32
    %eq3A_3 = arith.cmpi eq, %arg0, %eq3A_2 : i32
    %convert_element_type3A_4 = arith.extui %eq3A_3 : i1 to i32
    %cond3A_5 = arith.constant 0 : i32
    %cond3A_6 = arith.cmpi ne, %convert_element_type3A_4, %cond3A_5 : i32
    scf.if %cond3A_6 {
      %eq3A_12 = arith.constant 0 : i32
      %eq3A_13 = arith.cmpi eq, %arg1, %eq3A_12 : i32
      %convert_element_type3A_14 = arith.extui %eq3A_13 : i1 to i32
      %cond3A_15 = arith.constant 0 : i32
      %cond3A_16 = arith.cmpi ne, %convert_element_type3A_14, %cond3A_15 : i32
      scf.if %cond3A_16 {
        %get3A_35 = arith.constant 0 : index
        %get3A_36 = arith.constant 0 : index
        %get3A_37 = vector.load %arg13[%get3A_35, %get3A_36] : memref<1x128xf32, #tpu.memory_space<vmem>>, vector<1x128xf32>
        %div3A = arith.constant 4.096000e+03 : f32
        %div3A_38 = vector.broadcast %div3A : f32 to vector<1x128xf32>
        %div3A_39 = arith.divf %get3A_37, %div3A_38 : vector<1x128xf32>
        %swap3A = arith.constant 0 : index
        %swap3A_40 = arith.constant 0 : index
        %swap3A_41 = vector.load %arg14[%swap3A, %swap3A_40] : memref<1x128xf32, #tpu.memory_space<vmem>>, vector<1x128xf32>
        tpu.vector_store %arg14[%swap3A, %swap3A_40], %div3A_39 {strides = array<i32>} : memref<1x128xf32, #tpu.memory_space<vmem>>, vector<1x128xf32>,
      } else {
      }
      %mul3A = arith.constant 1024 : i32
      %mul3A_17 = arith.muli %arg1, %mul3A : i32
      %get3A = arith.index_cast %mul3A_17 : i32 to index
      %get3A_18 = arith.constant 0 : index
      %get3A_19 = vector.load %arg12[%get3A, %get3A_18] : memref<4096x128xf32, #tpu.memory_space<vmem>>, vector<1024x128xf32>
      %get3A_20 = arith.constant 0 : index
      %get3A_21 = arith.constant 0 : index
      %get3A_22 = vector.load %arg14[%get3A_20, %get3A_21] : memref<1x128xf32, #tpu.memory_space<vmem>>, vector<1x128xf32>
      %sub3A = vector.broadcast %get3A_22 : vector<1x128xf32> to vector<1024x128xf32>
      %sub3A_23 = arith.subf %get3A_19, %sub3A : vector<1024x128xf32>
      %mul3A_24 = arith.mulf %sub3A_23, %sub3A_23 : vector<1024x128xf32>
      %reduce_sum3A = arith.constant dense<0.000000e+00> : vector<128xf32>
      %reduce_sum3A_25 = vector.multi_reduction <add>, %mul3A_24, %reduce_sum3A [0] : vector<1024x128xf32> to vector<128xf32>
      %broadcast_in_dim3A = vector.shape_cast %reduce_sum3A_25 : vector<128xf32> to vector<1x128xf32>
      %eq3A_26 = arith.constant 0 : i32
      %eq3A_27 = arith.cmpi eq, %arg1, %eq3A_26 : i32
      %convert_element_type3A_28 = arith.extui %eq3A_27 : i1 to i32
      %cond3A_29 = arith.constant 0 : i32
      %cond3A_30 = arith.cmpi ne, %convert_element_type3A_28, %cond3A_29 : i32
      scf.if %cond3A_30 {
        %swap3A = arith.constant 0 : index
        %swap3A_35 = arith.constant 0 : index
        %swap3A_36 = vector.load %arg13[%swap3A, %swap3A_35] : memref<1x128xf32, #tpu.memory_space<vmem>>, vector<1x128xf32>
        tpu.vector_store %arg13[%swap3A, %swap3A_35], %broadcast_in_dim3A {strides = array<i32>} : memref<1x128xf32, #tpu.memory_space<vmem>>, vector<1x128xf32>,
      } else {
      }
      %gt3A = arith.constant 0 : i32
      %gt3A_31 = arith.cmpi sgt, %arg1, %gt3A : i32
      %convert_element_type3A_32 = arith.extui %gt3A_31 : i1 to i32
      %cond3A_33 = arith.constant 0 : i32
      %cond3A_34 = arith.cmpi ne, %convert_element_type3A_32, %cond3A_33 : i32
      scf.if %cond3A_34 {
        %get3A_35 = arith.constant 0 : index
        %get3A_36 = arith.constant 0 : index
        %get3A_37 = vector.load %arg13[%get3A_35, %get3A_36] : memref<1x128xf32, #tpu.memory_space<vmem>>, vector<1x128xf32>
        %add3A = arith.addf %get3A_37, %broadcast_in_dim3A : vector<1x128xf32>
        %swap3A = arith.constant 0 : index
        %swap3A_38 = arith.constant 0 : index
        %swap3A_39 = vector.load %arg13[%swap3A, %swap3A_38] : memref<1x128xf32, #tpu.memory_space<vmem>>, vector<1x128xf32>
        tpu.vector_store %arg13[%swap3A, %swap3A_38], %add3A {strides = array<i32>} : memref<1x128xf32, #tpu.memory_space<vmem>>, vector<1x128xf32>,
      } else {
      }
    } else {
    }
    %eq3A_7 = arith.constant 2 : i32
    %eq3A_8 = arith.cmpi eq, %arg0, %eq3A_7 : i32
    %convert_element_type3A_9 = arith.extui %eq3A_8 : i1 to i32
    %cond3A_10 = arith.constant 0 : i32
    %cond3A_11 = arith.cmpi ne, %convert_element_type3A_9, %cond3A_10 : i32
    scf.if %cond3A_11 {
      %eq3A_12 = arith.constant 0 : i32
      %eq3A_13 = arith.cmpi eq, %arg1, %eq3A_12 : i32
      %convert_element_type3A_14 = arith.extui %eq3A_13 : i1 to i32
      %cond3A_15 = arith.constant 0 : i32
      %cond3A_16 = arith.cmpi ne, %convert_element_type3A_14, %cond3A_15 : i32
      scf.if %cond3A_16 {
        %get3A_46 = arith.constant 0 : index
        %get3A_47 = arith.constant 0 : index
        %get3A_48 = vector.load %arg13[%get3A_46, %get3A_47] : memref<1x128xf32, #tpu.memory_space<vmem>>, vector<1x128xf32>
        %div3A_49 = arith.constant 4.096000e+03 : f32
        %div3A_50 = vector.broadcast %div3A_49 : f32 to vector<1x128xf32>
        %div3A_51 = arith.divf %get3A_48, %div3A_50 : vector<1x128xf32>
        %add3A_52 = arith.constant 9.99999974E-6 : f32
        %add3A_53 = vector.broadcast %add3A_52 : f32 to vector<1x128xf32>
        %add3A_54 = arith.addf %div3A_51, %add3A_53 : vector<1x128xf32>
        %sqrt3A_55 = math.sqrt %add3A_54 : vector<1x128xf32>
        %swap3A_56 = arith.constant 0 : index
        %swap3A_57 = arith.constant 0 : index
        %swap3A_58 = vector.load %arg15[%swap3A_56, %swap3A_57] : memref<1x128xf32, #tpu.memory_space<vmem>>, vector<1x128xf32>
        tpu.vector_store %arg15[%swap3A_56, %swap3A_57], %sqrt3A_55 {strides = array<i32>} : memref<1x128xf32, #tpu.memory_space<vmem>>, vector<1x128xf32>,
      } else {
      }
      %mul3A = arith.constant 1024 : i32
      %mul3A_17 = arith.muli %arg1, %mul3A : i32
      %get3A = arith.index_cast %mul3A_17 : i32 to index
      %get3A_18 = arith.constant 0 : index
      %get3A_19 = vector.load %arg12[%get3A, %get3A_18] : memref<4096x128xf32, #tpu.memory_space<vmem>>, vector<1024x128xf32>
      %get3A_20 = arith.constant 0 : index
      %get3A_21 = arith.constant 0 : index
      %get3A_22 = vector.load %arg14[%get3A_20, %get3A_21] : memref<1x128xf32, #tpu.memory_space<vmem>>, vector<1x128xf32>
      %sub3A = vector.broadcast %get3A_22 : vector<1x128xf32> to vector<1024x128xf32>
      %sub3A_23 = arith.subf %get3A_19, %sub3A : vector<1024x128xf32>
      %get3A_24 = arith.constant 0 : index
      %get3A_25 = arith.constant 0 : index
      %get3A_26 = vector.load %arg15[%get3A_24, %get3A_25] : memref<1x128xf32, #tpu.memory_space<vmem>>, vector<1x128xf32>
      %div3A = vector.broadcast %get3A_26 : vector<1x128xf32> to vector<1024x128xf32>
      %div3A_27 = arith.divf %sub3A_23, %div3A : vector<1024x128xf32>
      %get3A_28 = arith.constant 0 : index
      %get3A_29 = arith.constant 0 : index
      %get3A_30 = vector.load %arg8[%get3A_28, %get3A_29] : memref<1x128xf32, #tpu.memory_space<vmem>>, vector<1x128xf32>
      %mul3A_31 = vector.broadcast %get3A_30 : vector<1x128xf32> to vector<1024x128xf32>
      %mul3A_32 = arith.mulf %div3A_27, %mul3A_31 : vector<1024x128xf32>
      %get3A_33 = arith.constant 0 : index
      %get3A_34 = arith.constant 0 : index
      %get3A_35 = vector.load %arg9[%get3A_33, %get3A_34] : memref<1x128xf32, #tpu.memory_space<vmem>>, vector<1x128xf32>
      %add3A = vector.broadcast %get3A_35 : vector<1x128xf32> to vector<1024x128xf32>
      %add3A_36 = arith.addf %mul3A_32, %add3A : vector<1024x128xf32>
      %max3A = arith.constant 0.000000e+00 : f32
      %max3A_37 = vector.broadcast %max3A : f32 to vector<1024x128xf32>
      %max3A_38 = arith.maximumf %add3A_36, %max3A_37 : vector<1024x128xf32>
      %swap3A = arith.constant 0 : index
      %swap3A_39 = arith.constant 0 : index
      %swap3A_40 = vector.load %arg10[%swap3A, %swap3A_39] : memref<1024x128xf32, #tpu.memory_space<vmem>>, vector<1024x128xf32>
      tpu.vector_store %arg10[%swap3A, %swap3A_39], %max3A_38 {strides = array<i32>} : memref<1024x128xf32, #tpu.memory_space<vmem>>, vector<1024x128xf32>,
      %mul3A_41 = arith.mulf %max3A_38, %max3A_38 : vector<1024x128xf32>
      %reduce_sum3A = arith.constant dense<0.000000e+00> : vector<1024xf32>
      %reduce_sum3A_42 = vector.multi_reduction <add>, %mul3A_41, %reduce_sum3A [1] : vector<1024x128xf32> to vector<1024xf32>
      %broadcast_in_dim3A = vector.shape_cast %reduce_sum3A_42 : vector<1024xf32> to vector<1024x1xf32>
      %sqrt3A = math.sqrt %broadcast_in_dim3A : vector<1024x1xf32>
      %swap3A_43 = arith.constant 0 : index
      %swap3A_44 = arith.constant 0 : index
      %swap3A_45 = vector.load %arg11[%swap3A_43, %swap3A_44] : memref<1024x1xf32, #tpu.memory_space<vmem>>, vector<1024x1xf32>
      tpu.vector_store %arg11[%swap3A_43, %swap3A_44], %sqrt3A {strides = array<i32>} : memref<1024x1xf32, #tpu.memory_space<vmem>>, vector<1024x1xf32>,
    } else {
    }
    return
  }
  func.func @transform_0(%arg0: i32, %arg1: i32) -> (i32, i32) {
    %eq3A = arith.constant 0 : i32
    %eq3A_0 = arith.cmpi eq, %arg0, %eq3A : i32
    %jit3A = arith.constant 0 : i32
    %select_n3A = arith.select %eq3A_0, %arg1, %jit3A : i32
    %c0_i32 = arith.constant 0 : i32
    %c0_i32_1 = arith.constant 0 : i32
    return %select_n3A, %c0_i32 : i32, i32
  }
  func.func @transform_1(%arg0: i32, %arg1: i32) -> (i32, i32) {
    %eq3A = arith.constant 0 : i32
    %eq3A_0 = arith.cmpi eq, %arg0, %eq3A : i32
    %jit3A = arith.constant 0 : i32
    %select_n3A = arith.select %eq3A_0, %arg1, %jit3A : i32
    %c0_i32 = arith.constant 0 : i32
    %c0_i32_1 = arith.constant 0 : i32
    return %select_n3A, %c0_i32 : i32, i32
  }
  func.func @transform_2(%arg0: i32, %arg1: i32) -> (i32, i32) {
    %eq3A = arith.constant 0 : i32
    %eq3A_0 = arith.cmpi eq, %arg0, %eq3A : i32
    %jit3A = arith.constant 0 : i32
    %select_n3A = arith.select %eq3A_0, %arg1, %jit3A : i32
    %c0_i32 = arith.constant 0 : i32
    %c0_i32_1 = arith.constant 0 : i32
    return %select_n3A, %c0_i32 : i32, i32
  }
  func.func @transform_3(%arg0: i32, %arg1: i32) -> (i32, i32) {
    %eq3A = arith.constant 0 : i32
    %eq3A_0 = arith.cmpi eq, %arg0, %eq3A : i32
    %jit3A = arith.constant 0 : i32
    %select_n3A = arith.select %eq3A_0, %arg1, %jit3A : i32
    %c0_i32 = arith.constant 0 : i32
    %c0_i32_1 = arith.constant 0 : i32
    return %select_n3A, %c0_i32 : i32, i32
  }
  func.func @transform_4(%arg0: i32, %arg1: i32) -> (i32, i32) {
    %eq3A = arith.constant 0 : i32
    %eq3A_0 = arith.cmpi eq, %arg0, %eq3A : i32
    %jit3A = arith.constant 0 : i32
    %select_n3A = arith.select %eq3A_0, %arg1, %jit3A : i32
    %c0_i32 = arith.constant 0 : i32
    %c0_i32_1 = arith.constant 0 : i32
    return %select_n3A, %c0_i32 : i32, i32
  }
  func.func @transform_5(%arg0: i32, %arg1: i32) -> (i32, i32) {
    %c0_i32 = arith.constant 0 : i32
    %c0_i32_0 = arith.constant 0 : i32
    %c0_i32_1 = arith.constant 0 : i32
    return %c0_i32, %c0_i32_0 : i32, i32
  }
  func.func @transform_6(%arg0: i32, %arg1: i32) -> (i32, i32) {
    %c0_i32 = arith.constant 0 : i32
    %c0_i32_0 = arith.constant 0 : i32
    %c0_i32_1 = arith.constant 0 : i32
    return %c0_i32, %c0_i32_0 : i32, i32
  }
  func.func @transform_7(%arg0: i32, %arg1: i32) -> (i32, i32) {
    %c0_i32 = arith.constant 0 : i32
    %c0_i32_0 = arith.constant 0 : i32
    %c0_i32_1 = arith.constant 0 : i32
    return %c0_i32, %c0_i32_0 : i32, i32
  }
  func.func @transform_8(%arg0: i32, %arg1: i32) -> (i32, i32) {
    %eq3A = arith.constant 2 : i32
    %eq3A_0 = arith.cmpi eq, %arg0, %eq3A : i32
    %jit3A = arith.constant 0 : i32
    %select_n3A = arith.select %eq3A_0, %arg1, %jit3A : i32
    %c0_i32 = arith.constant 0 : i32
    %c0_i32_1 = arith.constant 0 : i32
    return %select_n3A, %c0_i32 : i32, i32
  }
  func.func @transform_9(%arg0: i32, %arg1: i32) -> (i32, i32) {
    %eq3A = arith.constant 2 : i32
    %eq3A_0 = arith.cmpi eq, %arg0, %eq3A : i32
    %jit3A = arith.constant 0 : i32
    %select_n3A = arith.select %eq3A_0, %arg1, %jit3A : i32
    %c0_i32 = arith.constant 0 : i32
    %c0_i32_1 = arith.constant 0 : i32
    return %select_n3A, %c0_i32 : i32, i32
  }
}

module attributes {stable_mosaic.version = 14 : i64} {
  func.func @_rank_body(%arg0: i32, %arg1: i32, %arg2: memref<1024x1xf32, #tpu.memory_space<vmem>>, %arg3: memref<1x1024xf32, #tpu.memory_space<vmem>>, %arg4: memref<1024x1xi32, #tpu.memory_space<vmem>>, %arg5: memref<1024x1xi32, #tpu.memory_space<vmem>>) attributes {dimension_semantics = [#tpu.dimension_semantics<arbitrary>, #tpu.dimension_semantics<arbitrary>], iteration_bounds = array<i64: 4, 4>, scalar_prefetch = 0 : i64, scratch_operands = 1 : i64, tpu.core_type = #tpu.core_type<tc>, window_params = [{transform_indices = @transform_0, window_bounds = array<i64: 1024, 1>}, {transform_indices = @transform_1, window_bounds = array<i64: 1, 1024>}, {transform_indices = @transform_2, window_bounds = array<i64: 1024, 1>}]} {
    %get3A = arith.constant 0 : index
    %get3A_0 = arith.constant 0 : index
    %get3A_1 = vector.load %arg2[%get3A, %get3A_0] : memref<1024x1xf32, #tpu.memory_space<vmem>>, vector<1024x1xf32>
    %get3A_2 = arith.constant 0 : index
    %get3A_3 = arith.constant 0 : index
    %get3A_4 = vector.load %arg3[%get3A_2, %get3A_3] : memref<1x1024xf32, #tpu.memory_space<vmem>>, vector<1x1024xf32>
    %lt3A = arith.cmpi slt, %arg1, %arg0 : i32
    %convert_element_type3A = arith.extui %lt3A : i1 to i32
    %cond3A = arith.constant 0 : i32
    %cond3A_5 = arith.cmpi ne, %convert_element_type3A, %cond3A : i32
    scf.if %cond3A_5 {
      %ge3A = vector.broadcast %get3A_4 : vector<1x1024xf32> to vector<1024x1024xf32>
      %ge3A_27 = vector.broadcast %get3A_1 : vector<1024x1xf32> to vector<1024x1024xf32>
      %ge3A_28 = arith.cmpf oge, %ge3A, %ge3A_27 : vector<1024x1024xf32>
      %convert_element_type3A_29 = arith.extui %ge3A_28 : vector<1024x1024xi1> to vector<1024x1024xi32>
      %reduce_sum3A = arith.constant dense<0> : vector<1024xi32>
      %reduce_sum3A_30 = vector.multi_reduction <add>, %convert_element_type3A_29, %reduce_sum3A [1] : vector<1024x1024xi32> to vector<1024xi32>
      %broadcast_in_dim3A = vector.shape_cast %reduce_sum3A_30 : vector<1024xi32> to vector<1024x1xi32>
      %swap3A = arith.constant 0 : index
      %swap3A_31 = arith.constant 0 : index
      %swap3A_32 = vector.load %arg5[%swap3A, %swap3A_31] : memref<1024x1xi32, #tpu.memory_space<vmem>>, vector<1024x1xi32>
      tpu.vector_store %arg5[%swap3A, %swap3A_31], %broadcast_in_dim3A {strides = array<i32>} : memref<1024x1xi32, #tpu.memory_space<vmem>>, vector<1024x1xi32>,
    } else {
    }
    %gt3A = arith.cmpi sgt, %arg1, %arg0 : i32
    %convert_element_type3A_6 = arith.extui %gt3A : i1 to i32
    %cond3A_7 = arith.constant 0 : i32
    %cond3A_8 = arith.cmpi ne, %convert_element_type3A_6, %cond3A_7 : i32
    scf.if %cond3A_8 {
      %gt3A_27 = vector.broadcast %get3A_4 : vector<1x1024xf32> to vector<1024x1024xf32>
      %gt3A_28 = vector.broadcast %get3A_1 : vector<1024x1xf32> to vector<1024x1024xf32>
      %gt3A_29 = arith.cmpf ogt, %gt3A_27, %gt3A_28 : vector<1024x1024xf32>
      %convert_element_type3A_30 = arith.extui %gt3A_29 : vector<1024x1024xi1> to vector<1024x1024xi32>
      %reduce_sum3A = arith.constant dense<0> : vector<1024xi32>
      %reduce_sum3A_31 = vector.multi_reduction <add>, %convert_element_type3A_30, %reduce_sum3A [1] : vector<1024x1024xi32> to vector<1024xi32>
      %broadcast_in_dim3A = vector.shape_cast %reduce_sum3A_31 : vector<1024xi32> to vector<1024x1xi32>
      %swap3A = arith.constant 0 : index
      %swap3A_32 = arith.constant 0 : index
      %swap3A_33 = vector.load %arg5[%swap3A, %swap3A_32] : memref<1024x1xi32, #tpu.memory_space<vmem>>, vector<1024x1xi32>
      tpu.vector_store %arg5[%swap3A, %swap3A_32], %broadcast_in_dim3A {strides = array<i32>} : memref<1024x1xi32, #tpu.memory_space<vmem>>, vector<1024x1xi32>,
    } else {
    }
    %eq3A = arith.cmpi eq, %arg1, %arg0 : i32
    %convert_element_type3A_9 = arith.extui %eq3A : i1 to i32
    %cond3A_10 = arith.constant 0 : i32
    %cond3A_11 = arith.cmpi ne, %convert_element_type3A_9, %cond3A_10 : i32
    scf.if %cond3A_11 {
      %iota3A = tpu.iota {dimensions = array<i32: 0>} : vector<1024x1xi32>
      %iota3A_27 = tpu.iota {dimensions = array<i32: 1>} : vector<1x1024xi32>
      %gt3A_28 = vector.broadcast %get3A_4 : vector<1x1024xf32> to vector<1024x1024xf32>
      %gt3A_29 = vector.broadcast %get3A_1 : vector<1024x1xf32> to vector<1024x1024xf32>
      %gt3A_30 = arith.cmpf ogt, %gt3A_28, %gt3A_29 : vector<1024x1024xf32>
      %eq3A_31 = vector.broadcast %get3A_4 : vector<1x1024xf32> to vector<1024x1024xf32>
      %eq3A_32 = vector.broadcast %get3A_1 : vector<1024x1xf32> to vector<1024x1024xf32>
      %eq3A_33 = arith.cmpf oeq, %eq3A_31, %eq3A_32 : vector<1024x1024xf32>
      %lt3A_34 = vector.broadcast %iota3A_27 : vector<1x1024xi32> to vector<1024x1024xi32>
      %lt3A_35 = vector.broadcast %iota3A : vector<1024x1xi32> to vector<1024x1024xi32>
      %lt3A_36 = arith.cmpi slt, %lt3A_34, %lt3A_35 : vector<1024x1024xi32>
      %and3A = arith.andi %eq3A_33, %lt3A_36 : vector<1024x1024xi1>
      %or3A = arith.ori %gt3A_30, %and3A : vector<1024x1024xi1>
      %convert_element_type3A_37 = arith.extui %or3A : vector<1024x1024xi1> to vector<1024x1024xi32>
      %reduce_sum3A = arith.constant dense<0> : vector<1024xi32>
      %reduce_sum3A_38 = vector.multi_reduction <add>, %convert_element_type3A_37, %reduce_sum3A [1] : vector<1024x1024xi32> to vector<1024xi32>
      %broadcast_in_dim3A = vector.shape_cast %reduce_sum3A_38 : vector<1024xi32> to vector<1024x1xi32>
      %swap3A = arith.constant 0 : index
      %swap3A_39 = arith.constant 0 : index
      %swap3A_40 = vector.load %arg5[%swap3A, %swap3A_39] : memref<1024x1xi32, #tpu.memory_space<vmem>>, vector<1024x1xi32>
      tpu.vector_store %arg5[%swap3A, %swap3A_39], %broadcast_in_dim3A {strides = array<i32>} : memref<1024x1xi32, #tpu.memory_space<vmem>>, vector<1024x1xi32>,
    } else {
    }
    %eq3A_12 = arith.constant 0 : i32
    %eq3A_13 = arith.cmpi eq, %arg1, %eq3A_12 : i32
    %convert_element_type3A_14 = arith.extui %eq3A_13 : i1 to i32
    %cond3A_15 = arith.constant 0 : i32
    %cond3A_16 = arith.cmpi ne, %convert_element_type3A_14, %cond3A_15 : i32
    scf.if %cond3A_16 {
      %get3A_27 = arith.constant 0 : index
      %get3A_28 = arith.constant 0 : index
      %get3A_29 = vector.load %arg5[%get3A_27, %get3A_28] : memref<1024x1xi32, #tpu.memory_space<vmem>>, vector<1024x1xi32>
      %swap3A = arith.constant 0 : index
      %swap3A_30 = arith.constant 0 : index
      %swap3A_31 = vector.load %arg4[%swap3A, %swap3A_30] : memref<1024x1xi32, #tpu.memory_space<vmem>>, vector<1024x1xi32>
      tpu.vector_store %arg4[%swap3A, %swap3A_30], %get3A_29 {strides = array<i32>} : memref<1024x1xi32, #tpu.memory_space<vmem>>, vector<1024x1xi32>,
    } else {
    }
    %gt3A_17 = arith.constant 0 : i32
    %gt3A_18 = arith.cmpi sgt, %arg1, %gt3A_17 : i32
    %convert_element_type3A_19 = arith.extui %gt3A_18 : i1 to i32
    %cond3A_20 = arith.constant 0 : i32
    %cond3A_21 = arith.cmpi ne, %convert_element_type3A_19, %cond3A_20 : i32
    scf.if %cond3A_21 {
      %get3A_27 = arith.constant 0 : index
      %get3A_28 = arith.constant 0 : index
      %get3A_29 = vector.load %arg4[%get3A_27, %get3A_28] : memref<1024x1xi32, #tpu.memory_space<vmem>>, vector<1024x1xi32>
      %get3A_30 = arith.constant 0 : index
      %get3A_31 = arith.constant 0 : index
      %get3A_32 = vector.load %arg5[%get3A_30, %get3A_31] : memref<1024x1xi32, #tpu.memory_space<vmem>>, vector<1024x1xi32>
      %add3A = arith.addi %get3A_29, %get3A_32 : vector<1024x1xi32>
      %swap3A = arith.constant 0 : index
      %swap3A_33 = arith.constant 0 : index
      %swap3A_34 = vector.load %arg4[%swap3A, %swap3A_33] : memref<1024x1xi32, #tpu.memory_space<vmem>>, vector<1024x1xi32>
      tpu.vector_store %arg4[%swap3A, %swap3A_33], %add3A {strides = array<i32>} : memref<1024x1xi32, #tpu.memory_space<vmem>>, vector<1024x1xi32>,
    } else {
    }
    %eq3A_22 = arith.constant 3 : i32
    %eq3A_23 = arith.cmpi eq, %arg1, %eq3A_22 : i32
    %convert_element_type3A_24 = arith.extui %eq3A_23 : i1 to i32
    %cond3A_25 = arith.constant 0 : i32
    %cond3A_26 = arith.cmpi ne, %convert_element_type3A_24, %cond3A_25 : i32
    scf.if %cond3A_26 {
      %get3A_27 = arith.constant 0 : index
      %get3A_28 = arith.constant 0 : index
      %get3A_29 = vector.load %arg4[%get3A_27, %get3A_28] : memref<1024x1xi32, #tpu.memory_space<vmem>>, vector<1024x1xi32>
      %lt3A_30 = arith.constant 1024 : i32
      %lt3A_31 = vector.broadcast %lt3A_30 : i32 to vector<1024x1xi32>
      %lt3A_32 = arith.cmpi slt, %get3A_29, %lt3A_31 : vector<1024x1xi32>
      %convert_element_type3A_33 = arith.extui %lt3A_32 : vector<1024x1xi1> to vector<1024x1xi32>
      %swap3A = arith.constant 0 : index
      %swap3A_34 = arith.constant 0 : index
      %swap3A_35 = vector.load %arg4[%swap3A, %swap3A_34] : memref<1024x1xi32, #tpu.memory_space<vmem>>, vector<1024x1xi32>
      tpu.vector_store %arg4[%swap3A, %swap3A_34], %convert_element_type3A_33 {strides = array<i32>} : memref<1024x1xi32, #tpu.memory_space<vmem>>, vector<1024x1xi32>,
    } else {
    }
    return
  }
  func.func @transform_0(%arg0: i32, %arg1: i32) -> (i32, i32) {
    %c0_i32 = arith.constant 0 : i32
    %c0_i32_0 = arith.constant 0 : i32
    return %arg0, %c0_i32 : i32, i32
  }
  func.func @transform_1(%arg0: i32, %arg1: i32) -> (i32, i32) {
    %c0_i32 = arith.constant 0 : i32
    %c0_i32_0 = arith.constant 0 : i32
    return %c0_i32, %arg1 : i32, i32
  }
  func.func @transform_2(%arg0: i32, %arg1: i32) -> (i32, i32) {
    %c0_i32 = arith.constant 0 : i32
    %c0_i32_0 = arith.constant 0 : i32
    return %arg0, %c0_i32 : i32, i32
  }
}

module attributes {stable_mosaic.version = 14 : i64} {
  func.func @_remap_body(%arg0: i32, %arg1: memref<512x1xi32, #tpu.memory_space<vmem>>, %arg2: memref<1x512xi32, #tpu.memory_space<vmem>>, %arg3: memref<1x4096xi32, #tpu.memory_space<vmem>>, %arg4: memref<512x1xi32, #tpu.memory_space<vmem>>, %arg5: memref<512x1xi32, #tpu.memory_space<vmem>>) attributes {dimension_semantics = [#tpu.dimension_semantics<arbitrary>], iteration_bounds = array<i64: 8>, scalar_prefetch = 0 : i64, scratch_operands = 0 : i64, tpu.core_type = #tpu.core_type<tc>, window_params = [{transform_indices = @transform_0, window_bounds = array<i64: 512, 1>}, {transform_indices = @transform_1, window_bounds = array<i64: 1, 512>}, {pipeline_mode = #tpu.pipeline_mode<synchronous>, transform_indices = @transform_2, window_bounds = array<i64: 1, 4096>}, {transform_indices = @transform_3, window_bounds = array<i64: 512, 1>}, {transform_indices = @transform_4, window_bounds = array<i64: 512, 1>}]} {
    %get3A = arith.constant 0 : index
    %get3A_0 = arith.constant 0 : index
    %get3A_1 = vector.load %arg1[%get3A, %get3A_0] : memref<512x1xi32, #tpu.memory_space<vmem>>, vector<512x1xi32>
    %gt3A = arith.constant 0 : i32
    %gt3A_2 = vector.broadcast %gt3A : i32 to vector<512x1xi32>
    %gt3A_3 = arith.cmpi sgt, %get3A_1, %gt3A_2 : vector<512x1xi32>
    %get3A_4 = arith.constant 0 : index
    %get3A_5 = arith.constant 0 : index
    %get3A_6 = vector.load %arg2[%get3A_4, %get3A_5] : memref<1x512xi32, #tpu.memory_space<vmem>>, vector<1x512xi32>
    %gt3A_7 = arith.constant 0 : i32
    %gt3A_8 = vector.broadcast %gt3A_7 : i32 to vector<1x512xi32>
    %gt3A_9 = arith.cmpi sgt, %get3A_6, %gt3A_8 : vector<1x512xi32>
    %get3A_10 = arith.constant 0 : index
    %get3A_11 = arith.constant 0 : index
    %get3A_12 = vector.load %arg3[%get3A_10, %get3A_11] : memref<1x4096xi32, #tpu.memory_space<vmem>>, vector<1x4096xi32>
    %gt3A_13 = arith.constant 0 : i32
    %gt3A_14 = vector.broadcast %gt3A_13 : i32 to vector<1x4096xi32>
    %gt3A_15 = arith.cmpi sgt, %get3A_12, %gt3A_14 : vector<1x4096xi32>
    %iota3A = tpu.iota {dimensions = array<i32: 0>} : vector<512x1xi32>
    %iota3A_16 = tpu.iota {dimensions = array<i32: 1>} : vector<1x512xi32>
    %mul3A = arith.constant 512 : i32
    %mul3A_17 = arith.muli %arg0, %mul3A : i32
    %add3A = vector.broadcast %mul3A_17 : i32 to vector<512x1xi32>
    %add3A_18 = arith.addi %add3A, %iota3A : vector<512x1xi32>
    %mul3A_19 = arith.constant 512 : i32
    %mul3A_20 = arith.muli %arg0, %mul3A_19 : i32
    %add3A_21 = vector.broadcast %mul3A_20 : i32 to vector<1x512xi32>
    %add3A_22 = arith.addi %add3A_21, %iota3A_16 : vector<1x512xi32>
    %iota3A_23 = tpu.iota {dimensions = array<i32: 1>} : vector<1x4096xi32>
    %mul3A_24 = arith.constant 512 : i32
    %mul3A_25 = arith.muli %arg0, %mul3A_24 : i32
    %lt3A = vector.broadcast %mul3A_25 : i32 to vector<1x4096xi32>
    %lt3A_26 = arith.cmpi slt, %iota3A_23, %lt3A : vector<1x4096xi32>
    %and3A = arith.andi %gt3A_15, %lt3A_26 : vector<1x4096xi1>
    %add3A_27 = arith.constant 1 : i32
    %add3A_28 = arith.addi %arg0, %add3A_27 : i32
    %mul3A_29 = arith.constant 512 : i32
    %mul3A_30 = arith.muli %add3A_28, %mul3A_29 : i32
    %ge3A = vector.broadcast %mul3A_30 : i32 to vector<1x4096xi32>
    %ge3A_31 = arith.cmpi sge, %iota3A_23, %ge3A : vector<1x4096xi32>
    %and3A_32 = arith.andi %gt3A_15, %ge3A_31 : vector<1x4096xi1>
    %convert_element_type3A = arith.extui %and3A : vector<1x4096xi1> to vector<1x4096xi32>
    %reduce_sum3A = vector.shape_cast %convert_element_type3A : vector<1x4096xi32> to vector<1x1x4096xi32>
    %reduce_sum3A_33 = arith.constant dense<0> : vector<1xi32>
    %reduce_sum3A_34 = vector.multi_reduction <add>, %reduce_sum3A, %reduce_sum3A_33 [1, 2] : vector<1x1x4096xi32> to vector<1xi32>
    %reduce_sum3A_35 = vector.shape_cast %reduce_sum3A_34 : vector<1xi32> to vector<1x1x1xi32>
    %reduce_sum3A_36 = vector.extract %reduce_sum3A_35[0, 0, 0] : i32 from vector<1x1x1xi32>
    %jit3A = arith.constant -1 : i32
    %broadcast_in_dim3A = vector.broadcast %jit3A : i32 to vector<1x4096xi32>
    %select_n3A = arith.select %and3A, %iota3A_23, %broadcast_in_dim3A : vector<1x4096xi1>, vector<1x4096xi32>
    %reduce_max3A = vector.shape_cast %select_n3A : vector<1x4096xi32> to vector<1x1x4096xi32>
    %reduce_max3A_37 = arith.constant dense<-2147483648> : vector<1xi32>
    %reduce_max3A_38 = vector.multi_reduction <maxsi>, %reduce_max3A, %reduce_max3A_37 [1, 2] : vector<1x1x4096xi32> to vector<1xi32>
    %reduce_max3A_39 = vector.shape_cast %reduce_max3A_38 : vector<1xi32> to vector<1x1x1xi32>
    %reduce_max3A_40 = vector.extract %reduce_max3A_39[0, 0, 0] : i32 from vector<1x1x1xi32>
    %jit3A_41 = arith.constant 1073741824 : i32
    %broadcast_in_dim3A_42 = vector.broadcast %jit3A_41 : i32 to vector<1x4096xi32>
    %select_n3A_43 = arith.select %and3A_32, %iota3A_23, %broadcast_in_dim3A_42 : vector<1x4096xi1>, vector<1x4096xi32>
    %reduce_min3A = vector.shape_cast %select_n3A_43 : vector<1x4096xi32> to vector<1x1x4096xi32>
    %reduce_min3A_44 = arith.constant dense<2147483647> : vector<1xi32>
    %reduce_min3A_45 = vector.multi_reduction <minsi>, %reduce_min3A, %reduce_min3A_44 [1, 2] : vector<1x1x4096xi32> to vector<1xi32>
    %reduce_min3A_46 = vector.shape_cast %reduce_min3A_45 : vector<1xi32> to vector<1x1x1xi32>
    %reduce_min3A_47 = vector.extract %reduce_min3A_46[0, 0, 0] : i32 from vector<1x1x1xi32>
    %le3A = vector.broadcast %iota3A_16 : vector<1x512xi32> to vector<512x512xi32>
    %le3A_48 = vector.broadcast %iota3A : vector<512x1xi32> to vector<512x512xi32>
    %le3A_49 = arith.cmpi sle, %le3A, %le3A_48 : vector<512x512xi32>
    %and3A_50 = vector.broadcast %gt3A_9 : vector<1x512xi1> to vector<512x512xi1>
    %and3A_51 = arith.andi %and3A_50, %le3A_49 : vector<512x512xi1>
    %convert_element_type3A_52 = arith.extui %and3A_51 : vector<512x512xi1> to vector<512x512xi32>
    %reduce_sum3A_53 = arith.constant dense<0> : vector<512xi32>
    %reduce_sum3A_54 = vector.multi_reduction <add>, %convert_element_type3A_52, %reduce_sum3A_53 [1] : vector<512x512xi32> to vector<512xi32>
    %broadcast_in_dim3A_55 = vector.shape_cast %reduce_sum3A_54 : vector<512xi32> to vector<512x1xi32>
    %add3A_56 = vector.broadcast %reduce_sum3A_36 : i32 to vector<512x1xi32>
    %add3A_57 = arith.addi %add3A_56, %broadcast_in_dim3A_55 : vector<512x1xi32>
    %jit3A_58 = arith.constant -1 : i32
    %broadcast_in_dim3A_59 = vector.shape_cast %add3A_22 : vector<1x512xi32> to vector<1x512xi32>
    %broadcast_in_dim3A_60 = vector.broadcast %broadcast_in_dim3A_59 : vector<1x512xi32> to vector<512x512xi32>
    %broadcast_in_dim3A_61 = vector.broadcast %jit3A_58 : i32 to vector<512x512xi32>
    %select_n3A_62 = arith.select %and3A_51, %broadcast_in_dim3A_60, %broadcast_in_dim3A_61 : vector<512x512xi1>, vector<512x512xi32>
    %reduce_max3A_63 = arith.constant dense<-2147483648> : vector<512xi32>
    %reduce_max3A_64 = vector.multi_reduction <maxsi>, %select_n3A_62, %reduce_max3A_63 [1] : vector<512x512xi32> to vector<512xi32>
    %broadcast_in_dim3A_65 = vector.shape_cast %reduce_max3A_64 : vector<512xi32> to vector<512x1xi32>
    %max3A = vector.broadcast %reduce_max3A_40 : i32 to vector<512x1xi32>
    %max3A_66 = arith.maxsi %broadcast_in_dim3A_65, %max3A : vector<512x1xi32>
    %ge3A_67 = vector.broadcast %iota3A_16 : vector<1x512xi32> to vector<512x512xi32>
    %ge3A_68 = vector.broadcast %iota3A : vector<512x1xi32> to vector<512x512xi32>
    %ge3A_69 = arith.cmpi sge, %ge3A_67, %ge3A_68 : vector<512x512xi32>
    %and3A_70 = vector.broadcast %gt3A_9 : vector<1x512xi1> to vector<512x512xi1>
    %and3A_71 = arith.andi %and3A_70, %ge3A_69 : vector<512x512xi1>
    %jit3A_72 = arith.constant 1073741824 : i32
    %broadcast_in_dim3A_73 = vector.shape_cast %add3A_22 : vector<1x512xi32> to vector<1x512xi32>
    %broadcast_in_dim3A_74 = vector.broadcast %broadcast_in_dim3A_73 : vector<1x512xi32> to vector<512x512xi32>
    %broadcast_in_dim3A_75 = vector.broadcast %jit3A_72 : i32 to vector<512x512xi32>
    %select_n3A_76 = arith.select %and3A_71, %broadcast_in_dim3A_74, %broadcast_in_dim3A_75 : vector<512x512xi1>, vector<512x512xi32>
    %reduce_min3A_77 = arith.constant dense<2147483647> : vector<512xi32>
    %reduce_min3A_78 = vector.multi_reduction <minsi>, %select_n3A_76, %reduce_min3A_77 [1] : vector<512x512xi32> to vector<512xi32>
    %broadcast_in_dim3A_79 = vector.shape_cast %reduce_min3A_78 : vector<512xi32> to vector<512x1xi32>
    %min3A = vector.broadcast %reduce_min3A_47 : i32 to vector<512x1xi32>
    %min3A_80 = arith.minsi %broadcast_in_dim3A_79, %min3A : vector<512x1xi32>
    %sub3A = arith.constant 1 : i32
    %sub3A_81 = vector.broadcast %sub3A : i32 to vector<512x1xi32>
    %sub3A_82 = arith.subi %add3A_57, %sub3A_81 : vector<512x1xi32>
    %jit3A_83 = arith.constant -1 : i32
    %broadcast_in_dim3A_84 = vector.broadcast %jit3A_83 : i32 to vector<512x1xi32>
    %select_n3A_85 = arith.select %gt3A_3, %sub3A_82, %broadcast_in_dim3A_84 : vector<512x1xi1>, vector<512x1xi32>
    %swap3A = arith.constant 0 : index
    %swap3A_86 = arith.constant 0 : index
    %swap3A_87 = vector.load %arg4[%swap3A, %swap3A_86] : memref<512x1xi32, #tpu.memory_space<vmem>>, vector<512x1xi32>
    tpu.vector_store %arg4[%swap3A, %swap3A_86], %select_n3A_85 {strides = array<i32>} : memref<512x1xi32, #tpu.memory_space<vmem>>, vector<512x1xi32>,
    %ge3A_88 = arith.constant 0 : i32
    %ge3A_89 = vector.broadcast %ge3A_88 : i32 to vector<512x1xi32>
    %ge3A_90 = arith.cmpi sge, %max3A_66, %ge3A_89 : vector<512x1xi32>
    %ge3A_91 = arith.constant 1073741824 : i32
    %ge3A_92 = vector.broadcast %ge3A_91 : i32 to vector<512x1xi32>
    %ge3A_93 = arith.cmpi sge, %min3A_80, %ge3A_92 : vector<512x1xi32>
    %sub3A_94 = arith.subi %add3A_18, %max3A_66 : vector<512x1xi32>
    %sub3A_95 = arith.subi %min3A_80, %add3A_18 : vector<512x1xi32>
    %le3A_96 = arith.cmpi sle, %sub3A_94, %sub3A_95 : vector<512x1xi32>
    %or3A = arith.ori %ge3A_93, %le3A_96 : vector<512x1xi1>
    %and3A_97 = arith.andi %ge3A_90, %or3A : vector<512x1xi1>
    %sub3A_98 = arith.constant 1 : i32
    %sub3A_99 = vector.broadcast %sub3A_98 : i32 to vector<512x1xi32>
    %sub3A_100 = arith.subi %add3A_57, %sub3A_99 : vector<512x1xi32>
    %select_n3A_101 = arith.select %and3A_97, %sub3A_100, %add3A_57 : vector<512x1xi1>, vector<512x1xi32>
    %swap3A_102 = arith.constant 0 : index
    %swap3A_103 = arith.constant 0 : index
    %swap3A_104 = vector.load %arg5[%swap3A_102, %swap3A_103] : memref<512x1xi32, #tpu.memory_space<vmem>>, vector<512x1xi32>
    tpu.vector_store %arg5[%swap3A_102, %swap3A_103], %select_n3A_101 {strides = array<i32>} : memref<512x1xi32, #tpu.memory_space<vmem>>, vector<512x1xi32>,
    return
  }
  func.func @transform_0(%arg0: i32) -> (i32, i32) {
    %c0_i32 = arith.constant 0 : i32
    %c0_i32_0 = arith.constant 0 : i32
    return %arg0, %c0_i32 : i32, i32
  }
  func.func @transform_1(%arg0: i32) -> (i32, i32) {
    %c0_i32 = arith.constant 0 : i32
    %c0_i32_0 = arith.constant 0 : i32
    return %c0_i32, %arg0 : i32, i32
  }
  func.func @transform_2(%arg0: i32) -> (i32, i32) {
    %c0_i32 = arith.constant 0 : i32
    %c0_i32_0 = arith.constant 0 : i32
    %c0_i32_1 = arith.constant 0 : i32
    return %c0_i32, %c0_i32_0 : i32, i32
  }
  func.func @transform_3(%arg0: i32) -> (i32, i32) {
    %c0_i32 = arith.constant 0 : i32
    %c0_i32_0 = arith.constant 0 : i32
    return %arg0, %c0_i32 : i32, i32
  }
  func.func @transform_4(%arg0: i32) -> (i32, i32) {
    %c0_i32 = arith.constant 0 : i32
    %c0_i32_0 = arith.constant 0 : i32
    return %arg0, %c0_i32 : i32, i32
  }
}

module attributes {stable_mosaic.version = 14 : i64} {
  func.func @_keep_body(%arg0: i32, %arg1: i32, %arg2: memref<1x1024xi32, #tpu.memory_space<vmem>>, %arg3: memref<512x1xi32, #tpu.memory_space<vmem>>) attributes {dimension_semantics = [#tpu.dimension_semantics<arbitrary>, #tpu.dimension_semantics<arbitrary>], iteration_bounds = array<i64: 2, 4>, scalar_prefetch = 0 : i64, scratch_operands = 0 : i64, tpu.core_type = #tpu.core_type<tc>, window_params = [{transform_indices = @transform_0, window_bounds = array<i64: 1, 1024>}, {transform_indices = @transform_1, window_bounds = array<i64: 512, 1>}]} {
    %get3A = arith.constant 0 : index
    %get3A_0 = arith.constant 0 : index
    %get3A_1 = vector.load %arg2[%get3A, %get3A_0] : memref<1x1024xi32, #tpu.memory_space<vmem>>, vector<1x1024xi32>
    %mul3A = arith.constant 512 : i32
    %mul3A_2 = arith.muli %arg0, %mul3A : i32
    %iota3A = tpu.iota {dimensions = array<i32: 0>} : vector<512x1xi32>
    %add3A = vector.broadcast %mul3A_2 : i32 to vector<512x1xi32>
    %add3A_3 = arith.addi %add3A, %iota3A : vector<512x1xi32>
    %mul3A_4 = arith.constant 1024 : i32
    %mul3A_5 = arith.muli %arg1, %mul3A_4 : i32
    %iota3A_6 = tpu.iota {dimensions = array<i32: 1>} : vector<1x1024xi32>
    %add3A_7 = vector.broadcast %mul3A_5 : i32 to vector<1x1024xi32>
    %add3A_8 = arith.addi %add3A_7, %iota3A_6 : vector<1x1024xi32>
    %eq3A = vector.broadcast %get3A_1 : vector<1x1024xi32> to vector<512x1024xi32>
    %eq3A_9 = vector.broadcast %add3A_3 : vector<512x1xi32> to vector<512x1024xi32>
    %eq3A_10 = arith.cmpi eq, %eq3A, %eq3A_9 : vector<512x1024xi32>
    %jit3A = arith.constant 0 : i32
    %broadcast_in_dim3A = vector.shape_cast %add3A_8 : vector<1x1024xi32> to vector<1x1024xi32>
    %broadcast_in_dim3A_11 = vector.broadcast %broadcast_in_dim3A : vector<1x1024xi32> to vector<512x1024xi32>
    %broadcast_in_dim3A_12 = vector.broadcast %jit3A : i32 to vector<512x1024xi32>
    %select_n3A = arith.select %eq3A_10, %broadcast_in_dim3A_11, %broadcast_in_dim3A_12 : vector<512x1024xi1>, vector<512x1024xi32>
    %reduce_sum3A = arith.constant dense<0> : vector<512xi32>
    %reduce_sum3A_13 = vector.multi_reduction <add>, %select_n3A, %reduce_sum3A [1] : vector<512x1024xi32> to vector<512xi32>
    %broadcast_in_dim3A_14 = vector.shape_cast %reduce_sum3A_13 : vector<512xi32> to vector<512x1xi32>
    %eq3A_15 = arith.constant 0 : i32
    %eq3A_16 = arith.cmpi eq, %arg1, %eq3A_15 : i32
    %convert_element_type3A = arith.extui %eq3A_16 : i1 to i32
    %cond3A = arith.constant 0 : i32
    %cond3A_17 = arith.cmpi ne, %convert_element_type3A, %cond3A : i32
    scf.if %cond3A_17 {
      %swap3A = arith.constant 0 : index
      %swap3A_22 = arith.constant 0 : index
      %swap3A_23 = vector.load %arg3[%swap3A, %swap3A_22] : memref<512x1xi32, #tpu.memory_space<vmem>>, vector<512x1xi32>
      tpu.vector_store %arg3[%swap3A, %swap3A_22], %broadcast_in_dim3A_14 {strides = array<i32>} : memref<512x1xi32, #tpu.memory_space<vmem>>, vector<512x1xi32>,
    } else {
    }
    %gt3A = arith.constant 0 : i32
    %gt3A_18 = arith.cmpi sgt, %arg1, %gt3A : i32
    %convert_element_type3A_19 = arith.extui %gt3A_18 : i1 to i32
    %cond3A_20 = arith.constant 0 : i32
    %cond3A_21 = arith.cmpi ne, %convert_element_type3A_19, %cond3A_20 : i32
    scf.if %cond3A_21 {
      %get3A_22 = arith.constant 0 : index
      %get3A_23 = arith.constant 0 : index
      %get3A_24 = vector.load %arg3[%get3A_22, %get3A_23] : memref<512x1xi32, #tpu.memory_space<vmem>>, vector<512x1xi32>
      %add3A_25 = arith.addi %get3A_24, %broadcast_in_dim3A_14 : vector<512x1xi32>
      %swap3A = arith.constant 0 : index
      %swap3A_26 = arith.constant 0 : index
      %swap3A_27 = vector.load %arg3[%swap3A, %swap3A_26] : memref<512x1xi32, #tpu.memory_space<vmem>>, vector<512x1xi32>
      tpu.vector_store %arg3[%swap3A, %swap3A_26], %add3A_25 {strides = array<i32>} : memref<512x1xi32, #tpu.memory_space<vmem>>, vector<512x1xi32>,
    } else {
    }
    return
  }
  func.func @transform_0(%arg0: i32, %arg1: i32) -> (i32, i32) {
    %c0_i32 = arith.constant 0 : i32
    %c0_i32_0 = arith.constant 0 : i32
    return %c0_i32, %arg1 : i32, i32
  }
  func.func @transform_1(%arg0: i32, %arg1: i32) -> (i32, i32) {
    %c0_i32 = arith.constant 0 : i32
    %c0_i32_0 = arith.constant 0 : i32
    return %arg0, %c0_i32 : i32, i32
  }
}

module attributes {stable_mosaic.version = 14 : i64} {
  func.func @_conv_body(%arg0: i32, %arg1: i32, %arg2: memref<1024x128xf32, #tpu.memory_space<vmem>>, %arg3: memref<1024x128xf32, #tpu.memory_space<vmem>>, %arg4: memref<1024x128xf32, #tpu.memory_space<vmem>>, %arg5: memref<1024x128xf32, #tpu.memory_space<vmem>>, %arg6: memref<1024x128xf32, #tpu.memory_space<vmem>>, %arg7: memref<1024x128xf32, #tpu.memory_space<vmem>>, %arg8: memref<1024x128xf32, #tpu.memory_space<vmem>>, %arg9: memref<1024x128xf32, #tpu.memory_space<vmem>>, %arg10: memref<1024x128xf32, #tpu.memory_space<vmem>>, %arg11: memref<1024x128xf32, #tpu.memory_space<vmem>>, %arg12: memref<960x64xf32, #tpu.memory_space<vmem>>, %arg13: memref<1x64xf32, #tpu.memory_space<vmem>>, %arg14: memref<1x64xf32, #tpu.memory_space<vmem>>, %arg15: memref<1024x128xf32, #tpu.memory_space<vmem>>, %arg16: memref<4096x64xf32, #tpu.memory_space<vmem>>, %arg17: memref<1x64xf32, #tpu.memory_space<vmem>>, %arg18: memref<1x64xf32, #tpu.memory_space<vmem>>, %arg19: memref<1x64xf32, #tpu.memory_space<vmem>>) attributes {dimension_semantics = [#tpu.dimension_semantics<arbitrary>, #tpu.dimension_semantics<arbitrary>], iteration_bounds = array<i64: 3, 4>, scalar_prefetch = 0 : i64, scratch_operands = 4 : i64, tpu.core_type = #tpu.core_type<tc>, window_params = [{transform_indices = @transform_0, window_bounds = array<i64: 1024, 128>}, {transform_indices = @transform_1, window_bounds = array<i64: 1024, 128>}, {transform_indices = @transform_2, window_bounds = array<i64: 1024, 128>}, {transform_indices = @transform_3, window_bounds = array<i64: 1024, 128>}, {transform_indices = @transform_4, window_bounds = array<i64: 1024, 128>}, {transform_indices = @transform_5, window_bounds = array<i64: 1024, 128>}, {transform_indices = @transform_6, window_bounds = array<i64: 1024, 128>}, {transform_indices = @transform_7, window_bounds = array<i64: 1024, 128>}, {transform_indices = @transform_8, window_bounds = array<i64: 1024, 128>}, {transform_indices = @transform_9, window_bounds = array<i64: 1024, 128>}, {pipeline_mode = #tpu.pipeline_mode<synchronous>, transform_indices = @transform_10, window_bounds = array<i64: 960, 64>}, {pipeline_mode = #tpu.pipeline_mode<synchronous>, transform_indices = @transform_11, window_bounds = array<i64: 1, 64>}, {pipeline_mode = #tpu.pipeline_mode<synchronous>, transform_indices = @transform_12, window_bounds = array<i64: 1, 64>}, {transform_indices = @transform_13, window_bounds = array<i64: 1024, 128>}]} {
    %eq3A = arith.constant 0 : i32
    %eq3A_0 = arith.cmpi eq, %arg0, %eq3A : i32
    %convert_element_type3A = arith.extui %eq3A_0 : i1 to i32
    %cond3A = arith.constant 0 : i32
    %cond3A_1 = arith.cmpi ne, %convert_element_type3A, %cond3A : i32
    scf.if %cond3A_1 {
      %get3A = arith.constant 0 : index
      %get3A_12 = arith.constant 0 : index
      %get3A_13 = vector.load %arg2[%get3A, %get3A_12] : memref<1024x128xf32, #tpu.memory_space<vmem>>, vector<1024x128xf32>
      %get3A_14 = arith.constant 0 : index
      %get3A_15 = arith.constant 0 : index
      %get3A_16 = vector.load %arg3[%get3A_14, %get3A_15] : memref<1024x128xf32, #tpu.memory_space<vmem>>, vector<1024x64xf32>
      %concatenate3A = tpu.concatenate %get3A_13, %get3A_16 in 1 : vector<1024x128xf32>, vector<1024x64xf32> -> vector<1024x192xf32>
      %get3A_17 = arith.constant 0 : index
      %get3A_18 = arith.constant 0 : index
      %get3A_19 = vector.load %arg4[%get3A_17, %get3A_18] : memref<1024x128xf32, #tpu.memory_space<vmem>>, vector<1024x128xf32>
      %get3A_20 = arith.constant 0 : index
      %get3A_21 = arith.constant 0 : index
      %get3A_22 = vector.load %arg5[%get3A_20, %get3A_21] : memref<1024x128xf32, #tpu.memory_space<vmem>>, vector<1024x64xf32>
      %concatenate3A_23 = tpu.concatenate %get3A_19, %get3A_22 in 1 : vector<1024x128xf32>, vector<1024x64xf32> -> vector<1024x192xf32>
      %get3A_24 = arith.constant 0 : index
      %get3A_25 = arith.constant 0 : index
      %get3A_26 = vector.load %arg6[%get3A_24, %get3A_25] : memref<1024x128xf32, #tpu.memory_space<vmem>>, vector<1024x128xf32>
      %get3A_27 = arith.constant 0 : index
      %get3A_28 = arith.constant 0 : index
      %get3A_29 = vector.load %arg7[%get3A_27, %get3A_28] : memref<1024x128xf32, #tpu.memory_space<vmem>>, vector<1024x64xf32>
      %concatenate3A_30 = tpu.concatenate %get3A_26, %get3A_29 in 1 : vector<1024x128xf32>, vector<1024x64xf32> -> vector<1024x192xf32>
      %get3A_31 = arith.constant 0 : index
      %get3A_32 = arith.constant 0 : index
      %get3A_33 = vector.load %arg8[%get3A_31, %get3A_32] : memref<1024x128xf32, #tpu.memory_space<vmem>>, vector<1024x128xf32>
      %get3A_34 = arith.constant 0 : index
      %get3A_35 = arith.constant 0 : index
      %get3A_36 = vector.load %arg9[%get3A_34, %get3A_35] : memref<1024x128xf32, #tpu.memory_space<vmem>>, vector<1024x64xf32>
      %concatenate3A_37 = tpu.concatenate %get3A_33, %get3A_36 in 1 : vector<1024x128xf32>, vector<1024x64xf32> -> vector<1024x192xf32>
      %get3A_38 = arith.constant 0 : index
      %get3A_39 = arith.constant 0 : index
      %get3A_40 = vector.load %arg10[%get3A_38, %get3A_39] : memref<1024x128xf32, #tpu.memory_space<vmem>>, vector<1024x128xf32>
      %get3A_41 = arith.constant 0 : index
      %get3A_42 = arith.constant 0 : index
      %get3A_43 = vector.load %arg11[%get3A_41, %get3A_42] : memref<1024x128xf32, #tpu.memory_space<vmem>>, vector<1024x64xf32>
      %concatenate3A_44 = tpu.concatenate %get3A_40, %get3A_43 in 1 : vector<1024x128xf32>, vector<1024x64xf32> -> vector<1024x192xf32>
      %min3A = arith.minimumf %concatenate3A_23, %concatenate3A_30 : vector<1024x192xf32>
      %max3A = arith.maximumf %concatenate3A_23, %concatenate3A_30 : vector<1024x192xf32>
      %min3A_45 = arith.minimumf %concatenate3A_37, %concatenate3A_44 : vector<1024x192xf32>
      %max3A_46 = arith.maximumf %concatenate3A_37, %concatenate3A_44 : vector<1024x192xf32>
      %concatenate3A_47 = tpu.concatenate %concatenate3A, %min3A, %max3A, %min3A_45, %max3A_46 in 1 : vector<1024x192xf32>, vector<1024x192xf32>, vector<1024x192xf32>, vector<1024x192xf32>, vector<1024x192xf32> -> vector<1024x960xf32>
      %get3A_48 = arith.constant 0 : index
      %get3A_49 = arith.constant 0 : index
      %get3A_50 = vector.load %arg12[%get3A_48, %get3A_49] : memref<960x64xf32, #tpu.memory_space<vmem>>, vector<960x64xf32>
      %dot_general3A = arith.constant dense<0.000000e+00> : vector<1024x64xf32>
      %dot_general3A_51 = tpu.matmul %concatenate3A_47, %get3A_50, %dot_general3A {dimension_numbers = #tpu.dot_dimension_numbers<[1], [0], [0], [1], [0, 0, 1, 1], [], []>, transpose_lhs_hint = false} : vector<1024x960xf32>, vector<960x64xf32>, vector<1024x64xf32> -> vector<1024x64xf32>
      %mul3A = arith.constant 1024 : i32
      %mul3A_52 = arith.muli %arg1, %mul3A : i32
      %swap3A = arith.index_cast %mul3A_52 : i32 to index
      %swap3A_53 = arith.constant 0 : index
      %swap3A_54 = vector.load %arg16[%swap3A, %swap3A_53] : memref<4096x64xf32, #tpu.memory_space<vmem>>, vector<1024x64xf32>
      tpu.vector_store %arg16[%swap3A, %swap3A_53], %dot_general3A_51 {strides = array<i32>} : memref<4096x64xf32, #tpu.memory_space<vmem>>, vector<1024x64xf32>,
      %reduce_sum3A = arith.constant dense<0.000000e+00> : vector<64xf32>
      %reduce_sum3A_55 = vector.multi_reduction <add>, %dot_general3A_51, %reduce_sum3A [0] : vector<1024x64xf32> to vector<64xf32>
      %broadcast_in_dim3A = vector.shape_cast %reduce_sum3A_55 : vector<64xf32> to vector<1x64xf32>
      %eq3A_56 = arith.constant 0 : i32
      %eq3A_57 = arith.cmpi eq, %arg1, %eq3A_56 : i32
      %convert_element_type3A_58 = arith.extui %eq3A_57 : i1 to i32
      %cond3A_59 = arith.constant 0 : i32
      %cond3A_60 = arith.cmpi ne, %convert_element_type3A_58, %cond3A_59 : i32
      scf.if %cond3A_60 {
        %swap3A_65 = arith.constant 0 : index
        %swap3A_66 = arith.constant 0 : index
        %swap3A_67 = vector.load %arg17[%swap3A_65, %swap3A_66] : memref<1x64xf32, #tpu.memory_space<vmem>>, vector<1x64xf32>
        tpu.vector_store %arg17[%swap3A_65, %swap3A_66], %broadcast_in_dim3A {strides = array<i32>} : memref<1x64xf32, #tpu.memory_space<vmem>>, vector<1x64xf32>,
      } else {
      }
      %gt3A = arith.constant 0 : i32
      %gt3A_61 = arith.cmpi sgt, %arg1, %gt3A : i32
      %convert_element_type3A_62 = arith.extui %gt3A_61 : i1 to i32
      %cond3A_63 = arith.constant 0 : i32
      %cond3A_64 = arith.cmpi ne, %convert_element_type3A_62, %cond3A_63 : i32
      scf.if %cond3A_64 {
        %get3A_65 = arith.constant 0 : index
        %get3A_66 = arith.constant 0 : index
        %get3A_67 = vector.load %arg17[%get3A_65, %get3A_66] : memref<1x64xf32, #tpu.memory_space<vmem>>, vector<1x64xf32>
        %add3A = arith.addf %get3A_67, %broadcast_in_dim3A : vector<1x64xf32>
        %swap3A_68 = arith.constant 0 : index
        %swap3A_69 = arith.constant 0 : index
        %swap3A_70 = vector.load %arg17[%swap3A_68, %swap3A_69] : memref<1x64xf32, #tpu.memory_space<vmem>>, vector<1x64xf32>
        tpu.vector_store %arg17[%swap3A_68, %swap3A_69], %add3A {strides = array<i32>} : memref<1x64xf32, #tpu.memory_space<vmem>>, vector<1x64xf32>,
      } else {
      }
    } else {
    }
    %eq3A_2 = arith.constant 1 : i32
    %eq3A_3 = arith.cmpi eq, %arg0, %eq3A_2 : i32
    %convert_element_type3A_4 = arith.extui %eq3A_3 : i1 to i32
    %cond3A_5 = arith.constant 0 : i32
    %cond3A_6 = arith.cmpi ne, %convert_element_type3A_4, %cond3A_5 : i32
    scf.if %cond3A_6 {
      %eq3A_12 = arith.constant 0 : i32
      %eq3A_13 = arith.cmpi eq, %arg1, %eq3A_12 : i32
      %convert_element_type3A_14 = arith.extui %eq3A_13 : i1 to i32
      %cond3A_15 = arith.constant 0 : i32
      %cond3A_16 = arith.cmpi ne, %convert_element_type3A_14, %cond3A_15 : i32
      scf.if %cond3A_16 {
        %get3A_35 = arith.constant 0 : index
        %get3A_36 = arith.constant 0 : index
        %get3A_37 = vector.load %arg17[%get3A_35, %get3A_36] : memref<1x64xf32, #tpu.memory_space<vmem>>, vector<1x64xf32>
        %div3A = arith.constant 4.096000e+03 : f32
        %div3A_38 = vector.broadcast %div3A : f32 to vector<1x64xf32>
        %div3A_39 = arith.divf %get3A_37, %div3A_38 : vector<1x64xf32>
        %swap3A = arith.constant 0 : index
        %swap3A_40 = arith.constant 0 : index
        %swap3A_41 = vector.load %arg18[%swap3A, %swap3A_40] : memref<1x64xf32, #tpu.memory_space<vmem>>, vector<1x64xf32>
        tpu.vector_store %arg18[%swap3A, %swap3A_40], %div3A_39 {strides = array<i32>} : memref<1x64xf32, #tpu.memory_space<vmem>>, vector<1x64xf32>,
      } else {
      }
      %mul3A = arith.constant 1024 : i32
      %mul3A_17 = arith.muli %arg1, %mul3A : i32
      %get3A = arith.index_cast %mul3A_17 : i32 to index
      %get3A_18 = arith.constant 0 : index
      %get3A_19 = vector.load %arg16[%get3A, %get3A_18] : memref<4096x64xf32, #tpu.memory_space<vmem>>, vector<1024x64xf32>
      %get3A_20 = arith.constant 0 : index
      %get3A_21 = arith.constant 0 : index
      %get3A_22 = vector.load %arg18[%get3A_20, %get3A_21] : memref<1x64xf32, #tpu.memory_space<vmem>>, vector<1x64xf32>
      %sub3A = vector.broadcast %get3A_22 : vector<1x64xf32> to vector<1024x64xf32>
      %sub3A_23 = arith.subf %get3A_19, %sub3A : vector<1024x64xf32>
      %mul3A_24 = arith.mulf %sub3A_23, %sub3A_23 : vector<1024x64xf32>
      %reduce_sum3A = arith.constant dense<0.000000e+00> : vector<64xf32>
      %reduce_sum3A_25 = vector.multi_reduction <add>, %mul3A_24, %reduce_sum3A [0] : vector<1024x64xf32> to vector<64xf32>
      %broadcast_in_dim3A = vector.shape_cast %reduce_sum3A_25 : vector<64xf32> to vector<1x64xf32>
      %eq3A_26 = arith.constant 0 : i32
      %eq3A_27 = arith.cmpi eq, %arg1, %eq3A_26 : i32
      %convert_element_type3A_28 = arith.extui %eq3A_27 : i1 to i32
      %cond3A_29 = arith.constant 0 : i32
      %cond3A_30 = arith.cmpi ne, %convert_element_type3A_28, %cond3A_29 : i32
      scf.if %cond3A_30 {
        %swap3A = arith.constant 0 : index
        %swap3A_35 = arith.constant 0 : index
        %swap3A_36 = vector.load %arg17[%swap3A, %swap3A_35] : memref<1x64xf32, #tpu.memory_space<vmem>>, vector<1x64xf32>
        tpu.vector_store %arg17[%swap3A, %swap3A_35], %broadcast_in_dim3A {strides = array<i32>} : memref<1x64xf32, #tpu.memory_space<vmem>>, vector<1x64xf32>,
      } else {
      }
      %gt3A = arith.constant 0 : i32
      %gt3A_31 = arith.cmpi sgt, %arg1, %gt3A : i32
      %convert_element_type3A_32 = arith.extui %gt3A_31 : i1 to i32
      %cond3A_33 = arith.constant 0 : i32
      %cond3A_34 = arith.cmpi ne, %convert_element_type3A_32, %cond3A_33 : i32
      scf.if %cond3A_34 {
        %get3A_35 = arith.constant 0 : index
        %get3A_36 = arith.constant 0 : index
        %get3A_37 = vector.load %arg17[%get3A_35, %get3A_36] : memref<1x64xf32, #tpu.memory_space<vmem>>, vector<1x64xf32>
        %add3A = arith.addf %get3A_37, %broadcast_in_dim3A : vector<1x64xf32>
        %swap3A = arith.constant 0 : index
        %swap3A_38 = arith.constant 0 : index
        %swap3A_39 = vector.load %arg17[%swap3A, %swap3A_38] : memref<1x64xf32, #tpu.memory_space<vmem>>, vector<1x64xf32>
        tpu.vector_store %arg17[%swap3A, %swap3A_38], %add3A {strides = array<i32>} : memref<1x64xf32, #tpu.memory_space<vmem>>, vector<1x64xf32>,
      } else {
      }
    } else {
    }
    %eq3A_7 = arith.constant 2 : i32
    %eq3A_8 = arith.cmpi eq, %arg0, %eq3A_7 : i32
    %convert_element_type3A_9 = arith.extui %eq3A_8 : i1 to i32
    %cond3A_10 = arith.constant 0 : i32
    %cond3A_11 = arith.cmpi ne, %convert_element_type3A_9, %cond3A_10 : i32
    scf.if %cond3A_11 {
      %eq3A_12 = arith.constant 0 : i32
      %eq3A_13 = arith.cmpi eq, %arg1, %eq3A_12 : i32
      %convert_element_type3A_14 = arith.extui %eq3A_13 : i1 to i32
      %cond3A_15 = arith.constant 0 : i32
      %cond3A_16 = arith.cmpi ne, %convert_element_type3A_14, %cond3A_15 : i32
      scf.if %cond3A_16 {
        %get3A_42 = arith.constant 0 : index
        %get3A_43 = arith.constant 0 : index
        %get3A_44 = vector.load %arg17[%get3A_42, %get3A_43] : memref<1x64xf32, #tpu.memory_space<vmem>>, vector<1x64xf32>
        %div3A_45 = arith.constant 4.096000e+03 : f32
        %div3A_46 = vector.broadcast %div3A_45 : f32 to vector<1x64xf32>
        %div3A_47 = arith.divf %get3A_44, %div3A_46 : vector<1x64xf32>
        %add3A_48 = arith.constant 9.99999974E-6 : f32
        %add3A_49 = vector.broadcast %add3A_48 : f32 to vector<1x64xf32>
        %add3A_50 = arith.addf %div3A_47, %add3A_49 : vector<1x64xf32>
        %sqrt3A = math.sqrt %add3A_50 : vector<1x64xf32>
        %swap3A_51 = arith.constant 0 : index
        %swap3A_52 = arith.constant 0 : index
        %swap3A_53 = vector.load %arg19[%swap3A_51, %swap3A_52] : memref<1x64xf32, #tpu.memory_space<vmem>>, vector<1x64xf32>
        tpu.vector_store %arg19[%swap3A_51, %swap3A_52], %sqrt3A {strides = array<i32>} : memref<1x64xf32, #tpu.memory_space<vmem>>, vector<1x64xf32>,
      } else {
      }
      %mul3A = arith.constant 1024 : i32
      %mul3A_17 = arith.muli %arg1, %mul3A : i32
      %get3A = arith.index_cast %mul3A_17 : i32 to index
      %get3A_18 = arith.constant 0 : index
      %get3A_19 = vector.load %arg16[%get3A, %get3A_18] : memref<4096x64xf32, #tpu.memory_space<vmem>>, vector<1024x64xf32>
      %get3A_20 = arith.constant 0 : index
      %get3A_21 = arith.constant 0 : index
      %get3A_22 = vector.load %arg18[%get3A_20, %get3A_21] : memref<1x64xf32, #tpu.memory_space<vmem>>, vector<1x64xf32>
      %sub3A = vector.broadcast %get3A_22 : vector<1x64xf32> to vector<1024x64xf32>
      %sub3A_23 = arith.subf %get3A_19, %sub3A : vector<1024x64xf32>
      %get3A_24 = arith.constant 0 : index
      %get3A_25 = arith.constant 0 : index
      %get3A_26 = vector.load %arg19[%get3A_24, %get3A_25] : memref<1x64xf32, #tpu.memory_space<vmem>>, vector<1x64xf32>
      %div3A = vector.broadcast %get3A_26 : vector<1x64xf32> to vector<1024x64xf32>
      %div3A_27 = arith.divf %sub3A_23, %div3A : vector<1024x64xf32>
      %get3A_28 = arith.constant 0 : index
      %get3A_29 = arith.constant 0 : index
      %get3A_30 = vector.load %arg13[%get3A_28, %get3A_29] : memref<1x64xf32, #tpu.memory_space<vmem>>, vector<1x64xf32>
      %mul3A_31 = vector.broadcast %get3A_30 : vector<1x64xf32> to vector<1024x64xf32>
      %mul3A_32 = arith.mulf %div3A_27, %mul3A_31 : vector<1024x64xf32>
      %get3A_33 = arith.constant 0 : index
      %get3A_34 = arith.constant 0 : index
      %get3A_35 = vector.load %arg14[%get3A_33, %get3A_34] : memref<1x64xf32, #tpu.memory_space<vmem>>, vector<1x64xf32>
      %add3A = vector.broadcast %get3A_35 : vector<1x64xf32> to vector<1024x64xf32>
      %add3A_36 = arith.addf %mul3A_32, %add3A : vector<1024x64xf32>
      %max3A = arith.constant 0.000000e+00 : f32
      %max3A_37 = vector.broadcast %max3A : f32 to vector<1024x64xf32>
      %max3A_38 = arith.maximumf %add3A_36, %max3A_37 : vector<1024x64xf32>
      %broadcast_in_dim3A = arith.constant 0.000000e+00 : f32
      %broadcast_in_dim3A_39 = vector.broadcast %broadcast_in_dim3A : f32 to vector<1024x64xf32>
      %concatenate3A = tpu.concatenate %max3A_38, %broadcast_in_dim3A_39 in 1 : vector<1024x64xf32>, vector<1024x64xf32> -> vector<1024x128xf32>
      %swap3A = arith.constant 0 : index
      %swap3A_40 = arith.constant 0 : index
      %swap3A_41 = vector.load %arg15[%swap3A, %swap3A_40] : memref<1024x128xf32, #tpu.memory_space<vmem>>, vector<1024x128xf32>
      tpu.vector_store %arg15[%swap3A, %swap3A_40], %concatenate3A {strides = array<i32>} : memref<1024x128xf32, #tpu.memory_space<vmem>>, vector<1024x128xf32>,
    } else {
    }
    return
  }
  func.func @transform_0(%arg0: i32, %arg1: i32) -> (i32, i32) {
    %eq3A = arith.constant 0 : i32
    %eq3A_0 = arith.cmpi eq, %arg0, %eq3A : i32
    %jit3A = arith.constant 0 : i32
    %select_n3A = arith.select %eq3A_0, %arg1, %jit3A : i32
    %c0_i32 = arith.constant 0 : i32
    %c0_i32_1 = arith.constant 0 : i32
    return %select_n3A, %c0_i32 : i32, i32
  }
  func.func @transform_1(%arg0: i32, %arg1: i32) -> (i32, i32) {
    %eq3A = arith.constant 0 : i32
    %eq3A_0 = arith.cmpi eq, %arg0, %eq3A : i32
    %jit3A = arith.constant 0 : i32
    %select_n3A = arith.select %eq3A_0, %arg1, %jit3A : i32
    %c0_i32 = arith.constant 0 : i32
    %c0_i32_1 = arith.constant 0 : i32
    return %select_n3A, %c0_i32 : i32, i32
  }
  func.func @transform_2(%arg0: i32, %arg1: i32) -> (i32, i32) {
    %eq3A = arith.constant 0 : i32
    %eq3A_0 = arith.cmpi eq, %arg0, %eq3A : i32
    %jit3A = arith.constant 0 : i32
    %select_n3A = arith.select %eq3A_0, %arg1, %jit3A : i32
    %c0_i32 = arith.constant 0 : i32
    %c0_i32_1 = arith.constant 0 : i32
    return %select_n3A, %c0_i32 : i32, i32
  }
  func.func @transform_3(%arg0: i32, %arg1: i32) -> (i32, i32) {
    %eq3A = arith.constant 0 : i32
    %eq3A_0 = arith.cmpi eq, %arg0, %eq3A : i32
    %jit3A = arith.constant 0 : i32
    %select_n3A = arith.select %eq3A_0, %arg1, %jit3A : i32
    %c0_i32 = arith.constant 0 : i32
    %c0_i32_1 = arith.constant 0 : i32
    return %select_n3A, %c0_i32 : i32, i32
  }
  func.func @transform_4(%arg0: i32, %arg1: i32) -> (i32, i32) {
    %eq3A = arith.constant 0 : i32
    %eq3A_0 = arith.cmpi eq, %arg0, %eq3A : i32
    %jit3A = arith.constant 0 : i32
    %select_n3A = arith.select %eq3A_0, %arg1, %jit3A : i32
    %c0_i32 = arith.constant 0 : i32
    %c0_i32_1 = arith.constant 0 : i32
    return %select_n3A, %c0_i32 : i32, i32
  }
  func.func @transform_5(%arg0: i32, %arg1: i32) -> (i32, i32) {
    %eq3A = arith.constant 0 : i32
    %eq3A_0 = arith.cmpi eq, %arg0, %eq3A : i32
    %jit3A = arith.constant 0 : i32
    %select_n3A = arith.select %eq3A_0, %arg1, %jit3A : i32
    %c0_i32 = arith.constant 0 : i32
    %c0_i32_1 = arith.constant 0 : i32
    return %select_n3A, %c0_i32 : i32, i32
  }
  func.func @transform_6(%arg0: i32, %arg1: i32) -> (i32, i32) {
    %eq3A = arith.constant 0 : i32
    %eq3A_0 = arith.cmpi eq, %arg0, %eq3A : i32
    %jit3A = arith.constant 0 : i32
    %select_n3A = arith.select %eq3A_0, %arg1, %jit3A : i32
    %c0_i32 = arith.constant 0 : i32
    %c0_i32_1 = arith.constant 0 : i32
    return %select_n3A, %c0_i32 : i32, i32
  }
  func.func @transform_7(%arg0: i32, %arg1: i32) -> (i32, i32) {
    %eq3A = arith.constant 0 : i32
    %eq3A_0 = arith.cmpi eq, %arg0, %eq3A : i32
    %jit3A = arith.constant 0 : i32
    %select_n3A = arith.select %eq3A_0, %arg1, %jit3A : i32
    %c0_i32 = arith.constant 0 : i32
    %c0_i32_1 = arith.constant 0 : i32
    return %select_n3A, %c0_i32 : i32, i32
  }
  func.func @transform_8(%arg0: i32, %arg1: i32) -> (i32, i32) {
    %eq3A = arith.constant 0 : i32
    %eq3A_0 = arith.cmpi eq, %arg0, %eq3A : i32
    %jit3A = arith.constant 0 : i32
    %select_n3A = arith.select %eq3A_0, %arg1, %jit3A : i32
    %c0_i32 = arith.constant 0 : i32
    %c0_i32_1 = arith.constant 0 : i32
    return %select_n3A, %c0_i32 : i32, i32
  }
  func.func @transform_9(%arg0: i32, %arg1: i32) -> (i32, i32) {
    %eq3A = arith.constant 0 : i32
    %eq3A_0 = arith.cmpi eq, %arg0, %eq3A : i32
    %jit3A = arith.constant 0 : i32
    %select_n3A = arith.select %eq3A_0, %arg1, %jit3A : i32
    %c0_i32 = arith.constant 0 : i32
    %c0_i32_1 = arith.constant 0 : i32
    return %select_n3A, %c0_i32 : i32, i32
  }
  func.func @transform_10(%arg0: i32, %arg1: i32) -> (i32, i32) {
    %c0_i32 = arith.constant 0 : i32
    %c0_i32_0 = arith.constant 0 : i32
    %c0_i32_1 = arith.constant 0 : i32
    return %c0_i32, %c0_i32_0 : i32, i32
  }
  func.func @transform_11(%arg0: i32, %arg1: i32) -> (i32, i32) {
    %c0_i32 = arith.constant 0 : i32
    %c0_i32_0 = arith.constant 0 : i32
    %c0_i32_1 = arith.constant 0 : i32
    return %c0_i32, %c0_i32_0 : i32, i32
  }
  func.func @transform_12(%arg0: i32, %arg1: i32) -> (i32, i32) {
    %c0_i32 = arith.constant 0 : i32
    %c0_i32_0 = arith.constant 0 : i32
    %c0_i32_1 = arith.constant 0 : i32
    return %c0_i32, %c0_i32_0 : i32, i32
  }
  func.func @transform_13(%arg0: i32, %arg1: i32) -> (i32, i32) {
    %eq3A = arith.constant 2 : i32
    %eq3A_0 = arith.cmpi eq, %arg0, %eq3A : i32
    %jit3A = arith.constant 0 : i32
    %select_n3A = arith.select %eq3A_0, %arg1, %jit3A : i32
    %c0_i32 = arith.constant 0 : i32
    %c0_i32_1 = arith.constant 0 : i32
    return %select_n3A, %c0_i32 : i32, i32
  }
}

module attributes {stable_mosaic.version = 14 : i64} {
  func.func @_heads_body(%arg0: memref<1024x128xf32, #tpu.memory_space<vmem>>, %arg1: memref<128x5xf32, #tpu.memory_space<vmem>>, %arg2: memref<1x5xf32, #tpu.memory_space<vmem>>, %arg3: memref<128x64xf32, #tpu.memory_space<vmem>>, %arg4: memref<1x64xf32, #tpu.memory_space<vmem>>, %arg5: memref<64x30xf32, #tpu.memory_space<vmem>>, %arg6: memref<1x30xf32, #tpu.memory_space<vmem>>, %arg7: memref<1024x5xf32, #tpu.memory_space<vmem>>, %arg8: memref<1x30xf32, #tpu.memory_space<vmem>>) attributes {dimension_semantics = [], scalar_prefetch = 0 : i64, scratch_operands = 0 : i64, tpu.core_type = #tpu.core_type<tc>} {
    %get3A = arith.constant 0 : index
    %get3A_0 = arith.constant 0 : index
    %get3A_1 = vector.load %arg0[%get3A, %get3A_0] : memref<1024x128xf32, #tpu.memory_space<vmem>>, vector<1024x128xf32>
    %get3A_2 = arith.constant 0 : index
    %get3A_3 = arith.constant 0 : index
    %get3A_4 = vector.load %arg1[%get3A_2, %get3A_3] : memref<128x5xf32, #tpu.memory_space<vmem>>, vector<128x5xf32>
    %dot_general3A = arith.constant dense<0.000000e+00> : vector<1024x5xf32>
    %dot_general3A_5 = tpu.matmul %get3A_1, %get3A_4, %dot_general3A {dimension_numbers = #tpu.dot_dimension_numbers<[1], [0], [0], [1], [0, 0, 1, 1], [], []>, transpose_lhs_hint = false} : vector<1024x128xf32>, vector<128x5xf32>, vector<1024x5xf32> -> vector<1024x5xf32>
    %get3A_6 = arith.constant 0 : index
    %get3A_7 = arith.constant 0 : index
    %get3A_8 = vector.load %arg2[%get3A_6, %get3A_7] : memref<1x5xf32, #tpu.memory_space<vmem>>, vector<1x5xf32>
    %add3A = vector.broadcast %get3A_8 : vector<1x5xf32> to vector<1024x5xf32>
    %add3A_9 = arith.addf %dot_general3A_5, %add3A : vector<1024x5xf32>
    %swap3A = arith.constant 0 : index
    %swap3A_10 = arith.constant 0 : index
    %swap3A_11 = vector.load %arg7[%swap3A, %swap3A_10] : memref<1024x5xf32, #tpu.memory_space<vmem>>, vector<1024x5xf32>
    tpu.vector_store %arg7[%swap3A, %swap3A_10], %add3A_9 {strides = array<i32>} : memref<1024x5xf32, #tpu.memory_space<vmem>>, vector<1024x5xf32>,
    %reduce_max3A = arith.constant dense<0xFF800000> : vector<128xf32>
    %reduce_max3A_12 = vector.multi_reduction <maximumf>, %get3A_1, %reduce_max3A [0] : vector<1024x128xf32> to vector<128xf32>
    %broadcast_in_dim3A = vector.shape_cast %reduce_max3A_12 : vector<128xf32> to vector<1x128xf32>
    %get3A_13 = arith.constant 0 : index
    %get3A_14 = arith.constant 0 : index
    %get3A_15 = vector.load %arg3[%get3A_13, %get3A_14] : memref<128x64xf32, #tpu.memory_space<vmem>>, vector<128x64xf32>
    %dot_general3A_16 = arith.constant dense<0.000000e+00> : vector<1x64xf32>
    %dot_general3A_17 = tpu.matmul %broadcast_in_dim3A, %get3A_15, %dot_general3A_16 {dimension_numbers = #tpu.dot_dimension_numbers<[1], [0], [0], [1], [0, 0, 1, 1], [], []>, transpose_lhs_hint = false} : vector<1x128xf32>, vector<128x64xf32>, vector<1x64xf32> -> vector<1x64xf32>
    %get3A_18 = arith.constant 0 : index
    %get3A_19 = arith.constant 0 : index
    %get3A_20 = vector.load %arg4[%get3A_18, %get3A_19] : memref<1x64xf32, #tpu.memory_space<vmem>>, vector<1x64xf32>
    %add3A_21 = arith.addf %dot_general3A_17, %get3A_20 : vector<1x64xf32>
    %max3A = arith.constant 0.000000e+00 : f32
    %max3A_22 = vector.broadcast %max3A : f32 to vector<1x64xf32>
    %max3A_23 = arith.maximumf %add3A_21, %max3A_22 : vector<1x64xf32>
    %get3A_24 = arith.constant 0 : index
    %get3A_25 = arith.constant 0 : index
    %get3A_26 = vector.load %arg5[%get3A_24, %get3A_25] : memref<64x30xf32, #tpu.memory_space<vmem>>, vector<64x30xf32>
    %dot_general3A_27 = arith.constant dense<0.000000e+00> : vector<1x30xf32>
    %dot_general3A_28 = tpu.matmul %max3A_23, %get3A_26, %dot_general3A_27 {dimension_numbers = #tpu.dot_dimension_numbers<[1], [0], [0], [1], [0, 0, 1, 1], [], []>, transpose_lhs_hint = false} : vector<1x64xf32>, vector<64x30xf32>, vector<1x30xf32> -> vector<1x30xf32>
    %get3A_29 = arith.constant 0 : index
    %get3A_30 = arith.constant 0 : index
    %get3A_31 = vector.load %arg6[%get3A_29, %get3A_30] : memref<1x30xf32, #tpu.memory_space<vmem>>, vector<1x30xf32>
    %add3A_32 = arith.addf %dot_general3A_28, %get3A_31 : vector<1x30xf32>
    %swap3A_33 = arith.constant 0 : index
    %swap3A_34 = arith.constant 0 : index
    %swap3A_35 = vector.load %arg8[%swap3A_33, %swap3A_34] : memref<1x30xf32, #tpu.memory_space<vmem>>, vector<1x30xf32>
    tpu.vector_store %arg8[%swap3A_33, %swap3A_34], %add3A_32 {strides = array<i32>} : memref<1x30xf32, #tpu.memory_space<vmem>>, vector<1x30xf32>,
    return
  }
}

module attributes {stable_mosaic.version = 14 : i64} {
  func.func @_conv_body(%arg0: i32, %arg1: i32, %arg2: memref<1024x128xf32, #tpu.memory_space<vmem>>, %arg3: memref<1024x128xf32, #tpu.memory_space<vmem>>, %arg4: memref<1024x128xf32, #tpu.memory_space<vmem>>, %arg5: memref<1024x128xf32, #tpu.memory_space<vmem>>, %arg6: memref<1024x128xf32, #tpu.memory_space<vmem>>, %arg7: memref<1024x128xf32, #tpu.memory_space<vmem>>, %arg8: memref<1024x128xf32, #tpu.memory_space<vmem>>, %arg9: memref<1024x128xf32, #tpu.memory_space<vmem>>, %arg10: memref<1024x128xf32, #tpu.memory_space<vmem>>, %arg11: memref<1024x128xf32, #tpu.memory_space<vmem>>, %arg12: memref<345x32xf32, #tpu.memory_space<vmem>>, %arg13: memref<1x32xf32, #tpu.memory_space<vmem>>, %arg14: memref<1x32xf32, #tpu.memory_space<vmem>>, %arg15: memref<32x5xf32, #tpu.memory_space<vmem>>, %arg16: memref<1x5xf32, #tpu.memory_space<vmem>>, %arg17: memref<1024x5xf32, #tpu.memory_space<vmem>>, %arg18: memref<8192x32xf32, #tpu.memory_space<vmem>>, %arg19: memref<1x32xf32, #tpu.memory_space<vmem>>, %arg20: memref<1x32xf32, #tpu.memory_space<vmem>>, %arg21: memref<1x32xf32, #tpu.memory_space<vmem>>) attributes {dimension_semantics = [#tpu.dimension_semantics<arbitrary>, #tpu.dimension_semantics<arbitrary>], iteration_bounds = array<i64: 3, 8>, scalar_prefetch = 0 : i64, scratch_operands = 4 : i64, tpu.core_type = #tpu.core_type<tc>, window_params = [{transform_indices = @transform_0, window_bounds = array<i64: 1024, 128>}, {transform_indices = @transform_1, window_bounds = array<i64: 1024, 128>}, {transform_indices = @transform_2, window_bounds = array<i64: 1024, 128>}, {transform_indices = @transform_3, window_bounds = array<i64: 1024, 128>}, {transform_indices = @transform_4, window_bounds = array<i64: 1024, 128>}, {transform_indices = @transform_5, window_bounds = array<i64: 1024, 128>}, {transform_indices = @transform_6, window_bounds = array<i64: 1024, 128>}, {transform_indices = @transform_7, window_bounds = array<i64: 1024, 128>}, {transform_indices = @transform_8, window_bounds = array<i64: 1024, 128>}, {transform_indices = @transform_9, window_bounds = array<i64: 1024, 128>}, {pipeline_mode = #tpu.pipeline_mode<synchronous>, transform_indices = @transform_10, window_bounds = array<i64: 345, 32>}, {pipeline_mode = #tpu.pipeline_mode<synchronous>, transform_indices = @transform_11, window_bounds = array<i64: 1, 32>}, {pipeline_mode = #tpu.pipeline_mode<synchronous>, transform_indices = @transform_12, window_bounds = array<i64: 1, 32>}, {pipeline_mode = #tpu.pipeline_mode<synchronous>, transform_indices = @transform_13, window_bounds = array<i64: 32, 5>}, {pipeline_mode = #tpu.pipeline_mode<synchronous>, transform_indices = @transform_14, window_bounds = array<i64: 1, 5>}, {transform_indices = @transform_15, window_bounds = array<i64: 1024, 5>}]} {
    %eq3A = arith.constant 0 : i32
    %eq3A_0 = arith.cmpi eq, %arg0, %eq3A : i32
    %convert_element_type3A = arith.extui %eq3A_0 : i1 to i32
    %cond3A = arith.constant 0 : i32
    %cond3A_1 = arith.cmpi ne, %convert_element_type3A, %cond3A : i32
    scf.if %cond3A_1 {
      %get3A = arith.constant 0 : index
      %get3A_12 = arith.constant 0 : index
      %get3A_13 = vector.load %arg2[%get3A, %get3A_12] : memref<1024x128xf32, #tpu.memory_space<vmem>>, vector<1024x64xf32>
      %get3A_14 = arith.constant 0 : index
      %get3A_15 = arith.constant 0 : index
      %get3A_16 = vector.load %arg3[%get3A_14, %get3A_15] : memref<1024x128xf32, #tpu.memory_space<vmem>>, vector<1024x5xf32>
      %concatenate3A = tpu.concatenate %get3A_13, %get3A_16 in 1 : vector<1024x64xf32>, vector<1024x5xf32> -> vector<1024x69xf32>
      %get3A_17 = arith.constant 0 : index
      %get3A_18 = arith.constant 0 : index
      %get3A_19 = vector.load %arg4[%get3A_17, %get3A_18] : memref<1024x128xf32, #tpu.memory_space<vmem>>, vector<1024x64xf32>
      %get3A_20 = arith.constant 0 : index
      %get3A_21 = arith.constant 0 : index
      %get3A_22 = vector.load %arg5[%get3A_20, %get3A_21] : memref<1024x128xf32, #tpu.memory_space<vmem>>, vector<1024x5xf32>
      %concatenate3A_23 = tpu.concatenate %get3A_19, %get3A_22 in 1 : vector<1024x64xf32>, vector<1024x5xf32> -> vector<1024x69xf32>
      %get3A_24 = arith.constant 0 : index
      %get3A_25 = arith.constant 0 : index
      %get3A_26 = vector.load %arg6[%get3A_24, %get3A_25] : memref<1024x128xf32, #tpu.memory_space<vmem>>, vector<1024x64xf32>
      %get3A_27 = arith.constant 0 : index
      %get3A_28 = arith.constant 0 : index
      %get3A_29 = vector.load %arg7[%get3A_27, %get3A_28] : memref<1024x128xf32, #tpu.memory_space<vmem>>, vector<1024x5xf32>
      %concatenate3A_30 = tpu.concatenate %get3A_26, %get3A_29 in 1 : vector<1024x64xf32>, vector<1024x5xf32> -> vector<1024x69xf32>
      %get3A_31 = arith.constant 0 : index
      %get3A_32 = arith.constant 0 : index
      %get3A_33 = vector.load %arg8[%get3A_31, %get3A_32] : memref<1024x128xf32, #tpu.memory_space<vmem>>, vector<1024x64xf32>
      %get3A_34 = arith.constant 0 : index
      %get3A_35 = arith.constant 0 : index
      %get3A_36 = vector.load %arg9[%get3A_34, %get3A_35] : memref<1024x128xf32, #tpu.memory_space<vmem>>, vector<1024x5xf32>
      %concatenate3A_37 = tpu.concatenate %get3A_33, %get3A_36 in 1 : vector<1024x64xf32>, vector<1024x5xf32> -> vector<1024x69xf32>
      %get3A_38 = arith.constant 0 : index
      %get3A_39 = arith.constant 0 : index
      %get3A_40 = vector.load %arg10[%get3A_38, %get3A_39] : memref<1024x128xf32, #tpu.memory_space<vmem>>, vector<1024x64xf32>
      %get3A_41 = arith.constant 0 : index
      %get3A_42 = arith.constant 0 : index
      %get3A_43 = vector.load %arg11[%get3A_41, %get3A_42] : memref<1024x128xf32, #tpu.memory_space<vmem>>, vector<1024x5xf32>
      %concatenate3A_44 = tpu.concatenate %get3A_40, %get3A_43 in 1 : vector<1024x64xf32>, vector<1024x5xf32> -> vector<1024x69xf32>
      %min3A = arith.minimumf %concatenate3A_23, %concatenate3A_30 : vector<1024x69xf32>
      %max3A = arith.maximumf %concatenate3A_23, %concatenate3A_30 : vector<1024x69xf32>
      %min3A_45 = arith.minimumf %concatenate3A_37, %concatenate3A_44 : vector<1024x69xf32>
      %max3A_46 = arith.maximumf %concatenate3A_37, %concatenate3A_44 : vector<1024x69xf32>
      %concatenate3A_47 = tpu.concatenate %concatenate3A, %min3A, %max3A, %min3A_45, %max3A_46 in 1 : vector<1024x69xf32>, vector<1024x69xf32>, vector<1024x69xf32>, vector<1024x69xf32>, vector<1024x69xf32> -> vector<1024x345xf32>
      %get3A_48 = arith.constant 0 : index
      %get3A_49 = arith.constant 0 : index
      %get3A_50 = vector.load %arg12[%get3A_48, %get3A_49] : memref<345x32xf32, #tpu.memory_space<vmem>>, vector<345x32xf32>
      %dot_general3A = arith.constant dense<0.000000e+00> : vector<1024x32xf32>
      %dot_general3A_51 = tpu.matmul %concatenate3A_47, %get3A_50, %dot_general3A {dimension_numbers = #tpu.dot_dimension_numbers<[1], [0], [0], [1], [0, 0, 1, 1], [], []>, transpose_lhs_hint = false} : vector<1024x345xf32>, vector<345x32xf32>, vector<1024x32xf32> -> vector<1024x32xf32>
      %mul3A = arith.constant 1024 : i32
      %mul3A_52 = arith.muli %arg1, %mul3A : i32
      %swap3A = arith.index_cast %mul3A_52 : i32 to index
      %swap3A_53 = arith.constant 0 : index
      %swap3A_54 = vector.load %arg18[%swap3A, %swap3A_53] : memref<8192x32xf32, #tpu.memory_space<vmem>>, vector<1024x32xf32>
      tpu.vector_store %arg18[%swap3A, %swap3A_53], %dot_general3A_51 {strides = array<i32>} : memref<8192x32xf32, #tpu.memory_space<vmem>>, vector<1024x32xf32>,
      %reduce_sum3A = arith.constant dense<0.000000e+00> : vector<32xf32>
      %reduce_sum3A_55 = vector.multi_reduction <add>, %dot_general3A_51, %reduce_sum3A [0] : vector<1024x32xf32> to vector<32xf32>
      %broadcast_in_dim3A = vector.shape_cast %reduce_sum3A_55 : vector<32xf32> to vector<1x32xf32>
      %eq3A_56 = arith.constant 0 : i32
      %eq3A_57 = arith.cmpi eq, %arg1, %eq3A_56 : i32
      %convert_element_type3A_58 = arith.extui %eq3A_57 : i1 to i32
      %cond3A_59 = arith.constant 0 : i32
      %cond3A_60 = arith.cmpi ne, %convert_element_type3A_58, %cond3A_59 : i32
      scf.if %cond3A_60 {
        %swap3A_65 = arith.constant 0 : index
        %swap3A_66 = arith.constant 0 : index
        %swap3A_67 = vector.load %arg19[%swap3A_65, %swap3A_66] : memref<1x32xf32, #tpu.memory_space<vmem>>, vector<1x32xf32>
        tpu.vector_store %arg19[%swap3A_65, %swap3A_66], %broadcast_in_dim3A {strides = array<i32>} : memref<1x32xf32, #tpu.memory_space<vmem>>, vector<1x32xf32>,
      } else {
      }
      %gt3A = arith.constant 0 : i32
      %gt3A_61 = arith.cmpi sgt, %arg1, %gt3A : i32
      %convert_element_type3A_62 = arith.extui %gt3A_61 : i1 to i32
      %cond3A_63 = arith.constant 0 : i32
      %cond3A_64 = arith.cmpi ne, %convert_element_type3A_62, %cond3A_63 : i32
      scf.if %cond3A_64 {
        %get3A_65 = arith.constant 0 : index
        %get3A_66 = arith.constant 0 : index
        %get3A_67 = vector.load %arg19[%get3A_65, %get3A_66] : memref<1x32xf32, #tpu.memory_space<vmem>>, vector<1x32xf32>
        %add3A = arith.addf %get3A_67, %broadcast_in_dim3A : vector<1x32xf32>
        %swap3A_68 = arith.constant 0 : index
        %swap3A_69 = arith.constant 0 : index
        %swap3A_70 = vector.load %arg19[%swap3A_68, %swap3A_69] : memref<1x32xf32, #tpu.memory_space<vmem>>, vector<1x32xf32>
        tpu.vector_store %arg19[%swap3A_68, %swap3A_69], %add3A {strides = array<i32>} : memref<1x32xf32, #tpu.memory_space<vmem>>, vector<1x32xf32>,
      } else {
      }
    } else {
    }
    %eq3A_2 = arith.constant 1 : i32
    %eq3A_3 = arith.cmpi eq, %arg0, %eq3A_2 : i32
    %convert_element_type3A_4 = arith.extui %eq3A_3 : i1 to i32
    %cond3A_5 = arith.constant 0 : i32
    %cond3A_6 = arith.cmpi ne, %convert_element_type3A_4, %cond3A_5 : i32
    scf.if %cond3A_6 {
      %eq3A_12 = arith.constant 0 : i32
      %eq3A_13 = arith.cmpi eq, %arg1, %eq3A_12 : i32
      %convert_element_type3A_14 = arith.extui %eq3A_13 : i1 to i32
      %cond3A_15 = arith.constant 0 : i32
      %cond3A_16 = arith.cmpi ne, %convert_element_type3A_14, %cond3A_15 : i32
      scf.if %cond3A_16 {
        %get3A_35 = arith.constant 0 : index
        %get3A_36 = arith.constant 0 : index
        %get3A_37 = vector.load %arg19[%get3A_35, %get3A_36] : memref<1x32xf32, #tpu.memory_space<vmem>>, vector<1x32xf32>
        %div3A = arith.constant 8.192000e+03 : f32
        %div3A_38 = vector.broadcast %div3A : f32 to vector<1x32xf32>
        %div3A_39 = arith.divf %get3A_37, %div3A_38 : vector<1x32xf32>
        %swap3A = arith.constant 0 : index
        %swap3A_40 = arith.constant 0 : index
        %swap3A_41 = vector.load %arg20[%swap3A, %swap3A_40] : memref<1x32xf32, #tpu.memory_space<vmem>>, vector<1x32xf32>
        tpu.vector_store %arg20[%swap3A, %swap3A_40], %div3A_39 {strides = array<i32>} : memref<1x32xf32, #tpu.memory_space<vmem>>, vector<1x32xf32>,
      } else {
      }
      %mul3A = arith.constant 1024 : i32
      %mul3A_17 = arith.muli %arg1, %mul3A : i32
      %get3A = arith.index_cast %mul3A_17 : i32 to index
      %get3A_18 = arith.constant 0 : index
      %get3A_19 = vector.load %arg18[%get3A, %get3A_18] : memref<8192x32xf32, #tpu.memory_space<vmem>>, vector<1024x32xf32>
      %get3A_20 = arith.constant 0 : index
      %get3A_21 = arith.constant 0 : index
      %get3A_22 = vector.load %arg20[%get3A_20, %get3A_21] : memref<1x32xf32, #tpu.memory_space<vmem>>, vector<1x32xf32>
      %sub3A = vector.broadcast %get3A_22 : vector<1x32xf32> to vector<1024x32xf32>
      %sub3A_23 = arith.subf %get3A_19, %sub3A : vector<1024x32xf32>
      %mul3A_24 = arith.mulf %sub3A_23, %sub3A_23 : vector<1024x32xf32>
      %reduce_sum3A = arith.constant dense<0.000000e+00> : vector<32xf32>
      %reduce_sum3A_25 = vector.multi_reduction <add>, %mul3A_24, %reduce_sum3A [0] : vector<1024x32xf32> to vector<32xf32>
      %broadcast_in_dim3A = vector.shape_cast %reduce_sum3A_25 : vector<32xf32> to vector<1x32xf32>
      %eq3A_26 = arith.constant 0 : i32
      %eq3A_27 = arith.cmpi eq, %arg1, %eq3A_26 : i32
      %convert_element_type3A_28 = arith.extui %eq3A_27 : i1 to i32
      %cond3A_29 = arith.constant 0 : i32
      %cond3A_30 = arith.cmpi ne, %convert_element_type3A_28, %cond3A_29 : i32
      scf.if %cond3A_30 {
        %swap3A = arith.constant 0 : index
        %swap3A_35 = arith.constant 0 : index
        %swap3A_36 = vector.load %arg19[%swap3A, %swap3A_35] : memref<1x32xf32, #tpu.memory_space<vmem>>, vector<1x32xf32>
        tpu.vector_store %arg19[%swap3A, %swap3A_35], %broadcast_in_dim3A {strides = array<i32>} : memref<1x32xf32, #tpu.memory_space<vmem>>, vector<1x32xf32>,
      } else {
      }
      %gt3A = arith.constant 0 : i32
      %gt3A_31 = arith.cmpi sgt, %arg1, %gt3A : i32
      %convert_element_type3A_32 = arith.extui %gt3A_31 : i1 to i32
      %cond3A_33 = arith.constant 0 : i32
      %cond3A_34 = arith.cmpi ne, %convert_element_type3A_32, %cond3A_33 : i32
      scf.if %cond3A_34 {
        %get3A_35 = arith.constant 0 : index
        %get3A_36 = arith.constant 0 : index
        %get3A_37 = vector.load %arg19[%get3A_35, %get3A_36] : memref<1x32xf32, #tpu.memory_space<vmem>>, vector<1x32xf32>
        %add3A = arith.addf %get3A_37, %broadcast_in_dim3A : vector<1x32xf32>
        %swap3A = arith.constant 0 : index
        %swap3A_38 = arith.constant 0 : index
        %swap3A_39 = vector.load %arg19[%swap3A, %swap3A_38] : memref<1x32xf32, #tpu.memory_space<vmem>>, vector<1x32xf32>
        tpu.vector_store %arg19[%swap3A, %swap3A_38], %add3A {strides = array<i32>} : memref<1x32xf32, #tpu.memory_space<vmem>>, vector<1x32xf32>,
      } else {
      }
    } else {
    }
    %eq3A_7 = arith.constant 2 : i32
    %eq3A_8 = arith.cmpi eq, %arg0, %eq3A_7 : i32
    %convert_element_type3A_9 = arith.extui %eq3A_8 : i1 to i32
    %cond3A_10 = arith.constant 0 : i32
    %cond3A_11 = arith.cmpi ne, %convert_element_type3A_9, %cond3A_10 : i32
    scf.if %cond3A_11 {
      %eq3A_12 = arith.constant 0 : i32
      %eq3A_13 = arith.cmpi eq, %arg1, %eq3A_12 : i32
      %convert_element_type3A_14 = arith.extui %eq3A_13 : i1 to i32
      %cond3A_15 = arith.constant 0 : i32
      %cond3A_16 = arith.cmpi ne, %convert_element_type3A_14, %cond3A_15 : i32
      scf.if %cond3A_16 {
        %get3A_50 = arith.constant 0 : index
        %get3A_51 = arith.constant 0 : index
        %get3A_52 = vector.load %arg19[%get3A_50, %get3A_51] : memref<1x32xf32, #tpu.memory_space<vmem>>, vector<1x32xf32>
        %div3A_53 = arith.constant 8.192000e+03 : f32
        %div3A_54 = vector.broadcast %div3A_53 : f32 to vector<1x32xf32>
        %div3A_55 = arith.divf %get3A_52, %div3A_54 : vector<1x32xf32>
        %add3A_56 = arith.constant 9.99999974E-6 : f32
        %add3A_57 = vector.broadcast %add3A_56 : f32 to vector<1x32xf32>
        %add3A_58 = arith.addf %div3A_55, %add3A_57 : vector<1x32xf32>
        %sqrt3A = math.sqrt %add3A_58 : vector<1x32xf32>
        %swap3A_59 = arith.constant 0 : index
        %swap3A_60 = arith.constant 0 : index
        %swap3A_61 = vector.load %arg21[%swap3A_59, %swap3A_60] : memref<1x32xf32, #tpu.memory_space<vmem>>, vector<1x32xf32>
        tpu.vector_store %arg21[%swap3A_59, %swap3A_60], %sqrt3A {strides = array<i32>} : memref<1x32xf32, #tpu.memory_space<vmem>>, vector<1x32xf32>,
      } else {
      }
      %mul3A = arith.constant 1024 : i32
      %mul3A_17 = arith.muli %arg1, %mul3A : i32
      %get3A = arith.index_cast %mul3A_17 : i32 to index
      %get3A_18 = arith.constant 0 : index
      %get3A_19 = vector.load %arg18[%get3A, %get3A_18] : memref<8192x32xf32, #tpu.memory_space<vmem>>, vector<1024x32xf32>
      %get3A_20 = arith.constant 0 : index
      %get3A_21 = arith.constant 0 : index
      %get3A_22 = vector.load %arg20[%get3A_20, %get3A_21] : memref<1x32xf32, #tpu.memory_space<vmem>>, vector<1x32xf32>
      %sub3A = vector.broadcast %get3A_22 : vector<1x32xf32> to vector<1024x32xf32>
      %sub3A_23 = arith.subf %get3A_19, %sub3A : vector<1024x32xf32>
      %get3A_24 = arith.constant 0 : index
      %get3A_25 = arith.constant 0 : index
      %get3A_26 = vector.load %arg21[%get3A_24, %get3A_25] : memref<1x32xf32, #tpu.memory_space<vmem>>, vector<1x32xf32>
      %div3A = vector.broadcast %get3A_26 : vector<1x32xf32> to vector<1024x32xf32>
      %div3A_27 = arith.divf %sub3A_23, %div3A : vector<1024x32xf32>
      %get3A_28 = arith.constant 0 : index
      %get3A_29 = arith.constant 0 : index
      %get3A_30 = vector.load %arg13[%get3A_28, %get3A_29] : memref<1x32xf32, #tpu.memory_space<vmem>>, vector<1x32xf32>
      %mul3A_31 = vector.broadcast %get3A_30 : vector<1x32xf32> to vector<1024x32xf32>
      %mul3A_32 = arith.mulf %div3A_27, %mul3A_31 : vector<1024x32xf32>
      %get3A_33 = arith.constant 0 : index
      %get3A_34 = arith.constant 0 : index
      %get3A_35 = vector.load %arg14[%get3A_33, %get3A_34] : memref<1x32xf32, #tpu.memory_space<vmem>>, vector<1x32xf32>
      %add3A = vector.broadcast %get3A_35 : vector<1x32xf32> to vector<1024x32xf32>
      %add3A_36 = arith.addf %mul3A_32, %add3A : vector<1024x32xf32>
      %max3A = arith.constant 0.000000e+00 : f32
      %max3A_37 = vector.broadcast %max3A : f32 to vector<1024x32xf32>
      %max3A_38 = arith.maximumf %add3A_36, %max3A_37 : vector<1024x32xf32>
      %get3A_39 = arith.constant 0 : index
      %get3A_40 = arith.constant 0 : index
      %get3A_41 = vector.load %arg15[%get3A_39, %get3A_40] : memref<32x5xf32, #tpu.memory_space<vmem>>, vector<32x5xf32>
      %dot_general3A = arith.constant dense<0.000000e+00> : vector<1024x5xf32>
      %dot_general3A_42 = tpu.matmul %max3A_38, %get3A_41, %dot_general3A {dimension_numbers = #tpu.dot_dimension_numbers<[1], [0], [0], [1], [0, 0, 1, 1], [], []>, transpose_lhs_hint = false} : vector<1024x32xf32>, vector<32x5xf32>, vector<1024x5xf32> -> vector<1024x5xf32>
      %get3A_43 = arith.constant 0 : index
      %get3A_44 = arith.constant 0 : index
      %get3A_45 = vector.load %arg16[%get3A_43, %get3A_44] : memref<1x5xf32, #tpu.memory_space<vmem>>, vector<1x5xf32>
      %add3A_46 = vector.broadcast %get3A_45 : vector<1x5xf32> to vector<1024x5xf32>
      %add3A_47 = arith.addf %dot_general3A_42, %add3A_46 : vector<1024x5xf32>
      %swap3A = arith.constant 0 : index
      %swap3A_48 = arith.constant 0 : index
      %swap3A_49 = vector.load %arg17[%swap3A, %swap3A_48] : memref<1024x5xf32, #tpu.memory_space<vmem>>, vector<1024x5xf32>
      tpu.vector_store %arg17[%swap3A, %swap3A_48], %add3A_47 {strides = array<i32>} : memref<1024x5xf32, #tpu.memory_space<vmem>>, vector<1024x5xf32>,
    } else {
    }
    return
  }
  func.func @transform_0(%arg0: i32, %arg1: i32) -> (i32, i32) {
    %eq3A = arith.constant 0 : i32
    %eq3A_0 = arith.cmpi eq, %arg0, %eq3A : i32
    %jit3A = arith.constant 0 : i32
    %select_n3A = arith.select %eq3A_0, %arg1, %jit3A : i32
    %c0_i32 = arith.constant 0 : i32
    %c0_i32_1 = arith.constant 0 : i32
    return %select_n3A, %c0_i32 : i32, i32
  }
  func.func @transform_1(%arg0: i32, %arg1: i32) -> (i32, i32) {
    %eq3A = arith.constant 0 : i32
    %eq3A_0 = arith.cmpi eq, %arg0, %eq3A : i32
    %jit3A = arith.constant 0 : i32
    %select_n3A = arith.select %eq3A_0, %arg1, %jit3A : i32
    %c0_i32 = arith.constant 0 : i32
    %c0_i32_1 = arith.constant 0 : i32
    return %select_n3A, %c0_i32 : i32, i32
  }
  func.func @transform_2(%arg0: i32, %arg1: i32) -> (i32, i32) {
    %eq3A = arith.constant 0 : i32
    %eq3A_0 = arith.cmpi eq, %arg0, %eq3A : i32
    %jit3A = arith.constant 0 : i32
    %select_n3A = arith.select %eq3A_0, %arg1, %jit3A : i32
    %c0_i32 = arith.constant 0 : i32
    %c0_i32_1 = arith.constant 0 : i32
    return %select_n3A, %c0_i32 : i32, i32
  }
  func.func @transform_3(%arg0: i32, %arg1: i32) -> (i32, i32) {
    %eq3A = arith.constant 0 : i32
    %eq3A_0 = arith.cmpi eq, %arg0, %eq3A : i32
    %jit3A = arith.constant 0 : i32
    %select_n3A = arith.select %eq3A_0, %arg1, %jit3A : i32
    %c0_i32 = arith.constant 0 : i32
    %c0_i32_1 = arith.constant 0 : i32
    return %select_n3A, %c0_i32 : i32, i32
  }
  func.func @transform_4(%arg0: i32, %arg1: i32) -> (i32, i32) {
    %eq3A = arith.constant 0 : i32
    %eq3A_0 = arith.cmpi eq, %arg0, %eq3A : i32
    %jit3A = arith.constant 0 : i32
    %select_n3A = arith.select %eq3A_0, %arg1, %jit3A : i32
    %c0_i32 = arith.constant 0 : i32
    %c0_i32_1 = arith.constant 0 : i32
    return %select_n3A, %c0_i32 : i32, i32
  }
  func.func @transform_5(%arg0: i32, %arg1: i32) -> (i32, i32) {
    %eq3A = arith.constant 0 : i32
    %eq3A_0 = arith.cmpi eq, %arg0, %eq3A : i32
    %jit3A = arith.constant 0 : i32
    %select_n3A = arith.select %eq3A_0, %arg1, %jit3A : i32
    %c0_i32 = arith.constant 0 : i32
    %c0_i32_1 = arith.constant 0 : i32
    return %select_n3A, %c0_i32 : i32, i32
  }
  func.func @transform_6(%arg0: i32, %arg1: i32) -> (i32, i32) {
    %eq3A = arith.constant 0 : i32
    %eq3A_0 = arith.cmpi eq, %arg0, %eq3A : i32
    %jit3A = arith.constant 0 : i32
    %select_n3A = arith.select %eq3A_0, %arg1, %jit3A : i32
    %c0_i32 = arith.constant 0 : i32
    %c0_i32_1 = arith.constant 0 : i32
    return %select_n3A, %c0_i32 : i32, i32
  }
  func.func @transform_7(%arg0: i32, %arg1: i32) -> (i32, i32) {
    %eq3A = arith.constant 0 : i32
    %eq3A_0 = arith.cmpi eq, %arg0, %eq3A : i32
    %jit3A = arith.constant 0 : i32
    %select_n3A = arith.select %eq3A_0, %arg1, %jit3A : i32
    %c0_i32 = arith.constant 0 : i32
    %c0_i32_1 = arith.constant 0 : i32
    return %select_n3A, %c0_i32 : i32, i32
  }
  func.func @transform_8(%arg0: i32, %arg1: i32) -> (i32, i32) {
    %eq3A = arith.constant 0 : i32
    %eq3A_0 = arith.cmpi eq, %arg0, %eq3A : i32
    %jit3A = arith.constant 0 : i32
    %select_n3A = arith.select %eq3A_0, %arg1, %jit3A : i32
    %c0_i32 = arith.constant 0 : i32
    %c0_i32_1 = arith.constant 0 : i32
    return %select_n3A, %c0_i32 : i32, i32
  }
  func.func @transform_9(%arg0: i32, %arg1: i32) -> (i32, i32) {
    %eq3A = arith.constant 0 : i32
    %eq3A_0 = arith.cmpi eq, %arg0, %eq3A : i32
    %jit3A = arith.constant 0 : i32
    %select_n3A = arith.select %eq3A_0, %arg1, %jit3A : i32
    %c0_i32 = arith.constant 0 : i32
    %c0_i32_1 = arith.constant 0 : i32
    return %select_n3A, %c0_i32 : i32, i32
  }
  func.func @transform_10(%arg0: i32, %arg1: i32) -> (i32, i32) {
    %c0_i32 = arith.constant 0 : i32
    %c0_i32_0 = arith.constant 0 : i32
    %c0_i32_1 = arith.constant 0 : i32
    return %c0_i32, %c0_i32_0 : i32, i32
  }
  func.func @transform_11(%arg0: i32, %arg1: i32) -> (i32, i32) {
    %c0_i32 = arith.constant 0 : i32
    %c0_i32_0 = arith.constant 0 : i32
    %c0_i32_1 = arith.constant 0 : i32
    return %c0_i32, %c0_i32_0 : i32, i32
  }
  func.func @transform_12(%arg0: i32, %arg1: i32) -> (i32, i32) {
    %c0_i32 = arith.constant 0 : i32
    %c0_i32_0 = arith.constant 0 : i32
    %c0_i32_1 = arith.constant 0 : i32
    return %c0_i32, %c0_i32_0 : i32, i32
  }
  func.func @transform_13(%arg0: i32, %arg1: i32) -> (i32, i32) {
    %c0_i32 = arith.constant 0 : i32
    %c0_i32_0 = arith.constant 0 : i32
    %c0_i32_1 = arith.constant 0 : i32
    return %c0_i32, %c0_i32_0 : i32, i32
  }
  func.func @transform_14(%arg0: i32, %arg1: i32) -> (i32, i32) {
    %c0_i32 = arith.constant 0 : i32
    %c0_i32_0 = arith.constant 0 : i32
    %c0_i32_1 = arith.constant 0 : i32
    return %c0_i32, %c0_i32_0 : i32, i32
  }
  func.func @transform_15(%arg0: i32, %arg1: i32) -> (i32, i32) {
    %eq3A = arith.constant 2 : i32
    %eq3A_0 = arith.cmpi eq, %arg0, %eq3A : i32
    %jit3A = arith.constant 0 : i32
    %select_n3A = arith.select %eq3A_0, %arg1, %jit3A : i32
    %c0_i32 = arith.constant 0 : i32
    %c0_i32_1 = arith.constant 0 : i32
    return %select_n3A, %c0_i32 : i32, i32
  }
}

</mosaic_0001>

<sc_bundles>
// kernel: kernel.19.cloned.1.call-start
scs
__scs_entry_jumppad:
0x0: {  	(pc) =	sbr.rel $0x88, $3  }
0x1: {  	(tag) =	ssettag $0x0;
	lr =	simm.s32 $0x1  }
0x2: {  	[smem:$0x3F8B] =	sst lr;
	_ =	strace $0xD0000000  }
0x3: {  	_ = 	snop  }
0x4: {  	_ = 	snop  }
0x5: {  	_ = 	snop  }
0x6: {  	_ = 	snop  }
0x7: {  	_ = 	snop  }
__scs_overlays_trampoline_lowered:
0x8: {  	[smem:$0x3F9A] =	sst s0  }
0x9: {  	[smem:$0x3F9B] =	sst s1  }
0xa: {  	[smem:$0x3F9C] =	sst s2  }
0xb: {  	[smem:$0x3F9D] =	sst s3  }
0xc: {  	[smem:$0x3F9E] =	sst s4  }
0xd: {  	[smem:$0x3F9F] =	sst s5  }
0xe: {  	[smem:$0x3FA0] =	sst s6  }
0xf: {  	[smem:$0x3FA1] =	sst s7  }
0x10: {  	[smem:$0x3FA2] =	sst s8  }
0x11: {  	[smem:$0x3FA3] =	sst s9;
	s0 =	simm.s32 @!p0 $0x0  }
0x12: {  	s1 =	sld [smem:$0x3F89];
	s0 =	simm.s32 @p0 $0x1  }
0x13: {  	[smem:$0x3FA4] =	sst s0;
	s0 =	simm.s32 @!p1 $0x0  }
0x14: {  	s2 =	sld [smem:$0x3F88];
	s0 =	simm.s32 @p1 $0x1  }
0x15: {  	[smem:$0x3FA5] =	sst s0;
	s0 =	simm.s32 @!p2 $0x0  }
0x16: {  	s3 =	sld [smem:$0x3FDB];
	s0 =	simm.s32 @p2 $0x1  }
0x17: {  	s4 =	simm.s32 $0x1BF5;
	[smem:$0x3FA7] =	sst s0  }
0x18: {  	s0 =	sld [smem:$0x3F8A];
	_ =	swait.ge [sflag:s4], $0x0  }
0x19: {  	s7 =	sld [smem:$0x3F8B]  }
0x1a: {  	s8 =	sadd.s32 $0xFFFFE003, lr  }
0x1b: {  	s9 =	sadd.s32 $0xFFFFFEF7, lr;
	s5 =	simm.s32 $0xFFFFFFFF;
	p2 =	slt.u32 s8, $0xFFFFF086  }
0x1c: {  	p1 =	slt.u32 s9, $0xF7A;
	s5 =	simm.s32 @!p2 $0x0  }
0x1d: {  	s5 =	simm.s32 @p1 $0x1;
	p0 =	seq.s32 s7, s2  }
0x1e: {  	s7 =	smul.u32 @!p0 $0xF7A, s2;
	p2 =	seq.s32 @!p0 s5, $0x0  }
0x1f: {  	s9 =	smul.u32 $0xF7A, s1;
	s8 =	simm.s32 @!p0 $0x1BF5;
	p2 =	por !p2, p0  }
0x20: {  	[sflag:s8] =	ssyncset.s32 @!p0 $0xFFFFF086;
	s6 =	sadd.s32 @!p0 s3, s7;
	s7 =	simm.s32 @!p0 $0x108  }
0x21: {  	s3 =	sadd.s32 s3, s9;
	s6 =	sadd.s32 @!p0 $0x88, s6;
	s7 =	simm.s32 @p2 $0x1082  }
0x22: {  	[simem:s7], [sflag:s8] =	dma.local @!p0 [hbm:s6], $0xF7A  }
0x23: {  	s9 =	sor.u32 $0xD0000000, s2;
	s6 =	simm.s32 $0x108;
	_ =	swait.ge @!p0 [sflag:s8], $0x0  }
0x24: {  	s3 =	sadd.s32 $0x88, s3;
	s6 =	simm.s32 @!p1 $0x1082;
	[sflag:s4] =	ssyncset.s32 $0xFFFFF086  }
0x25: {  	[simem:s6], [sflag:s4] =	dma.local [hbm:s3], $0xF7A  }
0x26: {  	[smem:$0x3F8B] =	sst s1;
	(tag) =	ssettag s2;
	_ =	strace s9  }
0x27: {  	s1 =	sld [smem:$0x3F9B]  }
0x28: {  	s2 =	sld [smem:$0x3F9C]  }
0x29: {  	s4 =	sld [smem:$0x3F9E]  }
0x2a: {  	p0 =	seq.s32 s5, $0x0;
	s5 =	sld [smem:$0x3F9F]  }
0x2b: {  	s6 =	sld [smem:$0x3FA0]  }
0x2c: {  	s7 =	sld [smem:$0x3FA1]  }
0x2d: {  	s3 =	simm.s32 $0x108;
	s8 =	sld [smem:$0x3FA2]  }
0x2e: {  	s3 =	simm.s32 @!p0 $0x1082;
	s9 =	sld [smem:$0x3FA3]  }
0x2f: {  	lr =	sadd.s32 s0, s3;
	s0 =	sld [smem:$0x3F9A]  }
0x30: {  	s3 =	sld [smem:$0x3F9D]  }
0x31: {  	[smem:$0x3FA6] =	sst s10  }
0x32: {  	s10 =	sld [smem:$0x3FA4];
	_ =	sdelay $0x3  }
0x33: {  	p0 =	seq.s32 s10, $0x1;
	s10 =	sld [smem:$0x3FA6];
	_ =	sdelay $0x3  }
0x34: {  	[smem:$0x3FA6] =	sst s10  }
0x35: {  	s10 =	sld [smem:$0x3FA5];
	_ =	sdelay $0x3  }
0x36: {  	p1 =	seq.s32 s10, $0x1;
	s10 =	sld [smem:$0x3FA6];
	_ =	sdelay $0x3  }
0x37: {  	[smem:$0x3FA6] =	sst s10  }
0x38: {  	s10 =	sld [smem:$0x3FA7]  }
0x39: {  	_ = 	snop;
	(pc) =	sbr.ind lr, $3  }
0x3a: {  	_ = 	snop  }
0x3b: {  	_ = 	snop  }
0x3c: {  	p2 =	seq.s32 s10, $0x1;
	s10 =	sld [smem:$0x3FA6]  }
0x3d: {  	_ =	shalt  }
0x3e: {  	_ =	shalt  }
0x3f: {  	_ =	shalt  }
0x40: {  	_ =	shalt  }
0x41: {  	_ =	shalt  }
0x42: {  	_ =	shalt  }
0x43: {  	_ =	shalt  }
0x44: {  	_ =	shalt  }
0x45: {  	_ =	shalt  }
0x46: {  	_ =	shalt  }
0x47: {  	_ =	shalt  }
0x48: {  	_ =	shalt  }
0x49: {  	_ =	shalt  }
0x4a: {  	_ =	shalt  }
0x4b: {  	_ =	shalt  }
0x4c: {  	_ =	shalt  }
0x4d: {  	_ =	shalt  }
0x4e: {  	_ =	shalt  }
0x4f: {  	_ =	shalt  }
0x50: {  	_ =	shalt  }
0x51: {  	_ =	shalt  }
0x52: {  	_ =	shalt  }
0x53: {  	_ =	shalt  }
0x54: {  	_ =	shalt  }
0x55: {  	_ =	shalt  }
0x56: {  	_ =	shalt  }
0x57: {  	_ =	shalt  }
0x58: {  	_ =	shalt  }
0x59: {  	_ =	shalt  }
0x5a: {  	_ =	shalt  }
0x5b: {  	_ =	shalt  }
0x5c: {  	_ =	shalt  }
0x5d: {  	_ =	shalt  }
0x5e: {  	_ =	shalt  }
0x5f: {  	_ =	shalt  }
0x60: {  	_ =	shalt  }
0x61: {  	_ =	shalt  }
0x62: {  	_ =	shalt  }
0x63: {  	_ =	shalt  }
0x64: {  	_ =	shalt  }
0x65: {  	_ =	shalt  }
0x66: {  	_ =	shalt  }
0x67: {  	_ =	shalt  }
0x68: {  	_ =	shalt  }
0x69: {  	_ =	shalt  }
0x6a: {  	_ =	shalt  }
0x6b: {  	_ =	shalt  }
0x6c: {  	_ =	shalt  }
0x6d: {  	_ =	shalt  }
0x6e: {  	_ =	shalt  }
0x6f: {  	_ =	shalt  }
0x70: {  	_ =	shalt  }
0x71: {  	_ =	shalt  }
0x72: {  	_ =	shalt  }
0x73: {  	_ =	shalt  }
0x74: {  	_ =	shalt  }
0x75: {  	_ =	shalt  }
0x76: {  	_ =	shalt  }
0x77: {  	_ =	shalt  }
0x78: {  	_ =	shalt  }
0x79: {  	_ =	shalt  }
0x7a: {  	_ =	shalt  }
0x7b: {  	_ =	shalt  }
0x7c: {  	_ =	shalt  }
0x7d: {  	_ =	shalt  }
0x7e: {  	_ =	shalt  }
0x7f: {  	_ =	shalt  }
0x80: {  	_ =	shalt  }
0x81: {  	_ =	shalt  }
0x82: {  	_ =	shalt  }
0x83: {  	_ =	shalt  }
0x84: {  	_ =	shalt  }
0x85: {  	_ =	shalt  }
0x86: {  	_ =	shalt  }
0x87: {  	_ =	shalt  }
.Lfunc_end0:
.L_simem_size_0:
called_computation_lowered:
.L_overlay_start_0:
0x88: {  	s2 =	sld [smem:$0x3FD9]  }
0x89: {  	s3 =	sld [smem:$0x3FFE];
	_ =	sdelay $0x1  }
0x8a: {  	s1 =	srdreg.scid  }
0x8b: {  	s0 =	sand.u32 $0x1, s1  }
0x8c: {  	s14 =	sshll.u32 s0, $0xA;
	s2 =	sadd.s32 s3, s2  }
0x8d: {  	s2 =	sadd.s32 s2, s14  }
0x8e: {  	[smem:$0x3FB2] =	sst s2  }
0x8f: {  	_ = 	snop  }
0x90: {  	s2 =	sld [smem:$0x3FD0];
	_ =	sdelay $0x2  }
0x91: {  	s15 =	simm.s32 $0xA;
	s4 =	simm.s32 $0x10  }
0x92: {  	[smem:s4], [sflag:s15] =	dma.local [hbm:s2], $0x1  }
0x93: {  	_ =	swait.eq [sflag:s15], $0x1  }
0x94: {  	[sflag:s15] =	ssyncset.done $0x0  }
0x95: {  	[sflag:s15] =	ssyncadd.s32 $0xFFFFFFFF  }
0x96: {  	s16 =	sld [smem:$0x11];
	(tm) =	ssettm $0x1  }
0x97: {  	s17 =	sld [smem:$0x3FFB];
	_ =	sdelay $0x3  }
0x98: {  	_ =	strace s17  }
0x99: {  	s3 =	sld [smem:$0x3FFC];
	_ =	sdelay $0x3  }
0x9a: {  	_ =	strace s3  }
0x9b: {  	s3 =	sld [smem:$0x3FFD];
	_ =	sdelay $0x3  }
0x9c: {  	_ =	strace s3  }
0x9d: {  	_ =	strace $0x8FFFFFFF  }
0x9e: {  	s18 =	sld [smem:$0x3FDB];
	_ =	sdelay $0x1  }
0x9f: {  	s19 =	simm.s32 $_scs_section_size  }
0xa0: {  	s5 =	simm.s32 $_size__tile_overlayer_lowered;
	s6 =	simm.s32 $_tile_overlayer_lowered  }
0xa1: {  	s22 =	simm.s32 $0x1BFF;
	s21 =	sshll.u32 s6, $0x1;
	s3 =	sadd.s32 s19, s18  }
0xa2: {  	s7 =	simm.s32 $0x0;
	s20 =	sshll.u32 s5, $0x1;
	s5 =	sadd.s32 s21, s3  }
0xa3: {  	[timem:s7], [sflag:s22] =	dma.local [hbm:s5], s20  }
0xa4: {  	_ =	swait.ge [sflag:s22], s20  }
0xa5: {  	s4 =	ssub.s32 $0x0, s20;
	[sflag:s22] =	ssyncset.done $0x0  }
0xa6: {  	[sflag:s22] =	ssyncadd.s32 s4;
	_ =	sdelay $0x1  }
0xa7: {  	s23 =	simm.s32 $0x1B8B  }
0xa8: {  	_ =	swait.ge [sflag:s23], $0x1  }
0xa9: {  	[sflag:s23] =	ssyncset.done $0x0  }
0xaa: {  	s25 =	simm.s32 $0x1B8E;
	s24 =	sld [smem:$0x3FFE];
	[sflag:s23] =	ssyncadd.s32 $0xFFFFFFFF  }
0xab: {  	s26 =	simm.s32 $execute0_lowered;
	[smem:$0x3FD2] =	sst s25  }
0xac: {  	s5 =	sshll.u32 s26, $0x1;
	_ =	strace $0x80000046;
	[dreg:$0x1] =	wrdreg $0xFFFFFFFF  }
0xad: {  	s28 =	simm.s32 $_size_execute0_lowered;
	s3 =	sadd.s32 s3, s5;
	[dreg:$0x0] =	wrdreg $0x0  }
0xae: {  	s5 =	sshll.u32 s28, $0x1;
	[dreg:$0x2] =	wrdreg s3  }
0xaf: {  	[dreg:$0x3] =	wrdreg s5  }
0xb0: {  	[dreg:$0x4] =	wrdreg $0xC0  }
0xb1: {  	_ =	task [dreg:s7], $0x5FFFF  }
0xb2: {  	[dreg:$0x1] =	wrdreg $0xFFFFFFFF  }
0xb3: {  	[dreg:$0x0] =	wrdreg $0x60  }
0xb4: {  	[dreg:$0x2] =	wrdreg s24  }
0xb5: {  	[dreg:$0x3] =	wrdreg s16  }
0xb6: {  	[dreg:$0x4] =	wrdreg $0x9  }
0xb7: {  	_ =	task.clear_ibuf [dreg:s7], $0x5FFFF;
	_ =	strace $0x90000046  }
0xb8: {  	s29 =	simm.s32 $0x9;
	_ =	strace $0x80000048  }
0xb9: {  	_ =	swait.ge [sflag:s29], $0x1  }
0xba: {  	[sflag:s29] =	ssyncadd.s32 $0xFFFFFFFF  }
0xbb: {  	_ =	strace $0x90000048  }
0xbc: {  	_ =	sfence  }
0xbd: {  	s30 =	sld [smem:$0x0];
	_ =	sdelay $0x2  }
0xbe: {  	s31 =	sshll.u32 s1, $0xD;
	s1 =	sshrl.u32 s1, $0x2  }
0xbf: {  	s3 =	sand.u32 $0x4000, s31;
	s1 =	sadd.s32 s1, s30  }
0xc0: {  	s0 =	sor.u32 s3, s0;
	s1 =	sshll.u32 s1, $0x11  }
0xc1: {  	s0 =	sor.u32 s1, s0  }
0xc2: {  	s0 =	sadd.s32 $0x8F2B, s0  }
0xc3: {  	[sflag:s0] =	ssyncadd.remote.s32 $0x1  }
0xc4: {  	_ =	sfence.sel $0xFFFF  }
0xc5: {  	[dreg:$0x0] =	wrdreg $0xFFFFFFFF;
	(pc) =	sbr.abs _section_cstart, $3  }
0xc6: {  	[dreg:$0x1] =	wrdreg $0xFFFFFFFF  }
0xc7: {  	_ =	task.clear_ibuf [dreg:s7], $0x2FFFF;
	_ =	strace $0x9FFFFFFF  }
0xc8: {  	(tm) =	ssettm $0x7FFFFFFF  }
0xc9: {  	_ =	shalt  }
tec
execute0_lowered:
.L_overlay_start_1:
0x0: {  	(tag) =	ssettag $0x1  }
0x1: {  	s1 =	srdreg.scid  }
0x2: {  	s0 =	stileid.u32;
	s31 =	sand.u32 $0x1, s1  }
0x3: {  	s3 =	sshll.u32 s0, $0x9;
	s4 =	sshll.u32 s31, $0x8  }
0x4: {  	s22 =	rddreg [dreg:$0x1];
	s2 =	simm.s32 $0x0;
	s23 =	sor.u32 s4, s3  }
0x5: {  	[smem:$0x7FF] =	sst s2;
	s3 =	sshrl.u32 s23, $0x3  }
0x6: {  	s19 =	rddreg [dreg:$0x0];
	_ =	strace $0x80000047;
	s3 =	sadd.s32 s22, s3  }
0x7: {  	[tilespmem:s2], [sflag:$0x1] =	stream.linear.gather [hbm4b:s3+s2], $0x80, $0x38;
	[tilespmem:$0x10200] =	vst v63  }
0x8: {  	s5 =	simm.s32 $0x80;
	s4 =	sadd.s32 $0x400, s3  }
0x9: {  	[tilespmem:s5], [sflag:$0x1] =	stream.linear.gather [hbm4b:s4+s2], $0x80, $0x38;
	[tilespmem:$0x10200] =	vst v63  }
0xa: {  	s7 =	simm.s32 $0x100;
	s6 =	sadd.s32 $0x800, s3  }
0xb: {  	[tilespmem:s7], [sflag:$0x1] =	stream.linear.gather [hbm4b:s6+s2], $0x80, $0x38;
	[tilespmem:$0x10200] =	vst v63  }
0xc: {  	s9 =	simm.s32 $0x180;
	s10 =	simm.s32 $0x1;
	s8 =	sadd.s32 $0xC00, s3  }
0xd: {  	[tilespmem:s9], [sflag:$0x1] =	stream.linear.gather [hbm4b:s8+s2], $0x80, $0x38;
	[tilespmem:$0x10200] =	vst v63  }
0xe: {  	_ =	swait.ge [sflag:s10], $0x80  }
0xf: {  	[sflag:s10] =	ssyncset.done $0x0  }
0x10: {  	s12 =	simm.s32 $0x200;
	s11 =	sadd.s32 $0x5400, s19;
	[sflag:s10] =	ssyncadd.s32 $0xFFFFFF80  }
0x11: {  	[tilespmem:s12], [sflag:$0x2] =	stream.indirect.gather [hbm4b:s11+s5], $0x80, s2, s5, $0xb8;
	[tilespmem:$0x10200] =	vst v63  }
0x12: {  	_ =	swait.ge [sflag:s10], $0x80  }
0x13: {  	[sflag:s10] =	ssyncset.done $0x0  }
0x14: {  	s13 =	simm.s32 $0x4200;
	[sflag:s10] =	ssyncadd.s32 $0xFFFFFF80  }
0x15: {  	[tilespmem:s13], [sflag:$0x2] =	stream.indirect.gather [hbm4b:s11+s5], $0x80, s5, s5, $0xb8;
	[tilespmem:$0x10200] =	vst v63  }
0x16: {  	_ =	swait.ge [sflag:s10], $0x80  }
0x17: {  	[sflag:s10] =	ssyncset.done $0x0  }
0x18: {  	s14 =	simm.s32 $0x8200;
	[sflag:s10] =	ssyncadd.s32 $0xFFFFFF80  }
0x19: {  	[tilespmem:s14], [sflag:$0x2] =	stream.indirect.gather [hbm4b:s11+s5], $0x80, s7, s5, $0xb8;
	[tilespmem:$0x10200] =	vst v63  }
0x1a: {  	_ =	swait.ge [sflag:s10], $0x80  }
0x1b: {  	[sflag:s10] =	ssyncset.done $0x0  }
0x1c: {  	s15 =	simm.s32 $0xC200;
	s16 =	simm.s32 $0x2;
	[sflag:s10] =	ssyncadd.s32 $0xFFFFFF80  }
0x1d: {  	[tilespmem:s15], [sflag:$0x2] =	stream.indirect.gather [hbm4b:s11+s5], $0x80, s9, s5, $0xb8;
	[tilespmem:$0x10200] =	vst v63  }
0x1e: {  	_ =	swait.ge [sflag:s16], $0x4000  }
0x1f: {  	[sflag:s16] =	ssyncset.done $0x0  }
0x20: {  	[sflag:s16] =	ssyncadd.s32 $0xFFFFC000  }
0x21: {  	_ =	swait.ge [sflag:s16], $0x4000  }
0x22: {  	[sflag:s16] =	ssyncset.done $0x0  }
0x23: {  	[sflag:s16] =	ssyncadd.s32 $0xFFFFC000  }
0x24: {  	_ =	swait.ge [sflag:s16], $0x4000  }
0x25: {  	[sflag:s16] =	ssyncset.done $0x0  }
0x26: {  	[sflag:s16] =	ssyncadd.s32 $0xFFFFC000  }
0x27: {  	_ =	swait.ge [sflag:s16], $0x4000  }
0x28: {  	s26 =	sadd.s32 $0x25400, s19;
	s20 =	sshll.u32 s23, $0x4;
	[sflag:s16] =	ssyncset.done $0x0  }
0x29: {  	s28 =	sadd.s32 $0x45400, s19;
	s17 =	sadd.s32 s26, s20;
	[sflag:s16] =	ssyncadd.s32 $0xFFFFC000  }
0x2a: {  	[hbm4b:s17+s2] =	stream.linear.scatter [tilespmem:s12], [sflag:$0x3], $0x4000, $0x38;
	[tilespmem:$0x10200] =	vst v63  }
0x2b: {  	s29 =	sadd.s32 $0x65400, s19;
	s18 =	sadd.s32 s28, s20  }
0x2c: {  	[hbm4b:s18+s2] =	stream.linear.scatter [tilespmem:s13], [sflag:$0x3], $0x4000, $0x38;
	[tilespmem:$0x10200] =	vst v63  }
0x2d: {  	s30 =	sadd.s32 $0x85400, s19;
	s19 =	sadd.s32 s29, s20  }
0x2e: {  	[hbm4b:s19+s2] =	stream.linear.scatter [tilespmem:s14], [sflag:$0x3], $0x4000, $0x38;
	[tilespmem:$0x10200] =	vst v63  }
0x2f: {  	s21 =	simm.s32 $0x3;
	s20 =	sadd.s32 s30, s20  }
0x30: {  	[hbm4b:s20+s2] =	stream.linear.scatter [tilespmem:s15], [sflag:$0x3], $0x4000, $0x38;
	[tilespmem:$0x10200] =	vst v63  }
0x31: {  	_ =	swait.ge [sflag:s21], $0x4000  }
0x32: {  	[sflag:s21] =	ssyncset.done $0x0  }
0x33: {  	[sflag:s21] =	ssyncadd.s32 $0xFFFFC000  }
0x34: {  	_ =	swait.ge [sflag:s21], $0x4000  }
0x35: {  	[sflag:s21] =	ssyncset.done $0x0  }
0x36: {  	[sflag:s21] =	ssyncadd.s32 $0xFFFFC000  }
0x37: {  	_ =	swait.ge [sflag:s21], $0x4000  }
0x38: {  	[sflag:s21] =	ssyncset.done $0x0  }
0x39: {  	[sflag:s21] =	ssyncadd.s32 $0xFFFFC000  }
0x3a: {  	s1 =	sor.u32 $0x80, s23;
	_ =	swait.ge [sflag:s21], $0x4000  }
0x3b: {  	s23 =	sshrl.u32 s1, $0x3;
	[sflag:s21] =	ssyncset.done $0x0  }
0x3c: {  	s22 =	sadd.s32 s22, s23;
	[sflag:s21] =	ssyncadd.s32 $0xFFFFC000  }
0x3d: {  	[tilespmem:s2], [sflag:$0x1] =	stream.linear.gather [hbm4b:s22+s2], $0x80, $0x38;
	[tilespmem:$0x10200] =	vst v63  }
0x3e: {  	s23 =	sadd.s32 $0x410, s3  }
0x3f: {  	[tilespmem:s5], [sflag:$0x1] =	stream.linear.gather [hbm4b:s23+s2], $0x80, $0x38;
	[tilespmem:$0x10200] =	vst v63  }
0x40: {  	s24 =	sadd.s32 $0x810, s3  }
0x41: {  	[tilespmem:s7], [sflag:$0x1] =	stream.linear.gather [hbm4b:s24+s2], $0x80, $0x38;
	[tilespmem:$0x10200] =	vst v63  }
0x42: {  	s25 =	sadd.s32 $0xC10, s3  }
0x43: {  	[tilespmem:s9], [sflag:$0x1] =	stream.linear.gather [hbm4b:s25+s2], $0x80, $0x38;
	[tilespmem:$0x10200] =	vst v63  }
0x44: {  	_ =	swait.ge [sflag:s10], $0x80  }
0x45: {  	[sflag:s10] =	ssyncset.done $0x0  }
0x46: {  	[sflag:s10] =	ssyncadd.s32 $0xFFFFFF80  }
0x47: {  	[tilespmem:s12], [sflag:$0x2] =	stream.indirect.gather [hbm4b:s11+s5], $0x80, s2, s5, $0xb8;
	[tilespmem:$0x10200] =	vst v63  }
0x48: {  	_ =	swait.ge [sflag:s10], $0x80  }
0x49: {  	[sflag:s10] =	ssyncset.done $0x0  }
0x4a: {  	[sflag:s10] =	ssyncadd.s32 $0xFFFFFF80  }
0x4b: {  	[tilespmem:s13], [sflag:$0x2] =	stream.indirect.gather [hbm4b:s11+s5], $0x80, s5, s5, $0xb8;
	[tilespmem:$0x10200] =	vst v63  }
0x4c: {  	_ =	swait.ge [sflag:s10], $0x80  }
0x4d: {  	[sflag:s10] =	ssyncset.done $0x0  }
0x4e: {  	[sflag:s10] =	ssyncadd.s32 $0xFFFFFF80  }
0x4f: {  	[tilespmem:s14], [sflag:$0x2] =	stream.indirect.gather [hbm4b:s11+s5], $0x80, s7, s5, $0xb8;
	[tilespmem:$0x10200] =	vst v63  }
0x50: {  	_ =	swait.ge [sflag:s10], $0x80  }
0x51: {  	[sflag:s10] =	ssyncset.done $0x0  }
0x52: {  	[sflag:s10] =	ssyncadd.s32 $0xFFFFFF80  }
0x53: {  	[tilespmem:s15], [sflag:$0x2] =	stream.indirect.gather [hbm4b:s11+s5], $0x80, s9, s5, $0xb8;
	[tilespmem:$0x10200] =	vst v63  }
0x54: {  	_ =	swait.ge [sflag:s16], $0x4000  }
0x55: {  	[sflag:s16] =	ssyncset.done $0x0  }
0x56: {  	[sflag:s16] =	ssyncadd.s32 $0xFFFFC000  }
0x57: {  	_ =	swait.ge [sflag:s16], $0x4000  }
0x58: {  	[sflag:s16] =	ssyncset.done $0x0  }
0x59: {  	[sflag:s16] =	ssyncadd.s32 $0xFFFFC000  }
0x5a: {  	_ =	swait.ge [sflag:s16], $0x4000  }
0x5b: {  	[sflag:s16] =	ssyncset.done $0x0  }
0x5c: {  	[sflag:s16] =	ssyncadd.s32 $0xFFFFC000  }
0x5d: {  	_ =	swait.ge [sflag:s16], $0x4000  }
0x5e: {  	s1 =	sshll.u32 s1, $0x4;
	[sflag:s16] =	ssyncset.done $0x0  }
0x5f: {  	s26 =	sadd.s32 s26, s1;
	[sflag:s16] =	ssyncadd.s32 $0xFFFFC000  }
0x60: {  	[hbm4b:s26+s2] =	stream.linear.scatter [tilespmem:s12], [sflag:$0x3], $0x4000, $0x38;
	[tilespmem:$0x10200] =	vst v63  }
0x61: {  	s28 =	sadd.s32 s28, s1  }
0x62: {  	[hbm4b:s28+s2] =	stream.linear.scatter [tilespmem:s13], [sflag:$0x3], $0x4000, $0x38;
	[tilespmem:$0x10200] =	vst v63  }
0x63: {  	s29 =	sadd.s32 s29, s1  }
0x64: {  	[hbm4b:s29+s2] =	stream.linear.scatter [tilespmem:s14], [sflag:$0x3], $0x4000, $0x38;
	[tilespmem:$0x10200] =	vst v63  }
0x65: {  	s30 =	sadd.s32 s30, s1  }
0x66: {  	[hbm4b:s30+s2] =	stream.linear.scatter [tilespmem:s15], [sflag:$0x3], $0x4000, $0x38;
	[tilespmem:$0x10200] =	vst v63  }
0x67: {  	_ =	swait.ge [sflag:s21], $0x4000  }
0x68: {  	s1 =	ssub.s32 $0x2, s31;
	[sflag:s21] =	ssyncset.done $0x0  }
0x69: {  	s31 =	sshrl.u32 s1, $0x1;
	[sflag:s21] =	ssyncadd.s32 $0xFFFFC000  }
0x6a: {  	s1 =	ssub.s32 s1, s31;
	_ =	swait.ge [sflag:s21], $0x4000  }
0x6b: {  	s1 =	smax.u32 s1, $0x1;
	[sflag:s21] =	ssyncset.done $0x0  }
0x6c: {  	p0 =	sne.s32 s1, $0x1;
	[sflag:s21] =	ssyncadd.s32 $0xFFFFC000  }
.Ltmp0:
0x6d: {  	_ =	swait.ge [sflag:s21], $0x4000;
	(pc) =	sbr.rel @!p0 .LBB2_2-.Ltmp0, $4  }
0x6e: {  	[sflag:s21] =	ssyncset.done $0x0  }
0x6f: {  	[sflag:s21] =	ssyncadd.s32 $0xFFFFC000  }
0x70: {  	_ =	swait.ge [sflag:s21], $0x4000  }
0x71: {  	s31 =	sadd.s32 $0xFFFFFFFF, s1;
	[sflag:s21] =	ssyncset.done $0x0  }
.LBB2_1:
0x72: {  	p0 =	sne.s32 s31, $0x1;
	s31 =	sadd.s32 $0xFFFFFFFF, s31;
	[sflag:s21] =	ssyncadd.s32 $0xFFFFC000  }
0x73: {  	[tilespmem:s2], [sflag:$0x1] =	stream.linear.gather [hbm4b:s3+s2], $0x80, $0x38;
	[tilespmem:$0x10200] =	vst v63  }
0x74: {  	_ = 	snop  }
0x75: {  	[tilespmem:s5], [sflag:$0x1] =	stream.linear.gather [hbm4b:s4+s2], $0x80, $0x38;
	[tilespmem:$0x10200] =	vst v63  }
0x76: {  	_ = 	snop  }
0x77: {  	[tilespmem:s7], [sflag:$0x1] =	stream.linear.gather [hbm4b:s6+s2], $0x80, $0x38;
	[tilespmem:$0x10200] =	vst v63  }
0x78: {  	_ = 	snop  }
0x79: {  	[tilespmem:s9], [sflag:$0x1] =	stream.linear.gather [hbm4b:s8+s2], $0x80, $0x38;
	[tilespmem:$0x10200] =	vst v63  }
0x7a: {  	_ =	swait.ge [sflag:s10], $0x80  }
0x7b: {  	[sflag:s10] =	ssyncset.done $0x0  }
0x7c: {  	[sflag:s10] =	ssyncadd.s32 $0xFFFFFF80  }
0x7d: {  	[tilespmem:s12], [sflag:$0x2] =	stream.indirect.gather [hbm4b:s11+s5], $0x80, s2, s5, $0xb8;
	[tilespmem:$0x10200] =	vst v63  }
0x7e: {  	_ =	swait.ge [sflag:s10], $0x80  }
0x7f: {  	[sflag:s10] =	ssyncset.done $0x0  }
0x80: {  	[sflag:s10] =	ssyncadd.s32 $0xFFFFFF80  }
0x81: {  	[tilespmem:s13], [sflag:$0x2] =	stream.indirect.gather [hbm4b:s11+s5], $0x80, s5, s5, $0xb8;
	[tilespmem:$0x10200] =	vst v63  }
0x82: {  	_ =	swait.ge [sflag:s10], $0x80  }
0x83: {  	[sflag:s10] =	ssyncset.done $0x0  }
0x84: {  	[sflag:s10] =	ssyncadd.s32 $0xFFFFFF80  }
0x85: {  	[tilespmem:s14], [sflag:$0x2] =	stream.indirect.gather [hbm4b:s11+s5], $0x80, s7, s5, $0xb8;
	[tilespmem:$0x10200] =	vst v63  }
0x86: {  	_ =	swait.ge [sflag:s10], $0x80  }
0x87: {  	[sflag:s10] =	ssyncset.done $0x0  }
0x88: {  	[sflag:s10] =	ssyncadd.s32 $0xFFFFFF80  }
0x89: {  	[tilespmem:s15], [sflag:$0x2] =	stream.indirect.gather [hbm4b:s11+s5], $0x80, s9, s5, $0xb8;
	[tilespmem:$0x10200] =	vst v63  }
0x8a: {  	_ =	swait.ge [sflag:s16], $0x4000  }
0x8b: {  	[sflag:s16] =	ssyncset.done $0x0  }
0x8c: {  	[sflag:s16] =	ssyncadd.s32 $0xFFFFC000  }
0x8d: {  	_ =	swait.ge [sflag:s16], $0x4000  }
0x8e: {  	[sflag:s16] =	ssyncset.done $0x0  }
0x8f: {  	[sflag:s16] =	ssyncadd.s32 $0xFFFFC000  }
0x90: {  	_ =	swait.ge [sflag:s16], $0x4000  }
0x91: {  	[sflag:s16] =	ssyncset.done $0x0  }
0x92: {  	[sflag:s16] =	ssyncadd.s32 $0xFFFFC000  }
0x93: {  	_ =	swait.ge [sflag:s16], $0x4000  }
0x94: {  	[sflag:s16] =	ssyncset.done $0x0  }
0x95: {  	[sflag:s16] =	ssyncadd.s32 $0xFFFFC000  }
0x96: {  	[hbm4b:s17+s2] =	stream.linear.scatter [tilespmem:s12], [sflag:$0x3], $0x4000, $0x38;
	[tilespmem:$0x10200] =	vst v63  }
0x97: {  	_ = 	snop  }
0x98: {  	[hbm4b:s18+s2] =	stream.linear.scatter [tilespmem:s13], [sflag:$0x3], $0x4000, $0x38;
	[tilespmem:$0x10200] =	vst v63  }
0x99: {  	_ = 	snop  }
0x9a: {  	[hbm4b:s19+s2] =	stream.linear.scatter [tilespmem:s14], [sflag:$0x3], $0x4000, $0x38;
	[tilespmem:$0x10200] =	vst v63  }
0x9b: {  	_ = 	snop  }
0x9c: {  	[hbm4b:s20+s2] =	stream.linear.scatter [tilespmem:s15], [sflag:$0x3], $0x4000, $0x38;
	[tilespmem:$0x10200] =	vst v63  }
0x9d: {  	_ =	swait.ge [sflag:s21], $0x4000  }
0x9e: {  	[sflag:s21] =	ssyncset.done $0x0  }
0x9f: {  	[sflag:s21] =	ssyncadd.s32 $0xFFFFC000  }
0xa0: {  	_ =	swait.ge [sflag:s21], $0x4000  }
0xa1: {  	[sflag:s21] =	ssyncset.done $0x0  }
0xa2: {  	[sflag:s21] =	ssyncadd.s32 $0xFFFFC000  }
0xa3: {  	_ =	swait.ge [sflag:s21], $0x4000  }
0xa4: {  	[sflag:s21] =	ssyncset.done $0x0  }
0xa5: {  	[sflag:s21] =	ssyncadd.s32 $0xFFFFC000  }
0xa6: {  	_ =	swait.ge [sflag:s21], $0x4000  }
0xa7: {  	[sflag:s21] =	ssyncset.done $0x0  }
0xa8: {  	[sflag:s21] =	ssyncadd.s32 $0xFFFFC000  }
0xa9: {  	[tilespmem:s2], [sflag:$0x1] =	stream.linear.gather [hbm4b:s22+s2], $0x80, $0x38;
	[tilespmem:$0x10200] =	vst v63  }
0xaa: {  	_ = 	snop  }
0xab: {  	[tilespmem:s5], [sflag:$0x1] =	stream.linear.gather [hbm4b:s23+s2], $0x80, $0x38;
	[tilespmem:$0x10200] =	vst v63  }
0xac: {  	_ = 	snop  }
0xad: {  	[tilespmem:s7], [sflag:$0x1] =	stream.linear.gather [hbm4b:s24+s2], $0x80, $0x38;
	[tilespmem:$0x10200] =	vst v63  }
0xae: {  	_ = 	snop  }
0xaf: {  	[tilespmem:s9], [sflag:$0x1] =	stream.linear.gather [hbm4b:s25+s2], $0x80, $0x38;
	[tilespmem:$0x10200] =	vst v63  }
0xb0: {  	_ =	swait.ge [sflag:s10], $0x80  }
0xb1: {  	[sflag:s10] =	ssyncset.done $0x0  }
0xb2: {  	[sflag:s10] =	ssyncadd.s32 $0xFFFFFF80  }
0xb3: {  	[tilespmem:s12], [sflag:$0x2] =	stream.indirect.gather [hbm4b:s11+s5], $0x80, s2, s5, $0xb8;
	[tilespmem:$0x10200] =	vst v63  }
0xb4: {  	_ =	swait.ge [sflag:s10], $0x80  }
0xb5: {  	[sflag:s10] =	ssyncset.done $0x0  }
0xb6: {  	[sflag:s10] =	ssyncadd.s32 $0xFFFFFF80  }
0xb7: {  	[tilespmem:s13], [sflag:$0x2] =	stream.indirect.gather [hbm4b:s11+s5], $0x80, s5, s5, $0xb8;
	[tilespmem:$0x10200] =	vst v63  }
0xb8: {  	_ =	swait.ge [sflag:s10], $0x80  }
0xb9: {  	[sflag:s10] =	ssyncset.done $0x0  }
0xba: {  	[sflag:s10] =	ssyncadd.s32 $0xFFFFFF80  }
0xbb: {  	[tilespmem:s14], [sflag:$0x2] =	stream.indirect.gather [hbm4b:s11+s5], $0x80, s7, s5, $0xb8;
	[tilespmem:$0x10200] =	vst v63  }
0xbc: {  	_ =	swait.ge [sflag:s10], $0x80  }
0xbd: {  	[sflag:s10] =	ssyncset.done $0x0  }
0xbe: {  	[sflag:s10] =	ssyncadd.s32 $0xFFFFFF80  }
0xbf: {  	[tilespmem:s15], [sflag:$0x2] =	stream.indirect.gather [hbm4b:s11+s5], $0x80, s9, s5, $0xb8;
	[tilespmem:$0x10200] =	vst v63  }
0xc0: {  	_ =	swait.ge [sflag:s16], $0x4000  }
0xc1: {  	[sflag:s16] =	ssyncset.done $0x0  }
0xc2: {  	[sflag:s16] =	ssyncadd.s32 $0xFFFFC000  }
0xc3: {  	_ =	swait.ge [sflag:s16], $0x4000  }
0xc4: {  	[sflag:s16] =	ssyncset.done $0x0  }
0xc5: {  	[sflag:s16] =	ssyncadd.s32 $0xFFFFC000  }
0xc6: {  	_ =	swait.ge [sflag:s16], $0x4000  }
0xc7: {  	[sflag:s16] =	ssyncset.done $0x0  }
0xc8: {  	[sflag:s16] =	ssyncadd.s32 $0xFFFFC000  }
0xc9: {  	_ =	swait.ge [sflag:s16], $0x4000  }
0xca: {  	[sflag:s16] =	ssyncset.done $0x0  }
0xcb: {  	[sflag:s16] =	ssyncadd.s32 $0xFFFFC000  }
0xcc: {  	[hbm4b:s26+s2] =	stream.linear.scatter [tilespmem:s12], [sflag:$0x3], $0x4000, $0x38;
	[tilespmem:$0x10200] =	vst v63  }
0xcd: {  	_ = 	snop  }
0xce: {  	[hbm4b:s28+s2] =	stream.linear.scatter [tilespmem:s13], [sflag:$0x3], $0x4000, $0x38;
	[tilespmem:$0x10200] =	vst v63  }
0xcf: {  	_ = 	snop  }
0xd0: {  	[hbm4b:s29+s2] =	stream.linear.scatter [tilespmem:s14], [sflag:$0x3], $0x4000, $0x38;
	[tilespmem:$0x10200] =	vst v63  }
0xd1: {  	_ = 	snop  }
0xd2: {  	[hbm4b:s30+s2] =	stream.linear.scatter [tilespmem:s15], [sflag:$0x3], $0x4000, $0x38;
	[tilespmem:$0x10200] =	vst v63  }
0xd3: {  	_ =	swait.ge [sflag:s21], $0x4000  }
0xd4: {  	[sflag:s21] =	ssyncset.done $0x0  }
0xd5: {  	[sflag:s21] =	ssyncadd.s32 $0xFFFFC000  }
0xd6: {  	_ =	swait.ge [sflag:s21], $0x4000  }
0xd7: {  	[sflag:s21] =	ssyncset.done $0x0  }
0xd8: {  	[sflag:s21] =	ssyncadd.s32 $0xFFFFC000  }
.Ltmp1:
0xd9: {  	_ =	swait.ge [sflag:s21], $0x4000;
	(pc) =	sbr.rel @p0 .LBB2_1-.Ltmp1, $4  }
0xda: {  	[sflag:s21] =	ssyncset.done $0x0  }
0xdb: {  	[sflag:s21] =	ssyncadd.s32 $0xFFFFC000  }
0xdc: {  	_ =	swait.ge [sflag:s21], $0x4000  }
0xdd: {  	[sflag:s21] =	ssyncset.done $0x0  }
.LBB2_2:
0xde: {  	[sflag:s21] =	ssyncadd.s32 $0xFFFFC000  }
0xdf: {  	_ =	sfence.sel $0x180000  }
0xe0: {  	[bflag:$0x0] =	sbarrier.arrive $0xFFFF  }
0xe1: {  	_ =	strace $0x90000047  }
0xe2: {  	[bflag:$0x2] =	sbarrier.arrive $0xFFFF  }
0xe3: {  	p0 =	sne.s32 s0, $0x0;
	s0 =	rddreg [dreg:$0x2]  }
0xe4: {  	s0 =	sadd.s32 @!p0 $0x100000, s0  }
0xe5: {  	[sflag:s0] =	ssyncadd.tile.s32 @!p0 $0x1;
	_ =	shalt  }
.Lfunc_end2:
_tile_overlayer_lowered:
.L_overlay_start_2:
0xe6: {  	(tag) =	ssettag $0x2  }
0xe7: {  	s0 =	rddreg [dreg:$0x0];
	s2 =	stileid.u32  }
0xe8: {  	s1 =	rddreg [dreg:$0x1];
	p0 =	sne.s32 s2, $0x0  }
0xe9: {  	s3 =	rddreg [dreg:$0x2];
	[bflag:$0x3] =	sbarrier.arrive $0xFFFF;
	s2 =	simm.s32 @!p0 $0x1C04  }
0xea: {  	[timem:s3], [sflag:s2] =	dma.local @!p0 [hbm:s0], s1  }
0xeb: {  	s0 =	simm.s32 @!p0 $0x4  }
0xec: {  	_ =	swait.ge @!p0 [sflag:s0], s1  }
0xed: {  	s1 =	ssub.s32 @!p0 $0x0, s1;
	[sflag:s0] =	ssyncset.done @!p0 $0x0  }
0xee: {  	[sflag:s0] =	ssyncadd.s32 @!p0 s1  }
0xef: {  	[bflag:$0x3] =	sbarrier.arrive $0xFFFF  }
0xf0: {  	_ =	shalt  }

// kernel: kernel.22.cloned.1.call-start
scs
__scs_entry_jumppad:
0x0: {  	(pc) =	sbr.rel $0x88, $3  }
0x1: {  	(tag) =	ssettag $0x0;
	lr =	simm.s32 $0x1  }
0x2: {  	[smem:$0x3F8B] =	sst lr;
	_ =	strace $0xD0000000  }
0x3: {  	_ = 	snop  }
0x4: {  	_ = 	snop  }
0x5: {  	_ = 	snop  }
0x6: {  	_ = 	snop  }
0x7: {  	_ = 	snop  }
__scs_overlays_trampoline_lowered:
0x8: {  	[smem:$0x3F9A] =	sst s0  }
0x9: {  	[smem:$0x3F9B] =	sst s1  }
0xa: {  	[smem:$0x3F9C] =	sst s2  }
0xb: {  	[smem:$0x3F9D] =	sst s3  }
0xc: {  	[smem:$0x3F9E] =	sst s4  }
0xd: {  	[smem:$0x3F9F] =	sst s5  }
0xe: {  	[smem:$0x3FA0] =	sst s6  }
0xf: {  	[smem:$0x3FA1] =	sst s7  }
0x10: {  	[smem:$0x3FA2] =	sst s8  }
0x11: {  	[smem:$0x3FA3] =	sst s9;
	s0 =	simm.s32 @!p0 $0x0  }
0x12: {  	s1 =	sld [smem:$0x3F89];
	s0 =	simm.s32 @p0 $0x1  }
0x13: {  	[smem:$0x3FA4] =	sst s0;
	s0 =	simm.s32 @!p1 $0x0  }
0x14: {  	s2 =	sld [smem:$0x3F88];
	s0 =	simm.s32 @p1 $0x1  }
0x15: {  	[smem:$0x3FA5] =	sst s0;
	s0 =	simm.s32 @!p2 $0x0  }
0x16: {  	s3 =	sld [smem:$0x3FDB];
	s0 =	simm.s32 @p2 $0x1  }
0x17: {  	s4 =	simm.s32 $0x1BF5;
	[smem:$0x3FA7] =	sst s0  }
0x18: {  	s0 =	sld [smem:$0x3F8A];
	_ =	swait.ge [sflag:s4], $0x0  }
0x19: {  	s7 =	sld [smem:$0x3F8B]  }
0x1a: {  	s8 =	sadd.s32 $0xFFFFE003, lr  }
0x1b: {  	s9 =	sadd.s32 $0xFFFFFEF7, lr;
	s5 =	simm.s32 $0xFFFFFFFF;
	p2 =	slt.u32 s8, $0xFFFFF086  }
0x1c: {  	p1 =	slt.u32 s9, $0xF7A;
	s5 =	simm.s32 @!p2 $0x0  }
0x1d: {  	s5 =	simm.s32 @p1 $0x1;
	p0 =	seq.s32 s7, s2  }
0x1e: {  	s7 =	smul.u32 @!p0 $0xF7A, s2;
	p2 =	seq.s32 @!p0 s5, $0x0  }
0x1f: {  	s9 =	smul.u32 $0xF7A, s1;
	s8 =	simm.s32 @!p0 $0x1BF5;
	p2 =	por !p2, p0  }
0x20: {  	[sflag:s8] =	ssyncset.s32 @!p0 $0xFFFFF086;
	s6 =	sadd.s32 @!p0 s3, s7;
	s7 =	simm.s32 @!p0 $0x108  }
0x21: {  	s3 =	sadd.s32 s3, s9;
	s6 =	sadd.s32 @!p0 $0x88, s6;
	s7 =	simm.s32 @p2 $0x1082  }
0x22: {  	[simem:s7], [sflag:s8] =	dma.local @!p0 [hbm:s6], $0xF7A  }
0x23: {  	s9 =	sor.u32 $0xD0000000, s2;
	s6 =	simm.s32 $0x108;
	_ =	swait.ge @!p0 [sflag:s8], $0x0  }
0x24: {  	s3 =	sadd.s32 $0x88, s3;
	s6 =	simm.s32 @!p1 $0x1082;
	[sflag:s4] =	ssyncset.s32 $0xFFFFF086  }
0x25: {  	[simem:s6], [sflag:s4] =	dma.local [hbm:s3], $0xF7A  }
0x26: {  	[smem:$0x3F8B] =	sst s1;
	(tag) =	ssettag s2;
	_ =	strace s9  }
0x27: {  	s1 =	sld [smem:$0x3F9B]  }
0x28: {  	s2 =	sld [smem:$0x3F9C]  }
0x29: {  	s4 =	sld [smem:$0x3F9E]  }
0x2a: {  	p0 =	seq.s32 s5, $0x0;
	s5 =	sld [smem:$0x3F9F]  }
0x2b: {  	s6 =	sld [smem:$0x3FA0]  }
0x2c: {  	s7 =	sld [smem:$0x3FA1]  }
0x2d: {  	s3 =	simm.s32 $0x108;
	s8 =	sld [smem:$0x3FA2]  }
0x2e: {  	s3 =	simm.s32 @!p0 $0x1082;
	s9 =	sld [smem:$0x3FA3]  }
0x2f: {  	lr =	sadd.s32 s0, s3;
	s0 =	sld [smem:$0x3F9A]  }
0x30: {  	s3 =	sld [smem:$0x3F9D]  }
0x31: {  	[smem:$0x3FA6] =	sst s10  }
0x32: {  	s10 =	sld [smem:$0x3FA4];
	_ =	sdelay $0x3  }
0x33: {  	p0 =	seq.s32 s10, $0x1;
	s10 =	sld [smem:$0x3FA6];
	_ =	sdelay $0x3  }
0x34: {  	[smem:$0x3FA6] =	sst s10  }
0x35: {  	s10 =	sld [smem:$0x3FA5];
	_ =	sdelay $0x3  }
0x36: {  	p1 =	seq.s32 s10, $0x1;
	s10 =	sld [smem:$0x3FA6];
	_ =	sdelay $0x3  }
0x37: {  	[smem:$0x3FA6] =	sst s10  }
0x38: {  	s10 =	sld [smem:$0x3FA7]  }
0x39: {  	_ = 	snop;
	(pc) =	sbr.ind lr, $3  }
0x3a: {  	_ = 	snop  }
0x3b: {  	_ = 	snop  }
0x3c: {  	p2 =	seq.s32 s10, $0x1;
	s10 =	sld [smem:$0x3FA6]  }
0x3d: {  	_ =	shalt  }
0x3e: {  	_ =	shalt  }
0x3f: {  	_ =	shalt  }
0x40: {  	_ =	shalt  }
0x41: {  	_ =	shalt  }
0x42: {  	_ =	shalt  }
0x43: {  	_ =	shalt  }
0x44: {  	_ =	shalt  }
0x45: {  	_ =	shalt  }
0x46: {  	_ =	shalt  }
0x47: {  	_ =	shalt  }
0x48: {  	_ =	shalt  }
0x49: {  	_ =	shalt  }
0x4a: {  	_ =	shalt  }
0x4b: {  	_ =	shalt  }
0x4c: {  	_ =	shalt  }
0x4d: {  	_ =	shalt  }
0x4e: {  	_ =	shalt  }
0x4f: {  	_ =	shalt  }
0x50: {  	_ =	shalt  }
0x51: {  	_ =	shalt  }
0x52: {  	_ =	shalt  }
0x53: {  	_ =	shalt  }
0x54: {  	_ =	shalt  }
0x55: {  	_ =	shalt  }
0x56: {  	_ =	shalt  }
0x57: {  	_ =	shalt  }
0x58: {  	_ =	shalt  }
0x59: {  	_ =	shalt  }
0x5a: {  	_ =	shalt  }
0x5b: {  	_ =	shalt  }
0x5c: {  	_ =	shalt  }
0x5d: {  	_ =	shalt  }
0x5e: {  	_ =	shalt  }
0x5f: {  	_ =	shalt  }
0x60: {  	_ =	shalt  }
0x61: {  	_ =	shalt  }
0x62: {  	_ =	shalt  }
0x63: {  	_ =	shalt  }
0x64: {  	_ =	shalt  }
0x65: {  	_ =	shalt  }
0x66: {  	_ =	shalt  }
0x67: {  	_ =	shalt  }
0x68: {  	_ =	shalt  }
0x69: {  	_ =	shalt  }
0x6a: {  	_ =	shalt  }
0x6b: {  	_ =	shalt  }
0x6c: {  	_ =	shalt  }
0x6d: {  	_ =	shalt  }
0x6e: {  	_ =	shalt  }
0x6f: {  	_ =	shalt  }
0x70: {  	_ =	shalt  }
0x71: {  	_ =	shalt  }
0x72: {  	_ =	shalt  }
0x73: {  	_ =	shalt  }
0x74: {  	_ =	shalt  }
0x75: {  	_ =	shalt  }
0x76: {  	_ =	shalt  }
0x77: {  	_ =	shalt  }
0x78: {  	_ =	shalt  }
0x79: {  	_ =	shalt  }
0x7a: {  	_ =	shalt  }
0x7b: {  	_ =	shalt  }
0x7c: {  	_ =	shalt  }
0x7d: {  	_ =	shalt  }
0x7e: {  	_ =	shalt  }
0x7f: {  	_ =	shalt  }
0x80: {  	_ =	shalt  }
0x81: {  	_ =	shalt  }
0x82: {  	_ =	shalt  }
0x83: {  	_ =	shalt  }
0x84: {  	_ =	shalt  }
0x85: {  	_ =	shalt  }
0x86: {  	_ =	shalt  }
0x87: {  	_ =	shalt  }
.Lfunc_end0:
.L_simem_size_0:
called_computation.1_lowered:
.L_overlay_start_0:
0x88: {  	s2 =	sld [smem:$0x3FD9]  }
0x89: {  	s3 =	sld [smem:$0x3FFE];
	_ =	sdelay $0x1  }
0x8a: {  	s1 =	srdreg.scid  }
0x8b: {  	s0 =	sand.u32 $0x1, s1  }
0x8c: {  	s14 =	sshll.u32 s0, $0xA;
	s2 =	sadd.s32 s3, s2  }
0x8d: {  	s2 =	sadd.s32 s2, s14  }
0x8e: {  	[smem:$0x3FB2] =	sst s2  }
0x8f: {  	_ = 	snop  }
0x90: {  	s2 =	sld [smem:$0x3FD0];
	_ =	sdelay $0x2  }
0x91: {  	s15 =	simm.s32 $0xA;
	s4 =	simm.s32 $0x10  }
0x92: {  	[smem:s4], [sflag:s15] =	dma.local [hbm:s2], $0x1  }
0x93: {  	_ =	swait.eq [sflag:s15], $0x1  }
0x94: {  	[sflag:s15] =	ssyncset.done $0x0  }
0x95: {  	s16 =	sld [smem:$0x10];
	[sflag:s15] =	ssyncadd.s32 $0xFFFFFFFF  }
0x96: {  	s17 =	sld [smem:$0x11];
	(tm) =	ssettm $0x1  }
0x97: {  	s18 =	sld [smem:$0x3FFB];
	_ =	sdelay $0x3  }
0x98: {  	_ =	strace s18  }
0x99: {  	s4 =	sld [smem:$0x3FFC];
	_ =	sdelay $0x3  }
0x9a: {  	_ =	strace s4  }
0x9b: {  	s4 =	sld [smem:$0x3FFD];
	_ =	sdelay $0x3  }
0x9c: {  	_ =	strace s4  }
0x9d: {  	_ =	strace $0x8FFFFFFF  }
0x9e: {  	s19 =	sld [smem:$0x3FDB];
	_ =	sdelay $0x1  }
0x9f: {  	s5 =	simm.s32 $_scs_section_size  }
0xa0: {  	s6 =	simm.s32 $_size__tile_overlayer_lowered;
	s7 =	simm.s32 $_tile_overlayer_lowered  }
0xa1: {  	s22 =	simm.s32 $0x1BFF;
	s21 =	sshll.u32 s7, $0x1;
	s4 =	sadd.s32 s5, s19  }
0xa2: {  	s8 =	simm.s32 $0x0;
	s20 =	sshll.u32 s6, $0x1;
	s6 =	sadd.s32 s21, s4  }
0xa3: {  	[timem:s8], [sflag:s22] =	dma.local [hbm:s6], s20  }
0xa4: {  	_ =	swait.ge [sflag:s22], s20  }
0xa5: {  	s5 =	ssub.s32 $0x0, s20;
	[sflag:s22] =	ssyncset.done $0x0  }
0xa6: {  	[sflag:s22] =	ssyncadd.s32 s5;
	_ =	sdelay $0x1  }
0xa7: {  	s23 =	simm.s32 $0x1B8B  }
0xa8: {  	_ =	swait.ge [sflag:s23], $0x1  }
0xa9: {  	[sflag:s23] =	ssyncset.done $0x0  }
0xaa: {  	s25 =	simm.s32 $0x1B8E;
	s24 =	sld [smem:$0x3FFE];
	[sflag:s23] =	ssyncadd.s32 $0xFFFFFFFF  }
0xab: {  	s26 =	simm.s32 $execute0_lowered;
	[smem:$0x3FD2] =	sst s25  }
0xac: {  	s6 =	sshll.u32 s26, $0x1;
	_ =	strace $0x80000049;
	[dreg:$0x1] =	wrdreg $0xFFFFFFFF  }
0xad: {  	s28 =	simm.s32 $_size_execute0_lowered;
	s4 =	sadd.s32 s4, s6;
	[dreg:$0x0] =	wrdreg $0x0  }
0xae: {  	s6 =	sshll.u32 s28, $0x1;
	[dreg:$0x2] =	wrdreg s4  }
0xaf: {  	[dreg:$0x3] =	wrdreg s6  }
0xb0: {  	[dreg:$0x4] =	wrdreg $0xC0  }
0xb1: {  	_ =	task [dreg:s8], $0x5FFFF  }
0xb2: {  	[dreg:$0x1] =	wrdreg $0xFFFFFFFF  }
0xb3: {  	[dreg:$0x0] =	wrdreg $0x60  }
0xb4: {  	[dreg:$0x2] =	wrdreg s24  }
0xb5: {  	[dreg:$0x3] =	wrdreg s17  }
0xb6: {  	[dreg:$0x4] =	wrdreg s16  }
0xb7: {  	[dreg:$0x5] =	wrdreg $0x9  }
0xb8: {  	_ =	task.clear_ibuf [dreg:s8], $0x6FFFF;
	_ =	strace $0x90000049  }
0xb9: {  	s29 =	simm.s32 $0x9;
	_ =	strace $0x8000004B  }
0xba: {  	_ =	swait.ge [sflag:s29], $0x1  }
0xbb: {  	[sflag:s29] =	ssyncadd.s32 $0xFFFFFFFF  }
0xbc: {  	_ =	strace $0x9000004B  }
0xbd: {  	_ =	sfence  }
0xbe: {  	s30 =	sld [smem:$0x0];
	_ =	sdelay $0x2  }
0xbf: {  	s31 =	sshll.u32 s1, $0xD;
	s1 =	sshrl.u32 s1, $0x2  }
0xc0: {  	s3 =	sand.u32 $0x4000, s31;
	s1 =	sadd.s32 s1, s30  }
0xc1: {  	s0 =	sor.u32 s3, s0;
	s1 =	sshll.u32 s1, $0x11  }
0xc2: {  	s0 =	sor.u32 s1, s0  }
0xc3: {  	s0 =	sadd.s32 $0x8F2B, s0  }
0xc4: {  	[sflag:s0] =	ssyncadd.remote.s32 $0x1  }
0xc5: {  	_ =	sfence.sel $0xFFFF  }
0xc6: {  	[dreg:$0x0] =	wrdreg $0xFFFFFFFF;
	(pc) =	sbr.abs _section_cstart, $3  }
0xc7: {  	[dreg:$0x1] =	wrdreg $0xFFFFFFFF  }
0xc8: {  	_ =	task.clear_ibuf [dreg:s8], $0x2FFFF;
	_ =	strace $0x9FFFFFFF  }
0xc9: {  	(tm) =	ssettm $0x7FFFFFFF  }
tec
execute0_lowered:
.L_overlay_start_1:
0x0: {  	(tag) =	ssettag $0x1  }
0x1: {  	s6 =	rddreg [dreg:$0x0]  }
0x2: {  	s1 =	rddreg [dreg:$0x1]  }
0x3: {  	s3 =	rddreg [dreg:$0x2]  }
0x4: {  	s0 =	rddreg [dreg:$0x3]  }
0x5: {  	s5 =	srdreg.scid;
	s4 =	simm.s32 $0x0;
	s2 =	stileid.u32  }
0x6: {  	s13 =	simm.s32 $0x3;
	s14 =	simm.s32 $0x2000;
	s17 =	simm.s32 $0xA280  }
0x7: {  	s7 =	sand.u32 $0x1, s5;
	[smem:$0x7FF] =	sst s4;
	s30 =	sshll.u32 s2, $0x8  }
0x8: {  	s5 =	sadd.s32 $0x5400, s6;
	s8 =	sshll.u32 s7, $0x7;
	s7 =	ssub.s32 $0x2, s7  }
0x9: {  	_ =	strace $0x8000004A;
	s15 =	sor.u32 s8, s30;
	s31 =	sshrl.u32 s7, $0x1  }
0xa: {  	s8 =	sshrl.u32 s15, $0x3;
	s9 =	sshll.u32 s15, $0x4;
	s12 =	ssub.s32 s7, s31  }
0xb: {  	s16 =	sor.u32 $0x10, s15;
	s18 =	sor.u32 $0x20, s15;
	s19 =	sor.u32 $0x30, s15  }
0xc: {  	v7 =	vlaneseq.u32;
	s20 =	sor.u32 $0x40, s15;
	s21 =	sor.u32 $0x50, s15;
	s22 =	sor.u32 $0x60, s15  }
0xd: {  	s23 =	sor.u32 $0x70, s15;
	v0 =	vor.u32 s15, v7;
	s15 =	simm.s32 $0xA200;
	s11 =	sadd.s32 s8, s6  }
0xe: {  	s9 =	sadd.s32 s9, s6;
	s12 =	smax.u32 s12, $0x1;
	v1 =	vor.u32 s16, v7;
	s16 =	simm.s32 $0x80  }
0xf: {  	v2 =	vor.u32 s18, v7;
	v3 =	vor.u32 s19, v7;
	v4 =	vor.u32 s20, v7;
	s18 =	simm.s32 $0x1;
	s19 =	simm.s32 $0xA000;
	s20 =	simm.s32 $0xA080  }
0x10: {  	v5 =	vor.u32 s21, v7;
	v6 =	vor.u32 s22, v7;
	v7 =	vor.u32 s23, v7;
	s21 =	simm.s32 $0xA100;
	s22 =	simm.s32 $0xA180;
	s23 =	simm.s32 $0x2  }
0x11: {  	s6 =	sadd.s32 $0xA5400, s11;
	s7 =	sadd.s32 $0xA5600, s9;
	s8 =	sadd.s32 $0xB5600, s11  }
0x12: {  	s9 =	sadd.s32 $0xB5800, s11;
	s10 =	sadd.s32 $0xB5A00, s11;
	s11 =	sadd.s32 $0xB5C00, s11  }
.LBB2_1:
0x13: {  	[tilespmem:s4], [sflag:$0x3] =	stream.linear.gather [hbm4b:s3+s4], $0x2000, $0x38;
	[tilespmem:$0xE280] =	vst v63  }
0x14: {  	_ =	swait.ge [sflag:s13], $0x2000  }
0x15: {  	[sflag:s13] =	ssyncset.done $0x0  }
0x16: {  	[sflag:s13] =	ssyncadd.s32 $0xFFFFE000  }
0x17: {  	[tilespmem:s14], [sflag:$0x3] =	stream.linear.gather [hbm4b:s1+s4], $0x8000, $0x38;
	[tilespmem:$0xE280] =	vst v63  }
0x18: {  	_ =	swait.ge [sflag:s13], $0x8000  }
0x19: {  	[sflag:s13] =	ssyncset.done $0x0  }
0x1a: {  	[sflag:s13] =	ssyncadd.s32 $0xFFFF8000  }
0x1b: {  	[tilespmem:s15], [sflag:$0x3] =	stream.linear.gather [hbm4b:s6+s4], $0x80, $0x38;
	[tilespmem:$0xE280] =	vst v63  }
0x1c: {  	_ =	swait.ge [sflag:s13], $0x80  }
0x1d: {  	[sflag:s13] =	ssyncset.done $0x0  }
0x1e: {  	[sflag:s13] =	ssyncadd.s32 $0xFFFFFF80  }
0x1f: {  	[tilespmem:s17], [sflag:$0x1] =	stream.indirect.gather [hbm4b:s5+s16], $0x80, s15, s16, $0xb8;
	[tilespmem:$0xE280] =	vst v63  }
0x20: {  	v8 =	vld [tilespmem:$0xA200];
	_ =	sdelay $0x7  }
0x21: {  	v9 =	vld.idx.msk [tilespmem:v8+s14+$0x0], $0xffff;
	_ =	sdelay $0x7  }
0x22: {  	v9 =	vld.idx.msk [tilespmem:v9+s4+$0x0], $0xffff;
	_ =	sdelay $0x2  }
0x23: {  	v10 =	vadd.s32 $0x2000, v8;
	_ =	sdelay $0x1  }
0x24: {  	vm0 =	vlt.s32 v9, $0x0  }
0x25: {  	v9 =	vsel vm0, v0, v9  }
0x26: {  	[tilespmem:$0xA000] =	vst v9  }
0x27: {  	v9 =	vld.idx.msk [tilespmem:v10+s14+$0x0], $0xffff;
	_ =	sdelay $0x7  }
0x28: {  	v9 =	vld.idx.msk [tilespmem:v9+s4+$0x0], $0xffff;
	_ =	sdelay $0x2  }
0x29: {  	v42 =	vadd.s32 $0x4000, v8;
	_ =	sdelay $0x1  }
0x2a: {  	vm9 =	vlt.s32 v9, $0x0  }
0x2b: {  	v9 =	vsel vm9, v0, v9  }
0x2c: {  	[tilespmem:$0xA080] =	vst v9  }
0x2d: {  	v9 =	vld.idx.msk [tilespmem:v42+s14+$0x0], $0xffff;
	_ =	sdelay $0x7  }
0x2e: {  	v9 =	vld.idx.msk [tilespmem:v9+s4+$0x0], $0xffff;
	_ =	sdelay $0x2  }
0x2f: {  	v8 =	vadd.s32 $0x6000, v8;
	_ =	sdelay $0x1  }
0x30: {  	vm10 =	vlt.s32 v9, $0x0  }
0x31: {  	v9 =	vsel vm10, v0, v9  }
0x32: {  	[tilespmem:$0xA100] =	vst v9  }
0x33: {  	v8 =	vld.idx.msk [tilespmem:v8+s14+$0x0], $0xffff;
	_ =	sdelay $0x6  }
0x34: {  	v43 =	vld [tilespmem:$0xA210]  }
0x35: {  	v8 =	vld.idx.msk [tilespmem:v8+s4+$0x0], $0xffff;
	_ =	sdelay $0x4  }
0x36: {  	vm11 =	vlt.s32 v8, $0x0  }
0x37: {  	v8 =	vsel vm11, v0, v8  }
0x38: {  	[tilespmem:$0xA180] =	vst v8  }
0x39: {  	v8 =	vld.idx.msk [tilespmem:v43+s14+$0x0], $0xffff;
	_ =	sdelay $0x7  }
0x3a: {  	v8 =	vld.idx.msk [tilespmem:v8+s4+$0x0], $0xffff;
	_ =	sdelay $0x2  }
0x3b: {  	v44 =	vadd.s32 $0x2000, v43;
	_ =	sdelay $0x1  }
0x3c: {  	vm12 =	vlt.s32 v8, $0x0  }
0x3d: {  	v8 =	vsel vm12, v1, v8  }
0x3e: {  	[tilespmem:$0xA010] =	vst v8  }
0x3f: {  	v8 =	vld.idx.msk [tilespmem:v44+s14+$0x0], $0xffff;
	_ =	sdelay $0x7  }
0x40: {  	v8 =	vld.idx.msk [tilespmem:v8+s4+$0x0], $0xffff;
	_ =	sdelay $0x2  }
0x41: {  	v45 =	vadd.s32 $0x4000, v43;
	_ =	sdelay $0x1  }
0x42: {  	vm13 =	vlt.s32 v8, $0x0  }
0x43: {  	v8 =	vsel vm13, v1, v8  }
0x44: {  	[tilespmem:$0xA090] =	vst v8  }
0x45: {  	v8 =	vld.idx.msk [tilespmem:v45+s14+$0x0], $0xffff;
	_ =	sdelay $0x7  }
0x46: {  	v8 =	vld.idx.msk [tilespmem:v8+s4+$0x0], $0xffff;
	_ =	sdelay $0x2  }
0x47: {  	v9 =	vadd.s32 $0x6000, v43;
	_ =	sdelay $0x1  }
0x48: {  	vm14 =	vlt.s32 v8, $0x0  }
0x49: {  	v8 =	vsel vm14, v1, v8  }
0x4a: {  	[tilespmem:$0xA110] =	vst v8  }
0x4b: {  	v8 =	vld.idx.msk [tilespmem:v9+s14+$0x0], $0xffff;
	_ =	sdelay $0x6  }
0x4c: {  	v46 =	vld [tilespmem:$0xA220]  }
0x4d: {  	v8 =	vld.idx.msk [tilespmem:v8+s4+$0x0], $0xffff;
	_ =	sdelay $0x4  }
0x4e: {  	vm15 =	vlt.s32 v8, $0x0  }
0x4f: {  	v8 =	vsel vm15, v1, v8  }
0x50: {  	[tilespmem:$0xA190] =	vst v8  }
0x51: {  	v8 =	vld.idx.msk [tilespmem:v46+s14+$0x0], $0xffff;
	_ =	sdelay $0x7  }
0x52: {  	v8 =	vld.idx.msk [tilespmem:v8+s4+$0x0], $0xffff;
	_ =	sdelay $0x2  }
0x53: {  	v47 =	vadd.s32 $0x2000, v46;
	_ =	sdelay $0x1  }
0x54: {  	vm4 =	vlt.s32 v8, $0x0  }
0x55: {  	v8 =	vsel vm4, v2, v8  }
0x56: {  	[tilespmem:$0xA020] =	vst v8  }
0x57: {  	v8 =	vld.idx.msk [tilespmem:v47+s14+$0x0], $0xffff;
	_ =	sdelay $0x7  }
0x58: {  	v8 =	vld.idx.msk [tilespmem:v8+s4+$0x0], $0xffff;
	_ =	sdelay $0x2  }
0x59: {  	v48 =	vadd.s32 $0x4000, v46;
	_ =	sdelay $0x1  }
0x5a: {  	vm5 =	vlt.s32 v8, $0x0  }
0x5b: {  	v8 =	vsel vm5, v2, v8  }
0x5c: {  	[tilespmem:$0xA0A0] =	vst v8  }
0x5d: {  	v8 =	vld.idx.msk [tilespmem:v48+s14+$0x0], $0xffff;
	_ =	sdelay $0x7  }
0x5e: {  	v8 =	vld.idx.msk [tilespmem:v8+s4+$0x0], $0xffff;
	_ =	sdelay $0x2  }
0x5f: {  	v9 =	vadd.s32 $0x6000, v46;
	_ =	sdelay $0x1  }
0x60: {  	vm6 =	vlt.s32 v8, $0x0  }
0x61: {  	v8 =	vsel vm6, v2, v8  }
0x62: {  	[tilespmem:$0xA120] =	vst v8  }
0x63: {  	v8 =	vld.idx.msk [tilespmem:v9+s14+$0x0], $0xffff;
	_ =	sdelay $0x6  }
0x64: {  	v49 =	vld [tilespmem:$0xA230]  }
0x65: {  	v8 =	vld.idx.msk [tilespmem:v8+s4+$0x0], $0xffff;
	_ =	sdelay $0x4  }
0x66: {  	vm7 =	vlt.s32 v8, $0x0  }
0x67: {  	v8 =	vsel vm7, v2, v8  }
0x68: {  	[tilespmem:$0xA1A0] =	vst v8  }
0x69: {  	v8 =	vld.idx.msk [tilespmem:v49+s14+$0x0], $0xffff;
	_ =	sdelay $0x7  }
0x6a: {  	v8 =	vld.idx.msk [tilespmem:v8+s4+$0x0], $0xffff;
	_ =	sdelay $0x2  }
0x6b: {  	v50 =	vadd.s32 $0x2000, v49;
	_ =	sdelay $0x1  }
0x6c: {  	vm8 =	vlt.s32 v8, $0x0  }
0x6d: {  	v8 =	vsel vm8, v3, v8  }
0x6e: {  	[tilespmem:$0xA030] =	vst v8  }
0x6f: {  	v8 =	vld.idx.msk [tilespmem:v50+s14+$0x0], $0xffff;
	_ =	sdelay $0x7  }
0x70: {  	v8 =	vld.idx.msk [tilespmem:v8+s4+$0x0], $0xffff;
	_ =	sdelay $0x2  }
0x71: {  	v51 =	vadd.s32 $0x4000, v49;
	_ =	sdelay $0x1  }
0x72: {  	vm9 =	vlt.s32 v8, $0x0  }
0x73: {  	v8 =	vsel vm9, v3, v8  }
0x74: {  	[tilespmem:$0xA0B0] =	vst v8  }
0x75: {  	v8 =	vld.idx.msk [tilespmem:v51+s14+$0x0], $0xffff;
	_ =	sdelay $0x7  }
0x76: {  	v8 =	vld.idx.msk [tilespmem:v8+s4+$0x0], $0xffff;
	_ =	sdelay $0x2  }
0x77: {  	v9 =	vadd.s32 $0x6000, v49;
	_ =	sdelay $0x1  }
0x78: {  	vm10 =	vlt.s32 v8, $0x0  }
0x79: {  	v8 =	vsel vm10, v3, v8  }
0x7a: {  	[tilespmem:$0xA130] =	vst v8  }
0x7b: {  	v8 =	vld.idx.msk [tilespmem:v9+s14+$0x0], $0xffff;
	_ =	sdelay $0x6  }
0x7c: {  	v52 =	vld [tilespmem:$0xA240]  }
0x7d: {  	v8 =	vld.idx.msk [tilespmem:v8+s4+$0x0], $0xffff;
	_ =	sdelay $0x4  }
0x7e: {  	vm11 =	vlt.s32 v8, $0x0  }
0x7f: {  	v8 =	vsel vm11, v3, v8  }
0x80: {  	[tilespmem:$0xA1B0] =	vst v8  }
0x81: {  	v8 =	vld.idx.msk [tilespmem:v52+s14+$0x0], $0xffff;
	_ =	sdelay $0x7  }
0x82: {  	v8 =	vld.idx.msk [tilespmem:v8+s4+$0x0], $0xffff;
	_ =	sdelay $0x2  }
0x83: {  	v53 =	vadd.s32 $0x2000, v52;
	_ =	sdelay $0x1  }
0x84: {  	vm12 =	vlt.s32 v8, $0x0  }
0x85: {  	v8 =	vsel vm12, v4, v8  }
0x86: {  	[tilespmem:$0xA040] =	vst v8  }
0x87: {  	v8 =	vld.idx.msk [tilespmem:v53+s14+$0x0], $0xffff;
	_ =	sdelay $0x7  }
0x88: {  	v8 =	vld.idx.msk [tilespmem:v8+s4+$0x0], $0xffff;
	_ =	sdelay $0x2  }
0x89: {  	v54 =	vadd.s32 $0x4000, v52;
	_ =	sdelay $0x1  }
0x8a: {  	vm13 =	vlt.s32 v8, $0x0  }
0x8b: {  	v8 =	vsel vm13, v4, v8  }
0x8c: {  	[tilespmem:$0xA0C0] =	vst v8  }
0x8d: {  	v8 =	vld.idx.msk [tilespmem:v54+s14+$0x0], $0xffff;
	_ =	sdelay $0x7  }
0x8e: {  	v8 =	vld.idx.msk [tilespmem:v8+s4+$0x0], $0xffff;
	_ =	sdelay $0x2  }
0x8f: {  	v9 =	vadd.s32 $0x6000, v52;
	_ =	sdelay $0x1  }
0x90: {  	vm14 =	vlt.s32 v8, $0x0  }
0x91: {  	v8 =	vsel vm14, v4, v8  }
0x92: {  	[tilespmem:$0xA140] =	vst v8  }
0x93: {  	v8 =	vld.idx.msk [tilespmem:v9+s14+$0x0], $0xffff;
	_ =	sdelay $0x6  }
0x94: {  	v55 =	vld [tilespmem:$0xA250]  }
0x95: {  	v8 =	vld.idx.msk [tilespmem:v8+s4+$0x0], $0xffff;
	_ =	sdelay $0x4  }
0x96: {  	vm15 =	vlt.s32 v8, $0x0  }
0x97: {  	v8 =	vsel vm15, v4, v8  }
0x98: {  	[tilespmem:$0xA1C0] =	vst v8  }
0x99: {  	v8 =	vld.idx.msk [tilespmem:v55+s14+$0x0], $0xffff;
	_ =	sdelay $0x7  }
0x9a: {  	v8 =	vld.idx.msk [tilespmem:v8+s4+$0x0], $0xffff;
	_ =	sdelay $0x2  }
0x9b: {  	v56 =	vadd.s32 $0x2000, v55;
	_ =	sdelay $0x1  }
0x9c: {  	vm4 =	vlt.s32 v8, $0x0  }
0x9d: {  	v8 =	vsel vm4, v5, v8  }
0x9e: {  	[tilespmem:$0xA050] =	vst v8  }
0x9f: {  	v8 =	vld.idx.msk [tilespmem:v56+s14+$0x0], $0xffff;
	_ =	sdelay $0x7  }
0xa0: {  	v8 =	vld.idx.msk [tilespmem:v8+s4+$0x0], $0xffff;
	_ =	sdelay $0x2  }
0xa1: {  	v57 =	vadd.s32 $0x4000, v55;
	_ =	sdelay $0x1  }
0xa2: {  	vm5 =	vlt.s32 v8, $0x0  }
0xa3: {  	v8 =	vsel vm5, v5, v8  }
0xa4: {  	[tilespmem:$0xA0D0] =	vst v8  }
0xa5: {  	v8 =	vld.idx.msk [tilespmem:v57+s14+$0x0], $0xffff;
	_ =	sdelay $0x7  }
0xa6: {  	v8 =	vld.idx.msk [tilespmem:v8+s4+$0x0], $0xffff;
	_ =	sdelay $0x2  }
0xa7: {  	v9 =	vadd.s32 $0x6000, v55;
	_ =	sdelay $0x1  }
0xa8: {  	vm6 =	vlt.s32 v8, $0x0  }
0xa9: {  	v8 =	vsel vm6, v5, v8  }
0xaa: {  	[tilespmem:$0xA150] =	vst v8  }
0xab: {  	v8 =	vld.idx.msk [tilespmem:v9+s14+$0x0], $0xffff;
	_ =	sdelay $0x6  }
0xac: {  	v58 =	vld [tilespmem:$0xA260]  }
0xad: {  	v8 =	vld.idx.msk [tilespmem:v8+s4+$0x0], $0xffff;
	_ =	sdelay $0x4  }
0xae: {  	vm7 =	vlt.s32 v8, $0x0  }
0xaf: {  	v8 =	vsel vm7, v5, v8  }
0xb0: {  	[tilespmem:$0xA1D0] =	vst v8  }
0xb1: {  	v8 =	vld.idx.msk [tilespmem:v58+s14+$0x0], $0xffff;
	_ =	sdelay $0x7  }
0xb2: {  	v8 =	vld.idx.msk [tilespmem:v8+s4+$0x0], $0xffff;
	_ =	sdelay $0x2  }
0xb3: {  	v59 =	vadd.s32 $0x2000, v58;
	_ =	sdelay $0x1  }
0xb4: {  	vm8 =	vlt.s32 v8, $0x0  }
0xb5: {  	v8 =	vsel vm8, v6, v8  }
0xb6: {  	[tilespmem:$0xA060] =	vst v8  }
0xb7: {  	v8 =	vld.idx.msk [tilespmem:v59+s14+$0x0], $0xffff;
	_ =	sdelay $0x7  }
0xb8: {  	v8 =	vld.idx.msk [tilespmem:v8+s4+$0x0], $0xffff;
	_ =	sdelay $0x2  }
0xb9: {  	v60 =	vadd.s32 $0x4000, v58;
	_ =	sdelay $0x1  }
0xba: {  	vm9 =	vlt.s32 v8, $0x0  }
0xbb: {  	v8 =	vsel vm9, v6, v8  }
0xbc: {  	[tilespmem:$0xA0E0] =	vst v8  }
0xbd: {  	v8 =	vld.idx.msk [tilespmem:v60+s14+$0x0], $0xffff;
	_ =	sdelay $0x7  }
0xbe: {  	v8 =	vld.idx.msk [tilespmem:v8+s4+$0x0], $0xffff;
	_ =	sdelay $0x2  }
0xbf: {  	v9 =	vadd.s32 $0x6000, v58;
	_ =	sdelay $0x1  }
0xc0: {  	vm10 =	vlt.s32 v8, $0x0  }
0xc1: {  	v8 =	vsel vm10, v6, v8  }
0xc2: {  	[tilespmem:$0xA160] =	vst v8  }
0xc3: {  	v8 =	vld.idx.msk [tilespmem:v9+s14+$0x0], $0xffff;
	_ =	sdelay $0x6  }
0xc4: {  	v61 =	vld [tilespmem:$0xA270]  }
0xc5: {  	v8 =	vld.idx.msk [tilespmem:v8+s4+$0x0], $0xffff;
	_ =	sdelay $0x4  }
0xc6: {  	vm11 =	vlt.s32 v8, $0x0  }
0xc7: {  	v8 =	vsel vm11, v6, v8  }
0xc8: {  	[tilespmem:$0xA1E0] =	vst v8  }
0xc9: {  	v8 =	vld.idx.msk [tilespmem:v61+s14+$0x0], $0xffff;
	_ =	sdelay $0x7  }
0xca: {  	v8 =	vld.idx.msk [tilespmem:v8+s4+$0x0], $0xffff;
	_ =	sdelay $0x2  }
0xcb: {  	v62 =	vadd.s32 $0x2000, v61;
	_ =	sdelay $0x1  }
0xcc: {  	vm12 =	vlt.s32 v8, $0x0  }
0xcd: {  	v8 =	vsel vm12, v7, v8  }
0xce: {  	[tilespmem:$0xA070] =	vst v8  }
0xcf: {  	v8 =	vld.idx.msk [tilespmem:v62+s14+$0x0], $0xffff;
	_ =	sdelay $0x7  }
0xd0: {  	v8 =	vld.idx.msk [tilespmem:v8+s4+$0x0], $0xffff;
	_ =	sdelay $0x2  }
0xd1: {  	v63 =	vadd.s32 $0x4000, v61;
	_ =	sdelay $0x1  }
0xd2: {  	vm13 =	vlt.s32 v8, $0x0  }
0xd3: {  	v8 =	vsel vm13, v7, v8  }
0xd4: {  	[tilespmem:$0xA0F0] =	vst v8  }
0xd5: {  	v8 =	vld.idx.msk [tilespmem:v63+s14+$0x0], $0xffff;
	_ =	sdelay $0x7  }
0xd6: {  	v8 =	vld.idx.msk [tilespmem:v8+s4+$0x0], $0xffff;
	_ =	sdelay $0x2  }
0xd7: {  	v9 =	vadd.s32 $0x6000, v61;
	_ =	sdelay $0x1  }
0xd8: {  	vm14 =	vlt.s32 v8, $0x0  }
0xd9: {  	v8 =	vsel vm14, v7, v8  }
0xda: {  	[tilespmem:$0xA170] =	vst v8  }
0xdb: {  	v8 =	vld.idx.msk [tilespmem:v9+s14+$0x0], $0xffff;
	_ =	sdelay $0x7  }
0xdc: {  	v8 =	vld.idx.msk [tilespmem:v8+s4+$0x0], $0xffff;
	_ =	sdelay $0x4  }
0xdd: {  	vm15 =	vlt.s32 v8, $0x0  }
0xde: {  	v8 =	vsel vm15, v7, v8  }
0xdf: {  	[tilespmem:$0xA1F0] =	vst v8  }
0xe0: {  	_ =	swait.ge [sflag:s18], $0x4000  }
0xe1: {  	[sflag:s18] =	ssyncset.done $0x0  }
0xe2: {  	[sflag:s18] =	ssyncadd.s32 $0xFFFFC000  }
0xe3: {  	[hbm4b:s7+s4] =	stream.linear.scatter [tilespmem:s17], [sflag:$0x2], $0x4000, $0x38;
	[tilespmem:$0xE280] =	vst v63  }
0xe4: {  	_ = 	snop  }
0xe5: {  	[hbm4b:s8+s4] =	stream.linear.scatter [tilespmem:s19], [sflag:$0x2], $0x80, $0x38;
	[tilespmem:$0xE280] =	vst v63  }
0xe6: {  	_ = 	snop  }
0xe7: {  	[hbm4b:s9+s4] =	stream.linear.scatter [tilespmem:s20], [sflag:$0x2], $0x80, $0x38;
	[tilespmem:$0xE280] =	vst v63  }
0xe8: {  	_ = 	snop  }
0xe9: {  	[hbm4b:s10+s4] =	stream.linear.scatter [tilespmem:s21], [sflag:$0x2], $0x80, $0x38;
	[tilespmem:$0xE280] =	vst v63  }
0xea: {  	_ = 	snop  }
0xeb: {  	[hbm4b:s11+s4] =	stream.linear.scatter [tilespmem:s22], [sflag:$0x2], $0x80, $0x38;
	[tilespmem:$0xE280] =	vst v63  }
0xec: {  	_ =	swait.ge [sflag:s23], $0x4000  }
0xed: {  	[sflag:s23] =	ssyncset.done $0x0  }
0xee: {  	[sflag:s23] =	ssyncadd.s32 $0xFFFFC000  }
0xef: {  	_ =	swait.ge [sflag:s23], $0x80  }
0xf0: {  	[sflag:s23] =	ssyncset.done $0x0  }
0xf1: {  	[sflag:s23] =	ssyncadd.s32 $0xFFFFFF80  }
0xf2: {  	_ =	swait.ge [sflag:s23], $0x80  }
0xf3: {  	[sflag:s23] =	ssyncset.done $0x0  }
0xf4: {  	[sflag:s23] =	ssyncadd.s32 $0xFFFFFF80  }
0xf5: {  	p0 =	sne.s32 s12, $0x1;
	_ =	swait.ge [sflag:s23], $0x80  }
.Ltmp0:
0xf6: {  	[sflag:s23] =	ssyncset.done $0x0;
	(pc) =	sbr.rel @p0 .LBB2_1-.Ltmp0, $4  }
0xf7: {  	[sflag:s23] =	ssyncadd.s32 $0xFFFFFF80  }
0xf8: {  	_ =	swait.ge [sflag:s23], $0x80  }
0xf9: {  	[sflag:s23] =	ssyncset.done $0x0  }
0xfa: {  	s12 =	sadd.s32 $0xFFFFFFFF, s12;
	[sflag:s23] =	ssyncadd.s32 $0xFFFFFF80  }
0xfb: {  	_ =	sfence.sel $0x180000  }
0xfc: {  	[bflag:$0x0] =	sbarrier.arrive $0xFFFF  }
0xfd: {  	p0 =	sne.s32 s2, $0x0;
	_ =	strace $0x9000004A  }
0xfe: {  	s0 =	sadd.s32 @!p0 $0x100000, s0;
	[bflag:$0x2] =	sbarrier.arrive $0xFFFF  }
0xff: {  	[sflag:s0] =	ssyncadd.tile.s32 @!p0 $0x1;
	_ =	shalt  }
.Lfunc_end2:
_tile_overlayer_lowered:
.L_overlay_start_2:
0x100: {  	(tag) =	ssettag $0x2  }
0x101: {  	s0 =	rddreg [dreg:$0x0];
	s2 =	stileid.u32  }
0x102: {  	s1 =	rddreg [dreg:$0x1];
	p0 =	sne.s32 s2, $0x0  }
0x103: {  	s3 =	rddreg [dreg:$0x2];
	[bflag:$0x3] =	sbarrier.arrive $0xFFFF;
	s2 =	simm.s32 @!p0 $0x1C03  }
0x104: {  	[timem:s3], [sflag:s2] =	dma.local @!p0 [hbm:s0], s1  }
0x105: {  	s0 =	simm.s32 @!p0 $0x3  }
0x106: {  	_ =	swait.ge @!p0 [sflag:s0], s1  }
0x107: {  	s1 =	ssub.s32 @!p0 $0x0, s1;
	[sflag:s0] =	ssyncset.done @!p0 $0x0  }
0x108: {  	[sflag:s0] =	ssyncadd.s32 @!p0 s1  }
0x109: {  	[bflag:$0x3] =	sbarrier.arrive $0xFFFF  }
0x10a: {  	_ =	shalt  }

// kernel: kernel.25.cloned.1.call-start
scs
__scs_entry_jumppad:
0x0: {  	(pc) =	sbr.rel $0x88, $3  }
0x1: {  	(tag) =	ssettag $0x0;
	lr =	simm.s32 $0x1  }
0x2: {  	[smem:$0x3F8B] =	sst lr;
	_ =	strace $0xD0000000  }
0x3: {  	_ = 	snop  }
0x4: {  	_ = 	snop  }
0x5: {  	_ = 	snop  }
0x6: {  	_ = 	snop  }
0x7: {  	_ = 	snop  }
__scs_overlays_trampoline_lowered:
0x8: {  	[smem:$0x3F9A] =	sst s0  }
0x9: {  	[smem:$0x3F9B] =	sst s1  }
0xa: {  	[smem:$0x3F9C] =	sst s2  }
0xb: {  	[smem:$0x3F9D] =	sst s3  }
0xc: {  	[smem:$0x3F9E] =	sst s4  }
0xd: {  	[smem:$0x3F9F] =	sst s5  }
0xe: {  	[smem:$0x3FA0] =	sst s6  }
0xf: {  	[smem:$0x3FA1] =	sst s7  }
0x10: {  	[smem:$0x3FA2] =	sst s8  }
0x11: {  	[smem:$0x3FA3] =	sst s9;
	s0 =	simm.s32 @!p0 $0x0  }
0x12: {  	s1 =	sld [smem:$0x3F89];
	s0 =	simm.s32 @p0 $0x1  }
0x13: {  	[smem:$0x3FA4] =	sst s0;
	s0 =	simm.s32 @!p1 $0x0  }
0x14: {  	s2 =	sld [smem:$0x3F88];
	s0 =	simm.s32 @p1 $0x1  }
0x15: {  	[smem:$0x3FA5] =	sst s0;
	s0 =	simm.s32 @!p2 $0x0  }
0x16: {  	s3 =	sld [smem:$0x3FDB];
	s0 =	simm.s32 @p2 $0x1  }
0x17: {  	s4 =	simm.s32 $0x1BF5;
	[smem:$0x3FA7] =	sst s0  }
0x18: {  	s0 =	sld [smem:$0x3F8A];
	_ =	swait.ge [sflag:s4], $0x0  }
0x19: {  	s7 =	sld [smem:$0x3F8B]  }
0x1a: {  	s8 =	sadd.s32 $0xFFFFE003, lr  }
0x1b: {  	s9 =	sadd.s32 $0xFFFFFEF7, lr;
	s5 =	simm.s32 $0xFFFFFFFF;
	p2 =	slt.u32 s8, $0xFFFFF086  }
0x1c: {  	p1 =	slt.u32 s9, $0xF7A;
	s5 =	simm.s32 @!p2 $0x0  }
0x1d: {  	s5 =	simm.s32 @p1 $0x1;
	p0 =	seq.s32 s7, s2  }
0x1e: {  	s7 =	smul.u32 @!p0 $0xF7A, s2;
	p2 =	seq.s32 @!p0 s5, $0x0  }
0x1f: {  	s9 =	smul.u32 $0xF7A, s1;
	s8 =	simm.s32 @!p0 $0x1BF5;
	p2 =	por !p2, p0  }
0x20: {  	[sflag:s8] =	ssyncset.s32 @!p0 $0xFFFFF086;
	s6 =	sadd.s32 @!p0 s3, s7;
	s7 =	simm.s32 @!p0 $0x108  }
0x21: {  	s3 =	sadd.s32 s3, s9;
	s6 =	sadd.s32 @!p0 $0x88, s6;
	s7 =	simm.s32 @p2 $0x1082  }
0x22: {  	[simem:s7], [sflag:s8] =	dma.local @!p0 [hbm:s6], $0xF7A  }
0x23: {  	s9 =	sor.u32 $0xD0000000, s2;
	s6 =	simm.s32 $0x108;
	_ =	swait.ge @!p0 [sflag:s8], $0x0  }
0x24: {  	s3 =	sadd.s32 $0x88, s3;
	s6 =	simm.s32 @!p1 $0x1082;
	[sflag:s4] =	ssyncset.s32 $0xFFFFF086  }
0x25: {  	[simem:s6], [sflag:s4] =	dma.local [hbm:s3], $0xF7A  }
0x26: {  	[smem:$0x3F8B] =	sst s1;
	(tag) =	ssettag s2;
	_ =	strace s9  }
0x27: {  	s1 =	sld [smem:$0x3F9B]  }
0x28: {  	s2 =	sld [smem:$0x3F9C]  }
0x29: {  	s4 =	sld [smem:$0x3F9E]  }
0x2a: {  	p0 =	seq.s32 s5, $0x0;
	s5 =	sld [smem:$0x3F9F]  }
0x2b: {  	s6 =	sld [smem:$0x3FA0]  }
0x2c: {  	s7 =	sld [smem:$0x3FA1]  }
0x2d: {  	s3 =	simm.s32 $0x108;
	s8 =	sld [smem:$0x3FA2]  }
0x2e: {  	s3 =	simm.s32 @!p0 $0x1082;
	s9 =	sld [smem:$0x3FA3]  }
0x2f: {  	lr =	sadd.s32 s0, s3;
	s0 =	sld [smem:$0x3F9A]  }
0x30: {  	s3 =	sld [smem:$0x3F9D]  }
0x31: {  	[smem:$0x3FA6] =	sst s10  }
0x32: {  	s10 =	sld [smem:$0x3FA4];
	_ =	sdelay $0x3  }
0x33: {  	p0 =	seq.s32 s10, $0x1;
	s10 =	sld [smem:$0x3FA6];
	_ =	sdelay $0x3  }
0x34: {  	[smem:$0x3FA6] =	sst s10  }
0x35: {  	s10 =	sld [smem:$0x3FA5];
	_ =	sdelay $0x3  }
0x36: {  	p1 =	seq.s32 s10, $0x1;
	s10 =	sld [smem:$0x3FA6];
	_ =	sdelay $0x3  }
0x37: {  	[smem:$0x3FA6] =	sst s10  }
0x38: {  	s10 =	sld [smem:$0x3FA7]  }
0x39: {  	_ = 	snop;
	(pc) =	sbr.ind lr, $3  }
0x3a: {  	_ = 	snop  }
0x3b: {  	_ = 	snop  }
0x3c: {  	p2 =	seq.s32 s10, $0x1;
	s10 =	sld [smem:$0x3FA6]  }
0x3d: {  	_ =	shalt  }
0x3e: {  	_ =	shalt  }
0x3f: {  	_ =	shalt  }
0x40: {  	_ =	shalt  }
0x41: {  	_ =	shalt  }
0x42: {  	_ =	shalt  }
0x43: {  	_ =	shalt  }
0x44: {  	_ =	shalt  }
0x45: {  	_ =	shalt  }
0x46: {  	_ =	shalt  }
0x47: {  	_ =	shalt  }
0x48: {  	_ =	shalt  }
0x49: {  	_ =	shalt  }
0x4a: {  	_ =	shalt  }
0x4b: {  	_ =	shalt  }
0x4c: {  	_ =	shalt  }
0x4d: {  	_ =	shalt  }
0x4e: {  	_ =	shalt  }
0x4f: {  	_ =	shalt  }
0x50: {  	_ =	shalt  }
0x51: {  	_ =	shalt  }
0x52: {  	_ =	shalt  }
0x53: {  	_ =	shalt  }
0x54: {  	_ =	shalt  }
0x55: {  	_ =	shalt  }
0x56: {  	_ =	shalt  }
0x57: {  	_ =	shalt  }
0x58: {  	_ =	shalt  }
0x59: {  	_ =	shalt  }
0x5a: {  	_ =	shalt  }
0x5b: {  	_ =	shalt  }
0x5c: {  	_ =	shalt  }
0x5d: {  	_ =	shalt  }
0x5e: {  	_ =	shalt  }
0x5f: {  	_ =	shalt  }
0x60: {  	_ =	shalt  }
0x61: {  	_ =	shalt  }
0x62: {  	_ =	shalt  }
0x63: {  	_ =	shalt  }
0x64: {  	_ =	shalt  }
0x65: {  	_ =	shalt  }
0x66: {  	_ =	shalt  }
0x67: {  	_ =	shalt  }
0x68: {  	_ =	shalt  }
0x69: {  	_ =	shalt  }
0x6a: {  	_ =	shalt  }
0x6b: {  	_ =	shalt  }
0x6c: {  	_ =	shalt  }
0x6d: {  	_ =	shalt  }
0x6e: {  	_ =	shalt  }
0x6f: {  	_ =	shalt  }
0x70: {  	_ =	shalt  }
0x71: {  	_ =	shalt  }
0x72: {  	_ =	shalt  }
0x73: {  	_ =	shalt  }
0x74: {  	_ =	shalt  }
0x75: {  	_ =	shalt  }
0x76: {  	_ =	shalt  }
0x77: {  	_ =	shalt  }
0x78: {  	_ =	shalt  }
0x79: {  	_ =	shalt  }
0x7a: {  	_ =	shalt  }
0x7b: {  	_ =	shalt  }
0x7c: {  	_ =	shalt  }
0x7d: {  	_ =	shalt  }
0x7e: {  	_ =	shalt  }
0x7f: {  	_ =	shalt  }
0x80: {  	_ =	shalt  }
0x81: {  	_ =	shalt  }
0x82: {  	_ =	shalt  }
0x83: {  	_ =	shalt  }
0x84: {  	_ =	shalt  }
0x85: {  	_ =	shalt  }
0x86: {  	_ =	shalt  }
0x87: {  	_ =	shalt  }
.Lfunc_end0:
.L_simem_size_0:
called_computation.2_lowered:
.L_overlay_start_0:
0x88: {  	s2 =	sld [smem:$0x3FD9]  }
0x89: {  	s3 =	sld [smem:$0x3FFE];
	_ =	sdelay $0x1  }
0x8a: {  	s1 =	srdreg.scid  }
0x8b: {  	s0 =	sand.u32 $0x1, s1  }
0x8c: {  	s16 =	sshll.u32 s0, $0xA;
	s2 =	sadd.s32 s3, s2  }
0x8d: {  	s2 =	sadd.s32 s2, s16  }
0x8e: {  	[smem:$0x3FB2] =	sst s2  }
0x8f: {  	_ = 	snop  }
0x90: {  	(tm) =	ssettm $0x1  }
0x91: {  	s17 =	sld [smem:$0x3FFB];
	_ =	sdelay $0x3  }
0x92: {  	_ =	strace s17  }
0x93: {  	s2 =	sld [smem:$0x3FFC];
	_ =	sdelay $0x3  }
0x94: {  	_ =	strace s2  }
0x95: {  	s2 =	sld [smem:$0x3FFD];
	_ =	sdelay $0x3  }
0x96: {  	_ =	strace s2  }
0x97: {  	_ =	strace $0x8FFFFFFF  }
0x98: {  	s18 =	sld [smem:$0x3FDB];
	_ =	sdelay $0x1  }
0x99: {  	s19 =	simm.s32 $_scs_section_size  }
0x9a: {  	s4 =	simm.s32 $_size__tile_overlayer_lowered;
	s5 =	simm.s32 $_tile_overlayer_lowered  }
0x9b: {  	s22 =	simm.s32 $0x1BFF;
	s21 =	sshll.u32 s5, $0x1;
	s2 =	sadd.s32 s19, s18  }
0x9c: {  	s6 =	simm.s32 $0x0;
	s20 =	sshll.u32 s4, $0x1;
	s4 =	sadd.s32 s21, s2  }
0x9d: {  	[timem:s6], [sflag:s22] =	dma.local [hbm:s4], s20  }
0x9e: {  	_ =	swait.ge [sflag:s22], s20  }
0x9f: {  	s3 =	ssub.s32 $0x0, s20;
	[sflag:s22] =	ssyncset.done $0x0  }
0xa0: {  	[sflag:s22] =	ssyncadd.s32 s3;
	_ =	sdelay $0x1  }
0xa1: {  	s23 =	simm.s32 $0x1B8B  }
0xa2: {  	_ =	swait.ge [sflag:s23], $0x1  }
0xa3: {  	[sflag:s23] =	ssyncset.done $0x0  }
0xa4: {  	s25 =	simm.s32 $0x1B8E;
	s24 =	sld [smem:$0x3FFE];
	[sflag:s23] =	ssyncadd.s32 $0xFFFFFFFF  }
0xa5: {  	s26 =	simm.s32 $execute0_lowered;
	[smem:$0x3FD2] =	sst s25  }
0xa6: {  	s4 =	sshll.u32 s26, $0x1;
	_ =	strace $0x8000004C;
	[dreg:$0x1] =	wrdreg $0xFFFFFFFF  }
0xa7: {  	s28 =	simm.s32 $_size_execute0_lowered;
	s2 =	sadd.s32 s2, s4;
	[dreg:$0x0] =	wrdreg $0x0  }
0xa8: {  	s4 =	sshll.u32 s28, $0x1;
	[dreg:$0x2] =	wrdreg s2  }
0xa9: {  	[dreg:$0x3] =	wrdreg s4  }
0xaa: {  	[dreg:$0x4] =	wrdreg $0xC0  }
0xab: {  	_ =	task [dreg:s6], $0x5FFFF  }
0xac: {  	[dreg:$0x1] =	wrdreg $0xFFFFFFFF  }
0xad: {  	[dreg:$0x0] =	wrdreg $0x60  }
0xae: {  	[dreg:$0x2] =	wrdreg s24  }
0xaf: {  	[dreg:$0x3] =	wrdreg $0x9  }
0xb0: {  	_ =	task.clear_ibuf [dreg:s6], $0x4FFFF;
	_ =	strace $0x9000004C  }
0xb1: {  	s29 =	simm.s32 $0x9;
	_ =	strace $0x8000004E  }
0xb2: {  	_ =	swait.ge [sflag:s29], $0x1  }
0xb3: {  	[sflag:s29] =	ssyncadd.s32 $0xFFFFFFFF  }
0xb4: {  	_ =	strace $0x9000004E  }
0xb5: {  	_ =	sfence  }
0xb6: {  	s30 =	sld [smem:$0x0];
	_ =	sdelay $0x2  }
0xb7: {  	s31 =	sshll.u32 s1, $0xD;
	s1 =	sshrl.u32 s1, $0x2  }
0xb8: {  	s3 =	sand.u32 $0x4000, s31;
	s1 =	sadd.s32 s1, s30  }
0xb9: {  	s0 =	sor.u32 s3, s0;
	s1 =	sshll.u32 s1, $0x11  }
0xba: {  	s0 =	sor.u32 s1, s0  }
0xbb: {  	s0 =	sadd.s32 $0x8F2B, s0  }
0xbc: {  	[sflag:s0] =	ssyncadd.remote.s32 $0x1  }
0xbd: {  	_ =	sfence.sel $0xFFFF  }
0xbe: {  	[dreg:$0x0] =	wrdreg $0xFFFFFFFF;
	(pc) =	sbr.abs _section_cstart, $3  }
0xbf: {  	[dreg:$0x1] =	wrdreg $0xFFFFFFFF  }
0xc0: {  	_ =	task.clear_ibuf [dreg:s6], $0x2FFFF;
	_ =	strace $0x9FFFFFFF  }
0xc1: {  	(tm) =	ssettm $0x7FFFFFFF  }
tec
execute0_lowered:
.L_overlay_start_1:
0x0: {  	(tag) =	ssettag $0x1  }
0x1: {  	s1 =	srdreg.scid  }
0x2: {  	s0 =	stileid.u32;
	s22 =	sand.u32 $0x1, s1  }
0x3: {  	s31 =	sshll.u32 s0, $0x8;
	s2 =	sshll.u32 s22, $0x7  }
0x4: {  	s18 =	sor.u32 s2, s31  }
0x5: {  	s17 =	rddreg [dreg:$0x0];
	s2 =	simm.s32 $0x0;
	s3 =	sshrl.u32 s18, $0x3  }
0x6: {  	[smem:$0x7FF] =	sst s2;
	s8 =	sadd.s32 s3, s17  }
0x7: {  	s1 =	rddreg [dreg:$0x1];
	_ =	strace $0x8000004D;
	s3 =	sadd.s32 $0xB5600, s8  }
0x8: {  	[tilespmem:s2], [sflag:$0x1] =	stream.linear.gather [hbm4b:s3+s2], $0x80, $0x38;
	[tilespmem:$0x10200] =	vst v63  }
0x9: {  	s5 =	simm.s32 $0x80;
	s4 =	sadd.s32 $0xB5800, s8  }
0xa: {  	[tilespmem:s5], [sflag:$0x1] =	stream.linear.gather [hbm4b:s4+s2], $0x80, $0x38;
	[tilespmem:$0x10200] =	vst v63  }
0xb: {  	s7 =	simm.s32 $0x100;
	s6 =	sadd.s32 $0xB5A00, s8  }
0xc: {  	[tilespmem:s7], [sflag:$0x1] =	stream.linear.gather [hbm4b:s6+s2], $0x80, $0x38;
	[tilespmem:$0x10200] =	vst v63  }
0xd: {  	s9 =	simm.s32 $0x180;
	s10 =	simm.s32 $0x1;
	s8 =	sadd.s32 $0xB5C00, s8  }
0xe: {  	[tilespmem:s9], [sflag:$0x1] =	stream.linear.gather [hbm4b:s8+s2], $0x80, $0x38;
	[tilespmem:$0x10200] =	vst v63  }
0xf: {  	_ =	swait.ge [sflag:s10], $0x80  }
0x10: {  	[sflag:s10] =	ssyncset.done $0x0  }
0x11: {  	s12 =	simm.s32 $0x200;
	s11 =	sadd.s32 $0xA5600, s17;
	[sflag:s10] =	ssyncadd.s32 $0xFFFFFF80  }
0x12: {  	[tilespmem:s12], [sflag:$0x2] =	stream.indirect.gather [hbm4b:s11+s5], $0x80, s2, s5, $0xb8;
	[tilespmem:$0x10200] =	vst v63  }
0x13: {  	_ =	swait.ge [sflag:s10], $0x80  }
0x14: {  	[sflag:s10] =	ssyncset.done $0x0  }
0x15: {  	s13 =	simm.s32 $0x4200;
	[sflag:s10] =	ssyncadd.s32 $0xFFFFFF80  }
0x16: {  	[tilespmem:s13], [sflag:$0x2] =	stream.indirect.gather [hbm4b:s11+s5], $0x80, s5, s5, $0xb8;
	[tilespmem:$0x10200] =	vst v63  }
0x17: {  	_ =	swait.ge [sflag:s10], $0x80  }
0x18: {  	[sflag:s10] =	ssyncset.done $0x0  }
0x19: {  	s14 =	simm.s32 $0x8200;
	[sflag:s10] =	ssyncadd.s32 $0xFFFFFF80  }
0x1a: {  	[tilespmem:s14], [sflag:$0x2] =	stream.indirect.gather [hbm4b:s11+s5], $0x80, s7, s5, $0xb8;
	[tilespmem:$0x10200] =	vst v63  }
0x1b: {  	_ =	swait.ge [sflag:s10], $0x80  }
0x1c: {  	[sflag:s10] =	ssyncset.done $0x0  }
0x1d: {  	s15 =	simm.s32 $0xC200;
	s16 =	simm.s32 $0x2;
	[sflag:s10] =	ssyncadd.s32 $0xFFFFFF80  }
0x1e: {  	[tilespmem:s15], [sflag:$0x2] =	stream.indirect.gather [hbm4b:s11+s5], $0x80, s9, s5, $0xb8;
	[tilespmem:$0x10200] =	vst v63  }
0x1f: {  	_ =	swait.ge [sflag:s16], $0x4000  }
0x20: {  	[sflag:s16] =	ssyncset.done $0x0  }
0x21: {  	[sflag:s16] =	ssyncadd.s32 $0xFFFFC000  }
0x22: {  	_ =	swait.ge [sflag:s16], $0x4000  }
0x23: {  	[sflag:s16] =	ssyncset.done $0x0  }
0x24: {  	[sflag:s16] =	ssyncadd.s32 $0xFFFFC000  }
0x25: {  	_ =	swait.ge [sflag:s16], $0x4000  }
0x26: {  	[sflag:s16] =	ssyncset.done $0x0  }
0x27: {  	[sflag:s16] =	ssyncadd.s32 $0xFFFFC000  }
0x28: {  	s18 =	sshll.u32 s18, $0x4;
	_ =	swait.ge [sflag:s16], $0x4000  }
0x29: {  	s20 =	sadd.s32 s18, s17;
	[sflag:s16] =	ssyncset.done $0x0  }
0x2a: {  	s17 =	sadd.s32 $0x5400, s20;
	[sflag:s16] =	ssyncadd.s32 $0xFFFFC000  }
0x2b: {  	[hbm4b:s17+s2] =	stream.linear.scatter [tilespmem:s12], [sflag:$0x3], $0x4000, $0x38;
	[tilespmem:$0x10200] =	vst v63  }
0x2c: {  	s18 =	sadd.s32 $0x15400, s20  }
0x2d: {  	[hbm4b:s18+s2] =	stream.linear.scatter [tilespmem:s13], [sflag:$0x3], $0x4000, $0x38;
	[tilespmem:$0x10200] =	vst v63  }
0x2e: {  	s19 =	sadd.s32 $0xB5E00, s20  }
0x2f: {  	[hbm4b:s19+s2] =	stream.linear.scatter [tilespmem:s14], [sflag:$0x3], $0x4000, $0x38;
	[tilespmem:$0x10200] =	vst v63  }
0x30: {  	s21 =	sadd.s32 $0xC5E00, s20;
	s20 =	simm.s32 $0x3  }
0x31: {  	[hbm4b:s21+s2] =	stream.linear.scatter [tilespmem:s15], [sflag:$0x3], $0x4000, $0x38;
	[tilespmem:$0x10200] =	vst v63  }
0x32: {  	_ =	swait.ge [sflag:s20], $0x4000  }
0x33: {  	s22 =	ssub.s32 $0x2, s22;
	[sflag:s20] =	ssyncset.done $0x0  }
0x34: {  	s23 =	sshrl.u32 s22, $0x1;
	[sflag:s20] =	ssyncadd.s32 $0xFFFFC000  }
0x35: {  	s22 =	ssub.s32 s22, s23;
	_ =	swait.ge [sflag:s20], $0x4000  }
0x36: {  	s22 =	smax.u32 s22, $0x1;
	[sflag:s20] =	ssyncset.done $0x0  }
0x37: {  	p0 =	sne.s32 s22, $0x1;
	[sflag:s20] =	ssyncadd.s32 $0xFFFFC000  }
.Ltmp0:
0x38: {  	_ =	swait.ge [sflag:s20], $0x4000;
	(pc) =	sbr.rel @!p0 .LBB2_2-.Ltmp0, $4  }
0x39: {  	[sflag:s20] =	ssyncset.done $0x0  }
0x3a: {  	[sflag:s20] =	ssyncadd.s32 $0xFFFFC000  }
0x3b: {  	_ =	swait.ge [sflag:s20], $0x4000  }
0x3c: {  	s22 =	sadd.s32 $0xFFFFFFFF, s22;
	[sflag:s20] =	ssyncset.done $0x0  }
.LBB2_1:
0x3d: {  	p0 =	sne.s32 s22, $0x1;
	s22 =	sadd.s32 $0xFFFFFFFF, s22;
	[sflag:s20] =	ssyncadd.s32 $0xFFFFC000  }
0x3e: {  	[tilespmem:s2], [sflag:$0x1] =	stream.linear.gather [hbm4b:s3+s2], $0x80, $0x38;
	[tilespmem:$0x10200] =	vst v63  }
0x3f: {  	_ = 	snop  }
0x40: {  	[tilespmem:s5], [sflag:$0x1] =	stream.linear.gather [hbm4b:s4+s2], $0x80, $0x38;
	[tilespmem:$0x10200] =	vst v63  }
0x41: {  	_ = 	snop  }
0x42: {  	[tilespmem:s7], [sflag:$0x1] =	stream.linear.gather [hbm4b:s6+s2], $0x80, $0x38;
	[tilespmem:$0x10200] =	vst v63  }
0x43: {  	_ = 	snop  }
0x44: {  	[tilespmem:s9], [sflag:$0x1] =	stream.linear.gather [hbm4b:s8+s2], $0x80, $0x38;
	[tilespmem:$0x10200] =	vst v63  }
0x45: {  	_ =	swait.ge [sflag:s10], $0x80  }
0x46: {  	[sflag:s10] =	ssyncset.done $0x0  }
0x47: {  	[sflag:s10] =	ssyncadd.s32 $0xFFFFFF80  }
0x48: {  	[tilespmem:s12], [sflag:$0x2] =	stream.indirect.gather [hbm4b:s11+s5], $0x80, s2, s5, $0xb8;
	[tilespmem:$0x10200] =	vst v63  }
0x49: {  	_ =	swait.ge [sflag:s10], $0x80  }
0x4a: {  	[sflag:s10] =	ssyncset.done $0x0  }
0x4b: {  	[sflag:s10] =	ssyncadd.s32 $0xFFFFFF80  }
0x4c: {  	[tilespmem:s13], [sflag:$0x2] =	stream.indirect.gather [hbm4b:s11+s5], $0x80, s5, s5, $0xb8;
	[tilespmem:$0x10200] =	vst v63  }
0x4d: {  	_ =	swait.ge [sflag:s10], $0x80  }
0x4e: {  	[sflag:s10] =	ssyncset.done $0x0  }
0x4f: {  	[sflag:s10] =	ssyncadd.s32 $0xFFFFFF80  }
0x50: {  	[tilespmem:s14], [sflag:$0x2] =	stream.indirect.gather [hbm4b:s11+s5], $0x80, s7, s5, $0xb8;
	[tilespmem:$0x10200] =	vst v63  }
0x51: {  	_ =	swait.ge [sflag:s10], $0x80  }
0x52: {  	[sflag:s10] =	ssyncset.done $0x0  }
0x53: {  	[sflag:s10] =	ssyncadd.s32 $0xFFFFFF80  }
0x54: {  	[tilespmem:s15], [sflag:$0x2] =	stream.indirect.gather [hbm4b:s11+s5], $0x80, s9, s5, $0xb8;
	[tilespmem:$0x10200] =	vst v63  }
0x55: {  	_ =	swait.ge [sflag:s16], $0x4000  }
0x56: {  	[sflag:s16] =	ssyncset.done $0x0  }
0x57: {  	[sflag:s16] =	ssyncadd.s32 $0xFFFFC000  }
0x58: {  	_ =	swait.ge [sflag:s16], $0x4000  }
0x59: {  	[sflag:s16] =	ssyncset.done $0x0  }
0x5a: {  	[sflag:s16] =	ssyncadd.s32 $0xFFFFC000  }
0x5b: {  	_ =	swait.ge [sflag:s16], $0x4000  }
0x5c: {  	[sflag:s16] =	ssyncset.done $0x0  }
0x5d: {  	[sflag:s16] =	ssyncadd.s32 $0xFFFFC000  }
0x5e: {  	_ =	swait.ge [sflag:s16], $0x4000  }
0x5f: {  	[sflag:s16] =	ssyncset.done $0x0  }
0x60: {  	[sflag:s16] =	ssyncadd.s32 $0xFFFFC000  }
0x61: {  	[hbm4b:s17+s2] =	stream.linear.scatter [tilespmem:s12], [sflag:$0x3], $0x4000, $0x38;
	[tilespmem:$0x10200] =	vst v63  }
0x62: {  	_ = 	snop  }
0x63: {  	[hbm4b:s18+s2] =	stream.linear.scatter [tilespmem:s13], [sflag:$0x3], $0x4000, $0x38;
	[tilespmem:$0x10200] =	vst v63  }
0x64: {  	_ = 	snop  }
0x65: {  	[hbm4b:s19+s2] =	stream.linear.scatter [tilespmem:s14], [sflag:$0x3], $0x4000, $0x38;
	[tilespmem:$0x10200] =	vst v63  }
0x66: {  	_ = 	snop  }
0x67: {  	[hbm4b:s21+s2] =	stream.linear.scatter [tilespmem:s15], [sflag:$0x3], $0x4000, $0x38;
	[tilespmem:$0x10200] =	vst v63  }
0x68: {  	_ =	swait.ge [sflag:s20], $0x4000  }
0x69: {  	[sflag:s20] =	ssyncset.done $0x0  }
0x6a: {  	[sflag:s20] =	ssyncadd.s32 $0xFFFFC000  }
0x6b: {  	_ =	swait.ge [sflag:s20], $0x4000  }
0x6c: {  	[sflag:s20] =	ssyncset.done $0x0  }
0x6d: {  	[sflag:s20] =	ssyncadd.s32 $0xFFFFC000  }
.Ltmp1:
0x6e: {  	_ =	swait.ge [sflag:s20], $0x4000;
	(pc) =	sbr.rel @p0 .LBB2_1-.Ltmp1, $4  }
0x6f: {  	[sflag:s20] =	ssyncset.done $0x0  }
0x70: {  	[sflag:s20] =	ssyncadd.s32 $0xFFFFC000  }
0x71: {  	_ =	swait.ge [sflag:s20], $0x4000  }
0x72: {  	[sflag:s20] =	ssyncset.done $0x0  }
.LBB2_2:
0x73: {  	[sflag:s20] =	ssyncadd.s32 $0xFFFFC000  }
0x74: {  	_ =	sfence.sel $0x180000  }
0x75: {  	[bflag:$0x0] =	sbarrier.arrive $0xFFFF  }
0x76: {  	p0 =	sne.s32 s0, $0x0;
	_ =	strace $0x9000004D  }
0x77: {  	s0 =	sadd.s32 @!p0 $0x100000, s1;
	[bflag:$0x2] =	sbarrier.arrive $0xFFFF  }
0x78: {  	[sflag:s0] =	ssyncadd.tile.s32 @!p0 $0x1;
	_ =	shalt  }
.Lfunc_end2:
_tile_overlayer_lowered:
.L_overlay_start_2:
0x79: {  	(tag) =	ssettag $0x2  }
0x7a: {  	s0 =	rddreg [dreg:$0x0];
	s2 =	stileid.u32  }
0x7b: {  	s1 =	rddreg [dreg:$0x1];
	p0 =	sne.s32 s2, $0x0  }
0x7c: {  	s3 =	rddreg [dreg:$0x2];
	[bflag:$0x3] =	sbarrier.arrive $0xFFFF;
	s2 =	simm.s32 @!p0 $0x1C04  }
0x7d: {  	[timem:s3], [sflag:s2] =	dma.local @!p0 [hbm:s0], s1  }
0x7e: {  	s0 =	simm.s32 @!p0 $0x4  }
0x7f: {  	_ =	swait.ge @!p0 [sflag:s0], s1  }
0x80: {  	s1 =	ssub.s32 @!p0 $0x0, s1;
	[sflag:s0] =	ssyncset.done @!p0 $0x0  }
0x81: {  	[sflag:s0] =	ssyncadd.s32 @!p0 s1  }
0x82: {  	[bflag:$0x3] =	sbarrier.arrive $0xFFFF  }
0x83: {  	_ =	shalt  }

// kernel: kernel.28.cloned.1.call-start
scs
__scs_entry_jumppad:
0x0: {  	(pc) =	sbr.rel $0x88, $3  }
0x1: {  	(tag) =	ssettag $0x0;
	lr =	simm.s32 $0x1  }
0x2: {  	[smem:$0x3F8B] =	sst lr;
	_ =	strace $0xD0000000  }
0x3: {  	_ = 	snop  }
0x4: {  	_ = 	snop  }
0x5: {  	_ = 	snop  }
0x6: {  	_ = 	snop  }
0x7: {  	_ = 	snop  }
__scs_overlays_trampoline_lowered:
0x8: {  	[smem:$0x3F9A] =	sst s0  }
0x9: {  	[smem:$0x3F9B] =	sst s1  }
0xa: {  	[smem:$0x3F9C] =	sst s2  }
0xb: {  	[smem:$0x3F9D] =	sst s3  }
0xc: {  	[smem:$0x3F9E] =	sst s4  }
0xd: {  	[smem:$0x3F9F] =	sst s5  }
0xe: {  	[smem:$0x3FA0] =	sst s6  }
0xf: {  	[smem:$0x3FA1] =	sst s7  }
0x10: {  	[smem:$0x3FA2] =	sst s8  }
0x11: {  	[smem:$0x3FA3] =	sst s9;
	s0 =	simm.s32 @!p0 $0x0  }
0x12: {  	s1 =	sld [smem:$0x3F89];
	s0 =	simm.s32 @p0 $0x1  }
0x13: {  	[smem:$0x3FA4] =	sst s0;
	s0 =	simm.s32 @!p1 $0x0  }
0x14: {  	s2 =	sld [smem:$0x3F88];
	s0 =	simm.s32 @p1 $0x1  }
0x15: {  	[smem:$0x3FA5] =	sst s0;
	s0 =	simm.s32 @!p2 $0x0  }
0x16: {  	s3 =	sld [smem:$0x3FDB];
	s0 =	simm.s32 @p2 $0x1  }
0x17: {  	s4 =	simm.s32 $0x1BF5;
	[smem:$0x3FA7] =	sst s0  }
0x18: {  	s0 =	sld [smem:$0x3F8A];
	_ =	swait.ge [sflag:s4], $0x0  }
0x19: {  	s7 =	sld [smem:$0x3F8B]  }
0x1a: {  	s8 =	sadd.s32 $0xFFFFE003, lr  }
0x1b: {  	s9 =	sadd.s32 $0xFFFFFEF7, lr;
	s5 =	simm.s32 $0xFFFFFFFF;
	p2 =	slt.u32 s8, $0xFFFFF086  }
0x1c: {  	p1 =	slt.u32 s9, $0xF7A;
	s5 =	simm.s32 @!p2 $0x0  }
0x1d: {  	s5 =	simm.s32 @p1 $0x1;
	p0 =	seq.s32 s7, s2  }
0x1e: {  	s7 =	smul.u32 @!p0 $0xF7A, s2;
	p2 =	seq.s32 @!p0 s5, $0x0  }
0x1f: {  	s9 =	smul.u32 $0xF7A, s1;
	s8 =	simm.s32 @!p0 $0x1BF5;
	p2 =	por !p2, p0  }
0x20: {  	[sflag:s8] =	ssyncset.s32 @!p0 $0xFFFFF086;
	s6 =	sadd.s32 @!p0 s3, s7;
	s7 =	simm.s32 @!p0 $0x108  }
0x21: {  	s3 =	sadd.s32 s3, s9;
	s6 =	sadd.s32 @!p0 $0x88, s6;
	s7 =	simm.s32 @p2 $0x1082  }
0x22: {  	[simem:s7], [sflag:s8] =	dma.local @!p0 [hbm:s6], $0xF7A  }
0x23: {  	s9 =	sor.u32 $0xD0000000, s2;
	s6 =	simm.s32 $0x108;
	_ =	swait.ge @!p0 [sflag:s8], $0x0  }
0x24: {  	s3 =	sadd.s32 $0x88, s3;
	s6 =	simm.s32 @!p1 $0x1082;
	[sflag:s4] =	ssyncset.s32 $0xFFFFF086  }
0x25: {  	[simem:s6], [sflag:s4] =	dma.local [hbm:s3], $0xF7A  }
0x26: {  	[smem:$0x3F8B] =	sst s1;
	(tag) =	ssettag s2;
	_ =	strace s9  }
0x27: {  	s1 =	sld [smem:$0x3F9B]  }
0x28: {  	s2 =	sld [smem:$0x3F9C]  }
0x29: {  	s4 =	sld [smem:$0x3F9E]  }
0x2a: {  	p0 =	seq.s32 s5, $0x0;
	s5 =	sld [smem:$0x3F9F]  }
0x2b: {  	s6 =	sld [smem:$0x3FA0]  }
0x2c: {  	s7 =	sld [smem:$0x3FA1]  }
0x2d: {  	s3 =	simm.s32 $0x108;
	s8 =	sld [smem:$0x3FA2]  }
0x2e: {  	s3 =	simm.s32 @!p0 $0x1082;
	s9 =	sld [smem:$0x3FA3]  }
0x2f: {  	lr =	sadd.s32 s0, s3;
	s0 =	sld [smem:$0x3F9A]  }
0x30: {  	s3 =	sld [smem:$0x3F9D]  }
0x31: {  	[smem:$0x3FA6] =	sst s10  }
0x32: {  	s10 =	sld [smem:$0x3FA4];
	_ =	sdelay $0x3  }
0x33: {  	p0 =	seq.s32 s10, $0x1;
	s10 =	sld [smem:$0x3FA6];
	_ =	sdelay $0x3  }
0x34: {  	[smem:$0x3FA6] =	sst s10  }
0x35: {  	s10 =	sld [smem:$0x3FA5];
	_ =	sdelay $0x3  }
0x36: {  	p1 =	seq.s32 s10, $0x1;
	s10 =	sld [smem:$0x3FA6];
	_ =	sdelay $0x3  }
0x37: {  	[smem:$0x3FA6] =	sst s10  }
0x38: {  	s10 =	sld [smem:$0x3FA7]  }
0x39: {  	_ = 	snop;
	(pc) =	sbr.ind lr, $3  }
0x3a: {  	_ = 	snop  }
0x3b: {  	_ = 	snop  }
0x3c: {  	p2 =	seq.s32 s10, $0x1;
	s10 =	sld [smem:$0x3FA6]  }
0x3d: {  	_ =	shalt  }
0x3e: {  	_ =	shalt  }
0x3f: {  	_ =	shalt  }
0x40: {  	_ =	shalt  }
0x41: {  	_ =	shalt  }
0x42: {  	_ =	shalt  }
0x43: {  	_ =	shalt  }
0x44: {  	_ =	shalt  }
0x45: {  	_ =	shalt  }
0x46: {  	_ =	shalt  }
0x47: {  	_ =	shalt  }
0x48: {  	_ =	shalt  }
0x49: {  	_ =	shalt  }
0x4a: {  	_ =	shalt  }
0x4b: {  	_ =	shalt  }
0x4c: {  	_ =	shalt  }
0x4d: {  	_ =	shalt  }
0x4e: {  	_ =	shalt  }
0x4f: {  	_ =	shalt  }
0x50: {  	_ =	shalt  }
0x51: {  	_ =	shalt  }
0x52: {  	_ =	shalt  }
0x53: {  	_ =	shalt  }
0x54: {  	_ =	shalt  }
0x55: {  	_ =	shalt  }
0x56: {  	_ =	shalt  }
0x57: {  	_ =	shalt  }
0x58: {  	_ =	shalt  }
0x59: {  	_ =	shalt  }
0x5a: {  	_ =	shalt  }
0x5b: {  	_ =	shalt  }
0x5c: {  	_ =	shalt  }
0x5d: {  	_ =	shalt  }
0x5e: {  	_ =	shalt  }
0x5f: {  	_ =	shalt  }
0x60: {  	_ =	shalt  }
0x61: {  	_ =	shalt  }
0x62: {  	_ =	shalt  }
0x63: {  	_ =	shalt  }
0x64: {  	_ =	shalt  }
0x65: {  	_ =	shalt  }
0x66: {  	_ =	shalt  }
0x67: {  	_ =	shalt  }
0x68: {  	_ =	shalt  }
0x69: {  	_ =	shalt  }
0x6a: {  	_ =	shalt  }
0x6b: {  	_ =	shalt  }
0x6c: {  	_ =	shalt  }
0x6d: {  	_ =	shalt  }
0x6e: {  	_ =	shalt  }
0x6f: {  	_ =	shalt  }
0x70: {  	_ =	shalt  }
0x71: {  	_ =	shalt  }
0x72: {  	_ =	shalt  }
0x73: {  	_ =	shalt  }
0x74: {  	_ =	shalt  }
0x75: {  	_ =	shalt  }
0x76: {  	_ =	shalt  }
0x77: {  	_ =	shalt  }
0x78: {  	_ =	shalt  }
0x79: {  	_ =	shalt  }
0x7a: {  	_ =	shalt  }
0x7b: {  	_ =	shalt  }
0x7c: {  	_ =	shalt  }
0x7d: {  	_ =	shalt  }
0x7e: {  	_ =	shalt  }
0x7f: {  	_ =	shalt  }
0x80: {  	_ =	shalt  }
0x81: {  	_ =	shalt  }
0x82: {  	_ =	shalt  }
0x83: {  	_ =	shalt  }
0x84: {  	_ =	shalt  }
0x85: {  	_ =	shalt  }
0x86: {  	_ =	shalt  }
0x87: {  	_ =	shalt  }
.Lfunc_end0:
.L_simem_size_0:
called_computation.3_lowered:
.L_overlay_start_0:
0x88: {  	s2 =	sld [smem:$0x3FD9]  }
0x89: {  	s3 =	sld [smem:$0x3FFE];
	_ =	sdelay $0x1  }
0x8a: {  	s1 =	srdreg.scid  }
0x8b: {  	s0 =	sand.u32 $0x1, s1  }
0x8c: {  	s16 =	sshll.u32 s0, $0xA;
	s2 =	sadd.s32 s3, s2  }
0x8d: {  	s2 =	sadd.s32 s2, s16  }
0x8e: {  	[smem:$0x3FB2] =	sst s2  }
0x8f: {  	_ = 	snop  }
0x90: {  	(tm) =	ssettm $0x1  }
0x91: {  	s17 =	sld [smem:$0x3FFB];
	_ =	sdelay $0x3  }
0x92: {  	_ =	strace s17  }
0x93: {  	s2 =	sld [smem:$0x3FFC];
	_ =	sdelay $0x3  }
0x94: {  	_ =	strace s2  }
0x95: {  	s2 =	sld [smem:$0x3FFD];
	_ =	sdelay $0x3  }
0x96: {  	_ =	strace s2  }
0x97: {  	_ =	strace $0x8FFFFFFF  }
0x98: {  	s18 =	sld [smem:$0x3FDB];
	_ =	sdelay $0x1  }
0x99: {  	s19 =	simm.s32 $_scs_section_size  }
0x9a: {  	s4 =	simm.s32 $_size__tile_overlayer_lowered;
	s5 =	simm.s32 $_tile_overlayer_lowered  }
0x9b: {  	s22 =	simm.s32 $0x1BFF;
	s21 =	sshll.u32 s5, $0x1;
	s2 =	sadd.s32 s19, s18  }
0x9c: {  	s6 =	simm.s32 $0x0;
	s20 =	sshll.u32 s4, $0x1;
	s4 =	sadd.s32 s21, s2  }
0x9d: {  	[timem:s6], [sflag:s22] =	dma.local [hbm:s4], s20  }
0x9e: {  	_ =	swait.ge [sflag:s22], s20  }
0x9f: {  	s3 =	ssub.s32 $0x0, s20;
	[sflag:s22] =	ssyncset.done $0x0  }
0xa0: {  	[sflag:s22] =	ssyncadd.s32 s3;
	_ =	sdelay $0x1  }
0xa1: {  	s23 =	simm.s32 $0x1B8B  }
0xa2: {  	_ =	swait.ge [sflag:s23], $0x1  }
0xa3: {  	[sflag:s23] =	ssyncset.done $0x0  }
0xa4: {  	s25 =	simm.s32 $0x1B8E;
	s24 =	sld [smem:$0x3FFE];
	[sflag:s23] =	ssyncadd.s32 $0xFFFFFFFF  }
0xa5: {  	s26 =	simm.s32 $execute0_lowered;
	[smem:$0x3FD2] =	sst s25  }
0xa6: {  	s4 =	sshll.u32 s26, $0x1;
	_ =	strace $0x8000004F;
	[dreg:$0x1] =	wrdreg $0xFFFFFFFF  }
0xa7: {  	s28 =	simm.s32 $_size_execute0_lowered;
	s2 =	sadd.s32 s2, s4;
	[dreg:$0x0] =	wrdreg $0x0  }
0xa8: {  	s4 =	sshll.u32 s28, $0x1;
	[dreg:$0x2] =	wrdreg s2  }
0xa9: {  	[dreg:$0x3] =	wrdreg s4  }
0xaa: {  	[dreg:$0x4] =	wrdreg $0xC0  }
0xab: {  	_ =	task [dreg:s6], $0x5FFFF  }
0xac: {  	[dreg:$0x1] =	wrdreg $0xFFFFFFFF  }
0xad: {  	[dreg:$0x0] =	wrdreg $0x60  }
0xae: {  	[dreg:$0x2] =	wrdreg s24  }
0xaf: {  	[dreg:$0x3] =	wrdreg $0x9  }
0xb0: {  	_ =	task.clear_ibuf [dreg:s6], $0x4FFFF;
	_ =	strace $0x9000004F  }
0xb1: {  	s29 =	simm.s32 $0x9;
	_ =	strace $0x80000051  }
0xb2: {  	_ =	swait.ge [sflag:s29], $0x1  }
0xb3: {  	[sflag:s29] =	ssyncadd.s32 $0xFFFFFFFF  }
0xb4: {  	_ =	strace $0x90000051  }
0xb5: {  	_ =	sfence  }
0xb6: {  	s30 =	sld [smem:$0x0];
	_ =	sdelay $0x2  }
0xb7: {  	s31 =	sshll.u32 s1, $0xD;
	s1 =	sshrl.u32 s1, $0x2  }
0xb8: {  	s3 =	sand.u32 $0x4000, s31;
	s1 =	sadd.s32 s1, s30  }
0xb9: {  	s0 =	sor.u32 s3, s0;
	s1 =	sshll.u32 s1, $0x11  }
0xba: {  	s0 =	sor.u32 s1, s0  }
0xbb: {  	s0 =	sadd.s32 $0x8F2B, s0  }
0xbc: {  	[sflag:s0] =	ssyncadd.remote.s32 $0x1  }
0xbd: {  	_ =	sfence.sel $0xFFFF  }
0xbe: {  	[dreg:$0x0] =	wrdreg $0xFFFFFFFF;
	(pc) =	sbr.abs _section_cstart, $3  }
0xbf: {  	[dreg:$0x1] =	wrdreg $0xFFFFFFFF  }
0xc0: {  	_ =	task.clear_ibuf [dreg:s6], $0x2FFFF;
	_ =	strace $0x9FFFFFFF  }
0xc1: {  	(tm) =	ssettm $0x7FFFFFFF  }
tec
execute0_lowered:
.L_overlay_start_1:
0x0: {  	(tag) =	ssettag $0x1  }
0x1: {  	s1 =	srdreg.scid  }
0x2: {  	s0 =	stileid.u32;
	s9 =	rddreg [dreg:$0x0];
	s6 =	sand.u32 $0x1, s1  }
0x3: {  	s4 =	simm.s32 $0x3;
	s30 =	sshll.u32 s0, $0x6;
	s2 =	sshll.u32 s6, $0x5  }
0x4: {  	s8 =	simm.s32 $0x1;
	s1 =	rddreg [dreg:$0x1];
	s7 =	sor.u32 s2, s30  }
0x5: {  	s5 =	sadd.s32 $0xA5400, s9;
	s2 =	simm.s32 $0x0;
	s3 =	sshrl.u32 s7, $0x3  }
0x6: {  	s11 =	ssub.s32 $0x2, s6;
	[smem:$0x7FF] =	sst s2;
	s3 =	sadd.s32 s3, s9  }
0x7: {  	s6 =	simm.s32 $0x20;
	_ =	strace $0x80000050;
	s3 =	sadd.s32 $0xB5400, s3  }
0x8: {  	[tilespmem:s2], [sflag:$0x3] =	stream.linear.gather [hbm4b:s3+s2], $0x20, $0x38;
	[tilespmem:$0x1080] =	vst v63  }
0x9: {  	s31 =	sshrl.u32 s11, $0x1;
	s10 =	sshll.u32 s7, $0x4;
	_ =	swait.ge [sflag:s4], $0x20  }
0xa: {  	s9 =	sadd.s32 s10, s9;
	s10 =	ssub.s32 s11, s31;
	[sflag:s4] =	ssyncset.done $0x0  }
0xb: {  	s7 =	simm.s32 $0x80;
	s11 =	smax.u32 s10, $0x1;
	[sflag:s4] =	ssyncadd.s32 $0xFFFFFFE0  }
0xc: {  	[tilespmem:s7], [sflag:$0x1] =	stream.indirect.gather [hbm4b:s5+s6], $0x80, s2, s6, $0xb8;
	[tilespmem:$0x1080] =	vst v63  }
0xd: {  	p0 =	sne.s32 s11, $0x1;
	_ =	swait.ge [sflag:s8], $0x1000  }
.Ltmp0:
0xe: {  	[sflag:s8] =	ssyncset.done $0x0;
	(pc) =	sbr.rel @!p0 .LBB2_2-.Ltmp0, $4  }
0xf: {  	s9 =	sadd.s32 $0xD5E00, s9;
	s10 =	simm.s32 $0x2;
	[sflag:s8] =	ssyncadd.s32 $0xFFFFF000  }
0x10: {  	[hbm4b:s9+s2] =	stream.linear.scatter [tilespmem:s7], [sflag:$0x2], $0x1000, $0x38;
	[tilespmem:$0x1080] =	vst v63  }
0x11: {  	_ =	swait.ge [sflag:s10], $0x1000  }
0x12: {  	s11 =	sadd.s32 $0xFFFFFFFF, s11;
	[sflag:s10] =	ssyncset.done $0x0  }
.LBB2_1:
0x13: {  	p0 =	sne.s32 s11, $0x1;
	s11 =	sadd.s32 $0xFFFFFFFF, s11;
	[sflag:s10] =	ssyncadd.s32 $0xFFFFF000  }
0x14: {  	[tilespmem:s2], [sflag:$0x3] =	stream.linear.gather [hbm4b:s3+s2], $0x20, $0x38;
	[tilespmem:$0x1080] =	vst v63  }
0x15: {  	_ =	swait.ge [sflag:s4], $0x20  }
0x16: {  	[sflag:s4] =	ssyncset.done $0x0  }
0x17: {  	[sflag:s4] =	ssyncadd.s32 $0xFFFFFFE0  }
0x18: {  	[tilespmem:s7], [sflag:$0x1] =	stream.indirect.gather [hbm4b:s5+s6], $0x80, s2, s6, $0xb8;
	[tilespmem:$0x1080] =	vst v63  }
0x19: {  	_ =	swait.ge [sflag:s8], $0x1000  }
.Ltmp1:
0x1a: {  	[sflag:s8] =	ssyncset.done $0x0;
	(pc) =	sbr.rel @p0 .LBB2_1-.Ltmp1, $4  }
0x1b: {  	[sflag:s8] =	ssyncadd.s32 $0xFFFFF000  }
0x1c: {  	[hbm4b:s9+s2] =	stream.linear.scatter [tilespmem:s7], [sflag:$0x2], $0x1000, $0x38;
	[tilespmem:$0x1080] =	vst v63  }
0x1d: {  	_ =	swait.ge [sflag:s10], $0x1000  }
0x1e: {  	[sflag:s10] =	ssyncset.done $0x0  }
.LBB2_2:
0x1f: {  	[sflag:s10] =	ssyncadd.s32 $0xFFFFF000  }
0x20: {  	_ =	sfence.sel $0x180000  }
0x21: {  	[bflag:$0x0] =	sbarrier.arrive $0xFFFF  }
0x22: {  	p0 =	sne.s32 s0, $0x0;
	_ =	strace $0x90000050  }
0x23: {  	s0 =	sadd.s32 @!p0 $0x100000, s1;
	[bflag:$0x2] =	sbarrier.arrive $0xFFFF  }
0x24: {  	[sflag:s0] =	ssyncadd.tile.s32 @!p0 $0x1;
	_ =	shalt  }
.Lfunc_end2:
_tile_overlayer_lowered:
.L_overlay_start_2:
0x25: {  	(tag) =	ssettag $0x2  }
0x26: {  	s0 =	rddreg [dreg:$0x0];
	s2 =	stileid.u32  }
0x27: {  	s1 =	rddreg [dreg:$0x1];
	p0 =	sne.s32 s2, $0x0  }
0x28: {  	s3 =	rddreg [dreg:$0x2];
	[bflag:$0x3] =	sbarrier.arrive $0xFFFF;
	s2 =	simm.s32 @!p0 $0x1C03  }
0x29: {  	[timem:s3], [sflag:s2] =	dma.local @!p0 [hbm:s0], s1  }
0x2a: {  	s0 =	simm.s32 @!p0 $0x3  }
0x2b: {  	_ =	swait.ge @!p0 [sflag:s0], s1  }
0x2c: {  	s1 =	ssub.s32 @!p0 $0x0, s1;
	[sflag:s0] =	ssyncset.done @!p0 $0x0  }
0x2d: {  	[sflag:s0] =	ssyncadd.s32 @!p0 s1  }
0x2e: {  	[bflag:$0x3] =	sbarrier.arrive $0xFFFF  }
0x2f: {  	_ =	shalt  }

// kernel: kernel.31.cloned.1.call-start
scs
__scs_entry_jumppad:
0x0: {  	(pc) =	sbr.rel $0x88, $3  }
0x1: {  	(tag) =	ssettag $0x0;
	lr =	simm.s32 $0x1  }
0x2: {  	[smem:$0x3F8B] =	sst lr;
	_ =	strace $0xD0000000  }
0x3: {  	_ = 	snop  }
0x4: {  	_ = 	snop  }
0x5: {  	_ = 	snop  }
0x6: {  	_ = 	snop  }
0x7: {  	_ = 	snop  }
__scs_overlays_trampoline_lowered:
0x8: {  	[smem:$0x3F9A] =	sst s0  }
0x9: {  	[smem:$0x3F9B] =	sst s1  }
0xa: {  	[smem:$0x3F9C] =	sst s2  }
0xb: {  	[smem:$0x3F9D] =	sst s3  }
0xc: {  	[smem:$0x3F9E] =	sst s4  }
0xd: {  	[smem:$0x3F9F] =	sst s5  }
0xe: {  	[smem:$0x3FA0] =	sst s6  }
0xf: {  	[smem:$0x3FA1] =	sst s7  }
0x10: {  	[smem:$0x3FA2] =	sst s8  }
0x11: {  	[smem:$0x3FA3] =	sst s9;
	s0 =	simm.s32 @!p0 $0x0  }
0x12: {  	s1 =	sld [smem:$0x3F89];
	s0 =	simm.s32 @p0 $0x1  }
0x13: {  	[smem:$0x3FA4] =	sst s0;
	s0 =	simm.s32 @!p1 $0x0  }
0x14: {  	s2 =	sld [smem:$0x3F88];
	s0 =	simm.s32 @p1 $0x1  }
0x15: {  	[smem:$0x3FA5] =	sst s0;
	s0 =	simm.s32 @!p2 $0x0  }
0x16: {  	s3 =	sld [smem:$0x3FDB];
	s0 =	simm.s32 @p2 $0x1  }
0x17: {  	s4 =	simm.s32 $0x1BF5;
	[smem:$0x3FA7] =	sst s0  }
0x18: {  	s0 =	sld [smem:$0x3F8A];
	_ =	swait.ge [sflag:s4], $0x0  }
0x19: {  	s7 =	sld [smem:$0x3F8B]  }
0x1a: {  	s8 =	sadd.s32 $0xFFFFE003, lr  }
0x1b: {  	s9 =	sadd.s32 $0xFFFFFEF7, lr;
	s5 =	simm.s32 $0xFFFFFFFF;
	p2 =	slt.u32 s8, $0xFFFFF086  }
0x1c: {  	p1 =	slt.u32 s9, $0xF7A;
	s5 =	simm.s32 @!p2 $0x0  }
0x1d: {  	s5 =	simm.s32 @p1 $0x1;
	p0 =	seq.s32 s7, s2  }
0x1e: {  	s7 =	smul.u32 @!p0 $0xF7A, s2;
	p2 =	seq.s32 @!p0 s5, $0x0  }
0x1f: {  	s9 =	smul.u32 $0xF7A, s1;
	s8 =	simm.s32 @!p0 $0x1BF5;
	p2 =	por !p2, p0  }
0x20: {  	[sflag:s8] =	ssyncset.s32 @!p0 $0xFFFFF086;
	s6 =	sadd.s32 @!p0 s3, s7;
	s7 =	simm.s32 @!p0 $0x108  }
0x21: {  	s3 =	sadd.s32 s3, s9;
	s6 =	sadd.s32 @!p0 $0x88, s6;
	s7 =	simm.s32 @p2 $0x1082  }
0x22: {  	[simem:s7], [sflag:s8] =	dma.local @!p0 [hbm:s6], $0xF7A  }
0x23: {  	s9 =	sor.u32 $0xD0000000, s2;
	s6 =	simm.s32 $0x108;
	_ =	swait.ge @!p0 [sflag:s8], $0x0  }
0x24: {  	s3 =	sadd.s32 $0x88, s3;
	s6 =	simm.s32 @!p1 $0x1082;
	[sflag:s4] =	ssyncset.s32 $0xFFFFF086  }
0x25: {  	[simem:s6], [sflag:s4] =	dma.local [hbm:s3], $0xF7A  }
0x26: {  	[smem:$0x3F8B] =	sst s1;
	(tag) =	ssettag s2;
	_ =	strace s9  }
0x27: {  	s1 =	sld [smem:$0x3F9B]  }
0x28: {  	s2 =	sld [smem:$0x3F9C]  }
0x29: {  	s4 =	sld [smem:$0x3F9E]  }
0x2a: {  	p0 =	seq.s32 s5, $0x0;
	s5 =	sld [smem:$0x3F9F]  }
0x2b: {  	s6 =	sld [smem:$0x3FA0]  }
0x2c: {  	s7 =	sld [smem:$0x3FA1]  }
0x2d: {  	s3 =	simm.s32 $0x108;
	s8 =	sld [smem:$0x3FA2]  }
0x2e: {  	s3 =	simm.s32 @!p0 $0x1082;
	s9 =	sld [smem:$0x3FA3]  }
0x2f: {  	lr =	sadd.s32 s0, s3;
	s0 =	sld [smem:$0x3F9A]  }
0x30: {  	s3 =	sld [smem:$0x3F9D]  }
0x31: {  	[smem:$0x3FA6] =	sst s10  }
0x32: {  	s10 =	sld [smem:$0x3FA4];
	_ =	sdelay $0x3  }
0x33: {  	p0 =	seq.s32 s10, $0x1;
	s10 =	sld [smem:$0x3FA6];
	_ =	sdelay $0x3  }
0x34: {  	[smem:$0x3FA6] =	sst s10  }
0x35: {  	s10 =	sld [smem:$0x3FA5];
	_ =	sdelay $0x3  }
0x36: {  	p1 =	seq.s32 s10, $0x1;
	s10 =	sld [smem:$0x3FA6];
	_ =	sdelay $0x3  }
0x37: {  	[smem:$0x3FA6] =	sst s10  }
0x38: {  	s10 =	sld [smem:$0x3FA7]  }
0x39: {  	_ = 	snop;
	(pc) =	sbr.ind lr, $3  }
0x3a: {  	_ = 	snop  }
0x3b: {  	_ = 	snop  }
0x3c: {  	p2 =	seq.s32 s10, $0x1;
	s10 =	sld [smem:$0x3FA6]  }
0x3d: {  	_ =	shalt  }
0x3e: {  	_ =	shalt  }
0x3f: {  	_ =	shalt  }
0x40: {  	_ =	shalt  }
0x41: {  	_ =	shalt  }
0x42: {  	_ =	shalt  }
0x43: {  	_ =	shalt  }
0x44: {  	_ =	shalt  }
0x45: {  	_ =	shalt  }
0x46: {  	_ =	shalt  }
0x47: {  	_ =	shalt  }
0x48: {  	_ =	shalt  }
0x49: {  	_ =	shalt  }
0x4a: {  	_ =	shalt  }
0x4b: {  	_ =	shalt  }
0x4c: {  	_ =	shalt  }
0x4d: {  	_ =	shalt  }
0x4e: {  	_ =	shalt  }
0x4f: {  	_ =	shalt  }
0x50: {  	_ =	shalt  }
0x51: {  	_ =	shalt  }
0x52: {  	_ =	shalt  }
0x53: {  	_ =	shalt  }
0x54: {  	_ =	shalt  }
0x55: {  	_ =	shalt  }
0x56: {  	_ =	shalt  }
0x57: {  	_ =	shalt  }
0x58: {  	_ =	shalt  }
0x59: {  	_ =	shalt  }
0x5a: {  	_ =	shalt  }
0x5b: {  	_ =	shalt  }
0x5c: {  	_ =	shalt  }
0x5d: {  	_ =	shalt  }
0x5e: {  	_ =	shalt  }
0x5f: {  	_ =	shalt  }
0x60: {  	_ =	shalt  }
0x61: {  	_ =	shalt  }
0x62: {  	_ =	shalt  }
0x63: {  	_ =	shalt  }
0x64: {  	_ =	shalt  }
0x65: {  	_ =	shalt  }
0x66: {  	_ =	shalt  }
0x67: {  	_ =	shalt  }
0x68: {  	_ =	shalt  }
0x69: {  	_ =	shalt  }
0x6a: {  	_ =	shalt  }
0x6b: {  	_ =	shalt  }
0x6c: {  	_ =	shalt  }
0x6d: {  	_ =	shalt  }
0x6e: {  	_ =	shalt  }
0x6f: {  	_ =	shalt  }
0x70: {  	_ =	shalt  }
0x71: {  	_ =	shalt  }
0x72: {  	_ =	shalt  }
0x73: {  	_ =	shalt  }
0x74: {  	_ =	shalt  }
0x75: {  	_ =	shalt  }
0x76: {  	_ =	shalt  }
0x77: {  	_ =	shalt  }
0x78: {  	_ =	shalt  }
0x79: {  	_ =	shalt  }
0x7a: {  	_ =	shalt  }
0x7b: {  	_ =	shalt  }
0x7c: {  	_ =	shalt  }
0x7d: {  	_ =	shalt  }
0x7e: {  	_ =	shalt  }
0x7f: {  	_ =	shalt  }
0x80: {  	_ =	shalt  }
0x81: {  	_ =	shalt  }
0x82: {  	_ =	shalt  }
0x83: {  	_ =	shalt  }
0x84: {  	_ =	shalt  }
0x85: {  	_ =	shalt  }
0x86: {  	_ =	shalt  }
0x87: {  	_ =	shalt  }
.Lfunc_end0:
.L_simem_size_0:
called_computation.4_lowered:
.L_overlay_start_0:
0x88: {  	s2 =	sld [smem:$0x3FD9]  }
0x89: {  	s3 =	sld [smem:$0x3FFE];
	_ =	sdelay $0x1  }
0x8a: {  	s1 =	srdreg.scid  }
0x8b: {  	s0 =	sand.u32 $0x1, s1  }
0x8c: {  	s14 =	sshll.u32 s0, $0xA;
	s2 =	sadd.s32 s3, s2  }
0x8d: {  	s2 =	sadd.s32 s2, s14  }
0x8e: {  	[smem:$0x3FB2] =	sst s2  }
0x8f: {  	_ = 	snop  }
0x90: {  	s2 =	sld [smem:$0x3FD0];
	_ =	sdelay $0x2  }
0x91: {  	s15 =	simm.s32 $0xA;
	s4 =	simm.s32 $0x10  }
0x92: {  	[smem:s4], [sflag:s15] =	dma.local [hbm:s2], $0x1  }
0x93: {  	_ =	swait.eq [sflag:s15], $0x1  }
0x94: {  	[sflag:s15] =	ssyncset.done $0x0  }
0x95: {  	[sflag:s15] =	ssyncadd.s32 $0xFFFFFFFF  }
0x96: {  	s16 =	sld [smem:$0x10];
	(tm) =	ssettm $0x1  }
0x97: {  	s17 =	sld [smem:$0x3FFB];
	_ =	sdelay $0x3  }
0x98: {  	_ =	strace s17  }
0x99: {  	s3 =	sld [smem:$0x3FFC];
	_ =	sdelay $0x3  }
0x9a: {  	_ =	strace s3  }
0x9b: {  	s3 =	sld [smem:$0x3FFD];
	_ =	sdelay $0x3  }
0x9c: {  	_ =	strace s3  }
0x9d: {  	_ =	strace $0x8FFFFFFF  }
0x9e: {  	s18 =	sld [smem:$0x3FDB];
	_ =	sdelay $0x1  }
0x9f: {  	s19 =	simm.s32 $_scs_section_size  }
0xa0: {  	s5 =	simm.s32 $_size__tile_overlayer_lowered;
	s6 =	simm.s32 $_tile_overlayer_lowered  }
0xa1: {  	s22 =	simm.s32 $0x1BFF;
	s21 =	sshll.u32 s6, $0x1;
	s3 =	sadd.s32 s19, s18  }
0xa2: {  	s7 =	simm.s32 $0x0;
	s20 =	sshll.u32 s5, $0x1;
	s5 =	sadd.s32 s21, s3  }
0xa3: {  	[timem:s7], [sflag:s22] =	dma.local [hbm:s5], s20  }
0xa4: {  	_ =	swait.ge [sflag:s22], s20  }
0xa5: {  	s4 =	ssub.s32 $0x0, s20;
	[sflag:s22] =	ssyncset.done $0x0  }
0xa6: {  	[sflag:s22] =	ssyncadd.s32 s4;
	_ =	sdelay $0x1  }
0xa7: {  	s23 =	simm.s32 $0x1B8B  }
0xa8: {  	_ =	swait.ge [sflag:s23], $0x1  }
0xa9: {  	[sflag:s23] =	ssyncset.done $0x0  }
0xaa: {  	s25 =	simm.s32 $0x1B8E;
	s24 =	sld [smem:$0x3FFE];
	[sflag:s23] =	ssyncadd.s32 $0xFFFFFFFF  }
0xab: {  	s26 =	simm.s32 $execute0_lowered;
	[smem:$0x3FD2] =	sst s25  }
0xac: {  	s5 =	sshll.u32 s26, $0x1;
	_ =	strace $0x80000052;
	[dreg:$0x1] =	wrdreg $0xFFFFFFFF  }
0xad: {  	s28 =	simm.s32 $_size_execute0_lowered;
	s3 =	sadd.s32 s3, s5;
	[dreg:$0x0] =	wrdreg $0x0  }
0xae: {  	s5 =	sshll.u32 s28, $0x1;
	[dreg:$0x2] =	wrdreg s3  }
0xaf: {  	[dreg:$0x3] =	wrdreg s5  }
0xb0: {  	[dreg:$0x4] =	wrdreg $0xC0  }
0xb1: {  	_ =	task [dreg:s7], $0x5FFFF  }
0xb2: {  	[dreg:$0x1] =	wrdreg $0xFFFFFFFF  }
0xb3: {  	[dreg:$0x0] =	wrdreg $0x60  }
0xb4: {  	[dreg:$0x2] =	wrdreg s24  }
0xb5: {  	[dreg:$0x3] =	wrdreg s16  }
0xb6: {  	[dreg:$0x4] =	wrdreg $0x9  }
0xb7: {  	_ =	task.clear_ibuf [dreg:s7], $0x5FFFF;
	_ =	strace $0x90000052  }
0xb8: {  	s29 =	simm.s32 $0x9;
	_ =	strace $0x80000054  }
0xb9: {  	_ =	swait.ge [sflag:s29], $0x1  }
0xba: {  	[sflag:s29] =	ssyncadd.s32 $0xFFFFFFFF  }
0xbb: {  	_ =	strace $0x90000054  }
0xbc: {  	_ =	sfence  }
0xbd: {  	s30 =	sld [smem:$0x0];
	_ =	sdelay $0x2  }
0xbe: {  	s31 =	sshll.u32 s1, $0xD;
	s1 =	sshrl.u32 s1, $0x2  }
0xbf: {  	s3 =	sand.u32 $0x4000, s31;
	s1 =	sadd.s32 s1, s30  }
0xc0: {  	s0 =	sor.u32 s3, s0;
	s1 =	sshll.u32 s1, $0x11  }
0xc1: {  	s0 =	sor.u32 s1, s0  }
0xc2: {  	s0 =	sadd.s32 $0x8F2B, s0  }
0xc3: {  	[sflag:s0] =	ssyncadd.remote.s32 $0x1  }
0xc4: {  	_ =	sfence.sel $0xFFFF  }
0xc5: {  	[dreg:$0x0] =	wrdreg $0xFFFFFFFF;
	(pc) =	sbr.abs _section_cstart, $3  }
0xc6: {  	[dreg:$0x1] =	wrdreg $0xFFFFFFFF  }
0xc7: {  	_ =	task.clear_ibuf [dreg:s7], $0x2FFFF;
	_ =	strace $0x9FFFFFFF  }
0xc8: {  	(tm) =	ssettm $0x7FFFFFFF  }
0xc9: {  	_ =	shalt  }
tec
execute0_lowered:
.L_overlay_start_1:
0x0: {  	(tag) =	ssettag $0x1  }
0x1: {  	s0 =	rddreg [dreg:$0x0]  }
0x2: {  	s1 =	rddreg [dreg:$0x1];
	s3 =	srdreg.scid  }
0x3: {  	s2 =	simm.s32 $0x0;
	s24 =	stileid.u32;
	s15 =	simm.s32 $0x14400  }
0x4: {  	s16 =	simm.s32 $0x4;
	s17 =	simm.s32 $0x80;
	s18 =	simm.s32 $0x100  }
0x5: {  	s19 =	simm.s32 $0x180;
	s20 =	simm.s32 $0x10400;
	s21 =	simm.s32 $0x1  }
0x6: {  	s22 =	simm.s32 $0x200;
	s23 =	simm.s32 $0x400;
	s28 =	simm.s32 $0x8400  }
0x7: {  	s29 =	simm.s32 $0x380;
	s30 =	simm.s32 $0xC400;
	[dreg:$0x3] =	wrdreg s1  }
0x8: {  	s31 =	simm.s32 $0x2;
	s4 =	sand.u32 $0x1, s3;
	[smem:$0x7FF] =	sst s2  }
0x9: {  	s25 =	sshll.u32 s24, $0x8;
	s3 =	sadd.s32 $0xD5E00, s0;
	s24 =	simm.s32 $0x280  }
0xa: {  	s5 =	sshll.u32 s4, $0x7;
	_ =	strace $0x80000053;
	s4 =	ssub.s32 $0x2, s4  }
0xb: {  	s8 =	sor.u32 s5, s25;
	s6 =	sshrl.u32 s4, $0x1;
	s25 =	simm.s32 $0x4400  }
0xc: {  	s5 =	sshrl.u32 s8, $0x3;
	s26 =	sshll.u32 s8, $0x4;
	s14 =	ssub.s32 s4, s6  }
0xd: {  	s8 =	sadd.s32 $0x14400, s8;
	s7 =	sadd.s32 s5, s0;
	s0 =	sadd.s32 s26, s0  }
0xe: {  	s14 =	smax.u32 s14, $0x1;
	s26 =	simm.s32 $0x300;
	s4 =	sadd.s32 $0xB5600, s7  }
0xf: {  	s5 =	sadd.s32 $0xB5800, s7;
	s6 =	sadd.s32 $0xB5A00, s7;
	s7 =	sadd.s32 $0xB5C00, s7  }
0x10: {  	s9 =	sadd.s32 $0xA5400, s0;
	s10 =	sadd.s32 $0xD9E00, s0;
	s11 =	sadd.s32 $0xE9E00, s0  }
0x11: {  	s12 =	sadd.s32 $0xF9E00, s0;
	s13 =	sadd.s32 $0x109E00, s0;
	s0 =	simm.s32 $0x3  }
.LBB2_1:
0x12: {  	s1 =	rddreg [dreg:$0x3]  }
0x13: {  	[tilespmem:s15], [sflag:$0x4] =	stream.linear.gather [hbm4b:s1+s2], $0x1000, $0x38;
	[tilespmem:$0x15400] =	vst v63  }
0x14: {  	_ =	swait.ge [sflag:s16], $0x1000  }
0x15: {  	[sflag:s16] =	ssyncset.done $0x0  }
0x16: {  	[sflag:s16] =	ssyncadd.s32 $0xFFFFF000  }
0x17: {  	[tilespmem:s2], [sflag:$0x1] =	stream.linear.gather [hbm4b:s4+s2], $0x80, $0x38;
	[tilespmem:$0x15400] =	vst v63  }
0x18: {  	_ = 	snop  }
0x19: {  	[tilespmem:s17], [sflag:$0x1] =	stream.linear.gather [hbm4b:s5+s2], $0x80, $0x38;
	[tilespmem:$0x15400] =	vst v63  }
0x1a: {  	_ = 	snop  }
0x1b: {  	[tilespmem:s18], [sflag:$0x1] =	stream.linear.gather [hbm4b:s6+s2], $0x80, $0x38;
	[tilespmem:$0x15400] =	vst v63  }
0x1c: {  	_ = 	snop  }
0x1d: {  	[tilespmem:s19], [sflag:$0x1] =	stream.linear.gather [hbm4b:s7+s2], $0x80, $0x38;
	[tilespmem:$0x15400] =	vst v63  }
0x1e: {  	_ = 	snop  }
0x1f: {  	[tilespmem:s20], [sflag:$0x2] =	stream.indirect.gather [hbm4b:s3+s17], $0x80, s8, s17, $0xb8;
	[tilespmem:$0x15400] =	vst v63  }
0x20: {  	_ =	swait.ge [sflag:s21], $0x80  }
0x21: {  	[sflag:s21] =	ssyncset.done $0x0  }
0x22: {  	[sflag:s21] =	ssyncadd.s32 $0xFFFFFF80  }
0x23: {  	v0 =	vld [tilespmem:$0x0];
	_ =	sdelay $0x5  }
0x24: {  	v1 =	vld [tilespmem:$0x10];
	_ =	sdelay $0x1  }
0x25: {  	v0 =	vld.idx.msk [tilespmem:v0+s15+$0x0], $0xffff;
	_ =	sdelay $0x3  }
0x26: {  	v2 =	vld [tilespmem:$0x20]  }
0x27: {  	[tilespmem:$0x200] =	vst v0  }
0x28: {  	v0 =	vld.idx.msk [tilespmem:v1+s15+$0x0], $0xffff;
	_ =	sdelay $0x3  }
0x29: {  	v35 =	vld [tilespmem:$0x30]  }
0x2a: {  	[tilespmem:$0x210] =	vst v0  }
0x2b: {  	v0 =	vld.idx.msk [tilespmem:v2+s15+$0x0], $0xffff;
	_ =	sdelay $0x3  }
0x2c: {  	v36 =	vld [tilespmem:$0x40]  }
0x2d: {  	[tilespmem:$0x220] =	vst v0  }
0x2e: {  	v0 =	vld.idx.msk [tilespmem:v35+s15+$0x0], $0xffff;
	_ =	sdelay $0x3  }
0x2f: {  	v37 =	vld [tilespmem:$0x50]  }
0x30: {  	[tilespmem:$0x230] =	vst v0  }
0x31: {  	v0 =	vld.idx.msk [tilespmem:v36+s15+$0x0], $0xffff;
	_ =	sdelay $0x3  }
0x32: {  	v38 =	vld [tilespmem:$0x60]  }
0x33: {  	[tilespmem:$0x240] =	vst v0  }
0x34: {  	v0 =	vld.idx.msk [tilespmem:v37+s15+$0x0], $0xffff;
	_ =	sdelay $0x3  }
0x35: {  	v39 =	vld [tilespmem:$0x70]  }
0x36: {  	[tilespmem:$0x250] =	vst v0  }
0x37: {  	v0 =	vld.idx.msk [tilespmem:v38+s15+$0x0], $0xffff;
	_ =	sdelay $0x4  }
0x38: {  	[tilespmem:$0x260] =	vst v0  }
0x39: {  	v0 =	vld.idx.msk [tilespmem:v39+s15+$0x0], $0xffff;
	_ =	sdelay $0x4  }
0x3a: {  	[tilespmem:$0x270] =	vst v0  }
0x3b: {  	[tilespmem:s23], [sflag:$0x2] =	stream.indirect.gather [hbm4b:s3+s17], $0x80, s22, s17, $0xb8;
	[tilespmem:$0x15400] =	vst v63  }
0x3c: {  	_ =	swait.ge [sflag:s21], $0x80  }
0x3d: {  	[sflag:s21] =	ssyncset.done $0x0  }
0x3e: {  	[sflag:s21] =	ssyncadd.s32 $0xFFFFFF80  }
0x3f: {  	v40 =	vld [tilespmem:$0x80];
	_ =	sdelay $0x5  }
0x40: {  	v41 =	vld [tilespmem:$0x90];
	_ =	sdelay $0x1  }
0x41: {  	v0 =	vld.idx.msk [tilespmem:v40+s15+$0x0], $0xffff;
	_ =	sdelay $0x3  }
0x42: {  	v42 =	vld [tilespmem:$0xA0]  }
0x43: {  	[tilespmem:$0x280] =	vst v0  }
0x44: {  	v0 =	vld.idx.msk [tilespmem:v41+s15+$0x0], $0xffff;
	_ =	sdelay $0x3  }
0x45: {  	v43 =	vld [tilespmem:$0xB0]  }
0x46: {  	[tilespmem:$0x290] =	vst v0  }
0x47: {  	v0 =	vld.idx.msk [tilespmem:v42+s15+$0x0], $0xffff;
	_ =	sdelay $0x3  }
0x48: {  	v44 =	vld [tilespmem:$0xC0]  }
0x49: {  	[tilespmem:$0x2A0] =	vst v0  }
0x4a: {  	v0 =	vld.idx.msk [tilespmem:v43+s15+$0x0], $0xffff;
	_ =	sdelay $0x3  }
0x4b: {  	v45 =	vld [tilespmem:$0xD0]  }
0x4c: {  	[tilespmem:$0x2B0] =	vst v0  }
0x4d: {  	v0 =	vld.idx.msk [tilespmem:v44+s15+$0x0], $0xffff;
	_ =	sdelay $0x3  }
0x4e: {  	v46 =	vld [tilespmem:$0xE0]  }
0x4f: {  	[tilespmem:$0x2C0] =	vst v0  }
0x50: {  	v0 =	vld.idx.msk [tilespmem:v45+s15+$0x0], $0xffff;
	_ =	sdelay $0x3  }
0x51: {  	v47 =	vld [tilespmem:$0xF0]  }
0x52: {  	[tilespmem:$0x2D0] =	vst v0  }
0x53: {  	v0 =	vld.idx.msk [tilespmem:v46+s15+$0x0], $0xffff;
	_ =	sdelay $0x4  }
0x54: {  	[tilespmem:$0x2E0] =	vst v0  }
0x55: {  	v0 =	vld.idx.msk [tilespmem:v47+s15+$0x0], $0xffff;
	_ =	sdelay $0x4  }
0x56: {  	[tilespmem:$0x2F0] =	vst v0  }
0x57: {  	[tilespmem:s25], [sflag:$0x2] =	stream.indirect.gather [hbm4b:s3+s17], $0x80, s24, s17, $0xb8;
	[tilespmem:$0x15400] =	vst v63  }
0x58: {  	_ =	swait.ge [sflag:s21], $0x80  }
0x59: {  	[sflag:s21] =	ssyncset.done $0x0  }
0x5a: {  	[sflag:s21] =	ssyncadd.s32 $0xFFFFFF80  }
0x5b: {  	v48 =	vld [tilespmem:$0x100];
	_ =	sdelay $0x5  }
0x5c: {  	v49 =	vld [tilespmem:$0x110];
	_ =	sdelay $0x1  }
0x5d: {  	v0 =	vld.idx.msk [tilespmem:v48+s15+$0x0], $0xffff;
	_ =	sdelay $0x3  }
0x5e: {  	v50 =	vld [tilespmem:$0x120]  }
0x5f: {  	[tilespmem:$0x300] =	vst v0  }
0x60: {  	v0 =	vld.idx.msk [tilespmem:v49+s15+$0x0], $0xffff;
	_ =	sdelay $0x3  }
0x61: {  	v51 =	vld [tilespmem:$0x130]  }
0x62: {  	[tilespmem:$0x310] =	vst v0  }
0x63: {  	v0 =	vld.idx.msk [tilespmem:v50+s15+$0x0], $0xffff;
	_ =	sdelay $0x3  }
0x64: {  	v52 =	vld [tilespmem:$0x140]  }
0x65: {  	[tilespmem:$0x320] =	vst v0  }
0x66: {  	v0 =	vld.idx.msk [tilespmem:v51+s15+$0x0], $0xffff;
	_ =	sdelay $0x3  }
0x67: {  	v53 =	vld [tilespmem:$0x150]  }
0x68: {  	[tilespmem:$0x330] =	vst v0  }
0x69: {  	v0 =	vld.idx.msk [tilespmem:v52+s15+$0x0], $0xffff;
	_ =	sdelay $0x3  }
0x6a: {  	v54 =	vld [tilespmem:$0x160]  }
0x6b: {  	[tilespmem:$0x340] =	vst v0  }
0x6c: {  	v0 =	vld.idx.msk [tilespmem:v53+s15+$0x0], $0xffff;
	_ =	sdelay $0x3  }
0x6d: {  	v55 =	vld [tilespmem:$0x170]  }
0x6e: {  	[tilespmem:$0x350] =	vst v0  }
0x6f: {  	v0 =	vld.idx.msk [tilespmem:v54+s15+$0x0], $0xffff;
	_ =	sdelay $0x4  }
0x70: {  	[tilespmem:$0x360] =	vst v0  }
0x71: {  	v0 =	vld.idx.msk [tilespmem:v55+s15+$0x0], $0xffff;
	_ =	sdelay $0x4  }
0x72: {  	[tilespmem:$0x370] =	vst v0  }
0x73: {  	[tilespmem:s28], [sflag:$0x2] =	stream.indirect.gather [hbm4b:s3+s17], $0x80, s26, s17, $0xb8;
	[tilespmem:$0x15400] =	vst v63  }
0x74: {  	_ =	swait.ge [sflag:s21], $0x80  }
0x75: {  	[sflag:s21] =	ssyncset.done $0x0  }
0x76: {  	[sflag:s21] =	ssyncadd.s32 $0xFFFFFF80  }
0x77: {  	v56 =	vld [tilespmem:$0x180];
	_ =	sdelay $0x5  }
0x78: {  	v57 =	vld [tilespmem:$0x190];
	_ =	sdelay $0x1  }
0x79: {  	v0 =	vld.idx.msk [tilespmem:v56+s15+$0x0], $0xffff;
	_ =	sdelay $0x3  }
0x7a: {  	v58 =	vld [tilespmem:$0x1A0]  }
0x7b: {  	[tilespmem:$0x380] =	vst v0  }
0x7c: {  	v0 =	vld.idx.msk [tilespmem:v57+s15+$0x0], $0xffff;
	_ =	sdelay $0x3  }
0x7d: {  	v59 =	vld [tilespmem:$0x1B0]  }
0x7e: {  	[tilespmem:$0x390] =	vst v0  }
0x7f: {  	v0 =	vld.idx.msk [tilespmem:v58+s15+$0x0], $0xffff;
	_ =	sdelay $0x3  }
0x80: {  	v60 =	vld [tilespmem:$0x1C0]  }
0x81: {  	[tilespmem:$0x3A0] =	vst v0  }
0x82: {  	v0 =	vld.idx.msk [tilespmem:v59+s15+$0x0], $0xffff;
	_ =	sdelay $0x3  }
0x83: {  	v61 =	vld [tilespmem:$0x1D0]  }
0x84: {  	[tilespmem:$0x3B0] =	vst v0  }
0x85: {  	v0 =	vld.idx.msk [tilespmem:v60+s15+$0x0], $0xffff;
	_ =	sdelay $0x3  }
0x86: {  	v62 =	vld [tilespmem:$0x1E0]  }
0x87: {  	[tilespmem:$0x3C0] =	vst v0  }
0x88: {  	v0 =	vld.idx.msk [tilespmem:v61+s15+$0x0], $0xffff;
	_ =	sdelay $0x3  }
0x89: {  	v63 =	vld [tilespmem:$0x1F0]  }
0x8a: {  	[tilespmem:$0x3D0] =	vst v0  }
0x8b: {  	v0 =	vld.idx.msk [tilespmem:v62+s15+$0x0], $0xffff;
	_ =	sdelay $0x4  }
0x8c: {  	[tilespmem:$0x3E0] =	vst v0  }
0x8d: {  	v0 =	vld.idx.msk [tilespmem:v63+s15+$0x0], $0xffff;
	_ =	sdelay $0x4  }
0x8e: {  	[tilespmem:$0x3F0] =	vst v0  }
0x8f: {  	[tilespmem:s30], [sflag:$0x2] =	stream.indirect.gather [hbm4b:s3+s17], $0x80, s29, s17, $0xb8;
	[tilespmem:$0x15400] =	vst v63  }
0x90: {  	_ =	swait.ge [sflag:s31], $0x4000  }
0x91: {  	[sflag:s31] =	ssyncset.done $0x0  }
0x92: {  	[sflag:s31] =	ssyncadd.s32 $0xFFFFC000  }
0x93: {  	_ =	swait.ge [sflag:s31], $0x4000  }
0x94: {  	[sflag:s31] =	ssyncset.done $0x0  }
0x95: {  	[sflag:s31] =	ssyncadd.s32 $0xFFFFC000  }
0x96: {  	_ =	swait.ge [sflag:s31], $0x4000  }
0x97: {  	[sflag:s31] =	ssyncset.done $0x0  }
0x98: {  	[sflag:s31] =	ssyncadd.s32 $0xFFFFC000  }
0x99: {  	_ =	swait.ge [sflag:s31], $0x4000  }
0x9a: {  	[sflag:s31] =	ssyncset.done $0x0  }
0x9b: {  	[sflag:s31] =	ssyncadd.s32 $0xFFFFC000  }
0x9c: {  	_ =	swait.ge [sflag:s31], $0x4000  }
0x9d: {  	[sflag:s31] =	ssyncset.done $0x0  }
0x9e: {  	[sflag:s31] =	ssyncadd.s32 $0xFFFFC000  }
0x9f: {  	[hbm4b:s9+s2] =	stream.linear.scatter [tilespmem:s23], [sflag:$0x3], $0x4000, $0x38;
	[tilespmem:$0x15400] =	vst v63  }
0xa0: {  	_ = 	snop  }
0xa1: {  	[hbm4b:s10+s2] =	stream.linear.scatter [tilespmem:s25], [sflag:$0x3], $0x4000, $0x38;
	[tilespmem:$0x15400] =	vst v63  }
0xa2: {  	_ = 	snop  }
0xa3: {  	[hbm4b:s11+s2] =	stream.linear.scatter [tilespmem:s28], [sflag:$0x3], $0x4000, $0x38;
	[tilespmem:$0x15400] =	vst v63  }
0xa4: {  	_ = 	snop  }
0xa5: {  	[hbm4b:s12+s2] =	stream.linear.scatter [tilespmem:s30], [sflag:$0x3], $0x4000, $0x38;
	[tilespmem:$0x15400] =	vst v63  }
0xa6: {  	_ = 	snop  }
0xa7: {  	[hbm4b:s13+s2] =	stream.linear.scatter [tilespmem:s20], [sflag:$0x3], $0x4000, $0x38;
	[tilespmem:$0x15400] =	vst v63  }
0xa8: {  	_ =	swait.ge [sflag:s0], $0x4000  }
0xa9: {  	[sflag:s0] =	ssyncset.done $0x0  }
0xaa: {  	[sflag:s0] =	ssyncadd.s32 $0xFFFFC000  }
0xab: {  	_ =	swait.ge [sflag:s0], $0x4000  }
0xac: {  	[sflag:s0] =	ssyncset.done $0x0  }
0xad: {  	[sflag:s0] =	ssyncadd.s32 $0xFFFFC000  }
0xae: {  	_ =	swait.ge [sflag:s0], $0x4000  }
0xaf: {  	[sflag:s0] =	ssyncset.done $0x0  }
0xb0: {  	[sflag:s0] =	ssyncadd.s32 $0xFFFFC000  }
0xb1: {  	p0 =	sne.s32 s14, $0x1;
	_ =	swait.ge [sflag:s0], $0x4000  }
.Ltmp0:
0xb2: {  	[sflag:s0] =	ssyncset.done $0x0;
	(pc) =	sbr.rel @p0 .LBB2_1-.Ltmp0, $4  }
0xb3: {  	[sflag:s0] =	ssyncadd.s32 $0xFFFFC000  }
0xb4: {  	_ =	swait.ge [sflag:s0], $0x4000  }
0xb5: {  	[sflag:s0] =	ssyncset.done $0x0  }
0xb6: {  	s14 =	sadd.s32 $0xFFFFFFFF, s14;
	[sflag:s0] =	ssyncadd.s32 $0xFFFFC000  }
0xb7: {  	_ =	sfence.sel $0x180000  }
0xb8: {  	[bflag:$0x0] =	sbarrier.arrive $0xFFFF  }
0xb9: {  	_ =	strace $0x90000053  }
0xba: {  	s0 =	stileid.u32;
	[bflag:$0x2] =	sbarrier.arrive $0xFFFF  }
0xbb: {  	p0 =	sne.s32 s0, $0x0;
	s0 =	rddreg [dreg:$0x2]  }
0xbc: {  	s0 =	sadd.s32 @!p0 $0x100000, s0  }
0xbd: {  	[sflag:s0] =	ssyncadd.tile.s32 @!p0 $0x1;
	_ =	shalt  }
.Lfunc_end2:
_tile_overlayer_lowered:
.L_overlay_start_2:
0xbe: {  	(tag) =	ssettag $0x2  }
0xbf: {  	s0 =	rddreg [dreg:$0x0];
	s2 =	stileid.u32  }
0xc0: {  	s1 =	rddreg [dreg:$0x1];
	p0 =	sne.s32 s2, $0x0  }
0xc1: {  	s3 =	rddreg [dreg:$0x2];
	[bflag:$0x3] =	sbarrier.arrive $0xFFFF;
	s2 =	simm.s32 @!p0 $0x1C04  }
0xc2: {  	[timem:s3], [sflag:s2] =	dma.local @!p0 [hbm:s0], s1  }
0xc3: {  	s0 =	simm.s32 @!p0 $0x4  }
0xc4: {  	_ =	swait.ge @!p0 [sflag:s0], s1  }
0xc5: {  	s1 =	ssub.s32 @!p0 $0x0, s1;
	[sflag:s0] =	ssyncset.done @!p0 $0x0  }
0xc6: {  	[sflag:s0] =	ssyncadd.s32 @!p0 s1  }
0xc7: {  	[bflag:$0x3] =	sbarrier.arrive $0xFFFF  }
0xc8: {  	_ =	shalt  }

// kernel: kernel.34.cloned.1.call-start
scs
__scs_entry_jumppad:
0x0: {  	(pc) =	sbr.rel $0x88, $3  }
0x1: {  	(tag) =	ssettag $0x0;
	lr =	simm.s32 $0x1  }
0x2: {  	[smem:$0x3F8B] =	sst lr;
	_ =	strace $0xD0000000  }
0x3: {  	_ = 	snop  }
0x4: {  	_ = 	snop  }
0x5: {  	_ = 	snop  }
0x6: {  	_ = 	snop  }
0x7: {  	_ = 	snop  }
__scs_overlays_trampoline_lowered:
0x8: {  	[smem:$0x3F9A] =	sst s0  }
0x9: {  	[smem:$0x3F9B] =	sst s1  }
0xa: {  	[smem:$0x3F9C] =	sst s2  }
0xb: {  	[smem:$0x3F9D] =	sst s3  }
0xc: {  	[smem:$0x3F9E] =	sst s4  }
0xd: {  	[smem:$0x3F9F] =	sst s5  }
0xe: {  	[smem:$0x3FA0] =	sst s6  }
0xf: {  	[smem:$0x3FA1] =	sst s7  }
0x10: {  	[smem:$0x3FA2] =	sst s8  }
0x11: {  	[smem:$0x3FA3] =	sst s9;
	s0 =	simm.s32 @!p0 $0x0  }
0x12: {  	s1 =	sld [smem:$0x3F89];
	s0 =	simm.s32 @p0 $0x1  }
0x13: {  	[smem:$0x3FA4] =	sst s0;
	s0 =	simm.s32 @!p1 $0x0  }
0x14: {  	s2 =	sld [smem:$0x3F88];
	s0 =	simm.s32 @p1 $0x1  }
0x15: {  	[smem:$0x3FA5] =	sst s0;
	s0 =	simm.s32 @!p2 $0x0  }
0x16: {  	s3 =	sld [smem:$0x3FDB];
	s0 =	simm.s32 @p2 $0x1  }
0x17: {  	s4 =	simm.s32 $0x1BF5;
	[smem:$0x3FA7] =	sst s0  }
0x18: {  	s0 =	sld [smem:$0x3F8A];
	_ =	swait.ge [sflag:s4], $0x0  }
0x19: {  	s7 =	sld [smem:$0x3F8B]  }
0x1a: {  	s8 =	sadd.s32 $0xFFFFE003, lr  }
0x1b: {  	s9 =	sadd.s32 $0xFFFFFEF7, lr;
	s5 =	simm.s32 $0xFFFFFFFF;
	p2 =	slt.u32 s8, $0xFFFFF086  }
0x1c: {  	p1 =	slt.u32 s9, $0xF7A;
	s5 =	simm.s32 @!p2 $0x0  }
0x1d: {  	s5 =	simm.s32 @p1 $0x1;
	p0 =	seq.s32 s7, s2  }
0x1e: {  	s7 =	smul.u32 @!p0 $0xF7A, s2;
	p2 =	seq.s32 @!p0 s5, $0x0  }
0x1f: {  	s9 =	smul.u32 $0xF7A, s1;
	s8 =	simm.s32 @!p0 $0x1BF5;
	p2 =	por !p2, p0  }
0x20: {  	[sflag:s8] =	ssyncset.s32 @!p0 $0xFFFFF086;
	s6 =	sadd.s32 @!p0 s3, s7;
	s7 =	simm.s32 @!p0 $0x108  }
0x21: {  	s3 =	sadd.s32 s3, s9;
	s6 =	sadd.s32 @!p0 $0x88, s6;
	s7 =	simm.s32 @p2 $0x1082  }
0x22: {  	[simem:s7], [sflag:s8] =	dma.local @!p0 [hbm:s6], $0xF7A  }
0x23: {  	s9 =	sor.u32 $0xD0000000, s2;
	s6 =	simm.s32 $0x108;
	_ =	swait.ge @!p0 [sflag:s8], $0x0  }
0x24: {  	s3 =	sadd.s32 $0x88, s3;
	s6 =	simm.s32 @!p1 $0x1082;
	[sflag:s4] =	ssyncset.s32 $0xFFFFF086  }
0x25: {  	[simem:s6], [sflag:s4] =	dma.local [hbm:s3], $0xF7A  }
0x26: {  	[smem:$0x3F8B] =	sst s1;
	(tag) =	ssettag s2;
	_ =	strace s9  }
0x27: {  	s1 =	sld [smem:$0x3F9B]  }
0x28: {  	s2 =	sld [smem:$0x3F9C]  }
0x29: {  	s4 =	sld [smem:$0x3F9E]  }
0x2a: {  	p0 =	seq.s32 s5, $0x0;
	s5 =	sld [smem:$0x3F9F]  }
0x2b: {  	s6 =	sld [smem:$0x3FA0]  }
0x2c: {  	s7 =	sld [smem:$0x3FA1]  }
0x2d: {  	s3 =	simm.s32 $0x108;
	s8 =	sld [smem:$0x3FA2]  }
0x2e: {  	s3 =	simm.s32 @!p0 $0x1082;
	s9 =	sld [smem:$0x3FA3]  }
0x2f: {  	lr =	sadd.s32 s0, s3;
	s0 =	sld [smem:$0x3F9A]  }
0x30: {  	s3 =	sld [smem:$0x3F9D]  }
0x31: {  	[smem:$0x3FA6] =	sst s10  }
0x32: {  	s10 =	sld [smem:$0x3FA4];
	_ =	sdelay $0x3  }
0x33: {  	p0 =	seq.s32 s10, $0x1;
	s10 =	sld [smem:$0x3FA6];
	_ =	sdelay $0x3  }
0x34: {  	[smem:$0x3FA6] =	sst s10  }
0x35: {  	s10 =	sld [smem:$0x3FA5];
	_ =	sdelay $0x3  }
0x36: {  	p1 =	seq.s32 s10, $0x1;
	s10 =	sld [smem:$0x3FA6];
	_ =	sdelay $0x3  }
0x37: {  	[smem:$0x3FA6] =	sst s10  }
0x38: {  	s10 =	sld [smem:$0x3FA7]  }
0x39: {  	_ = 	snop;
	(pc) =	sbr.ind lr, $3  }
0x3a: {  	_ = 	snop  }
0x3b: {  	_ = 	snop  }
0x3c: {  	p2 =	seq.s32 s10, $0x1;
	s10 =	sld [smem:$0x3FA6]  }
0x3d: {  	_ =	shalt  }
0x3e: {  	_ =	shalt  }
0x3f: {  	_ =	shalt  }
0x40: {  	_ =	shalt  }
0x41: {  	_ =	shalt  }
0x42: {  	_ =	shalt  }
0x43: {  	_ =	shalt  }
0x44: {  	_ =	shalt  }
0x45: {  	_ =	shalt  }
0x46: {  	_ =	shalt  }
0x47: {  	_ =	shalt  }
0x48: {  	_ =	shalt  }
0x49: {  	_ =	shalt  }
0x4a: {  	_ =	shalt  }
0x4b: {  	_ =	shalt  }
0x4c: {  	_ =	shalt  }
0x4d: {  	_ =	shalt  }
0x4e: {  	_ =	shalt  }
0x4f: {  	_ =	shalt  }
0x50: {  	_ =	shalt  }
0x51: {  	_ =	shalt  }
0x52: {  	_ =	shalt  }
0x53: {  	_ =	shalt  }
0x54: {  	_ =	shalt  }
0x55: {  	_ =	shalt  }
0x56: {  	_ =	shalt  }
0x57: {  	_ =	shalt  }
0x58: {  	_ =	shalt  }
0x59: {  	_ =	shalt  }
0x5a: {  	_ =	shalt  }
0x5b: {  	_ =	shalt  }
0x5c: {  	_ =	shalt  }
0x5d: {  	_ =	shalt  }
0x5e: {  	_ =	shalt  }
0x5f: {  	_ =	shalt  }
0x60: {  	_ =	shalt  }
0x61: {  	_ =	shalt  }
0x62: {  	_ =	shalt  }
0x63: {  	_ =	shalt  }
0x64: {  	_ =	shalt  }
0x65: {  	_ =	shalt  }
0x66: {  	_ =	shalt  }
0x67: {  	_ =	shalt  }
0x68: {  	_ =	shalt  }
0x69: {  	_ =	shalt  }
0x6a: {  	_ =	shalt  }
0x6b: {  	_ =	shalt  }
0x6c: {  	_ =	shalt  }
0x6d: {  	_ =	shalt  }
0x6e: {  	_ =	shalt  }
0x6f: {  	_ =	shalt  }
0x70: {  	_ =	shalt  }
0x71: {  	_ =	shalt  }
0x72: {  	_ =	shalt  }
0x73: {  	_ =	shalt  }
0x74: {  	_ =	shalt  }
0x75: {  	_ =	shalt  }
0x76: {  	_ =	shalt  }
0x77: {  	_ =	shalt  }
0x78: {  	_ =	shalt  }
0x79: {  	_ =	shalt  }
0x7a: {  	_ =	shalt  }
0x7b: {  	_ =	shalt  }
0x7c: {  	_ =	shalt  }
0x7d: {  	_ =	shalt  }
0x7e: {  	_ =	shalt  }
0x7f: {  	_ =	shalt  }
0x80: {  	_ =	shalt  }
0x81: {  	_ =	shalt  }
0x82: {  	_ =	shalt  }
0x83: {  	_ =	shalt  }
0x84: {  	_ =	shalt  }
0x85: {  	_ =	shalt  }
0x86: {  	_ =	shalt  }
0x87: {  	_ =	shalt  }
.Lfunc_end0:
.L_simem_size_0:
called_computation.5_lowered:
.L_overlay_start_0:
0x88: {  	s2 =	sld [smem:$0x3FD9]  }
0x89: {  	s3 =	sld [smem:$0x3FFE];
	_ =	sdelay $0x1  }
0x8a: {  	s1 =	srdreg.scid  }
0x8b: {  	s0 =	sand.u32 $0x1, s1  }
0x8c: {  	s14 =	sshll.u32 s0, $0xA;
	s2 =	sadd.s32 s3, s2  }
0x8d: {  	s2 =	sadd.s32 s2, s14  }
0x8e: {  	[smem:$0x3FB2] =	sst s2  }
0x8f: {  	_ = 	snop  }
0x90: {  	s2 =	sld [smem:$0x3FD0];
	_ =	sdelay $0x2  }
0x91: {  	s15 =	simm.s32 $0xA;
	s4 =	simm.s32 $0x10  }
0x92: {  	[smem:s4], [sflag:s15] =	dma.local [hbm:s2], $0x1  }
0x93: {  	_ =	swait.eq [sflag:s15], $0x1  }
0x94: {  	[sflag:s15] =	ssyncset.done $0x0  }
0x95: {  	[sflag:s15] =	ssyncadd.s32 $0xFFFFFFFF  }
0x96: {  	s16 =	sld [smem:$0x11];
	(tm) =	ssettm $0x1  }
0x97: {  	s17 =	sld [smem:$0x3FFB];
	_ =	sdelay $0x3  }
0x98: {  	_ =	strace s17  }
0x99: {  	s3 =	sld [smem:$0x3FFC];
	_ =	sdelay $0x3  }
0x9a: {  	_ =	strace s3  }
0x9b: {  	s3 =	sld [smem:$0x3FFD];
	_ =	sdelay $0x3  }
0x9c: {  	_ =	strace s3  }
0x9d: {  	_ =	strace $0x8FFFFFFF  }
0x9e: {  	s18 =	sld [smem:$0x3FDB];
	_ =	sdelay $0x1  }
0x9f: {  	s19 =	simm.s32 $_scs_section_size  }
0xa0: {  	s5 =	simm.s32 $_size__tile_overlayer_lowered;
	s6 =	simm.s32 $_tile_overlayer_lowered  }
0xa1: {  	s22 =	simm.s32 $0x1BFF;
	s21 =	sshll.u32 s6, $0x1;
	s3 =	sadd.s32 s19, s18  }
0xa2: {  	s7 =	simm.s32 $0x0;
	s20 =	sshll.u32 s5, $0x1;
	s5 =	sadd.s32 s21, s3  }
0xa3: {  	[timem:s7], [sflag:s22] =	dma.local [hbm:s5], s20  }
0xa4: {  	_ =	swait.ge [sflag:s22], s20  }
0xa5: {  	s4 =	ssub.s32 $0x0, s20;
	[sflag:s22] =	ssyncset.done $0x0  }
0xa6: {  	[sflag:s22] =	ssyncadd.s32 s4;
	_ =	sdelay $0x1  }
0xa7: {  	s23 =	simm.s32 $0x1B8B  }
0xa8: {  	_ =	swait.ge [sflag:s23], $0x1  }
0xa9: {  	[sflag:s23] =	ssyncset.done $0x0  }
0xaa: {  	s25 =	simm.s32 $0x1B8E;
	s24 =	sld [smem:$0x3FFE];
	[sflag:s23] =	ssyncadd.s32 $0xFFFFFFFF  }
0xab: {  	s26 =	simm.s32 $execute0_lowered;
	[smem:$0x3FD2] =	sst s25  }
0xac: {  	s5 =	sshll.u32 s26, $0x1;
	_ =	strace $0x80000055;
	[dreg:$0x1] =	wrdreg $0xFFFFFFFF  }
0xad: {  	s28 =	simm.s32 $_size_execute0_lowered;
	s3 =	sadd.s32 s3, s5;
	[dreg:$0x0] =	wrdreg $0x0  }
0xae: {  	s5 =	sshll.u32 s28, $0x1;
	[dreg:$0x2] =	wrdreg s3  }
0xaf: {  	[dreg:$0x3] =	wrdreg s5  }
0xb0: {  	[dreg:$0x4] =	wrdreg $0xC0  }
0xb1: {  	_ =	task [dreg:s7], $0x5FFFF  }
0xb2: {  	[dreg:$0x1] =	wrdreg $0xFFFFFFFF  }
0xb3: {  	[dreg:$0x0] =	wrdreg $0x60  }
0xb4: {  	[dreg:$0x2] =	wrdreg s24  }
0xb5: {  	[dreg:$0x3] =	wrdreg s16  }
0xb6: {  	[dreg:$0x4] =	wrdreg $0x9  }
0xb7: {  	_ =	task.clear_ibuf [dreg:s7], $0x5FFFF;
	_ =	strace $0x90000055  }
0xb8: {  	s29 =	simm.s32 $0x9;
	_ =	strace $0x80000057  }
0xb9: {  	_ =	swait.ge [sflag:s29], $0x1  }
0xba: {  	[sflag:s29] =	ssyncadd.s32 $0xFFFFFFFF  }
0xbb: {  	_ =	strace $0x90000057  }
0xbc: {  	_ =	sfence  }
0xbd: {  	s30 =	sld [smem:$0x0];
	_ =	sdelay $0x2  }
0xbe: {  	s31 =	sshll.u32 s1, $0xD;
	s1 =	sshrl.u32 s1, $0x2  }
0xbf: {  	s3 =	sand.u32 $0x4000, s31;
	s1 =	sadd.s32 s1, s30  }
0xc0: {  	s0 =	sor.u32 s3, s0;
	s1 =	sshll.u32 s1, $0x11  }
0xc1: {  	s0 =	sor.u32 s1, s0  }
0xc2: {  	s0 =	sadd.s32 $0x8F2B, s0  }
0xc3: {  	[sflag:s0] =	ssyncadd.remote.s32 $0x1  }
0xc4: {  	_ =	sfence.sel $0xFFFF  }
0xc5: {  	[dreg:$0x0] =	wrdreg $0xFFFFFFFF;
	(pc) =	sbr.abs _section_cstart, $3  }
0xc6: {  	[dreg:$0x1] =	wrdreg $0xFFFFFFFF  }
0xc7: {  	_ =	task.clear_ibuf [dreg:s7], $0x2FFFF;
	_ =	strace $0x9FFFFFFF  }
0xc8: {  	(tm) =	ssettm $0x7FFFFFFF  }
0xc9: {  	_ =	shalt  }
tec
execute0_lowered:
.L_overlay_start_1:
0x0: {  	(tag) =	ssettag $0x1  }
0x1: {  	s0 =	rddreg [dreg:$0x0]  }
0x2: {  	s5 =	rddreg [dreg:$0x1]  }
0x3: {  	s2 =	srdreg.scid;
	s1 =	stileid.u32  }
0x4: {  	s28 =	simm.s32 $0x8400;
	s29 =	simm.s32 $0x380;
	s30 =	simm.s32 $0xC400  }
0x5: {  	s31 =	simm.s32 $0x2;
	s6 =	sand.u32 $0x1, s2;
	s3 =	sshll.u32 s1, $0x9  }
0x6: {  	s7 =	sadd.s32 $0x119E00, s0;
	s9 =	sadd.s32 $0xA5400, s0;
	s10 =	sadd.s32 $0xF9E00, s0  }
0x7: {  	s2 =	simm.s32 $0x0;
	s11 =	sadd.s32 $0x11A200, s0;
	s13 =	sadd.s32 $0x13A200, s0  }
0x8: {  	s4 =	sshll.u32 s6, $0x8;
	[smem:$0x7FF] =	sst s2;
	s6 =	ssub.s32 $0x2, s6  }
0x9: {  	s8 =	sor.u32 s4, s3;
	_ =	strace $0x80000056;
	s3 =	sadd.s32 $0x5400, s0  }
0xa: {  	[dreg:$0x3] =	wrdreg s7;
	s0 =	sadd.s32 $0xD9E00, s0;
	s15 =	sshrl.u32 s6, $0x1  }
0xb: {  	s4 =	sshrl.u32 s8, $0x3;
	s19 =	sadd.s32 $0x14400, s8;
	s12 =	sshll.u32 s8, $0x4  }
0xc: {  	s14 =	sor.u32 $0x80, s8;
	s15 =	ssub.s32 s6, s15;
	s8 =	sadd.s32 $0x14480, s8  }
0xd: {  	s4 =	sadd.s32 s5, s4;
	[dreg:$0x7] =	wrdreg s19;
	s20 =	sadd.s32 s9, s12  }
0xe: {  	s21 =	sadd.s32 s10, s12;
	s22 =	sadd.s32 s11, s12;
	[dreg:$0x8] =	wrdreg s20  }
0xf: {  	s23 =	sadd.s32 s13, s12;
	s24 =	sadd.s32 s0, s12;
	[dreg:$0x9] =	wrdreg s21  }
0x10: {  	s25 =	sshrl.u32 s14, $0x3;
	s14 =	sshll.u32 s14, $0x4;
	[dreg:$0xa] =	wrdreg s22  }
0x11: {  	s19 =	simm.s32 $0x180;
	s16 =	sadd.s32 $0x400, s4;
	[dreg:$0xb] =	wrdreg s23  }
0x12: {  	s17 =	sadd.s32 $0x800, s4;
	s18 =	sadd.s32 $0xC00, s4;
	[dreg:$0xc] =	wrdreg s24  }
0x13: {  	s5 =	sadd.s32 s5, s25;
	s26 =	sadd.s32 $0x410, s4;
	s6 =	sadd.s32 $0x810, s4  }
0x14: {  	s7 =	sadd.s32 $0xC10, s4;
	s9 =	sadd.s32 s9, s14;
	s10 =	sadd.s32 s10, s14  }
0x15: {  	s11 =	sadd.s32 s11, s14;
	s12 =	sadd.s32 s13, s14;
	s13 =	sadd.s32 s0, s14  }
0x16: {  	s14 =	smax.u32 s15, $0x1;
	s15 =	simm.s32 $0x14400;
	[dreg:$0x4] =	wrdreg s16  }
0x17: {  	s20 =	simm.s32 $0x10400;
	s21 =	simm.s32 $0x1;
	[dreg:$0x5] =	wrdreg s17  }
0x18: {  	s22 =	simm.s32 $0x200;
	s23 =	simm.s32 $0x400;
	[dreg:$0x6] =	wrdreg s18  }
0x19: {  	s24 =	simm.s32 $0x280;
	s25 =	simm.s32 $0x4400;
	[dreg:$0xd] =	wrdreg s5  }
0x1a: {  	s0 =	simm.s32 $0x3;
	[dreg:$0xe] =	wrdreg s26;
	s16 =	simm.s32 $0x4  }
0x1b: {  	s17 =	simm.s32 $0x80;
	s18 =	simm.s32 $0x100;
	s26 =	simm.s32 $0x300  }
.LBB2_1:
0x1c: {  	s1 =	rddreg [dreg:$0x3]  }
0x1d: {  	[tilespmem:s15], [sflag:$0x4] =	stream.linear.gather [hbm4b:s1+s2], $0x2000, $0x38;
	[tilespmem:$0x16400] =	vst v63  }
0x1e: {  	_ =	swait.ge [sflag:s16], $0x2000  }
0x1f: {  	[sflag:s16] =	ssyncset.done $0x0  }
0x20: {  	[sflag:s16] =	ssyncadd.s32 $0xFFFFE000  }
0x21: {  	[tilespmem:s2], [sflag:$0x1] =	stream.linear.gather [hbm4b:s4+s2], $0x80, $0x38;
	[tilespmem:$0x16400] =	vst v63  }
0x22: {  	s1 =	rddreg [dreg:$0x4]  }
0x23: {  	[tilespmem:s17], [sflag:$0x1] =	stream.linear.gather [hbm4b:s1+s2], $0x80, $0x38;
	[tilespmem:$0x16400] =	vst v63  }
0x24: {  	s5 =	rddreg [dreg:$0x5]  }
0x25: {  	[tilespmem:s18], [sflag:$0x1] =	stream.linear.gather [hbm4b:s5+s2], $0x80, $0x38;
	[tilespmem:$0x16400] =	vst v63  }
0x26: {  	s1 =	rddreg [dreg:$0x6]  }
0x27: {  	[tilespmem:s19], [sflag:$0x1] =	stream.linear.gather [hbm4b:s1+s2], $0x80, $0x38;
	[tilespmem:$0x16400] =	vst v63  }
0x28: {  	s5 =	rddreg [dreg:$0x7]  }
0x29: {  	[tilespmem:s20], [sflag:$0x2] =	stream.indirect.gather [hbm4b:s3+s17], $0x80, s5, s17, $0xb8;
	[tilespmem:$0x16400] =	vst v63  }
0x2a: {  	_ =	swait.ge [sflag:s21], $0x80  }
0x2b: {  	[sflag:s21] =	ssyncset.done $0x0  }
0x2c: {  	[sflag:s21] =	ssyncadd.s32 $0xFFFFFF80  }
0x2d: {  	v0 =	vld [tilespmem:$0x0];
	_ =	sdelay $0x5  }
0x2e: {  	v1 =	vld [tilespmem:$0x10];
	_ =	sdelay $0x1  }
0x2f: {  	v0 =	vld.idx.msk [tilespmem:v0+s15+$0x0], $0xffff;
	_ =	sdelay $0x3  }
0x30: {  	v2 =	vld [tilespmem:$0x20]  }
0x31: {  	[tilespmem:$0x200] =	vst v0  }
0x32: {  	v0 =	vld.idx.msk [tilespmem:v1+s15+$0x0], $0xffff;
	_ =	sdelay $0x3  }
0x33: {  	v63 =	vld [tilespmem:$0x30]  }
0x34: {  	[tilespmem:$0x210] =	vst v0  }
0x35: {  	v0 =	vld.idx.msk [tilespmem:v2+s15+$0x0], $0xffff;
	_ =	sdelay $0x3  }
0x36: {  	v4 =	vld [tilespmem:$0x40]  }
0x37: {  	[tilespmem:$0x220] =	vst v0  }
0x38: {  	v0 =	vld.idx.msk [tilespmem:v63+s15+$0x0], $0xffff;
	_ =	sdelay $0x3  }
0x39: {  	v5 =	vld [tilespmem:$0x50]  }
0x3a: {  	[tilespmem:$0x230] =	vst v0  }
0x3b: {  	v0 =	vld.idx.msk [tilespmem:v4+s15+$0x0], $0xffff;
	_ =	sdelay $0x3  }
0x3c: {  	v6 =	vld [tilespmem:$0x60]  }
0x3d: {  	[tilespmem:$0x240] =	vst v0  }
0x3e: {  	v0 =	vld.idx.msk [tilespmem:v5+s15+$0x0], $0xffff;
	_ =	sdelay $0x3  }
0x3f: {  	v7 =	vld [tilespmem:$0x70]  }
0x40: {  	[tilespmem:$0x250] =	vst v0  }
0x41: {  	v0 =	vld.idx.msk [tilespmem:v6+s15+$0x0], $0xffff;
	_ =	sdelay $0x4  }
0x42: {  	[tilespmem:$0x260] =	vst v0  }
0x43: {  	v0 =	vld.idx.msk [tilespmem:v7+s15+$0x0], $0xffff;
	_ =	sdelay $0x4  }
0x44: {  	[tilespmem:$0x270] =	vst v0  }
0x45: {  	[tilespmem:s23], [sflag:$0x2] =	stream.indirect.gather [hbm4b:s3+s17], $0x80, s22, s17, $0xb8;
	[tilespmem:$0x16400] =	vst v63  }
0x46: {  	_ =	swait.ge [sflag:s21], $0x80  }
0x47: {  	[sflag:s21] =	ssyncset.done $0x0  }
0x48: {  	[sflag:s21] =	ssyncadd.s32 $0xFFFFFF80  }
0x49: {  	v8 =	vld [tilespmem:$0x80];
	_ =	sdelay $0x5  }
0x4a: {  	v9 =	vld [tilespmem:$0x90];
	_ =	sdelay $0x1  }
0x4b: {  	v0 =	vld.idx.msk [tilespmem:v8+s15+$0x0], $0xffff;
	_ =	sdelay $0x3  }
0x4c: {  	v10 =	vld [tilespmem:$0xA0]  }
0x4d: {  	[tilespmem:$0x280] =	vst v0  }
0x4e: {  	v0 =	vld.idx.msk [tilespmem:v9+s15+$0x0], $0xffff;
	_ =	sdelay $0x3  }
0x4f: {  	v11 =	vld [tilespmem:$0xB0]  }
0x50: {  	[tilespmem:$0x290] =	vst v0  }
0x51: {  	v0 =	vld.idx.msk [tilespmem:v10+s15+$0x0], $0xffff;
	_ =	sdelay $0x3  }
0x52: {  	v12 =	vld [tilespmem:$0xC0]  }
0x53: {  	[tilespmem:$0x2A0] =	vst v0  }
0x54: {  	v0 =	vld.idx.msk [tilespmem:v11+s15+$0x0], $0xffff;
	_ =	sdelay $0x3  }
0x55: {  	v13 =	vld [tilespmem:$0xD0]  }
0x56: {  	[tilespmem:$0x2B0] =	vst v0  }
0x57: {  	v0 =	vld.idx.msk [tilespmem:v12+s15+$0x0], $0xffff;
	_ =	sdelay $0x3  }
0x58: {  	v14 =	vld [tilespmem:$0xE0]  }
0x59: {  	[tilespmem:$0x2C0] =	vst v0  }
0x5a: {  	v0 =	vld.idx.msk [tilespmem:v13+s15+$0x0], $0xffff;
	_ =	sdelay $0x3  }
0x5b: {  	v15 =	vld [tilespmem:$0xF0]  }
0x5c: {  	[tilespmem:$0x2D0] =	vst v0  }
0x5d: {  	v0 =	vld.idx.msk [tilespmem:v14+s15+$0x0], $0xffff;
	_ =	sdelay $0x4  }
0x5e: {  	[tilespmem:$0x2E0] =	vst v0  }
0x5f: {  	v0 =	vld.idx.msk [tilespmem:v15+s15+$0x0], $0xffff;
	_ =	sdelay $0x4  }
0x60: {  	[tilespmem:$0x2F0] =	vst v0  }
0x61: {  	[tilespmem:s25], [sflag:$0x2] =	stream.indirect.gather [hbm4b:s3+s17], $0x80, s24, s17, $0xb8;
	[tilespmem:$0x16400] =	vst v63  }
0x62: {  	_ =	swait.ge [sflag:s21], $0x80  }
0x63: {  	[sflag:s21] =	ssyncset.done $0x0  }
0x64: {  	[sflag:s21] =	ssyncadd.s32 $0xFFFFFF80  }
0x65: {  	v16 =	vld [tilespmem:$0x100];
	_ =	sdelay $0x5  }
0x66: {  	v17 =	vld [tilespmem:$0x110];
	_ =	sdelay $0x1  }
0x67: {  	v0 =	vld.idx.msk [tilespmem:v16+s15+$0x0], $0xffff;
	_ =	sdelay $0x3  }
0x68: {  	v18 =	vld [tilespmem:$0x120]  }
0x69: {  	[tilespmem:$0x300] =	vst v0  }
0x6a: {  	v0 =	vld.idx.msk [tilespmem:v17+s15+$0x0], $0xffff;
	_ =	sdelay $0x3  }
0x6b: {  	v19 =	vld [tilespmem:$0x130]  }
0x6c: {  	[tilespmem:$0x310] =	vst v0  }
0x6d: {  	v0 =	vld.idx.msk [tilespmem:v18+s15+$0x0], $0xffff;
	_ =	sdelay $0x3  }
0x6e: {  	v20 =	vld [tilespmem:$0x140]  }
0x6f: {  	[tilespmem:$0x320] =	vst v0  }
0x70: {  	v0 =	vld.idx.msk [tilespmem:v19+s15+$0x0], $0xffff;
	_ =	sdelay $0x3  }
0x71: {  	v21 =	vld [tilespmem:$0x150]  }
0x72: {  	[tilespmem:$0x330] =	vst v0  }
0x73: {  	v0 =	vld.idx.msk [tilespmem:v20+s15+$0x0], $0xffff;
	_ =	sdelay $0x3  }
0x74: {  	v22 =	vld [tilespmem:$0x160]  }
0x75: {  	[tilespmem:$0x340] =	vst v0  }
0x76: {  	v0 =	vld.idx.msk [tilespmem:v21+s15+$0x0], $0xffff;
	_ =	sdelay $0x3  }
0x77: {  	v23 =	vld [tilespmem:$0x170]  }
0x78: {  	[tilespmem:$0x350] =	vst v0  }
0x79: {  	v0 =	vld.idx.msk [tilespmem:v22+s15+$0x0], $0xffff;
	_ =	sdelay $0x4  }
0x7a: {  	[tilespmem:$0x360] =	vst v0  }
0x7b: {  	v0 =	vld.idx.msk [tilespmem:v23+s15+$0x0], $0xffff;
	_ =	sdelay $0x4  }
0x7c: {  	[tilespmem:$0x370] =	vst v0  }
0x7d: {  	[tilespmem:s28], [sflag:$0x2] =	stream.indirect.gather [hbm4b:s3+s17], $0x80, s26, s17, $0xb8;
	[tilespmem:$0x16400] =	vst v63  }
0x7e: {  	_ =	swait.ge [sflag:s21], $0x80  }
0x7f: {  	[sflag:s21] =	ssyncset.done $0x0  }
0x80: {  	[sflag:s21] =	ssyncadd.s32 $0xFFFFFF80  }
0x81: {  	v24 =	vld [tilespmem:$0x180];
	_ =	sdelay $0x5  }
0x82: {  	v25 =	vld [tilespmem:$0x190];
	_ =	sdelay $0x1  }
0x83: {  	v0 =	vld.idx.msk [tilespmem:v24+s15+$0x0], $0xffff;
	_ =	sdelay $0x3  }
0x84: {  	v26 =	vld [tilespmem:$0x1A0]  }
0x85: {  	[tilespmem:$0x380] =	vst v0  }
0x86: {  	v0 =	vld.idx.msk [tilespmem:v25+s15+$0x0], $0xffff;
	_ =	sdelay $0x3  }
0x87: {  	v27 =	vld [tilespmem:$0x1B0]  }
0x88: {  	[tilespmem:$0x390] =	vst v0  }
0x89: {  	v0 =	vld.idx.msk [tilespmem:v26+s15+$0x0], $0xffff;
	_ =	sdelay $0x3  }
0x8a: {  	v28 =	vld [tilespmem:$0x1C0]  }
0x8b: {  	[tilespmem:$0x3A0] =	vst v0  }
0x8c: {  	v0 =	vld.idx.msk [tilespmem:v27+s15+$0x0], $0xffff;
	_ =	sdelay $0x3  }
0x8d: {  	v29 =	vld [tilespmem:$0x1D0]  }
0x8e: {  	[tilespmem:$0x3B0] =	vst v0  }
0x8f: {  	v0 =	vld.idx.msk [tilespmem:v28+s15+$0x0], $0xffff;
	_ =	sdelay $0x3  }
0x90: {  	v30 =	vld [tilespmem:$0x1E0]  }
0x91: {  	[tilespmem:$0x3C0] =	vst v0  }
0x92: {  	v0 =	vld.idx.msk [tilespmem:v29+s15+$0x0], $0xffff;
	_ =	sdelay $0x3  }
0x93: {  	v31 =	vld [tilespmem:$0x1F0]  }
0x94: {  	[tilespmem:$0x3D0] =	vst v0  }
0x95: {  	v0 =	vld.idx.msk [tilespmem:v30+s15+$0x0], $0xffff;
	_ =	sdelay $0x4  }
0x96: {  	[tilespmem:$0x3E0] =	vst v0  }
0x97: {  	v0 =	vld.idx.msk [tilespmem:v31+s15+$0x0], $0xffff;
	_ =	sdelay $0x4  }
0x98: {  	[tilespmem:$0x3F0] =	vst v0  }
0x99: {  	[tilespmem:s30], [sflag:$0x2] =	stream.indirect.gather [hbm4b:s3+s17], $0x80, s29, s17, $0xb8;
	[tilespmem:$0x16400] =	vst v63  }
0x9a: {  	_ =	swait.ge [sflag:s31], $0x4000  }
0x9b: {  	[sflag:s31] =	ssyncset.done $0x0  }
0x9c: {  	[sflag:s31] =	ssyncadd.s32 $0xFFFFC000  }
0x9d: {  	_ =	swait.ge [sflag:s31], $0x4000  }
0x9e: {  	[sflag:s31] =	ssyncset.done $0x0  }
0x9f: {  	[sflag:s31] =	ssyncadd.s32 $0xFFFFC000  }
0xa0: {  	_ =	swait.ge [sflag:s31], $0x4000  }
0xa1: {  	[sflag:s31] =	ssyncset.done $0x0  }
0xa2: {  	[sflag:s31] =	ssyncadd.s32 $0xFFFFC000  }
0xa3: {  	_ =	swait.ge [sflag:s31], $0x4000  }
0xa4: {  	[sflag:s31] =	ssyncset.done $0x0  }
0xa5: {  	[sflag:s31] =	ssyncadd.s32 $0xFFFFC000  }
0xa6: {  	_ =	swait.ge [sflag:s31], $0x4000  }
0xa7: {  	[sflag:s31] =	ssyncset.done $0x0  }
0xa8: {  	s1 =	rddreg [dreg:$0x8];
	[sflag:s31] =	ssyncadd.s32 $0xFFFFC000  }
0xa9: {  	[hbm4b:s1+s2] =	stream.linear.scatter [tilespmem:s23], [sflag:$0x3], $0x4000, $0x38;
	[tilespmem:$0x16400] =	vst v63  }
0xaa: {  	s5 =	rddreg [dreg:$0x9]  }
0xab: {  	[hbm4b:s5+s2] =	stream.linear.scatter [tilespmem:s25], [sflag:$0x3], $0x4000, $0x38;
	[tilespmem:$0x16400] =	vst v63  }
0xac: {  	s1 =	rddreg [dreg:$0xa]  }
0xad: {  	[hbm4b:s1+s2] =	stream.linear.scatter [tilespmem:s28], [sflag:$0x3], $0x4000, $0x38;
	[tilespmem:$0x16400] =	vst v63  }
0xae: {  	s5 =	rddreg [dreg:$0xb]  }
0xaf: {  	[hbm4b:s5+s2] =	stream.linear.scatter [tilespmem:s30], [sflag:$0x3], $0x4000, $0x38;
	[tilespmem:$0x16400] =	vst v63  }
0xb0: {  	s1 =	rddreg [dreg:$0xc]  }
0xb1: {  	[hbm4b:s1+s2] =	stream.linear.scatter [tilespmem:s20], [sflag:$0x3], $0x4000, $0x38;
	[tilespmem:$0x16400] =	vst v63  }
0xb2: {  	_ =	swait.ge [sflag:s0], $0x4000  }
0xb3: {  	[sflag:s0] =	ssyncset.done $0x0  }
0xb4: {  	[sflag:s0] =	ssyncadd.s32 $0xFFFFC000  }
0xb5: {  	_ =	swait.ge [sflag:s0], $0x4000  }
0xb6: {  	[sflag:s0] =	ssyncset.done $0x0  }
0xb7: {  	[sflag:s0] =	ssyncadd.s32 $0xFFFFC000  }
0xb8: {  	_ =	swait.ge [sflag:s0], $0x4000  }
0xb9: {  	[sflag:s0] =	ssyncset.done $0x0  }
0xba: {  	[sflag:s0] =	ssyncadd.s32 $0xFFFFC000  }
0xbb: {  	_ =	swait.ge [sflag:s0], $0x4000  }
0xbc: {  	[sflag:s0] =	ssyncset.done $0x0  }
0xbd: {  	[sflag:s0] =	ssyncadd.s32 $0xFFFFC000  }
0xbe: {  	_ =	swait.ge [sflag:s0], $0x4000  }
0xbf: {  	[sflag:s0] =	ssyncset.done $0x0  }
0xc0: {  	s5 =	rddreg [dreg:$0xd];
	[sflag:s0] =	ssyncadd.s32 $0xFFFFC000  }
0xc1: {  	[tilespmem:s2], [sflag:$0x1] =	stream.linear.gather [hbm4b:s5+s2], $0x80, $0x38;
	[tilespmem:$0x16400] =	vst v63  }
0xc2: {  	s5 =	rddreg [dreg:$0xe]  }
0xc3: {  	[tilespmem:s17], [sflag:$0x1] =	stream.linear.gather [hbm4b:s5+s2], $0x80, $0x38;
	[tilespmem:$0x16400] =	vst v63  }
0xc4: {  	_ = 	snop  }
0xc5: {  	[tilespmem:s18], [sflag:$0x1] =	stream.linear.gather [hbm4b:s6+s2], $0x80, $0x38;
	[tilespmem:$0x16400] =	vst v63  }
0xc6: {  	_ = 	snop  }
0xc7: {  	[tilespmem:s19], [sflag:$0x1] =	stream.linear.gather [hbm4b:s7+s2], $0x80, $0x38;
	[tilespmem:$0x16400] =	vst v63  }
0xc8: {  	_ = 	snop  }
0xc9: {  	[tilespmem:s20], [sflag:$0x2] =	stream.indirect.gather [hbm4b:s3+s17], $0x80, s8, s17, $0xb8;
	[tilespmem:$0x16400] =	vst v63  }
0xca: {  	_ =	swait.ge [sflag:s21], $0x80  }
0xcb: {  	[sflag:s21] =	ssyncset.done $0x0  }
0xcc: {  	[sflag:s21] =	ssyncadd.s32 $0xFFFFFF80  }
0xcd: {  	v32 =	vld [tilespmem:$0x0];
	_ =	sdelay $0x5  }
0xce: {  	v33 =	vld [tilespmem:$0x10];
	_ =	sdelay $0x1  }
0xcf: {  	v0 =	vld.idx.msk [tilespmem:v32+s15+$0x0], $0xffff;
	_ =	sdelay $0x3  }
0xd0: {  	v34 =	vld [tilespmem:$0x20]  }
0xd1: {  	[tilespmem:$0x200] =	vst v0  }
0xd2: {  	v0 =	vld.idx.msk [tilespmem:v33+s15+$0x0], $0xffff;
	_ =	sdelay $0x3  }
0xd3: {  	v35 =	vld [tilespmem:$0x30]  }
0xd4: {  	[tilespmem:$0x210] =	vst v0  }
0xd5: {  	v0 =	vld.idx.msk [tilespmem:v34+s15+$0x0], $0xffff;
	_ =	sdelay $0x3  }
0xd6: {  	v36 =	vld [tilespmem:$0x40]  }
0xd7: {  	[tilespmem:$0x220] =	vst v0  }
0xd8: {  	v0 =	vld.idx.msk [tilespmem:v35+s15+$0x0], $0xffff;
	_ =	sdelay $0x3  }
0xd9: {  	v37 =	vld [tilespmem:$0x50]  }
0xda: {  	[tilespmem:$0x230] =	vst v0  }
0xdb: {  	v0 =	vld.idx.msk [tilespmem:v36+s15+$0x0], $0xffff;
	_ =	sdelay $0x3  }
0xdc: {  	v38 =	vld [tilespmem:$0x60]  }
0xdd: {  	[tilespmem:$0x240] =	vst v0  }
0xde: {  	v0 =	vld.idx.msk [tilespmem:v37+s15+$0x0], $0xffff;
	_ =	sdelay $0x3  }
0xdf: {  	v39 =	vld [tilespmem:$0x70]  }
0xe0: {  	[tilespmem:$0x250] =	vst v0  }
0xe1: {  	v0 =	vld.idx.msk [tilespmem:v38+s15+$0x0], $0xffff;
	_ =	sdelay $0x4  }
0xe2: {  	[tilespmem:$0x260] =	vst v0  }
0xe3: {  	v0 =	vld.idx.msk [tilespmem:v39+s15+$0x0], $0xffff;
	_ =	sdelay $0x4  }
0xe4: {  	[tilespmem:$0x270] =	vst v0  }
0xe5: {  	[tilespmem:s23], [sflag:$0x2] =	stream.indirect.gather [hbm4b:s3+s17], $0x80, s22, s17, $0xb8;
	[tilespmem:$0x16400] =	vst v63  }
0xe6: {  	_ =	swait.ge [sflag:s21], $0x80  }
0xe7: {  	[sflag:s21] =	ssyncset.done $0x0  }
0xe8: {  	[sflag:s21] =	ssyncadd.s32 $0xFFFFFF80  }
0xe9: {  	v40 =	vld [tilespmem:$0x80];
	_ =	sdelay $0x5  }
0xea: {  	v41 =	vld [tilespmem:$0x90];
	_ =	sdelay $0x1  }
0xeb: {  	v0 =	vld.idx.msk [tilespmem:v40+s15+$0x0], $0xffff;
	_ =	sdelay $0x3  }
0xec: {  	v42 =	vld [tilespmem:$0xA0]  }
0xed: {  	[tilespmem:$0x280] =	vst v0  }
0xee: {  	v0 =	vld.idx.msk [tilespmem:v41+s15+$0x0], $0xffff;
	_ =	sdelay $0x3  }
0xef: {  	v43 =	vld [tilespmem:$0xB0]  }
0xf0: {  	[tilespmem:$0x290] =	vst v0  }
0xf1: {  	v0 =	vld.idx.msk [tilespmem:v42+s15+$0x0], $0xffff;
	_ =	sdelay $0x3  }
0xf2: {  	v44 =	vld [tilespmem:$0xC0]  }
0xf3: {  	[tilespmem:$0x2A0] =	vst v0  }
0xf4: {  	v0 =	vld.idx.msk [tilespmem:v43+s15+$0x0], $0xffff;
	_ =	sdelay $0x3  }
0xf5: {  	v45 =	vld [tilespmem:$0xD0]  }
0xf6: {  	[tilespmem:$0x2B0] =	vst v0  }
0xf7: {  	v0 =	vld.idx.msk [tilespmem:v44+s15+$0x0], $0xffff;
	_ =	sdelay $0x3  }
0xf8: {  	v46 =	vld [tilespmem:$0xE0]  }
0xf9: {  	[tilespmem:$0x2C0] =	vst v0  }
0xfa: {  	v0 =	vld.idx.msk [tilespmem:v45+s15+$0x0], $0xffff;
	_ =	sdelay $0x3  }
0xfb: {  	v47 =	vld [tilespmem:$0xF0]  }
0xfc: {  	[tilespmem:$0x2D0] =	vst v0  }
0xfd: {  	v0 =	vld.idx.msk [tilespmem:v46+s15+$0x0], $0xffff;
	_ =	sdelay $0x4  }
0xfe: {  	[tilespmem:$0x2E0] =	vst v0  }
0xff: {  	v0 =	vld.idx.msk [tilespmem:v47+s15+$0x0], $0xffff;
	_ =	sdelay $0x4  }
0x100: {  	[tilespmem:$0x2F0] =	vst v0  }
0x101: {  	[tilespmem:s25], [sflag:$0x2] =	stream.indirect.gather [hbm4b:s3+s17], $0x80, s24, s17, $0xb8;
	[tilespmem:$0x16400] =	vst v63  }
0x102: {  	_ =	swait.ge [sflag:s21], $0x80  }
0x103: {  	[sflag:s21] =	ssyncset.done $0x0  }
0x104: {  	[sflag:s21] =	ssyncadd.s32 $0xFFFFFF80  }
0x105: {  	v48 =	vld [tilespmem:$0x100];
	_ =	sdelay $0x5  }
0x106: {  	v49 =	vld [tilespmem:$0x110];
	_ =	sdelay $0x1  }
0x107: {  	v0 =	vld.idx.msk [tilespmem:v48+s15+$0x0], $0xffff;
	_ =	sdelay $0x3  }
0x108: {  	v50 =	vld [tilespmem:$0x120]  }
0x109: {  	[tilespmem:$0x300] =	vst v0  }
0x10a: {  	v0 =	vld.idx.msk [tilespmem:v49+s15+$0x0], $0xffff;
	_ =	sdelay $0x3  }
0x10b: {  	v51 =	vld [tilespmem:$0x130]  }
0x10c: {  	[tilespmem:$0x310] =	vst v0  }
0x10d: {  	v0 =	vld.idx.msk [tilespmem:v50+s15+$0x0], $0xffff;
	_ =	sdelay $0x3  }
0x10e: {  	v52 =	vld [tilespmem:$0x140]  }
0x10f: {  	[tilespmem:$0x320] =	vst v0  }
0x110: {  	v0 =	vld.idx.msk [tilespmem:v51+s15+$0x0], $0xffff;
	_ =	sdelay $0x3  }
0x111: {  	v53 =	vld [tilespmem:$0x150]  }
0x112: {  	[tilespmem:$0x330] =	vst v0  }
0x113: {  	v0 =	vld.idx.msk [tilespmem:v52+s15+$0x0], $0xffff;
	_ =	sdelay $0x3  }
0x114: {  	v54 =	vld [tilespmem:$0x160]  }
0x115: {  	[tilespmem:$0x340] =	vst v0  }
0x116: {  	v0 =	vld.idx.msk [tilespmem:v53+s15+$0x0], $0xffff;
	_ =	sdelay $0x3  }
0x117: {  	v55 =	vld [tilespmem:$0x170]  }
0x118: {  	[tilespmem:$0x350] =	vst v0  }
0x119: {  	v0 =	vld.idx.msk [tilespmem:v54+s15+$0x0], $0xffff;
	_ =	sdelay $0x4  }
0x11a: {  	[tilespmem:$0x360] =	vst v0  }
0x11b: {  	v0 =	vld.idx.msk [tilespmem:v55+s15+$0x0], $0xffff;
	_ =	sdelay $0x4  }
0x11c: {  	[tilespmem:$0x370] =	vst v0  }
0x11d: {  	[tilespmem:s28], [sflag:$0x2] =	stream.indirect.gather [hbm4b:s3+s17], $0x80, s26, s17, $0xb8;
	[tilespmem:$0x16400] =	vst v63  }
0x11e: {  	_ =	swait.ge [sflag:s21], $0x80  }
0x11f: {  	[sflag:s21] =	ssyncset.done $0x0  }
0x120: {  	[sflag:s21] =	ssyncadd.s32 $0xFFFFFF80  }
0x121: {  	v56 =	vld [tilespmem:$0x180];
	_ =	sdelay $0x5  }
0x122: {  	v57 =	vld [tilespmem:$0x190];
	_ =	sdelay $0x1  }
0x123: {  	v0 =	vld.idx.msk [tilespmem:v56+s15+$0x0], $0xffff;
	_ =	sdelay $0x3  }
0x124: {  	v58 =	vld [tilespmem:$0x1A0]  }
0x125: {  	[tilespmem:$0x380] =	vst v0  }
0x126: {  	v0 =	vld.idx.msk [tilespmem:v57+s15+$0x0], $0xffff;
	_ =	sdelay $0x3  }
0x127: {  	v59 =	vld [tilespmem:$0x1B0]  }
0x128: {  	[tilespmem:$0x390] =	vst v0  }
0x129: {  	v0 =	vld.idx.msk [tilespmem:v58+s15+$0x0], $0xffff;
	_ =	sdelay $0x3  }
0x12a: {  	v60 =	vld [tilespmem:$0x1C0]  }
0x12b: {  	[tilespmem:$0x3A0] =	vst v0  }
0x12c: {  	v0 =	vld.idx.msk [tilespmem:v59+s15+$0x0], $0xffff;
	_ =	sdelay $0x3  }
0x12d: {  	v61 =	vld [tilespmem:$0x1D0]  }
0x12e: {  	[tilespmem:$0x3B0] =	vst v0  }
0x12f: {  	v0 =	vld.idx.msk [tilespmem:v60+s15+$0x0], $0xffff;
	_ =	sdelay $0x3  }
0x130: {  	v62 =	vld [tilespmem:$0x1E0]  }
0x131: {  	[tilespmem:$0x3C0] =	vst v0  }
0x132: {  	v0 =	vld.idx.msk [tilespmem:v61+s15+$0x0], $0xffff;
	_ =	sdelay $0x3  }
0x133: {  	v63 =	vld [tilespmem:$0x1F0]  }
0x134: {  	[tilespmem:$0x3D0] =	vst v0  }
0x135: {  	v0 =	vld.idx.msk [tilespmem:v62+s15+$0x0], $0xffff;
	_ =	sdelay $0x4  }
0x136: {  	[tilespmem:$0x3E0] =	vst v0  }
0x137: {  	v0 =	vld.idx.msk [tilespmem:v63+s15+$0x0], $0xffff;
	_ =	sdelay $0x4  }
0x138: {  	[tilespmem:$0x3F0] =	vst v0  }
0x139: {  	[tilespmem:s30], [sflag:$0x2] =	stream.indirect.gather [hbm4b:s3+s17], $0x80, s29, s17, $0xb8;
	[tilespmem:$0x16400] =	vst v63  }
0x13a: {  	_ =	swait.ge [sflag:s31], $0x4000  }
0x13b: {  	[sflag:s31] =	ssyncset.done $0x0  }
0x13c: {  	[sflag:s31] =	ssyncadd.s32 $0xFFFFC000  }
0x13d: {  	_ =	swait.ge [sflag:s31], $0x4000  }
0x13e: {  	[sflag:s31] =	ssyncset.done $0x0  }
0x13f: {  	[sflag:s31] =	ssyncadd.s32 $0xFFFFC000  }
0x140: {  	_ =	swait.ge [sflag:s31], $0x4000  }
0x141: {  	[sflag:s31] =	ssyncset.done $0x0  }
0x142: {  	[sflag:s31] =	ssyncadd.s32 $0xFFFFC000  }
0x143: {  	_ =	swait.ge [sflag:s31], $0x4000  }
0x144: {  	[sflag:s31] =	ssyncset.done $0x0  }
0x145: {  	[sflag:s31] =	ssyncadd.s32 $0xFFFFC000  }
0x146: {  	_ =	swait.ge [sflag:s31], $0x4000  }
0x147: {  	[sflag:s31] =	ssyncset.done $0x0  }
0x148: {  	[sflag:s31] =	ssyncadd.s32 $0xFFFFC000  }
0x149: {  	[hbm4b:s9+s2] =	stream.linear.scatter [tilespmem:s23], [sflag:$0x3], $0x4000, $0x38;
	[tilespmem:$0x16400] =	vst v63  }
0x14a: {  	_ = 	snop  }
0x14b: {  	[hbm4b:s10+s2] =	stream.linear.scatter [tilespmem:s25], [sflag:$0x3], $0x4000, $0x38;
	[tilespmem:$0x16400] =	vst v63  }
0x14c: {  	_ = 	snop  }
0x14d: {  	[hbm4b:s11+s2] =	stream.linear.scatter [tilespmem:s28], [sflag:$0x3], $0x4000, $0x38;
	[tilespmem:$0x16400] =	vst v63  }
0x14e: {  	_ = 	snop  }
0x14f: {  	[hbm4b:s12+s2] =	stream.linear.scatter [tilespmem:s30], [sflag:$0x3], $0x4000, $0x38;
	[tilespmem:$0x16400] =	vst v63  }
0x150: {  	_ = 	snop  }
0x151: {  	[hbm4b:s13+s2] =	stream.linear.scatter [tilespmem:s20], [sflag:$0x3], $0x4000, $0x38;
	[tilespmem:$0x16400] =	vst v63  }
0x152: {  	_ =	swait.ge [sflag:s0], $0x4000  }
0x153: {  	[sflag:s0] =	ssyncset.done $0x0  }
0x154: {  	[sflag:s0] =	ssyncadd.s32 $0xFFFFC000  }
0x155: {  	_ =	swait.ge [sflag:s0], $0x4000  }
0x156: {  	[sflag:s0] =	ssyncset.done $0x0  }
0x157: {  	[sflag:s0] =	ssyncadd.s32 $0xFFFFC000  }
0x158: {  	_ =	swait.ge [sflag:s0], $0x4000  }
0x159: {  	[sflag:s0] =	ssyncset.done $0x0  }
0x15a: {  	[sflag:s0] =	ssyncadd.s32 $0xFFFFC000  }
0x15b: {  	p0 =	sne.s32 s14, $0x1;
	_ =	swait.ge [sflag:s0], $0x4000  }
.Ltmp0:
0x15c: {  	[sflag:s0] =	ssyncset.done $0x0;
	(pc) =	sbr.rel @p0 .LBB2_1-.Ltmp0, $4  }
0x15d: {  	[sflag:s0] =	ssyncadd.s32 $0xFFFFC000  }
0x15e: {  	_ =	swait.ge [sflag:s0], $0x4000  }
0x15f: {  	[sflag:s0] =	ssyncset.done $0x0  }
0x160: {  	s14 =	sadd.s32 $0xFFFFFFFF, s14;
	[sflag:s0] =	ssyncadd.s32 $0xFFFFC000  }
0x161: {  	_ =	sfence.sel $0x180000  }
0x162: {  	[bflag:$0x0] =	sbarrier.arrive $0xFFFF  }
0x163: {  	_ =	strace $0x90000056  }
0x164: {  	s0 =	stileid.u32;
	[bflag:$0x2] =	sbarrier.arrive $0xFFFF  }
0x165: {  	p0 =	sne.s32 s0, $0x0;
	s0 =	rddreg [dreg:$0x2]  }
0x166: {  	s0 =	sadd.s32 @!p0 $0x100000, s0  }
0x167: {  	[sflag:s0] =	ssyncadd.tile.s32 @!p0 $0x1;
	_ =	shalt  }
.Lfunc_end2:
_tile_overlayer_lowered:
.L_overlay_start_2:
0x168: {  	(tag) =	ssettag $0x2  }
0x169: {  	s0 =	rddreg [dreg:$0x0];
	s2 =	stileid.u32  }
0x16a: {  	s1 =	rddreg [dreg:$0x1];
	p0 =	sne.s32 s2, $0x0  }
0x16b: {  	s3 =	rddreg [dreg:$0x2];
	[bflag:$0x3] =	sbarrier.arrive $0xFFFF;
	s2 =	simm.s32 @!p0 $0x1C04  }
0x16c: {  	[timem:s3], [sflag:s2] =	dma.local @!p0 [hbm:s0], s1  }
0x16d: {  	s0 =	simm.s32 @!p0 $0x4  }
0x16e: {  	_ =	swait.ge @!p0 [sflag:s0], s1  }
0x16f: {  	s1 =	ssub.s32 @!p0 $0x0, s1;
	[sflag:s0] =	ssyncset.done @!p0 $0x0  }
0x170: {  	[sflag:s0] =	ssyncadd.s32 @!p0 s1  }
0x171: {  	[bflag:$0x3] =	sbarrier.arrive $0xFFFF  }
0x172: {  	_ =	shalt  }

</sc_bundles>
